<compile_context>
chip_gen: v7x
topology: tpu7x:2x2x1
jax: 0.10.2.dev20260603
libtpu: 0.0.44.dev20260713+nightly
codegen_flags: <defaults>
</compile_context>

<pallas_src>
import functools

import jax
import jax.numpy as jnp
from jax import lax
from jax.experimental import pallas as pl
from jax.experimental.pallas import tpu as pltpu
from jax.experimental.pallas import tpu_sc as plsc

BATCH = 16384
N_FIELDS = 100
LANES = 16
NW = 32
NS = 16
B_PER_W = BATCH // NW
N_PASS = 4
B_Q = B_PER_W // N_PASS
IDX_Q = B_Q * N_FIELDS
TABLE = 1000001
SPM_TABLE = 1000448
W_CHUNK = 62592
LAST_BASE = 15 * W_CHUNK
PIECE = 7808
TAIL_BASE = TABLE - TABLE % 128


def _pieces(total):
    assert total % 128 == 0
    out, off = [], 0
    while off < total:
        s = min(PIECE, total - off)
        out.append((off, s))
        off += s
    return out


_mesh = plsc.VectorSubcoreMesh(core_axis_name="c", subcore_axis_name="s")


@functools.partial(
    pl.kernel,
    mesh=_mesh,
    out_type=jax.ShapeDtypeStruct((BATCH,), jnp.float32),
    scratch_types=[
        pltpu.VMEM((IDX_Q,), jnp.int32),
        pltpu.VMEM((IDX_Q,), jnp.int32),
        pltpu.VMEM((IDX_Q,), jnp.float32),
        pltpu.VMEM((IDX_Q,), jnp.float32),
        pltpu.VMEM((B_PER_W,), jnp.float32),
        pltpu.VMEM((LANES,), jnp.float32),
        pltpu.VMEM((PIECE,), jnp.float32),
        pltpu.VMEM((PIECE,), jnp.float32),
        pltpu.VMEM_SHARED((SPM_TABLE,), jnp.float32),
        pltpu.SemaphoreType.DMA,
        pltpu.SemaphoreType.DMA,
        pltpu.SemaphoreType.DMA,
        pltpu.SemaphoreType.DMA,
    ],
)
def _wide_kernel(xt_hbm, w_hbm, wtail_hbm, bias_hbm, out_hbm, i0_v, i1_v,
                 v0_v, v1_v, out_v, bias_v, b0_v, b1_v, w_spm,
                 sem_g, sem_i, sem_r, sem_s):
    cid = lax.axis_index("c")
    sid = lax.axis_index("s")
    wid = cid * NS + sid
    base_b = wid * B_PER_W

    idx_bufs = (i0_v, i1_v)
    val_bufs = (v0_v, v1_v)

    def fire_idx(q):
        dst = idx_bufs[q % 2]

        def fbody(f, _):
            pltpu.async_copy(
                xt_hbm.at[f, pl.ds(base_b + q * B_Q, B_Q)],
                dst.at[pl.ds(f * B_Q, B_Q)], sem_i)
            return 0
        lax.fori_loop(0, N_FIELDS, fbody, 0)

    def drain_idx(q):
        dst = idx_bufs[q % 2]

        def fbody(f, _):
            pltpu.make_async_copy(
                xt_hbm.at[f, pl.ds(base_b + q * B_Q, B_Q)],
                dst.at[pl.ds(f * B_Q, B_Q)], sem_i).wait()
            return 0
        lax.fori_loop(0, N_FIELDS, fbody, 0)

    pltpu.sync_copy(bias_hbm, bias_v)
    fire_idx(0)

    bounce = (b0_v, b1_v)

    def stage(base_w, pieces):
        reads, writes = {}, {}
        for k, (po, ps) in enumerate(pieces):
            b = bounce[k % 2]
            off = pl.multiple_of(base_w + po, 128)
            if k >= 2:
                oo, os_ = writes[k % 2]
                pltpu.make_async_copy(
                    b.at[pl.ds(0, os_)], w_spm.at[pl.ds(oo, os_)], sem_s).wait()
            pltpu.async_copy(w_hbm.at[0, pl.ds(off, ps)], b.at[pl.ds(0, ps)],
                             sem_r)
            reads[k % 2] = (off, ps)
            if k >= 1:
                po_, ps_ = reads[(k - 1) % 2]
                bb = bounce[(k - 1) % 2]
                pltpu.make_async_copy(
                    w_hbm.at[0, pl.ds(po_, ps_)], bb.at[pl.ds(0, ps_)],
                    sem_r).wait()
                pltpu.async_copy(bb.at[pl.ds(0, ps_)],
                                 w_spm.at[pl.ds(po_, ps_)], sem_s)
                writes[(k - 1) % 2] = (po_, ps_)
        k = len(pieces) - 1
        po_, ps_ = reads[k % 2]
        pltpu.make_async_copy(
            w_hbm.at[0, pl.ds(po_, ps_)], bounce[k % 2].at[pl.ds(0, ps_)],
            sem_r).wait()
        pltpu.async_copy(bounce[k % 2].at[pl.ds(0, ps_)],
                         w_spm.at[pl.ds(po_, ps_)], sem_s)
        writes[k % 2] = (po_, ps_)
        for kk in sorted(writes):
            oo, os_ = writes[kk]
            pltpu.make_async_copy(
                bounce[kk].at[pl.ds(0, os_)], w_spm.at[pl.ds(oo, os_)],
                sem_s).wait()

    @pl.when(sid < 15)
    def _():
        stage(sid * W_CHUNK, _pieces(W_CHUNK))

    @pl.when(sid == 15)
    def _():
        stage(LAST_BASE, _pieces(TAIL_BASE - LAST_BASE))
        pltpu.sync_copy(wtail_hbm.at[0], b0_v.at[pl.ds(0, 128)])
        pltpu.sync_copy(b0_v.at[pl.ds(0, 128)],
                        w_spm.at[pl.ds(TAIL_BASE, 128)])

    drain_idx(0)
    plsc.subcore_barrier()

    bias_vec = bias_v[...]

    H_SPLIT = 1536

    def fire_gather(q):
        ib, vb = idx_bufs[q % 2], val_bufs[q % 2]
        pltpu.async_copy(w_hbm.at[0].at[ib.at[pl.ds(0, H_SPLIT)]],
                         vb.at[pl.ds(0, H_SPLIT)], sem_r)
        pltpu.async_copy(w_spm.at[ib.at[pl.ds(H_SPLIT, IDX_Q - H_SPLIT)]],
                         vb.at[pl.ds(H_SPLIT, IDX_Q - H_SPLIT)], sem_g)

    def wait_gather(q):
        ib, vb = idx_bufs[q % 2], val_bufs[q % 2]
        pltpu.make_async_copy(w_hbm.at[0].at[ib.at[pl.ds(0, H_SPLIT)]],
                              vb.at[pl.ds(0, H_SPLIT)], sem_r).wait()
        pltpu.make_async_copy(w_spm.at[ib.at[pl.ds(H_SPLIT, IDX_Q - H_SPLIT)]],
                              vb.at[pl.ds(H_SPLIT, IDX_Q - H_SPLIT)], sem_g).wait()

    fire_gather(0)
    for q in range(N_PASS):
        if q + 1 < N_PASS:
            fire_idx(q + 1)
        wait_gather(q)
        if q + 1 < N_PASS:
            drain_idx(q + 1)
            fire_gather(q + 1)
        vals_v = val_bufs[q % 2]

        def jbody(j, _, q=q, vals_v=vals_v):
            j16 = j * LANES
            acc = bias_vec
            for f in range(N_FIELDS):
                acc = acc + vals_v[pl.ds(f * B_Q + j16, LANES)]
            out_v[pl.ds(q * B_Q + j16, LANES)] = acc
            return 0

        lax.fori_loop(0, B_Q // LANES, jbody, 0)

    pltpu.sync_copy(out_v, out_hbm.at[pl.ds(base_b, B_PER_W)])


def kernel(X, W, bias):
    xt = X.astype(jnp.int32).T
    wt = W.T
    wtail = jnp.pad(W[TAIL_BASE:], ((0, 128 - (TABLE - TAIL_BASE)), (0, 0))).T
    bias16 = jnp.broadcast_to(bias.astype(jnp.float32), (LANES,))
    out = _wide_kernel(xt, wt, wtail, bias16)
    return out.reshape(BATCH, 1)

# --- scband reference (transcript-rebuilt; emitter-appended) ---
"""Pipeline reference for scband-wide-15582141350588 (READ-ONLY COPY).

The authoritative reference and input builder live on the scoring server;
editing this copy changes nothing except your own understanding.
"""

import jax, jax.numpy as jnp
import numpy as np

INPUT_DIM = 1000000
PRED_DIM = 1
BATCH = 16384
N_FIELDS = 100


def setup_inputs(seed: int = 0) -> dict:
    key = jax.random.key(seed)
    k_x, k_w, k_b = jax.random.split(key, 3)
    X = jax.random.randint(k_x, (BATCH, N_FIELDS), 0, INPUT_DIM, dtype=jnp.int64 if jax.config.jax_enable_x64 else jnp.int32)
    # Embedding table: (input_dim + 1, pred_dim), kaiming-uniform-like init
    fan_in = PRED_DIM
    gain = np.sqrt(2.0 / (1.0 + 5.0))  # kaiming_uniform with a=sqrt(5)
    bound_w = gain * np.sqrt(3.0 / fan_in)
    W = jax.random.uniform(k_w, (INPUT_DIM + 1, PRED_DIM), minval=-bound_w, maxval=bound_w, dtype=jnp.float32)
    bound_b = 1.0 / np.sqrt(fan_in)
    bias = jax.random.uniform(k_b, (PRED_DIM,), minval=-bound_b, maxval=bound_b, dtype=jnp.float32)
    return {"X": X, "W": W, "bias": bias}


def reference(X, W, bias):
    # out = Embedding(X).sum(dim=1) + bias
    emb = jnp.take(W, X, axis=0)          # [B, F, pred_dim]
    out = emb.sum(axis=1) + bias          # [B, pred_dim]
    return out

if __name__ == "__main__":
    import jax
    _d = setup_inputs()
    print(jax.jit(kernel)(*tuple(_d.values())))

</pallas_src>

<mosaic_0001>
#map = affine_map<(d0, d1) -> (0, 0)>
#map1 = affine_map<(d0, d1) -> (0)>
module attributes {stable_mosaic.version = 14 : i64} {
  func.func @_wide_kernel(%arg0: i32, %arg1: i32, %arg2: memref<100x16384xi32, #tpu.memory_space<hbm>>, %arg3: memref<1x1000001xf32, #tpu.memory_space<hbm>>, %arg4: memref<1x128xf32, #tpu.memory_space<hbm>>, %arg5: memref<16xf32, #tpu.memory_space<hbm>>, %arg6: memref<16384xf32, #tpu.memory_space<hbm>>, %arg7: memref<12800xi32, #tpu.memory_space<vmem>>, %arg8: memref<12800xi32, #tpu.memory_space<vmem>>, %arg9: memref<12800xf32, #tpu.memory_space<vmem>>, %arg10: memref<12800xf32, #tpu.memory_space<vmem>>, %arg11: memref<512xf32, #tpu.memory_space<vmem>>, %arg12: memref<16xf32, #tpu.memory_space<vmem>>, %arg13: memref<7808xf32, #tpu.memory_space<vmem>>, %arg14: memref<7808xf32, #tpu.memory_space<vmem>>, %arg15: memref<1000448xf32, #tpu.memory_space<vmem_shared>>, %arg16: memref<!tpu.dma_semaphore, #tpu.memory_space<semaphore_mem>>, %arg17: memref<!tpu.dma_semaphore, #tpu.memory_space<semaphore_mem>>, %arg18: memref<!tpu.dma_semaphore, #tpu.memory_space<semaphore_mem>>, %arg19: memref<!tpu.dma_semaphore, #tpu.memory_space<semaphore_mem>>) attributes {dimension_semantics = [#tpu.dimension_semantics<core_parallel>, #tpu.dimension_semantics<subcore_parallel>], iteration_bounds = array<i64: 2, 16>, scalar_prefetch = 0 : i64, scratch_operands = 13 : i64, tpu.core_type = #tpu.core_type<sc_vector_subcore>, window_params = [{transform_indices = #map}, {transform_indices = #map}, {transform_indices = #map}, {transform_indices = #map1}, {transform_indices = #map1}]} {
    %mul3A = arith.constant 16 : i32
    %mul3A_0 = arith.muli %arg0, %mul3A : i32
    %add3A = arith.addi %mul3A_0, %arg1 : i32
    %mul3A_1 = arith.constant 512 : i32
    %mul3A_2 = arith.muli %add3A, %mul3A_1 : i32
    "tpu.region"() ({
      %run_scoped3A = tpu.sem_alloc : memref<!tpu.dma_semaphore, #tpu.memory_space<semaphore_mem>>
      tpu.enqueue_dma source(%arg5 : memref<16xf32, #tpu.memory_space<hbm>>) target(%arg12 : memref<16xf32, #tpu.memory_space<vmem>>) target_semaphore(%run_scoped3A : memref<!tpu.dma_semaphore, #tpu.memory_space<semaphore_mem>>)
      tpu.wait_dma2 semaphore(%run_scoped3A : memref<!tpu.dma_semaphore, #tpu.memory_space<semaphore_mem>>) src(%arg5 : memref<16xf32, #tpu.memory_space<hbm>>) dst(%arg12 : memref<16xf32, #tpu.memory_space<vmem>>)
      tpu.yield
    }) : () -> ()
    %scan3A = arith.constant 0 : i32
    %scan3A_3 = arith.constant 0 : i32
    %scan3A_4 = arith.constant 100 : i32
    %scan3A_5 = arith.addi %scan3A_3, %scan3A_4 : i32
    %scan3A_6 = arith.constant 1 : i32
    %scan3A_7 = scf.for %scan3A_220 = %scan3A_3 to %scan3A_5 step %scan3A_6 iter_args(%scan3A_221 = %scan3A) -> (i32)  : i32 {
      %add3A_222 = arith.constant 0 : i32
      %add3A_223 = arith.addi %mul3A_2, %add3A_222 : i32
      %mul3A_224 = arith.constant 128 : i32
      %mul3A_225 = arith.muli %scan3A_220, %mul3A_224 : i32
      %dma_start3A_226 = tpu.memref_slice %arg7[%mul3A_225] : memref<12800xi32, #tpu.memory_space<vmem>> -> memref<128xi32, #tpu.memory_space<vmem>>
      %dma_start3A_227 = tpu.memref_slice %arg2[%scan3A_220, %add3A_223] : memref<100x16384xi32, #tpu.memory_space<hbm>> -> memref<1x128xi32, #tpu.memory_space<hbm>>
      %dma_start3A_228 = tpu.memref_squeeze %dma_start3A_227 : memref<1x128xi32, #tpu.memory_space<hbm>> -> memref<128xi32, #tpu.memory_space<hbm>>
      %dma_start3A_229 = tpu.memref_slice %arg7[%mul3A_225] : memref<12800xi32, #tpu.memory_space<vmem>> -> memref<128xi32, #tpu.memory_space<vmem>>
      %dma_start3A_230 = tpu.memref_slice %arg2[%scan3A_220, %add3A_223] : memref<100x16384xi32, #tpu.memory_space<hbm>> -> memref<1x128xi32, #tpu.memory_space<hbm>>
      %dma_start3A_231 = tpu.memref_squeeze %dma_start3A_230 : memref<1x128xi32, #tpu.memory_space<hbm>> -> memref<128xi32, #tpu.memory_space<hbm>>
      tpu.enqueue_dma source(%dma_start3A_231 : memref<128xi32, #tpu.memory_space<hbm>>) target(%dma_start3A_229 : memref<128xi32, #tpu.memory_space<vmem>>) target_semaphore(%arg17 : memref<!tpu.dma_semaphore, #tpu.memory_space<semaphore_mem>>)
      %scan3A_232 = arith.constant 0 : i32
      scf.yield %scan3A_232 : i32
    }
    %scan3A_8 = arith.constant 100 : i32
    %lt3A = arith.constant 15 : i32
    %lt3A_9 = arith.cmpi slt, %arg1, %lt3A : i32
    %convert_element_type3A = arith.extui %lt3A_9 : i1 to i32
    %cond3A = arith.constant 0 : i32
    %cond3A_10 = arith.cmpi ne, %convert_element_type3A, %cond3A : i32
    scf.if %cond3A_10 {
      %mul3A_220 = arith.constant 62592 : i32
      %mul3A_221 = arith.muli %arg1, %mul3A_220 : i32
      %add3A_222 = arith.constant 0 : i32
      %add3A_223 = arith.addi %mul3A_221, %add3A_222 : i32
      %multiple_of3A = tpu.assume_multiple %add3A_223, 128 : i32
      %dma_start3A_224 = arith.constant 0 : i32
      %dma_start3A_225 = arith.constant 0 : i32
      %dma_start3A_226 = tpu.memref_slice %arg13[%dma_start3A_225] : memref<7808xf32, #tpu.memory_space<vmem>> -> memref<7808xf32, #tpu.memory_space<vmem>>
      %dma_start3A_227 = tpu.memref_slice %arg3[%dma_start3A_224, %multiple_of3A] : memref<1x1000001xf32, #tpu.memory_space<hbm>> -> memref<1x7808xf32, #tpu.memory_space<hbm>>
      %dma_start3A_228 = tpu.memref_squeeze %dma_start3A_227 : memref<1x7808xf32, #tpu.memory_space<hbm>> -> memref<7808xf32, #tpu.memory_space<hbm>>
      %dma_start3A_229 = arith.constant 0 : i32
      %dma_start3A_230 = tpu.memref_slice %arg13[%dma_start3A_229] : memref<7808xf32, #tpu.memory_space<vmem>> -> memref<7808xf32, #tpu.memory_space<vmem>>
      %dma_start3A_231 = tpu.memref_slice %arg3[%dma_start3A_224, %multiple_of3A] : memref<1x1000001xf32, #tpu.memory_space<hbm>> -> memref<1x7808xf32, #tpu.memory_space<hbm>>
      %dma_start3A_232 = tpu.memref_squeeze %dma_start3A_231 : memref<1x7808xf32, #tpu.memory_space<hbm>> -> memref<7808xf32, #tpu.memory_space<hbm>>
      tpu.enqueue_dma source(%dma_start3A_232 : memref<7808xf32, #tpu.memory_space<hbm>>) target(%dma_start3A_230 : memref<7808xf32, #tpu.memory_space<vmem>>) target_semaphore(%arg18 : memref<!tpu.dma_semaphore, #tpu.memory_space<semaphore_mem>>)
      %add3A_233 = arith.constant 7808 : i32
      %add3A_234 = arith.addi %mul3A_221, %add3A_233 : i32
      %multiple_of3A_235 = tpu.assume_multiple %add3A_234, 128 : i32
      %dma_start3A_236 = arith.constant 0 : i32
      %dma_start3A_237 = arith.constant 0 : i32
      %dma_start3A_238 = tpu.memref_slice %arg14[%dma_start3A_237] : memref<7808xf32, #tpu.memory_space<vmem>> -> memref<7808xf32, #tpu.memory_space<vmem>>
      %dma_start3A_239 = tpu.memref_slice %arg3[%dma_start3A_236, %multiple_of3A_235] : memref<1x1000001xf32, #tpu.memory_space<hbm>> -> memref<1x7808xf32, #tpu.memory_space<hbm>>
      %dma_start3A_240 = tpu.memref_squeeze %dma_start3A_239 : memref<1x7808xf32, #tpu.memory_space<hbm>> -> memref<7808xf32, #tpu.memory_space<hbm>>
      %dma_start3A_241 = arith.constant 0 : i32
      %dma_start3A_242 = tpu.memref_slice %arg14[%dma_start3A_241] : memref<7808xf32, #tpu.memory_space<vmem>> -> memref<7808xf32, #tpu.memory_space<vmem>>
      %dma_start3A_243 = tpu.memref_slice %arg3[%dma_start3A_236, %multiple_of3A_235] : memref<1x1000001xf32, #tpu.memory_space<hbm>> -> memref<1x7808xf32, #tpu.memory_space<hbm>>
      %dma_start3A_244 = tpu.memref_squeeze %dma_start3A_243 : memref<1x7808xf32, #tpu.memory_space<hbm>> -> memref<7808xf32, #tpu.memory_space<hbm>>
      tpu.enqueue_dma source(%dma_start3A_244 : memref<7808xf32, #tpu.memory_space<hbm>>) target(%dma_start3A_242 : memref<7808xf32, #tpu.memory_space<vmem>>) target_semaphore(%arg18 : memref<!tpu.dma_semaphore, #tpu.memory_space<semaphore_mem>>)
      %dma_wait3A_245 = arith.constant 0 : i32
      %dma_wait3A_246 = arith.constant 0 : i32
      %dma_wait3A_247 = tpu.memref_slice %arg13[%dma_wait3A_246] : memref<7808xf32, #tpu.memory_space<vmem>> -> memref<7808xf32, #tpu.memory_space<vmem>>
      %dma_wait3A_248 = tpu.memref_slice %arg3[%dma_wait3A_245, %multiple_of3A] : memref<1x1000001xf32, #tpu.memory_space<hbm>> -> memref<1x7808xf32, #tpu.memory_space<hbm>>
      %dma_wait3A_249 = tpu.memref_squeeze %dma_wait3A_248 : memref<1x7808xf32, #tpu.memory_space<hbm>> -> memref<7808xf32, #tpu.memory_space<hbm>>
      %dma_wait3A_250 = arith.constant 0 : i32
      %dma_wait3A_251 = tpu.memref_slice %arg13[%dma_wait3A_250] : memref<7808xf32, #tpu.memory_space<vmem>> -> memref<7808xf32, #tpu.memory_space<vmem>>
      %dma_wait3A_252 = tpu.memref_slice %arg3[%dma_wait3A_245, %multiple_of3A] : memref<1x1000001xf32, #tpu.memory_space<hbm>> -> memref<1x7808xf32, #tpu.memory_space<hbm>>
      %dma_wait3A_253 = tpu.memref_squeeze %dma_wait3A_252 : memref<1x7808xf32, #tpu.memory_space<hbm>> -> memref<7808xf32, #tpu.memory_space<hbm>>
      tpu.wait_dma2 semaphore(%arg18 : memref<!tpu.dma_semaphore, #tpu.memory_space<semaphore_mem>>) src(%dma_wait3A_253 : memref<7808xf32, #tpu.memory_space<hbm>>) dst(%dma_wait3A_251 : memref<7808xf32, #tpu.memory_space<vmem>>)
      %dma_start3A_254 = arith.constant 0 : i32
      %dma_start3A_255 = tpu.memref_slice %arg13[%dma_start3A_254] : memref<7808xf32, #tpu.memory_space<vmem>> -> memref<7808xf32, #tpu.memory_space<vmem>>
      %dma_start3A_256 = tpu.memref_slice %arg15[%multiple_of3A] : memref<1000448xf32, #tpu.memory_space<vmem_shared>> -> memref<7808xf32, #tpu.memory_space<vmem_shared>>
      %dma_start3A_257 = tpu.memref_slice %arg15[%multiple_of3A] : memref<1000448xf32, #tpu.memory_space<vmem_shared>> -> memref<7808xf32, #tpu.memory_space<vmem_shared>>
      %dma_start3A_258 = arith.constant 0 : i32
      %dma_start3A_259 = tpu.memref_slice %arg13[%dma_start3A_258] : memref<7808xf32, #tpu.memory_space<vmem>> -> memref<7808xf32, #tpu.memory_space<vmem>>
      tpu.enqueue_dma source(%dma_start3A_259 : memref<7808xf32, #tpu.memory_space<vmem>>) target(%dma_start3A_257 : memref<7808xf32, #tpu.memory_space<vmem_shared>>) target_semaphore(%arg19 : memref<!tpu.dma_semaphore, #tpu.memory_space<semaphore_mem>>)
      %add3A_260 = arith.constant 15616 : i32
      %add3A_261 = arith.addi %mul3A_221, %add3A_260 : i32
      %multiple_of3A_262 = tpu.assume_multiple %add3A_261, 128 : i32
      %dma_wait3A_263 = arith.constant 0 : i32
      %dma_wait3A_264 = tpu.memref_slice %arg13[%dma_wait3A_263] : memref<7808xf32, #tpu.memory_space<vmem>> -> memref<7808xf32, #tpu.memory_space<vmem>>
      %dma_wait3A_265 = tpu.memref_slice %arg15[%multiple_of3A] : memref<1000448xf32, #tpu.memory_space<vmem_shared>> -> memref<7808xf32, #tpu.memory_space<vmem_shared>>
      %dma_wait3A_266 = tpu.memref_slice %arg15[%multiple_of3A] : memref<1000448xf32, #tpu.memory_space<vmem_shared>> -> memref<7808xf32, #tpu.memory_space<vmem_shared>>
      %dma_wait3A_267 = arith.constant 0 : i32
      %dma_wait3A_268 = tpu.memref_slice %arg13[%dma_wait3A_267] : memref<7808xf32, #tpu.memory_space<vmem>> -> memref<7808xf32, #tpu.memory_space<vmem>>
      tpu.wait_dma2 semaphore(%arg19 : memref<!tpu.dma_semaphore, #tpu.memory_space<semaphore_mem>>) src(%dma_wait3A_268 : memref<7808xf32, #tpu.memory_space<vmem>>) dst(%dma_wait3A_266 : memref<7808xf32, #tpu.memory_space<vmem_shared>>)
      %dma_start3A_269 = arith.constant 0 : i32
      %dma_start3A_270 = arith.constant 0 : i32
      %dma_start3A_271 = tpu.memref_slice %arg13[%dma_start3A_270] : memref<7808xf32, #tpu.memory_space<vmem>> -> memref<7808xf32, #tpu.memory_space<vmem>>
      %dma_start3A_272 = tpu.memref_slice %arg3[%dma_start3A_269, %multiple_of3A_262] : memref<1x1000001xf32, #tpu.memory_space<hbm>> -> memref<1x7808xf32, #tpu.memory_space<hbm>>
      %dma_start3A_273 = tpu.memref_squeeze %dma_start3A_272 : memref<1x7808xf32, #tpu.memory_space<hbm>> -> memref<7808xf32, #tpu.memory_space<hbm>>
      %dma_start3A_274 = arith.constant 0 : i32
      %dma_start3A_275 = tpu.memref_slice %arg13[%dma_start3A_274] : memref<7808xf32, #tpu.memory_space<vmem>> -> memref<7808xf32, #tpu.memory_space<vmem>>
      %dma_start3A_276 = tpu.memref_slice %arg3[%dma_start3A_269, %multiple_of3A_262] : memref<1x1000001xf32, #tpu.memory_space<hbm>> -> memref<1x7808xf32, #tpu.memory_space<hbm>>
      %dma_start3A_277 = tpu.memref_squeeze %dma_start3A_276 : memref<1x7808xf32, #tpu.memory_space<hbm>> -> memref<7808xf32, #tpu.memory_space<hbm>>
      tpu.enqueue_dma source(%dma_start3A_277 : memref<7808xf32, #tpu.memory_space<hbm>>) target(%dma_start3A_275 : memref<7808xf32, #tpu.memory_space<vmem>>) target_semaphore(%arg18 : memref<!tpu.dma_semaphore, #tpu.memory_space<semaphore_mem>>)
      %dma_wait3A_278 = arith.constant 0 : i32
      %dma_wait3A_279 = arith.constant 0 : i32
      %dma_wait3A_280 = tpu.memref_slice %arg14[%dma_wait3A_279] : memref<7808xf32, #tpu.memory_space<vmem>> -> memref<7808xf32, #tpu.memory_space<vmem>>
      %dma_wait3A_281 = tpu.memref_slice %arg3[%dma_wait3A_278, %multiple_of3A_235] : memref<1x1000001xf32, #tpu.memory_space<hbm>> -> memref<1x7808xf32, #tpu.memory_space<hbm>>
      %dma_wait3A_282 = tpu.memref_squeeze %dma_wait3A_281 : memref<1x7808xf32, #tpu.memory_space<hbm>> -> memref<7808xf32, #tpu.memory_space<hbm>>
      %dma_wait3A_283 = arith.constant 0 : i32
      %dma_wait3A_284 = tpu.memref_slice %arg14[%dma_wait3A_283] : memref<7808xf32, #tpu.memory_space<vmem>> -> memref<7808xf32, #tpu.memory_space<vmem>>
      %dma_wait3A_285 = tpu.memref_slice %arg3[%dma_wait3A_278, %multiple_of3A_235] : memref<1x1000001xf32, #tpu.memory_space<hbm>> -> memref<1x7808xf32, #tpu.memory_space<hbm>>
      %dma_wait3A_286 = tpu.memref_squeeze %dma_wait3A_285 : memref<1x7808xf32, #tpu.memory_space<hbm>> -> memref<7808xf32, #tpu.memory_space<hbm>>
      tpu.wait_dma2 semaphore(%arg18 : memref<!tpu.dma_semaphore, #tpu.memory_space<semaphore_mem>>) src(%dma_wait3A_286 : memref<7808xf32, #tpu.memory_space<hbm>>) dst(%dma_wait3A_284 : memref<7808xf32, #tpu.memory_space<vmem>>)
      %dma_start3A_287 = arith.constant 0 : i32
      %dma_start3A_288 = tpu.memref_slice %arg14[%dma_start3A_287] : memref<7808xf32, #tpu.memory_space<vmem>> -> memref<7808xf32, #tpu.memory_space<vmem>>
      %dma_start3A_289 = tpu.memref_slice %arg15[%multiple_of3A_235] : memref<1000448xf32, #tpu.memory_space<vmem_shared>> -> memref<7808xf32, #tpu.memory_space<vmem_shared>>
      %dma_start3A_290 = tpu.memref_slice %arg15[%multiple_of3A_235] : memref<1000448xf32, #tpu.memory_space<vmem_shared>> -> memref<7808xf32, #tpu.memory_space<vmem_shared>>
      %dma_start3A_291 = arith.constant 0 : i32
      %dma_start3A_292 = tpu.memref_slice %arg14[%dma_start3A_291] : memref<7808xf32, #tpu.memory_space<vmem>> -> memref<7808xf32, #tpu.memory_space<vmem>>
      tpu.enqueue_dma source(%dma_start3A_292 : memref<7808xf32, #tpu.memory_space<vmem>>) target(%dma_start3A_290 : memref<7808xf32, #tpu.memory_space<vmem_shared>>) target_semaphore(%arg19 : memref<!tpu.dma_semaphore, #tpu.memory_space<semaphore_mem>>)
      %add3A_293 = arith.constant 23424 : i32
      %add3A_294 = arith.addi %mul3A_221, %add3A_293 : i32
      %multiple_of3A_295 = tpu.assume_multiple %add3A_294, 128 : i32
      %dma_wait3A_296 = arith.constant 0 : i32
      %dma_wait3A_297 = tpu.memref_slice %arg14[%dma_wait3A_296] : memref<7808xf32, #tpu.memory_space<vmem>> -> memref<7808xf32, #tpu.memory_space<vmem>>
      %dma_wait3A_298 = tpu.memref_slice %arg15[%multiple_of3A_235] : memref<1000448xf32, #tpu.memory_space<vmem_shared>> -> memref<7808xf32, #tpu.memory_space<vmem_shared>>
      %dma_wait3A_299 = tpu.memref_slice %arg15[%multiple_of3A_235] : memref<1000448xf32, #tpu.memory_space<vmem_shared>> -> memref<7808xf32, #tpu.memory_space<vmem_shared>>
      %dma_wait3A_300 = arith.constant 0 : i32
      %dma_wait3A_301 = tpu.memref_slice %arg14[%dma_wait3A_300] : memref<7808xf32, #tpu.memory_space<vmem>> -> memref<7808xf32, #tpu.memory_space<vmem>>
      tpu.wait_dma2 semaphore(%arg19 : memref<!tpu.dma_semaphore, #tpu.memory_space<semaphore_mem>>) src(%dma_wait3A_301 : memref<7808xf32, #tpu.memory_space<vmem>>) dst(%dma_wait3A_299 : memref<7808xf32, #tpu.memory_space<vmem_shared>>)
      %dma_start3A_302 = arith.constant 0 : i32
      %dma_start3A_303 = arith.constant 0 : i32
      %dma_start3A_304 = tpu.memref_slice %arg14[%dma_start3A_303] : memref<7808xf32, #tpu.memory_space<vmem>> -> memref<7808xf32, #tpu.memory_space<vmem>>
      %dma_start3A_305 = tpu.memref_slice %arg3[%dma_start3A_302, %multiple_of3A_295] : memref<1x1000001xf32, #tpu.memory_space<hbm>> -> memref<1x7808xf32, #tpu.memory_space<hbm>>
      %dma_start3A_306 = tpu.memref_squeeze %dma_start3A_305 : memref<1x7808xf32, #tpu.memory_space<hbm>> -> memref<7808xf32, #tpu.memory_space<hbm>>
      %dma_start3A_307 = arith.constant 0 : i32
      %dma_start3A_308 = tpu.memref_slice %arg14[%dma_start3A_307] : memref<7808xf32, #tpu.memory_space<vmem>> -> memref<7808xf32, #tpu.memory_space<vmem>>
      %dma_start3A_309 = tpu.memref_slice %arg3[%dma_start3A_302, %multiple_of3A_295] : memref<1x1000001xf32, #tpu.memory_space<hbm>> -> memref<1x7808xf32, #tpu.memory_space<hbm>>
      %dma_start3A_310 = tpu.memref_squeeze %dma_start3A_309 : memref<1x7808xf32, #tpu.memory_space<hbm>> -> memref<7808xf32, #tpu.memory_space<hbm>>
      tpu.enqueue_dma source(%dma_start3A_310 : memref<7808xf32, #tpu.memory_space<hbm>>) target(%dma_start3A_308 : memref<7808xf32, #tpu.memory_space<vmem>>) target_semaphore(%arg18 : memref<!tpu.dma_semaphore, #tpu.memory_space<semaphore_mem>>)
      %dma_wait3A_311 = arith.constant 0 : i32
      %dma_wait3A_312 = arith.constant 0 : i32
      %dma_wait3A_313 = tpu.memref_slice %arg13[%dma_wait3A_312] : memref<7808xf32, #tpu.memory_space<vmem>> -> memref<7808xf32, #tpu.memory_space<vmem>>
      %dma_wait3A_314 = tpu.memref_slice %arg3[%dma_wait3A_311, %multiple_of3A_262] : memref<1x1000001xf32, #tpu.memory_space<hbm>> -> memref<1x7808xf32, #tpu.memory_space<hbm>>
      %dma_wait3A_315 = tpu.memref_squeeze %dma_wait3A_314 : memref<1x7808xf32, #tpu.memory_space<hbm>> -> memref<7808xf32, #tpu.memory_space<hbm>>
      %dma_wait3A_316 = arith.constant 0 : i32
      %dma_wait3A_317 = tpu.memref_slice %arg13[%dma_wait3A_316] : memref<7808xf32, #tpu.memory_space<vmem>> -> memref<7808xf32, #tpu.memory_space<vmem>>
      %dma_wait3A_318 = tpu.memref_slice %arg3[%dma_wait3A_311, %multiple_of3A_262] : memref<1x1000001xf32, #tpu.memory_space<hbm>> -> memref<1x7808xf32, #tpu.memory_space<hbm>>
      %dma_wait3A_319 = tpu.memref_squeeze %dma_wait3A_318 : memref<1x7808xf32, #tpu.memory_space<hbm>> -> memref<7808xf32, #tpu.memory_space<hbm>>
      tpu.wait_dma2 semaphore(%arg18 : memref<!tpu.dma_semaphore, #tpu.memory_space<semaphore_mem>>) src(%dma_wait3A_319 : memref<7808xf32, #tpu.memory_space<hbm>>) dst(%dma_wait3A_317 : memref<7808xf32, #tpu.memory_space<vmem>>)
      %dma_start3A_320 = arith.constant 0 : i32
      %dma_start3A_321 = tpu.memref_slice %arg13[%dma_start3A_320] : memref<7808xf32, #tpu.memory_space<vmem>> -> memref<7808xf32, #tpu.memory_space<vmem>>
      %dma_start3A_322 = tpu.memref_slice %arg15[%multiple_of3A_262] : memref<1000448xf32, #tpu.memory_space<vmem_shared>> -> memref<7808xf32, #tpu.memory_space<vmem_shared>>
      %dma_start3A_323 = tpu.memref_slice %arg15[%multiple_of3A_262] : memref<1000448xf32, #tpu.memory_space<vmem_shared>> -> memref<7808xf32, #tpu.memory_space<vmem_shared>>
      %dma_start3A_324 = arith.constant 0 : i32
      %dma_start3A_325 = tpu.memref_slice %arg13[%dma_start3A_324] : memref<7808xf32, #tpu.memory_space<vmem>> -> memref<7808xf32, #tpu.memory_space<vmem>>
      tpu.enqueue_dma source(%dma_start3A_325 : memref<7808xf32, #tpu.memory_space<vmem>>) target(%dma_start3A_323 : memref<7808xf32, #tpu.memory_space<vmem_shared>>) target_semaphore(%arg19 : memref<!tpu.dma_semaphore, #tpu.memory_space<semaphore_mem>>)
      %add3A_326 = arith.constant 31232 : i32
      %add3A_327 = arith.addi %mul3A_221, %add3A_326 : i32
      %multiple_of3A_328 = tpu.assume_multiple %add3A_327, 128 : i32
      %dma_wait3A_329 = arith.constant 0 : i32
      %dma_wait3A_330 = tpu.memref_slice %arg13[%dma_wait3A_329] : memref<7808xf32, #tpu.memory_space<vmem>> -> memref<7808xf32, #tpu.memory_space<vmem>>
      %dma_wait3A_331 = tpu.memref_slice %arg15[%multiple_of3A_262] : memref<1000448xf32, #tpu.memory_space<vmem_shared>> -> memref<7808xf32, #tpu.memory_space<vmem_shared>>
      %dma_wait3A_332 = tpu.memref_slice %arg15[%multiple_of3A_262] : memref<1000448xf32, #tpu.memory_space<vmem_shared>> -> memref<7808xf32, #tpu.memory_space<vmem_shared>>
      %dma_wait3A_333 = arith.constant 0 : i32
      %dma_wait3A_334 = tpu.memref_slice %arg13[%dma_wait3A_333] : memref<7808xf32, #tpu.memory_space<vmem>> -> memref<7808xf32, #tpu.memory_space<vmem>>
      tpu.wait_dma2 semaphore(%arg19 : memref<!tpu.dma_semaphore, #tpu.memory_space<semaphore_mem>>) src(%dma_wait3A_334 : memref<7808xf32, #tpu.memory_space<vmem>>) dst(%dma_wait3A_332 : memref<7808xf32, #tpu.memory_space<vmem_shared>>)
      %dma_start3A_335 = arith.constant 0 : i32
      %dma_start3A_336 = arith.constant 0 : i32
      %dma_start3A_337 = tpu.memref_slice %arg13[%dma_start3A_336] : memref<7808xf32, #tpu.memory_space<vmem>> -> memref<7808xf32, #tpu.memory_space<vmem>>
      %dma_start3A_338 = tpu.memref_slice %arg3[%dma_start3A_335, %multiple_of3A_328] : memref<1x1000001xf32, #tpu.memory_space<hbm>> -> memref<1x7808xf32, #tpu.memory_space<hbm>>
      %dma_start3A_339 = tpu.memref_squeeze %dma_start3A_338 : memref<1x7808xf32, #tpu.memory_space<hbm>> -> memref<7808xf32, #tpu.memory_space<hbm>>
      %dma_start3A_340 = arith.constant 0 : i32
      %dma_start3A_341 = tpu.memref_slice %arg13[%dma_start3A_340] : memref<7808xf32, #tpu.memory_space<vmem>> -> memref<7808xf32, #tpu.memory_space<vmem>>
      %dma_start3A_342 = tpu.memref_slice %arg3[%dma_start3A_335, %multiple_of3A_328] : memref<1x1000001xf32, #tpu.memory_space<hbm>> -> memref<1x7808xf32, #tpu.memory_space<hbm>>
      %dma_start3A_343 = tpu.memref_squeeze %dma_start3A_342 : memref<1x7808xf32, #tpu.memory_space<hbm>> -> memref<7808xf32, #tpu.memory_space<hbm>>
      tpu.enqueue_dma source(%dma_start3A_343 : memref<7808xf32, #tpu.memory_space<hbm>>) target(%dma_start3A_341 : memref<7808xf32, #tpu.memory_space<vmem>>) target_semaphore(%arg18 : memref<!tpu.dma_semaphore, #tpu.memory_space<semaphore_mem>>)
      %dma_wait3A_344 = arith.constant 0 : i32
      %dma_wait3A_345 = arith.constant 0 : i32
      %dma_wait3A_346 = tpu.memref_slice %arg14[%dma_wait3A_345] : memref<7808xf32, #tpu.memory_space<vmem>> -> memref<7808xf32, #tpu.memory_space<vmem>>
      %dma_wait3A_347 = tpu.memref_slice %arg3[%dma_wait3A_344, %multiple_of3A_295] : memref<1x1000001xf32, #tpu.memory_space<hbm>> -> memref<1x7808xf32, #tpu.memory_space<hbm>>
      %dma_wait3A_348 = tpu.memref_squeeze %dma_wait3A_347 : memref<1x7808xf32, #tpu.memory_space<hbm>> -> memref<7808xf32, #tpu.memory_space<hbm>>
      %dma_wait3A_349 = arith.constant 0 : i32
      %dma_wait3A_350 = tpu.memref_slice %arg14[%dma_wait3A_349] : memref<7808xf32, #tpu.memory_space<vmem>> -> memref<7808xf32, #tpu.memory_space<vmem>>
      %dma_wait3A_351 = tpu.memref_slice %arg3[%dma_wait3A_344, %multiple_of3A_295] : memref<1x1000001xf32, #tpu.memory_space<hbm>> -> memref<1x7808xf32, #tpu.memory_space<hbm>>
      %dma_wait3A_352 = tpu.memref_squeeze %dma_wait3A_351 : memref<1x7808xf32, #tpu.memory_space<hbm>> -> memref<7808xf32, #tpu.memory_space<hbm>>
      tpu.wait_dma2 semaphore(%arg18 : memref<!tpu.dma_semaphore, #tpu.memory_space<semaphore_mem>>) src(%dma_wait3A_352 : memref<7808xf32, #tpu.memory_space<hbm>>) dst(%dma_wait3A_350 : memref<7808xf32, #tpu.memory_space<vmem>>)
      %dma_start3A_353 = arith.constant 0 : i32
      %dma_start3A_354 = tpu.memref_slice %arg14[%dma_start3A_353] : memref<7808xf32, #tpu.memory_space<vmem>> -> memref<7808xf32, #tpu.memory_space<vmem>>
      %dma_start3A_355 = tpu.memref_slice %arg15[%multiple_of3A_295] : memref<1000448xf32, #tpu.memory_space<vmem_shared>> -> memref<7808xf32, #tpu.memory_space<vmem_shared>>
      %dma_start3A_356 = tpu.memref_slice %arg15[%multiple_of3A_295] : memref<1000448xf32, #tpu.memory_space<vmem_shared>> -> memref<7808xf32, #tpu.memory_space<vmem_shared>>
      %dma_start3A_357 = arith.constant 0 : i32
      %dma_start3A_358 = tpu.memref_slice %arg14[%dma_start3A_357] : memref<7808xf32, #tpu.memory_space<vmem>> -> memref<7808xf32, #tpu.memory_space<vmem>>
      tpu.enqueue_dma source(%dma_start3A_358 : memref<7808xf32, #tpu.memory_space<vmem>>) target(%dma_start3A_356 : memref<7808xf32, #tpu.memory_space<vmem_shared>>) target_semaphore(%arg19 : memref<!tpu.dma_semaphore, #tpu.memory_space<semaphore_mem>>)
      %add3A_359 = arith.constant 39040 : i32
      %add3A_360 = arith.addi %mul3A_221, %add3A_359 : i32
      %multiple_of3A_361 = tpu.assume_multiple %add3A_360, 128 : i32
      %dma_wait3A_362 = arith.constant 0 : i32
      %dma_wait3A_363 = tpu.memref_slice %arg14[%dma_wait3A_362] : memref<7808xf32, #tpu.memory_space<vmem>> -> memref<7808xf32, #tpu.memory_space<vmem>>
      %dma_wait3A_364 = tpu.memref_slice %arg15[%multiple_of3A_295] : memref<1000448xf32, #tpu.memory_space<vmem_shared>> -> memref<7808xf32, #tpu.memory_space<vmem_shared>>
      %dma_wait3A_365 = tpu.memref_slice %arg15[%multiple_of3A_295] : memref<1000448xf32, #tpu.memory_space<vmem_shared>> -> memref<7808xf32, #tpu.memory_space<vmem_shared>>
      %dma_wait3A_366 = arith.constant 0 : i32
      %dma_wait3A_367 = tpu.memref_slice %arg14[%dma_wait3A_366] : memref<7808xf32, #tpu.memory_space<vmem>> -> memref<7808xf32, #tpu.memory_space<vmem>>
      tpu.wait_dma2 semaphore(%arg19 : memref<!tpu.dma_semaphore, #tpu.memory_space<semaphore_mem>>) src(%dma_wait3A_367 : memref<7808xf32, #tpu.memory_space<vmem>>) dst(%dma_wait3A_365 : memref<7808xf32, #tpu.memory_space<vmem_shared>>)
      %dma_start3A_368 = arith.constant 0 : i32
      %dma_start3A_369 = arith.constant 0 : i32
      %dma_start3A_370 = tpu.memref_slice %arg14[%dma_start3A_369] : memref<7808xf32, #tpu.memory_space<vmem>> -> memref<7808xf32, #tpu.memory_space<vmem>>
      %dma_start3A_371 = tpu.memref_slice %arg3[%dma_start3A_368, %multiple_of3A_361] : memref<1x1000001xf32, #tpu.memory_space<hbm>> -> memref<1x7808xf32, #tpu.memory_space<hbm>>
      %dma_start3A_372 = tpu.memref_squeeze %dma_start3A_371 : memref<1x7808xf32, #tpu.memory_space<hbm>> -> memref<7808xf32, #tpu.memory_space<hbm>>
      %dma_start3A_373 = arith.constant 0 : i32
      %dma_start3A_374 = tpu.memref_slice %arg14[%dma_start3A_373] : memref<7808xf32, #tpu.memory_space<vmem>> -> memref<7808xf32, #tpu.memory_space<vmem>>
      %dma_start3A_375 = tpu.memref_slice %arg3[%dma_start3A_368, %multiple_of3A_361] : memref<1x1000001xf32, #tpu.memory_space<hbm>> -> memref<1x7808xf32, #tpu.memory_space<hbm>>
      %dma_start3A_376 = tpu.memref_squeeze %dma_start3A_375 : memref<1x7808xf32, #tpu.memory_space<hbm>> -> memref<7808xf32, #tpu.memory_space<hbm>>
      tpu.enqueue_dma source(%dma_start3A_376 : memref<7808xf32, #tpu.memory_space<hbm>>) target(%dma_start3A_374 : memref<7808xf32, #tpu.memory_space<vmem>>) target_semaphore(%arg18 : memref<!tpu.dma_semaphore, #tpu.memory_space<semaphore_mem>>)
      %dma_wait3A_377 = arith.constant 0 : i32
      %dma_wait3A_378 = arith.constant 0 : i32
      %dma_wait3A_379 = tpu.memref_slice %arg13[%dma_wait3A_378] : memref<7808xf32, #tpu.memory_space<vmem>> -> memref<7808xf32, #tpu.memory_space<vmem>>
      %dma_wait3A_380 = tpu.memref_slice %arg3[%dma_wait3A_377, %multiple_of3A_328] : memref<1x1000001xf32, #tpu.memory_space<hbm>> -> memref<1x7808xf32, #tpu.memory_space<hbm>>
      %dma_wait3A_381 = tpu.memref_squeeze %dma_wait3A_380 : memref<1x7808xf32, #tpu.memory_space<hbm>> -> memref<7808xf32, #tpu.memory_space<hbm>>
      %dma_wait3A_382 = arith.constant 0 : i32
      %dma_wait3A_383 = tpu.memref_slice %arg13[%dma_wait3A_382] : memref<7808xf32, #tpu.memory_space<vmem>> -> memref<7808xf32, #tpu.memory_space<vmem>>
      %dma_wait3A_384 = tpu.memref_slice %arg3[%dma_wait3A_377, %multiple_of3A_328] : memref<1x1000001xf32, #tpu.memory_space<hbm>> -> memref<1x7808xf32, #tpu.memory_space<hbm>>
      %dma_wait3A_385 = tpu.memref_squeeze %dma_wait3A_384 : memref<1x7808xf32, #tpu.memory_space<hbm>> -> memref<7808xf32, #tpu.memory_space<hbm>>
      tpu.wait_dma2 semaphore(%arg18 : memref<!tpu.dma_semaphore, #tpu.memory_space<semaphore_mem>>) src(%dma_wait3A_385 : memref<7808xf32, #tpu.memory_space<hbm>>) dst(%dma_wait3A_383 : memref<7808xf32, #tpu.memory_space<vmem>>)
      %dma_start3A_386 = arith.constant 0 : i32
      %dma_start3A_387 = tpu.memref_slice %arg13[%dma_start3A_386] : memref<7808xf32, #tpu.memory_space<vmem>> -> memref<7808xf32, #tpu.memory_space<vmem>>
      %dma_start3A_388 = tpu.memref_slice %arg15[%multiple_of3A_328] : memref<1000448xf32, #tpu.memory_space<vmem_shared>> -> memref<7808xf32, #tpu.memory_space<vmem_shared>>
      %dma_start3A_389 = tpu.memref_slice %arg15[%multiple_of3A_328] : memref<1000448xf32, #tpu.memory_space<vmem_shared>> -> memref<7808xf32, #tpu.memory_space<vmem_shared>>
      %dma_start3A_390 = arith.constant 0 : i32
      %dma_start3A_391 = tpu.memref_slice %arg13[%dma_start3A_390] : memref<7808xf32, #tpu.memory_space<vmem>> -> memref<7808xf32, #tpu.memory_space<vmem>>
      tpu.enqueue_dma source(%dma_start3A_391 : memref<7808xf32, #tpu.memory_space<vmem>>) target(%dma_start3A_389 : memref<7808xf32, #tpu.memory_space<vmem_shared>>) target_semaphore(%arg19 : memref<!tpu.dma_semaphore, #tpu.memory_space<semaphore_mem>>)
      %add3A_392 = arith.constant 46848 : i32
      %add3A_393 = arith.addi %mul3A_221, %add3A_392 : i32
      %multiple_of3A_394 = tpu.assume_multiple %add3A_393, 128 : i32
      %dma_wait3A_395 = arith.constant 0 : i32
      %dma_wait3A_396 = tpu.memref_slice %arg13[%dma_wait3A_395] : memref<7808xf32, #tpu.memory_space<vmem>> -> memref<7808xf32, #tpu.memory_space<vmem>>
      %dma_wait3A_397 = tpu.memref_slice %arg15[%multiple_of3A_328] : memref<1000448xf32, #tpu.memory_space<vmem_shared>> -> memref<7808xf32, #tpu.memory_space<vmem_shared>>
      %dma_wait3A_398 = tpu.memref_slice %arg15[%multiple_of3A_328] : memref<1000448xf32, #tpu.memory_space<vmem_shared>> -> memref<7808xf32, #tpu.memory_space<vmem_shared>>
      %dma_wait3A_399 = arith.constant 0 : i32
      %dma_wait3A_400 = tpu.memref_slice %arg13[%dma_wait3A_399] : memref<7808xf32, #tpu.memory_space<vmem>> -> memref<7808xf32, #tpu.memory_space<vmem>>
      tpu.wait_dma2 semaphore(%arg19 : memref<!tpu.dma_semaphore, #tpu.memory_space<semaphore_mem>>) src(%dma_wait3A_400 : memref<7808xf32, #tpu.memory_space<vmem>>) dst(%dma_wait3A_398 : memref<7808xf32, #tpu.memory_space<vmem_shared>>)
      %dma_start3A_401 = arith.constant 0 : i32
      %dma_start3A_402 = arith.constant 0 : i32
      %dma_start3A_403 = tpu.memref_slice %arg13[%dma_start3A_402] : memref<7808xf32, #tpu.memory_space<vmem>> -> memref<7808xf32, #tpu.memory_space<vmem>>
      %dma_start3A_404 = tpu.memref_slice %arg3[%dma_start3A_401, %multiple_of3A_394] : memref<1x1000001xf32, #tpu.memory_space<hbm>> -> memref<1x7808xf32, #tpu.memory_space<hbm>>
      %dma_start3A_405 = tpu.memref_squeeze %dma_start3A_404 : memref<1x7808xf32, #tpu.memory_space<hbm>> -> memref<7808xf32, #tpu.memory_space<hbm>>
      %dma_start3A_406 = arith.constant 0 : i32
      %dma_start3A_407 = tpu.memref_slice %arg13[%dma_start3A_406] : memref<7808xf32, #tpu.memory_space<vmem>> -> memref<7808xf32, #tpu.memory_space<vmem>>
      %dma_start3A_408 = tpu.memref_slice %arg3[%dma_start3A_401, %multiple_of3A_394] : memref<1x1000001xf32, #tpu.memory_space<hbm>> -> memref<1x7808xf32, #tpu.memory_space<hbm>>
      %dma_start3A_409 = tpu.memref_squeeze %dma_start3A_408 : memref<1x7808xf32, #tpu.memory_space<hbm>> -> memref<7808xf32, #tpu.memory_space<hbm>>
      tpu.enqueue_dma source(%dma_start3A_409 : memref<7808xf32, #tpu.memory_space<hbm>>) target(%dma_start3A_407 : memref<7808xf32, #tpu.memory_space<vmem>>) target_semaphore(%arg18 : memref<!tpu.dma_semaphore, #tpu.memory_space<semaphore_mem>>)
      %dma_wait3A_410 = arith.constant 0 : i32
      %dma_wait3A_411 = arith.constant 0 : i32
      %dma_wait3A_412 = tpu.memref_slice %arg14[%dma_wait3A_411] : memref<7808xf32, #tpu.memory_space<vmem>> -> memref<7808xf32, #tpu.memory_space<vmem>>
      %dma_wait3A_413 = tpu.memref_slice %arg3[%dma_wait3A_410, %multiple_of3A_361] : memref<1x1000001xf32, #tpu.memory_space<hbm>> -> memref<1x7808xf32, #tpu.memory_space<hbm>>
      %dma_wait3A_414 = tpu.memref_squeeze %dma_wait3A_413 : memref<1x7808xf32, #tpu.memory_space<hbm>> -> memref<7808xf32, #tpu.memory_space<hbm>>
      %dma_wait3A_415 = arith.constant 0 : i32
      %dma_wait3A_416 = tpu.memref_slice %arg14[%dma_wait3A_415] : memref<7808xf32, #tpu.memory_space<vmem>> -> memref<7808xf32, #tpu.memory_space<vmem>>
      %dma_wait3A_417 = tpu.memref_slice %arg3[%dma_wait3A_410, %multiple_of3A_361] : memref<1x1000001xf32, #tpu.memory_space<hbm>> -> memref<1x7808xf32, #tpu.memory_space<hbm>>
      %dma_wait3A_418 = tpu.memref_squeeze %dma_wait3A_417 : memref<1x7808xf32, #tpu.memory_space<hbm>> -> memref<7808xf32, #tpu.memory_space<hbm>>
      tpu.wait_dma2 semaphore(%arg18 : memref<!tpu.dma_semaphore, #tpu.memory_space<semaphore_mem>>) src(%dma_wait3A_418 : memref<7808xf32, #tpu.memory_space<hbm>>) dst(%dma_wait3A_416 : memref<7808xf32, #tpu.memory_space<vmem>>)
      %dma_start3A_419 = arith.constant 0 : i32
      %dma_start3A_420 = tpu.memref_slice %arg14[%dma_start3A_419] : memref<7808xf32, #tpu.memory_space<vmem>> -> memref<7808xf32, #tpu.memory_space<vmem>>
      %dma_start3A_421 = tpu.memref_slice %arg15[%multiple_of3A_361] : memref<1000448xf32, #tpu.memory_space<vmem_shared>> -> memref<7808xf32, #tpu.memory_space<vmem_shared>>
      %dma_start3A_422 = tpu.memref_slice %arg15[%multiple_of3A_361] : memref<1000448xf32, #tpu.memory_space<vmem_shared>> -> memref<7808xf32, #tpu.memory_space<vmem_shared>>
      %dma_start3A_423 = arith.constant 0 : i32
      %dma_start3A_424 = tpu.memref_slice %arg14[%dma_start3A_423] : memref<7808xf32, #tpu.memory_space<vmem>> -> memref<7808xf32, #tpu.memory_space<vmem>>
      tpu.enqueue_dma source(%dma_start3A_424 : memref<7808xf32, #tpu.memory_space<vmem>>) target(%dma_start3A_422 : memref<7808xf32, #tpu.memory_space<vmem_shared>>) target_semaphore(%arg19 : memref<!tpu.dma_semaphore, #tpu.memory_space<semaphore_mem>>)
      %add3A_425 = arith.constant 54656 : i32
      %add3A_426 = arith.addi %mul3A_221, %add3A_425 : i32
      %multiple_of3A_427 = tpu.assume_multiple %add3A_426, 128 : i32
      %dma_wait3A_428 = arith.constant 0 : i32
      %dma_wait3A_429 = tpu.memref_slice %arg14[%dma_wait3A_428] : memref<7808xf32, #tpu.memory_space<vmem>> -> memref<7808xf32, #tpu.memory_space<vmem>>
      %dma_wait3A_430 = tpu.memref_slice %arg15[%multiple_of3A_361] : memref<1000448xf32, #tpu.memory_space<vmem_shared>> -> memref<7808xf32, #tpu.memory_space<vmem_shared>>
      %dma_wait3A_431 = tpu.memref_slice %arg15[%multiple_of3A_361] : memref<1000448xf32, #tpu.memory_space<vmem_shared>> -> memref<7808xf32, #tpu.memory_space<vmem_shared>>
      %dma_wait3A_432 = arith.constant 0 : i32
      %dma_wait3A_433 = tpu.memref_slice %arg14[%dma_wait3A_432] : memref<7808xf32, #tpu.memory_space<vmem>> -> memref<7808xf32, #tpu.memory_space<vmem>>
      tpu.wait_dma2 semaphore(%arg19 : memref<!tpu.dma_semaphore, #tpu.memory_space<semaphore_mem>>) src(%dma_wait3A_433 : memref<7808xf32, #tpu.memory_space<vmem>>) dst(%dma_wait3A_431 : memref<7808xf32, #tpu.memory_space<vmem_shared>>)
      %dma_start3A_434 = arith.constant 0 : i32
      %dma_start3A_435 = arith.constant 0 : i32
      %dma_start3A_436 = tpu.memref_slice %arg14[%dma_start3A_435] : memref<7808xf32, #tpu.memory_space<vmem>> -> memref<7808xf32, #tpu.memory_space<vmem>>
      %dma_start3A_437 = tpu.memref_slice %arg3[%dma_start3A_434, %multiple_of3A_427] : memref<1x1000001xf32, #tpu.memory_space<hbm>> -> memref<1x7808xf32, #tpu.memory_space<hbm>>
      %dma_start3A_438 = tpu.memref_squeeze %dma_start3A_437 : memref<1x7808xf32, #tpu.memory_space<hbm>> -> memref<7808xf32, #tpu.memory_space<hbm>>
      %dma_start3A_439 = arith.constant 0 : i32
      %dma_start3A_440 = tpu.memref_slice %arg14[%dma_start3A_439] : memref<7808xf32, #tpu.memory_space<vmem>> -> memref<7808xf32, #tpu.memory_space<vmem>>
      %dma_start3A_441 = tpu.memref_slice %arg3[%dma_start3A_434, %multiple_of3A_427] : memref<1x1000001xf32, #tpu.memory_space<hbm>> -> memref<1x7808xf32, #tpu.memory_space<hbm>>
      %dma_start3A_442 = tpu.memref_squeeze %dma_start3A_441 : memref<1x7808xf32, #tpu.memory_space<hbm>> -> memref<7808xf32, #tpu.memory_space<hbm>>
      tpu.enqueue_dma source(%dma_start3A_442 : memref<7808xf32, #tpu.memory_space<hbm>>) target(%dma_start3A_440 : memref<7808xf32, #tpu.memory_space<vmem>>) target_semaphore(%arg18 : memref<!tpu.dma_semaphore, #tpu.memory_space<semaphore_mem>>)
      %dma_wait3A_443 = arith.constant 0 : i32
      %dma_wait3A_444 = arith.constant 0 : i32
      %dma_wait3A_445 = tpu.memref_slice %arg13[%dma_wait3A_444] : memref<7808xf32, #tpu.memory_space<vmem>> -> memref<7808xf32, #tpu.memory_space<vmem>>
      %dma_wait3A_446 = tpu.memref_slice %arg3[%dma_wait3A_443, %multiple_of3A_394] : memref<1x1000001xf32, #tpu.memory_space<hbm>> -> memref<1x7808xf32, #tpu.memory_space<hbm>>
      %dma_wait3A_447 = tpu.memref_squeeze %dma_wait3A_446 : memref<1x7808xf32, #tpu.memory_space<hbm>> -> memref<7808xf32, #tpu.memory_space<hbm>>
      %dma_wait3A_448 = arith.constant 0 : i32
      %dma_wait3A_449 = tpu.memref_slice %arg13[%dma_wait3A_448] : memref<7808xf32, #tpu.memory_space<vmem>> -> memref<7808xf32, #tpu.memory_space<vmem>>
      %dma_wait3A_450 = tpu.memref_slice %arg3[%dma_wait3A_443, %multiple_of3A_394] : memref<1x1000001xf32, #tpu.memory_space<hbm>> -> memref<1x7808xf32, #tpu.memory_space<hbm>>
      %dma_wait3A_451 = tpu.memref_squeeze %dma_wait3A_450 : memref<1x7808xf32, #tpu.memory_space<hbm>> -> memref<7808xf32, #tpu.memory_space<hbm>>
      tpu.wait_dma2 semaphore(%arg18 : memref<!tpu.dma_semaphore, #tpu.memory_space<semaphore_mem>>) src(%dma_wait3A_451 : memref<7808xf32, #tpu.memory_space<hbm>>) dst(%dma_wait3A_449 : memref<7808xf32, #tpu.memory_space<vmem>>)
      %dma_start3A_452 = arith.constant 0 : i32
      %dma_start3A_453 = tpu.memref_slice %arg13[%dma_start3A_452] : memref<7808xf32, #tpu.memory_space<vmem>> -> memref<7808xf32, #tpu.memory_space<vmem>>
      %dma_start3A_454 = tpu.memref_slice %arg15[%multiple_of3A_394] : memref<1000448xf32, #tpu.memory_space<vmem_shared>> -> memref<7808xf32, #tpu.memory_space<vmem_shared>>
      %dma_start3A_455 = tpu.memref_slice %arg15[%multiple_of3A_394] : memref<1000448xf32, #tpu.memory_space<vmem_shared>> -> memref<7808xf32, #tpu.memory_space<vmem_shared>>
      %dma_start3A_456 = arith.constant 0 : i32
      %dma_start3A_457 = tpu.memref_slice %arg13[%dma_start3A_456] : memref<7808xf32, #tpu.memory_space<vmem>> -> memref<7808xf32, #tpu.memory_space<vmem>>
      tpu.enqueue_dma source(%dma_start3A_457 : memref<7808xf32, #tpu.memory_space<vmem>>) target(%dma_start3A_455 : memref<7808xf32, #tpu.memory_space<vmem_shared>>) target_semaphore(%arg19 : memref<!tpu.dma_semaphore, #tpu.memory_space<semaphore_mem>>)
      %add3A_458 = arith.constant 62464 : i32
      %add3A_459 = arith.addi %mul3A_221, %add3A_458 : i32
      %multiple_of3A_460 = tpu.assume_multiple %add3A_459, 128 : i32
      %dma_wait3A_461 = arith.constant 0 : i32
      %dma_wait3A_462 = tpu.memref_slice %arg13[%dma_wait3A_461] : memref<7808xf32, #tpu.memory_space<vmem>> -> memref<7808xf32, #tpu.memory_space<vmem>>
      %dma_wait3A_463 = tpu.memref_slice %arg15[%multiple_of3A_394] : memref<1000448xf32, #tpu.memory_space<vmem_shared>> -> memref<7808xf32, #tpu.memory_space<vmem_shared>>
      %dma_wait3A_464 = tpu.memref_slice %arg15[%multiple_of3A_394] : memref<1000448xf32, #tpu.memory_space<vmem_shared>> -> memref<7808xf32, #tpu.memory_space<vmem_shared>>
      %dma_wait3A_465 = arith.constant 0 : i32
      %dma_wait3A_466 = tpu.memref_slice %arg13[%dma_wait3A_465] : memref<7808xf32, #tpu.memory_space<vmem>> -> memref<7808xf32, #tpu.memory_space<vmem>>
      tpu.wait_dma2 semaphore(%arg19 : memref<!tpu.dma_semaphore, #tpu.memory_space<semaphore_mem>>) src(%dma_wait3A_466 : memref<7808xf32, #tpu.memory_space<vmem>>) dst(%dma_wait3A_464 : memref<7808xf32, #tpu.memory_space<vmem_shared>>)
      %dma_start3A_467 = arith.constant 0 : i32
      %dma_start3A_468 = arith.constant 0 : i32
      %dma_start3A_469 = tpu.memref_slice %arg13[%dma_start3A_468] : memref<7808xf32, #tpu.memory_space<vmem>> -> memref<128xf32, #tpu.memory_space<vmem>>
      %dma_start3A_470 = tpu.memref_slice %arg3[%dma_start3A_467, %multiple_of3A_460] : memref<1x1000001xf32, #tpu.memory_space<hbm>> -> memref<1x128xf32, #tpu.memory_space<hbm>>
      %dma_start3A_471 = tpu.memref_squeeze %dma_start3A_470 : memref<1x128xf32, #tpu.memory_space<hbm>> -> memref<128xf32, #tpu.memory_space<hbm>>
      %dma_start3A_472 = arith.constant 0 : i32
      %dma_start3A_473 = tpu.memref_slice %arg13[%dma_start3A_472] : memref<7808xf32, #tpu.memory_space<vmem>> -> memref<128xf32, #tpu.memory_space<vmem>>
      %dma_start3A_474 = tpu.memref_slice %arg3[%dma_start3A_467, %multiple_of3A_460] : memref<1x1000001xf32, #tpu.memory_space<hbm>> -> memref<1x128xf32, #tpu.memory_space<hbm>>
      %dma_start3A_475 = tpu.memref_squeeze %dma_start3A_474 : memref<1x128xf32, #tpu.memory_space<hbm>> -> memref<128xf32, #tpu.memory_space<hbm>>
      tpu.enqueue_dma source(%dma_start3A_475 : memref<128xf32, #tpu.memory_space<hbm>>) target(%dma_start3A_473 : memref<128xf32, #tpu.memory_space<vmem>>) target_semaphore(%arg18 : memref<!tpu.dma_semaphore, #tpu.memory_space<semaphore_mem>>)
      %dma_wait3A_476 = arith.constant 0 : i32
      %dma_wait3A_477 = arith.constant 0 : i32
      %dma_wait3A_478 = tpu.memref_slice %arg14[%dma_wait3A_477] : memref<7808xf32, #tpu.memory_space<vmem>> -> memref<7808xf32, #tpu.memory_space<vmem>>
      %dma_wait3A_479 = tpu.memref_slice %arg3[%dma_wait3A_476, %multiple_of3A_427] : memref<1x1000001xf32, #tpu.memory_space<hbm>> -> memref<1x7808xf32, #tpu.memory_space<hbm>>
      %dma_wait3A_480 = tpu.memref_squeeze %dma_wait3A_479 : memref<1x7808xf32, #tpu.memory_space<hbm>> -> memref<7808xf32, #tpu.memory_space<hbm>>
      %dma_wait3A_481 = arith.constant 0 : i32
      %dma_wait3A_482 = tpu.memref_slice %arg14[%dma_wait3A_481] : memref<7808xf32, #tpu.memory_space<vmem>> -> memref<7808xf32, #tpu.memory_space<vmem>>
      %dma_wait3A_483 = tpu.memref_slice %arg3[%dma_wait3A_476, %multiple_of3A_427] : memref<1x1000001xf32, #tpu.memory_space<hbm>> -> memref<1x7808xf32, #tpu.memory_space<hbm>>
      %dma_wait3A_484 = tpu.memref_squeeze %dma_wait3A_483 : memref<1x7808xf32, #tpu.memory_space<hbm>> -> memref<7808xf32, #tpu.memory_space<hbm>>
      tpu.wait_dma2 semaphore(%arg18 : memref<!tpu.dma_semaphore, #tpu.memory_space<semaphore_mem>>) src(%dma_wait3A_484 : memref<7808xf32, #tpu.memory_space<hbm>>) dst(%dma_wait3A_482 : memref<7808xf32, #tpu.memory_space<vmem>>)
      %dma_start3A_485 = arith.constant 0 : i32
      %dma_start3A_486 = tpu.memref_slice %arg14[%dma_start3A_485] : memref<7808xf32, #tpu.memory_space<vmem>> -> memref<7808xf32, #tpu.memory_space<vmem>>
      %dma_start3A_487 = tpu.memref_slice %arg15[%multiple_of3A_427] : memref<1000448xf32, #tpu.memory_space<vmem_shared>> -> memref<7808xf32, #tpu.memory_space<vmem_shared>>
      %dma_start3A_488 = tpu.memref_slice %arg15[%multiple_of3A_427] : memref<1000448xf32, #tpu.memory_space<vmem_shared>> -> memref<7808xf32, #tpu.memory_space<vmem_shared>>
      %dma_start3A_489 = arith.constant 0 : i32
      %dma_start3A_490 = tpu.memref_slice %arg14[%dma_start3A_489] : memref<7808xf32, #tpu.memory_space<vmem>> -> memref<7808xf32, #tpu.memory_space<vmem>>
      tpu.enqueue_dma source(%dma_start3A_490 : memref<7808xf32, #tpu.memory_space<vmem>>) target(%dma_start3A_488 : memref<7808xf32, #tpu.memory_space<vmem_shared>>) target_semaphore(%arg19 : memref<!tpu.dma_semaphore, #tpu.memory_space<semaphore_mem>>)
      %dma_wait3A_491 = arith.constant 0 : i32
      %dma_wait3A_492 = arith.constant 0 : i32
      %dma_wait3A_493 = tpu.memref_slice %arg13[%dma_wait3A_492] : memref<7808xf32, #tpu.memory_space<vmem>> -> memref<128xf32, #tpu.memory_space<vmem>>
      %dma_wait3A_494 = tpu.memref_slice %arg3[%dma_wait3A_491, %multiple_of3A_460] : memref<1x1000001xf32, #tpu.memory_space<hbm>> -> memref<1x128xf32, #tpu.memory_space<hbm>>
      %dma_wait3A_495 = tpu.memref_squeeze %dma_wait3A_494 : memref<1x128xf32, #tpu.memory_space<hbm>> -> memref<128xf32, #tpu.memory_space<hbm>>
      %dma_wait3A_496 = arith.constant 0 : i32
      %dma_wait3A_497 = tpu.memref_slice %arg13[%dma_wait3A_496] : memref<7808xf32, #tpu.memory_space<vmem>> -> memref<128xf32, #tpu.memory_space<vmem>>
      %dma_wait3A_498 = tpu.memref_slice %arg3[%dma_wait3A_491, %multiple_of3A_460] : memref<1x1000001xf32, #tpu.memory_space<hbm>> -> memref<1x128xf32, #tpu.memory_space<hbm>>
      %dma_wait3A_499 = tpu.memref_squeeze %dma_wait3A_498 : memref<1x128xf32, #tpu.memory_space<hbm>> -> memref<128xf32, #tpu.memory_space<hbm>>
      tpu.wait_dma2 semaphore(%arg18 : memref<!tpu.dma_semaphore, #tpu.memory_space<semaphore_mem>>) src(%dma_wait3A_499 : memref<128xf32, #tpu.memory_space<hbm>>) dst(%dma_wait3A_497 : memref<128xf32, #tpu.memory_space<vmem>>)
      %dma_start3A_500 = arith.constant 0 : i32
      %dma_start3A_501 = tpu.memref_slice %arg13[%dma_start3A_500] : memref<7808xf32, #tpu.memory_space<vmem>> -> memref<128xf32, #tpu.memory_space<vmem>>
      %dma_start3A_502 = tpu.memref_slice %arg15[%multiple_of3A_460] : memref<1000448xf32, #tpu.memory_space<vmem_shared>> -> memref<128xf32, #tpu.memory_space<vmem_shared>>
      %dma_start3A_503 = tpu.memref_slice %arg15[%multiple_of3A_460] : memref<1000448xf32, #tpu.memory_space<vmem_shared>> -> memref<128xf32, #tpu.memory_space<vmem_shared>>
      %dma_start3A_504 = arith.constant 0 : i32
      %dma_start3A_505 = tpu.memref_slice %arg13[%dma_start3A_504] : memref<7808xf32, #tpu.memory_space<vmem>> -> memref<128xf32, #tpu.memory_space<vmem>>
      tpu.enqueue_dma source(%dma_start3A_505 : memref<128xf32, #tpu.memory_space<vmem>>) target(%dma_start3A_503 : memref<128xf32, #tpu.memory_space<vmem_shared>>) target_semaphore(%arg19 : memref<!tpu.dma_semaphore, #tpu.memory_space<semaphore_mem>>)
      %dma_wait3A_506 = arith.constant 0 : i32
      %dma_wait3A_507 = tpu.memref_slice %arg13[%dma_wait3A_506] : memref<7808xf32, #tpu.memory_space<vmem>> -> memref<128xf32, #tpu.memory_space<vmem>>
      %dma_wait3A_508 = tpu.memref_slice %arg15[%multiple_of3A_460] : memref<1000448xf32, #tpu.memory_space<vmem_shared>> -> memref<128xf32, #tpu.memory_space<vmem_shared>>
      %dma_wait3A_509 = tpu.memref_slice %arg15[%multiple_of3A_460] : memref<1000448xf32, #tpu.memory_space<vmem_shared>> -> memref<128xf32, #tpu.memory_space<vmem_shared>>
      %dma_wait3A_510 = arith.constant 0 : i32
      %dma_wait3A_511 = tpu.memref_slice %arg13[%dma_wait3A_510] : memref<7808xf32, #tpu.memory_space<vmem>> -> memref<128xf32, #tpu.memory_space<vmem>>
      tpu.wait_dma2 semaphore(%arg19 : memref<!tpu.dma_semaphore, #tpu.memory_space<semaphore_mem>>) src(%dma_wait3A_511 : memref<128xf32, #tpu.memory_space<vmem>>) dst(%dma_wait3A_509 : memref<128xf32, #tpu.memory_space<vmem_shared>>)
      %dma_wait3A_512 = arith.constant 0 : i32
      %dma_wait3A_513 = tpu.memref_slice %arg14[%dma_wait3A_512] : memref<7808xf32, #tpu.memory_space<vmem>> -> memref<7808xf32, #tpu.memory_space<vmem>>
      %dma_wait3A_514 = tpu.memref_slice %arg15[%multiple_of3A_427] : memref<1000448xf32, #tpu.memory_space<vmem_shared>> -> memref<7808xf32, #tpu.memory_space<vmem_shared>>
      %dma_wait3A_515 = tpu.memref_slice %arg15[%multiple_of3A_427] : memref<1000448xf32, #tpu.memory_space<vmem_shared>> -> memref<7808xf32, #tpu.memory_space<vmem_shared>>
      %dma_wait3A_516 = arith.constant 0 : i32
      %dma_wait3A_517 = tpu.memref_slice %arg14[%dma_wait3A_516] : memref<7808xf32, #tpu.memory_space<vmem>> -> memref<7808xf32, #tpu.memory_space<vmem>>
      tpu.wait_dma2 semaphore(%arg19 : memref<!tpu.dma_semaphore, #tpu.memory_space<semaphore_mem>>) src(%dma_wait3A_517 : memref<7808xf32, #tpu.memory_space<vmem>>) dst(%dma_wait3A_515 : memref<7808xf32, #tpu.memory_space<vmem_shared>>)
    } else {
    }
    %eq3A = arith.constant 15 : i32
    %eq3A_11 = arith.cmpi eq, %arg1, %eq3A : i32
    %convert_element_type3A_12 = arith.extui %eq3A_11 : i1 to i32
    %cond3A_13 = arith.constant 0 : i32
    %cond3A_14 = arith.cmpi ne, %convert_element_type3A_12, %cond3A_13 : i32
    scf.if %cond3A_14 {
      %multiple_of3A = arith.constant 938880 : i32
      %multiple_of3A_220 = tpu.assume_multiple %multiple_of3A, 128 : i32
      %dma_start3A_221 = arith.constant 0 : i32
      %dma_start3A_222 = arith.constant 0 : i32
      %dma_start3A_223 = tpu.memref_slice %arg13[%dma_start3A_222] : memref<7808xf32, #tpu.memory_space<vmem>> -> memref<7808xf32, #tpu.memory_space<vmem>>
      %dma_start3A_224 = tpu.memref_slice %arg3[%dma_start3A_221, %multiple_of3A_220] : memref<1x1000001xf32, #tpu.memory_space<hbm>> -> memref<1x7808xf32, #tpu.memory_space<hbm>>
      %dma_start3A_225 = tpu.memref_squeeze %dma_start3A_224 : memref<1x7808xf32, #tpu.memory_space<hbm>> -> memref<7808xf32, #tpu.memory_space<hbm>>
      %dma_start3A_226 = arith.constant 0 : i32
      %dma_start3A_227 = tpu.memref_slice %arg13[%dma_start3A_226] : memref<7808xf32, #tpu.memory_space<vmem>> -> memref<7808xf32, #tpu.memory_space<vmem>>
      %dma_start3A_228 = tpu.memref_slice %arg3[%dma_start3A_221, %multiple_of3A_220] : memref<1x1000001xf32, #tpu.memory_space<hbm>> -> memref<1x7808xf32, #tpu.memory_space<hbm>>
      %dma_start3A_229 = tpu.memref_squeeze %dma_start3A_228 : memref<1x7808xf32, #tpu.memory_space<hbm>> -> memref<7808xf32, #tpu.memory_space<hbm>>
      tpu.enqueue_dma source(%dma_start3A_229 : memref<7808xf32, #tpu.memory_space<hbm>>) target(%dma_start3A_227 : memref<7808xf32, #tpu.memory_space<vmem>>) target_semaphore(%arg18 : memref<!tpu.dma_semaphore, #tpu.memory_space<semaphore_mem>>)
      %multiple_of3A_230 = arith.constant 946688 : i32
      %multiple_of3A_231 = tpu.assume_multiple %multiple_of3A_230, 128 : i32
      %dma_start3A_232 = arith.constant 0 : i32
      %dma_start3A_233 = arith.constant 0 : i32
      %dma_start3A_234 = tpu.memref_slice %arg14[%dma_start3A_233] : memref<7808xf32, #tpu.memory_space<vmem>> -> memref<7808xf32, #tpu.memory_space<vmem>>
      %dma_start3A_235 = tpu.memref_slice %arg3[%dma_start3A_232, %multiple_of3A_231] : memref<1x1000001xf32, #tpu.memory_space<hbm>> -> memref<1x7808xf32, #tpu.memory_space<hbm>>
      %dma_start3A_236 = tpu.memref_squeeze %dma_start3A_235 : memref<1x7808xf32, #tpu.memory_space<hbm>> -> memref<7808xf32, #tpu.memory_space<hbm>>
      %dma_start3A_237 = arith.constant 0 : i32
      %dma_start3A_238 = tpu.memref_slice %arg14[%dma_start3A_237] : memref<7808xf32, #tpu.memory_space<vmem>> -> memref<7808xf32, #tpu.memory_space<vmem>>
      %dma_start3A_239 = tpu.memref_slice %arg3[%dma_start3A_232, %multiple_of3A_231] : memref<1x1000001xf32, #tpu.memory_space<hbm>> -> memref<1x7808xf32, #tpu.memory_space<hbm>>
      %dma_start3A_240 = tpu.memref_squeeze %dma_start3A_239 : memref<1x7808xf32, #tpu.memory_space<hbm>> -> memref<7808xf32, #tpu.memory_space<hbm>>
      tpu.enqueue_dma source(%dma_start3A_240 : memref<7808xf32, #tpu.memory_space<hbm>>) target(%dma_start3A_238 : memref<7808xf32, #tpu.memory_space<vmem>>) target_semaphore(%arg18 : memref<!tpu.dma_semaphore, #tpu.memory_space<semaphore_mem>>)
      %dma_wait3A_241 = arith.constant 0 : i32
      %dma_wait3A_242 = arith.constant 0 : i32
      %dma_wait3A_243 = tpu.memref_slice %arg13[%dma_wait3A_242] : memref<7808xf32, #tpu.memory_space<vmem>> -> memref<7808xf32, #tpu.memory_space<vmem>>
      %dma_wait3A_244 = tpu.memref_slice %arg3[%dma_wait3A_241, %multiple_of3A_220] : memref<1x1000001xf32, #tpu.memory_space<hbm>> -> memref<1x7808xf32, #tpu.memory_space<hbm>>
      %dma_wait3A_245 = tpu.memref_squeeze %dma_wait3A_244 : memref<1x7808xf32, #tpu.memory_space<hbm>> -> memref<7808xf32, #tpu.memory_space<hbm>>
      %dma_wait3A_246 = arith.constant 0 : i32
      %dma_wait3A_247 = tpu.memref_slice %arg13[%dma_wait3A_246] : memref<7808xf32, #tpu.memory_space<vmem>> -> memref<7808xf32, #tpu.memory_space<vmem>>
      %dma_wait3A_248 = tpu.memref_slice %arg3[%dma_wait3A_241, %multiple_of3A_220] : memref<1x1000001xf32, #tpu.memory_space<hbm>> -> memref<1x7808xf32, #tpu.memory_space<hbm>>
      %dma_wait3A_249 = tpu.memref_squeeze %dma_wait3A_248 : memref<1x7808xf32, #tpu.memory_space<hbm>> -> memref<7808xf32, #tpu.memory_space<hbm>>
      tpu.wait_dma2 semaphore(%arg18 : memref<!tpu.dma_semaphore, #tpu.memory_space<semaphore_mem>>) src(%dma_wait3A_249 : memref<7808xf32, #tpu.memory_space<hbm>>) dst(%dma_wait3A_247 : memref<7808xf32, #tpu.memory_space<vmem>>)
      %dma_start3A_250 = arith.constant 0 : i32
      %dma_start3A_251 = tpu.memref_slice %arg13[%dma_start3A_250] : memref<7808xf32, #tpu.memory_space<vmem>> -> memref<7808xf32, #tpu.memory_space<vmem>>
      %dma_start3A_252 = tpu.memref_slice %arg15[%multiple_of3A_220] : memref<1000448xf32, #tpu.memory_space<vmem_shared>> -> memref<7808xf32, #tpu.memory_space<vmem_shared>>
      %dma_start3A_253 = tpu.memref_slice %arg15[%multiple_of3A_220] : memref<1000448xf32, #tpu.memory_space<vmem_shared>> -> memref<7808xf32, #tpu.memory_space<vmem_shared>>
      %dma_start3A_254 = arith.constant 0 : i32
      %dma_start3A_255 = tpu.memref_slice %arg13[%dma_start3A_254] : memref<7808xf32, #tpu.memory_space<vmem>> -> memref<7808xf32, #tpu.memory_space<vmem>>
      tpu.enqueue_dma source(%dma_start3A_255 : memref<7808xf32, #tpu.memory_space<vmem>>) target(%dma_start3A_253 : memref<7808xf32, #tpu.memory_space<vmem_shared>>) target_semaphore(%arg19 : memref<!tpu.dma_semaphore, #tpu.memory_space<semaphore_mem>>)
      %multiple_of3A_256 = arith.constant 954496 : i32
      %multiple_of3A_257 = tpu.assume_multiple %multiple_of3A_256, 128 : i32
      %dma_wait3A_258 = arith.constant 0 : i32
      %dma_wait3A_259 = tpu.memref_slice %arg13[%dma_wait3A_258] : memref<7808xf32, #tpu.memory_space<vmem>> -> memref<7808xf32, #tpu.memory_space<vmem>>
      %dma_wait3A_260 = tpu.memref_slice %arg15[%multiple_of3A_220] : memref<1000448xf32, #tpu.memory_space<vmem_shared>> -> memref<7808xf32, #tpu.memory_space<vmem_shared>>
      %dma_wait3A_261 = tpu.memref_slice %arg15[%multiple_of3A_220] : memref<1000448xf32, #tpu.memory_space<vmem_shared>> -> memref<7808xf32, #tpu.memory_space<vmem_shared>>
      %dma_wait3A_262 = arith.constant 0 : i32
      %dma_wait3A_263 = tpu.memref_slice %arg13[%dma_wait3A_262] : memref<7808xf32, #tpu.memory_space<vmem>> -> memref<7808xf32, #tpu.memory_space<vmem>>
      tpu.wait_dma2 semaphore(%arg19 : memref<!tpu.dma_semaphore, #tpu.memory_space<semaphore_mem>>) src(%dma_wait3A_263 : memref<7808xf32, #tpu.memory_space<vmem>>) dst(%dma_wait3A_261 : memref<7808xf32, #tpu.memory_space<vmem_shared>>)
      %dma_start3A_264 = arith.constant 0 : i32
      %dma_start3A_265 = arith.constant 0 : i32
      %dma_start3A_266 = tpu.memref_slice %arg13[%dma_start3A_265] : memref<7808xf32, #tpu.memory_space<vmem>> -> memref<7808xf32, #tpu.memory_space<vmem>>
      %dma_start3A_267 = tpu.memref_slice %arg3[%dma_start3A_264, %multiple_of3A_257] : memref<1x1000001xf32, #tpu.memory_space<hbm>> -> memref<1x7808xf32, #tpu.memory_space<hbm>>
      %dma_start3A_268 = tpu.memref_squeeze %dma_start3A_267 : memref<1x7808xf32, #tpu.memory_space<hbm>> -> memref<7808xf32, #tpu.memory_space<hbm>>
      %dma_start3A_269 = arith.constant 0 : i32
      %dma_start3A_270 = tpu.memref_slice %arg13[%dma_start3A_269] : memref<7808xf32, #tpu.memory_space<vmem>> -> memref<7808xf32, #tpu.memory_space<vmem>>
      %dma_start3A_271 = tpu.memref_slice %arg3[%dma_start3A_264, %multiple_of3A_257] : memref<1x1000001xf32, #tpu.memory_space<hbm>> -> memref<1x7808xf32, #tpu.memory_space<hbm>>
      %dma_start3A_272 = tpu.memref_squeeze %dma_start3A_271 : memref<1x7808xf32, #tpu.memory_space<hbm>> -> memref<7808xf32, #tpu.memory_space<hbm>>
      tpu.enqueue_dma source(%dma_start3A_272 : memref<7808xf32, #tpu.memory_space<hbm>>) target(%dma_start3A_270 : memref<7808xf32, #tpu.memory_space<vmem>>) target_semaphore(%arg18 : memref<!tpu.dma_semaphore, #tpu.memory_space<semaphore_mem>>)
      %dma_wait3A_273 = arith.constant 0 : i32
      %dma_wait3A_274 = arith.constant 0 : i32
      %dma_wait3A_275 = tpu.memref_slice %arg14[%dma_wait3A_274] : memref<7808xf32, #tpu.memory_space<vmem>> -> memref<7808xf32, #tpu.memory_space<vmem>>
      %dma_wait3A_276 = tpu.memref_slice %arg3[%dma_wait3A_273, %multiple_of3A_231] : memref<1x1000001xf32, #tpu.memory_space<hbm>> -> memref<1x7808xf32, #tpu.memory_space<hbm>>
      %dma_wait3A_277 = tpu.memref_squeeze %dma_wait3A_276 : memref<1x7808xf32, #tpu.memory_space<hbm>> -> memref<7808xf32, #tpu.memory_space<hbm>>
      %dma_wait3A_278 = arith.constant 0 : i32
      %dma_wait3A_279 = tpu.memref_slice %arg14[%dma_wait3A_278] : memref<7808xf32, #tpu.memory_space<vmem>> -> memref<7808xf32, #tpu.memory_space<vmem>>
      %dma_wait3A_280 = tpu.memref_slice %arg3[%dma_wait3A_273, %multiple_of3A_231] : memref<1x1000001xf32, #tpu.memory_space<hbm>> -> memref<1x7808xf32, #tpu.memory_space<hbm>>
      %dma_wait3A_281 = tpu.memref_squeeze %dma_wait3A_280 : memref<1x7808xf32, #tpu.memory_space<hbm>> -> memref<7808xf32, #tpu.memory_space<hbm>>
      tpu.wait_dma2 semaphore(%arg18 : memref<!tpu.dma_semaphore, #tpu.memory_space<semaphore_mem>>) src(%dma_wait3A_281 : memref<7808xf32, #tpu.memory_space<hbm>>) dst(%dma_wait3A_279 : memref<7808xf32, #tpu.memory_space<vmem>>)
      %dma_start3A_282 = arith.constant 0 : i32
      %dma_start3A_283 = tpu.memref_slice %arg14[%dma_start3A_282] : memref<7808xf32, #tpu.memory_space<vmem>> -> memref<7808xf32, #tpu.memory_space<vmem>>
      %dma_start3A_284 = tpu.memref_slice %arg15[%multiple_of3A_231] : memref<1000448xf32, #tpu.memory_space<vmem_shared>> -> memref<7808xf32, #tpu.memory_space<vmem_shared>>
      %dma_start3A_285 = tpu.memref_slice %arg15[%multiple_of3A_231] : memref<1000448xf32, #tpu.memory_space<vmem_shared>> -> memref<7808xf32, #tpu.memory_space<vmem_shared>>
      %dma_start3A_286 = arith.constant 0 : i32
      %dma_start3A_287 = tpu.memref_slice %arg14[%dma_start3A_286] : memref<7808xf32, #tpu.memory_space<vmem>> -> memref<7808xf32, #tpu.memory_space<vmem>>
      tpu.enqueue_dma source(%dma_start3A_287 : memref<7808xf32, #tpu.memory_space<vmem>>) target(%dma_start3A_285 : memref<7808xf32, #tpu.memory_space<vmem_shared>>) target_semaphore(%arg19 : memref<!tpu.dma_semaphore, #tpu.memory_space<semaphore_mem>>)
      %multiple_of3A_288 = arith.constant 962304 : i32
      %multiple_of3A_289 = tpu.assume_multiple %multiple_of3A_288, 128 : i32
      %dma_wait3A_290 = arith.constant 0 : i32
      %dma_wait3A_291 = tpu.memref_slice %arg14[%dma_wait3A_290] : memref<7808xf32, #tpu.memory_space<vmem>> -> memref<7808xf32, #tpu.memory_space<vmem>>
      %dma_wait3A_292 = tpu.memref_slice %arg15[%multiple_of3A_231] : memref<1000448xf32, #tpu.memory_space<vmem_shared>> -> memref<7808xf32, #tpu.memory_space<vmem_shared>>
      %dma_wait3A_293 = tpu.memref_slice %arg15[%multiple_of3A_231] : memref<1000448xf32, #tpu.memory_space<vmem_shared>> -> memref<7808xf32, #tpu.memory_space<vmem_shared>>
      %dma_wait3A_294 = arith.constant 0 : i32
      %dma_wait3A_295 = tpu.memref_slice %arg14[%dma_wait3A_294] : memref<7808xf32, #tpu.memory_space<vmem>> -> memref<7808xf32, #tpu.memory_space<vmem>>
      tpu.wait_dma2 semaphore(%arg19 : memref<!tpu.dma_semaphore, #tpu.memory_space<semaphore_mem>>) src(%dma_wait3A_295 : memref<7808xf32, #tpu.memory_space<vmem>>) dst(%dma_wait3A_293 : memref<7808xf32, #tpu.memory_space<vmem_shared>>)
      %dma_start3A_296 = arith.constant 0 : i32
      %dma_start3A_297 = arith.constant 0 : i32
      %dma_start3A_298 = tpu.memref_slice %arg14[%dma_start3A_297] : memref<7808xf32, #tpu.memory_space<vmem>> -> memref<7808xf32, #tpu.memory_space<vmem>>
      %dma_start3A_299 = tpu.memref_slice %arg3[%dma_start3A_296, %multiple_of3A_289] : memref<1x1000001xf32, #tpu.memory_space<hbm>> -> memref<1x7808xf32, #tpu.memory_space<hbm>>
      %dma_start3A_300 = tpu.memref_squeeze %dma_start3A_299 : memref<1x7808xf32, #tpu.memory_space<hbm>> -> memref<7808xf32, #tpu.memory_space<hbm>>
      %dma_start3A_301 = arith.constant 0 : i32
      %dma_start3A_302 = tpu.memref_slice %arg14[%dma_start3A_301] : memref<7808xf32, #tpu.memory_space<vmem>> -> memref<7808xf32, #tpu.memory_space<vmem>>
      %dma_start3A_303 = tpu.memref_slice %arg3[%dma_start3A_296, %multiple_of3A_289] : memref<1x1000001xf32, #tpu.memory_space<hbm>> -> memref<1x7808xf32, #tpu.memory_space<hbm>>
      %dma_start3A_304 = tpu.memref_squeeze %dma_start3A_303 : memref<1x7808xf32, #tpu.memory_space<hbm>> -> memref<7808xf32, #tpu.memory_space<hbm>>
      tpu.enqueue_dma source(%dma_start3A_304 : memref<7808xf32, #tpu.memory_space<hbm>>) target(%dma_start3A_302 : memref<7808xf32, #tpu.memory_space<vmem>>) target_semaphore(%arg18 : memref<!tpu.dma_semaphore, #tpu.memory_space<semaphore_mem>>)
      %dma_wait3A_305 = arith.constant 0 : i32
      %dma_wait3A_306 = arith.constant 0 : i32
      %dma_wait3A_307 = tpu.memref_slice %arg13[%dma_wait3A_306] : memref<7808xf32, #tpu.memory_space<vmem>> -> memref<7808xf32, #tpu.memory_space<vmem>>
      %dma_wait3A_308 = tpu.memref_slice %arg3[%dma_wait3A_305, %multiple_of3A_257] : memref<1x1000001xf32, #tpu.memory_space<hbm>> -> memref<1x7808xf32, #tpu.memory_space<hbm>>
      %dma_wait3A_309 = tpu.memref_squeeze %dma_wait3A_308 : memref<1x7808xf32, #tpu.memory_space<hbm>> -> memref<7808xf32, #tpu.memory_space<hbm>>
      %dma_wait3A_310 = arith.constant 0 : i32
      %dma_wait3A_311 = tpu.memref_slice %arg13[%dma_wait3A_310] : memref<7808xf32, #tpu.memory_space<vmem>> -> memref<7808xf32, #tpu.memory_space<vmem>>
      %dma_wait3A_312 = tpu.memref_slice %arg3[%dma_wait3A_305, %multiple_of3A_257] : memref<1x1000001xf32, #tpu.memory_space<hbm>> -> memref<1x7808xf32, #tpu.memory_space<hbm>>
      %dma_wait3A_313 = tpu.memref_squeeze %dma_wait3A_312 : memref<1x7808xf32, #tpu.memory_space<hbm>> -> memref<7808xf32, #tpu.memory_space<hbm>>
      tpu.wait_dma2 semaphore(%arg18 : memref<!tpu.dma_semaphore, #tpu.memory_space<semaphore_mem>>) src(%dma_wait3A_313 : memref<7808xf32, #tpu.memory_space<hbm>>) dst(%dma_wait3A_311 : memref<7808xf32, #tpu.memory_space<vmem>>)
      %dma_start3A_314 = arith.constant 0 : i32
      %dma_start3A_315 = tpu.memref_slice %arg13[%dma_start3A_314] : memref<7808xf32, #tpu.memory_space<vmem>> -> memref<7808xf32, #tpu.memory_space<vmem>>
      %dma_start3A_316 = tpu.memref_slice %arg15[%multiple_of3A_257] : memref<1000448xf32, #tpu.memory_space<vmem_shared>> -> memref<7808xf32, #tpu.memory_space<vmem_shared>>
      %dma_start3A_317 = tpu.memref_slice %arg15[%multiple_of3A_257] : memref<1000448xf32, #tpu.memory_space<vmem_shared>> -> memref<7808xf32, #tpu.memory_space<vmem_shared>>
      %dma_start3A_318 = arith.constant 0 : i32
      %dma_start3A_319 = tpu.memref_slice %arg13[%dma_start3A_318] : memref<7808xf32, #tpu.memory_space<vmem>> -> memref<7808xf32, #tpu.memory_space<vmem>>
      tpu.enqueue_dma source(%dma_start3A_319 : memref<7808xf32, #tpu.memory_space<vmem>>) target(%dma_start3A_317 : memref<7808xf32, #tpu.memory_space<vmem_shared>>) target_semaphore(%arg19 : memref<!tpu.dma_semaphore, #tpu.memory_space<semaphore_mem>>)
      %multiple_of3A_320 = arith.constant 970112 : i32
      %multiple_of3A_321 = tpu.assume_multiple %multiple_of3A_320, 128 : i32
      %dma_wait3A_322 = arith.constant 0 : i32
      %dma_wait3A_323 = tpu.memref_slice %arg13[%dma_wait3A_322] : memref<7808xf32, #tpu.memory_space<vmem>> -> memref<7808xf32, #tpu.memory_space<vmem>>
      %dma_wait3A_324 = tpu.memref_slice %arg15[%multiple_of3A_257] : memref<1000448xf32, #tpu.memory_space<vmem_shared>> -> memref<7808xf32, #tpu.memory_space<vmem_shared>>
      %dma_wait3A_325 = tpu.memref_slice %arg15[%multiple_of3A_257] : memref<1000448xf32, #tpu.memory_space<vmem_shared>> -> memref<7808xf32, #tpu.memory_space<vmem_shared>>
      %dma_wait3A_326 = arith.constant 0 : i32
      %dma_wait3A_327 = tpu.memref_slice %arg13[%dma_wait3A_326] : memref<7808xf32, #tpu.memory_space<vmem>> -> memref<7808xf32, #tpu.memory_space<vmem>>
      tpu.wait_dma2 semaphore(%arg19 : memref<!tpu.dma_semaphore, #tpu.memory_space<semaphore_mem>>) src(%dma_wait3A_327 : memref<7808xf32, #tpu.memory_space<vmem>>) dst(%dma_wait3A_325 : memref<7808xf32, #tpu.memory_space<vmem_shared>>)
      %dma_start3A_328 = arith.constant 0 : i32
      %dma_start3A_329 = arith.constant 0 : i32
      %dma_start3A_330 = tpu.memref_slice %arg13[%dma_start3A_329] : memref<7808xf32, #tpu.memory_space<vmem>> -> memref<7808xf32, #tpu.memory_space<vmem>>
      %dma_start3A_331 = tpu.memref_slice %arg3[%dma_start3A_328, %multiple_of3A_321] : memref<1x1000001xf32, #tpu.memory_space<hbm>> -> memref<1x7808xf32, #tpu.memory_space<hbm>>
      %dma_start3A_332 = tpu.memref_squeeze %dma_start3A_331 : memref<1x7808xf32, #tpu.memory_space<hbm>> -> memref<7808xf32, #tpu.memory_space<hbm>>
      %dma_start3A_333 = arith.constant 0 : i32
      %dma_start3A_334 = tpu.memref_slice %arg13[%dma_start3A_333] : memref<7808xf32, #tpu.memory_space<vmem>> -> memref<7808xf32, #tpu.memory_space<vmem>>
      %dma_start3A_335 = tpu.memref_slice %arg3[%dma_start3A_328, %multiple_of3A_321] : memref<1x1000001xf32, #tpu.memory_space<hbm>> -> memref<1x7808xf32, #tpu.memory_space<hbm>>
      %dma_start3A_336 = tpu.memref_squeeze %dma_start3A_335 : memref<1x7808xf32, #tpu.memory_space<hbm>> -> memref<7808xf32, #tpu.memory_space<hbm>>
      tpu.enqueue_dma source(%dma_start3A_336 : memref<7808xf32, #tpu.memory_space<hbm>>) target(%dma_start3A_334 : memref<7808xf32, #tpu.memory_space<vmem>>) target_semaphore(%arg18 : memref<!tpu.dma_semaphore, #tpu.memory_space<semaphore_mem>>)
      %dma_wait3A_337 = arith.constant 0 : i32
      %dma_wait3A_338 = arith.constant 0 : i32
      %dma_wait3A_339 = tpu.memref_slice %arg14[%dma_wait3A_338] : memref<7808xf32, #tpu.memory_space<vmem>> -> memref<7808xf32, #tpu.memory_space<vmem>>
      %dma_wait3A_340 = tpu.memref_slice %arg3[%dma_wait3A_337, %multiple_of3A_289] : memref<1x1000001xf32, #tpu.memory_space<hbm>> -> memref<1x7808xf32, #tpu.memory_space<hbm>>
      %dma_wait3A_341 = tpu.memref_squeeze %dma_wait3A_340 : memref<1x7808xf32, #tpu.memory_space<hbm>> -> memref<7808xf32, #tpu.memory_space<hbm>>
      %dma_wait3A_342 = arith.constant 0 : i32
      %dma_wait3A_343 = tpu.memref_slice %arg14[%dma_wait3A_342] : memref<7808xf32, #tpu.memory_space<vmem>> -> memref<7808xf32, #tpu.memory_space<vmem>>
      %dma_wait3A_344 = tpu.memref_slice %arg3[%dma_wait3A_337, %multiple_of3A_289] : memref<1x1000001xf32, #tpu.memory_space<hbm>> -> memref<1x7808xf32, #tpu.memory_space<hbm>>
      %dma_wait3A_345 = tpu.memref_squeeze %dma_wait3A_344 : memref<1x7808xf32, #tpu.memory_space<hbm>> -> memref<7808xf32, #tpu.memory_space<hbm>>
      tpu.wait_dma2 semaphore(%arg18 : memref<!tpu.dma_semaphore, #tpu.memory_space<semaphore_mem>>) src(%dma_wait3A_345 : memref<7808xf32, #tpu.memory_space<hbm>>) dst(%dma_wait3A_343 : memref<7808xf32, #tpu.memory_space<vmem>>)
      %dma_start3A_346 = arith.constant 0 : i32
      %dma_start3A_347 = tpu.memref_slice %arg14[%dma_start3A_346] : memref<7808xf32, #tpu.memory_space<vmem>> -> memref<7808xf32, #tpu.memory_space<vmem>>
      %dma_start3A_348 = tpu.memref_slice %arg15[%multiple_of3A_289] : memref<1000448xf32, #tpu.memory_space<vmem_shared>> -> memref<7808xf32, #tpu.memory_space<vmem_shared>>
      %dma_start3A_349 = tpu.memref_slice %arg15[%multiple_of3A_289] : memref<1000448xf32, #tpu.memory_space<vmem_shared>> -> memref<7808xf32, #tpu.memory_space<vmem_shared>>
      %dma_start3A_350 = arith.constant 0 : i32
      %dma_start3A_351 = tpu.memref_slice %arg14[%dma_start3A_350] : memref<7808xf32, #tpu.memory_space<vmem>> -> memref<7808xf32, #tpu.memory_space<vmem>>
      tpu.enqueue_dma source(%dma_start3A_351 : memref<7808xf32, #tpu.memory_space<vmem>>) target(%dma_start3A_349 : memref<7808xf32, #tpu.memory_space<vmem_shared>>) target_semaphore(%arg19 : memref<!tpu.dma_semaphore, #tpu.memory_space<semaphore_mem>>)
      %multiple_of3A_352 = arith.constant 977920 : i32
      %multiple_of3A_353 = tpu.assume_multiple %multiple_of3A_352, 128 : i32
      %dma_wait3A_354 = arith.constant 0 : i32
      %dma_wait3A_355 = tpu.memref_slice %arg14[%dma_wait3A_354] : memref<7808xf32, #tpu.memory_space<vmem>> -> memref<7808xf32, #tpu.memory_space<vmem>>
      %dma_wait3A_356 = tpu.memref_slice %arg15[%multiple_of3A_289] : memref<1000448xf32, #tpu.memory_space<vmem_shared>> -> memref<7808xf32, #tpu.memory_space<vmem_shared>>
      %dma_wait3A_357 = tpu.memref_slice %arg15[%multiple_of3A_289] : memref<1000448xf32, #tpu.memory_space<vmem_shared>> -> memref<7808xf32, #tpu.memory_space<vmem_shared>>
      %dma_wait3A_358 = arith.constant 0 : i32
      %dma_wait3A_359 = tpu.memref_slice %arg14[%dma_wait3A_358] : memref<7808xf32, #tpu.memory_space<vmem>> -> memref<7808xf32, #tpu.memory_space<vmem>>
      tpu.wait_dma2 semaphore(%arg19 : memref<!tpu.dma_semaphore, #tpu.memory_space<semaphore_mem>>) src(%dma_wait3A_359 : memref<7808xf32, #tpu.memory_space<vmem>>) dst(%dma_wait3A_357 : memref<7808xf32, #tpu.memory_space<vmem_shared>>)
      %dma_start3A_360 = arith.constant 0 : i32
      %dma_start3A_361 = arith.constant 0 : i32
      %dma_start3A_362 = tpu.memref_slice %arg14[%dma_start3A_361] : memref<7808xf32, #tpu.memory_space<vmem>> -> memref<7808xf32, #tpu.memory_space<vmem>>
      %dma_start3A_363 = tpu.memref_slice %arg3[%dma_start3A_360, %multiple_of3A_353] : memref<1x1000001xf32, #tpu.memory_space<hbm>> -> memref<1x7808xf32, #tpu.memory_space<hbm>>
      %dma_start3A_364 = tpu.memref_squeeze %dma_start3A_363 : memref<1x7808xf32, #tpu.memory_space<hbm>> -> memref<7808xf32, #tpu.memory_space<hbm>>
      %dma_start3A_365 = arith.constant 0 : i32
      %dma_start3A_366 = tpu.memref_slice %arg14[%dma_start3A_365] : memref<7808xf32, #tpu.memory_space<vmem>> -> memref<7808xf32, #tpu.memory_space<vmem>>
      %dma_start3A_367 = tpu.memref_slice %arg3[%dma_start3A_360, %multiple_of3A_353] : memref<1x1000001xf32, #tpu.memory_space<hbm>> -> memref<1x7808xf32, #tpu.memory_space<hbm>>
      %dma_start3A_368 = tpu.memref_squeeze %dma_start3A_367 : memref<1x7808xf32, #tpu.memory_space<hbm>> -> memref<7808xf32, #tpu.memory_space<hbm>>
      tpu.enqueue_dma source(%dma_start3A_368 : memref<7808xf32, #tpu.memory_space<hbm>>) target(%dma_start3A_366 : memref<7808xf32, #tpu.memory_space<vmem>>) target_semaphore(%arg18 : memref<!tpu.dma_semaphore, #tpu.memory_space<semaphore_mem>>)
      %dma_wait3A_369 = arith.constant 0 : i32
      %dma_wait3A_370 = arith.constant 0 : i32
      %dma_wait3A_371 = tpu.memref_slice %arg13[%dma_wait3A_370] : memref<7808xf32, #tpu.memory_space<vmem>> -> memref<7808xf32, #tpu.memory_space<vmem>>
      %dma_wait3A_372 = tpu.memref_slice %arg3[%dma_wait3A_369, %multiple_of3A_321] : memref<1x1000001xf32, #tpu.memory_space<hbm>> -> memref<1x7808xf32, #tpu.memory_space<hbm>>
      %dma_wait3A_373 = tpu.memref_squeeze %dma_wait3A_372 : memref<1x7808xf32, #tpu.memory_space<hbm>> -> memref<7808xf32, #tpu.memory_space<hbm>>
      %dma_wait3A_374 = arith.constant 0 : i32
      %dma_wait3A_375 = tpu.memref_slice %arg13[%dma_wait3A_374] : memref<7808xf32, #tpu.memory_space<vmem>> -> memref<7808xf32, #tpu.memory_space<vmem>>
      %dma_wait3A_376 = tpu.memref_slice %arg3[%dma_wait3A_369, %multiple_of3A_321] : memref<1x1000001xf32, #tpu.memory_space<hbm>> -> memref<1x7808xf32, #tpu.memory_space<hbm>>
      %dma_wait3A_377 = tpu.memref_squeeze %dma_wait3A_376 : memref<1x7808xf32, #tpu.memory_space<hbm>> -> memref<7808xf32, #tpu.memory_space<hbm>>
      tpu.wait_dma2 semaphore(%arg18 : memref<!tpu.dma_semaphore, #tpu.memory_space<semaphore_mem>>) src(%dma_wait3A_377 : memref<7808xf32, #tpu.memory_space<hbm>>) dst(%dma_wait3A_375 : memref<7808xf32, #tpu.memory_space<vmem>>)
      %dma_start3A_378 = arith.constant 0 : i32
      %dma_start3A_379 = tpu.memref_slice %arg13[%dma_start3A_378] : memref<7808xf32, #tpu.memory_space<vmem>> -> memref<7808xf32, #tpu.memory_space<vmem>>
      %dma_start3A_380 = tpu.memref_slice %arg15[%multiple_of3A_321] : memref<1000448xf32, #tpu.memory_space<vmem_shared>> -> memref<7808xf32, #tpu.memory_space<vmem_shared>>
      %dma_start3A_381 = tpu.memref_slice %arg15[%multiple_of3A_321] : memref<1000448xf32, #tpu.memory_space<vmem_shared>> -> memref<7808xf32, #tpu.memory_space<vmem_shared>>
      %dma_start3A_382 = arith.constant 0 : i32
      %dma_start3A_383 = tpu.memref_slice %arg13[%dma_start3A_382] : memref<7808xf32, #tpu.memory_space<vmem>> -> memref<7808xf32, #tpu.memory_space<vmem>>
      tpu.enqueue_dma source(%dma_start3A_383 : memref<7808xf32, #tpu.memory_space<vmem>>) target(%dma_start3A_381 : memref<7808xf32, #tpu.memory_space<vmem_shared>>) target_semaphore(%arg19 : memref<!tpu.dma_semaphore, #tpu.memory_space<semaphore_mem>>)
      %multiple_of3A_384 = arith.constant 985728 : i32
      %multiple_of3A_385 = tpu.assume_multiple %multiple_of3A_384, 128 : i32
      %dma_wait3A_386 = arith.constant 0 : i32
      %dma_wait3A_387 = tpu.memref_slice %arg13[%dma_wait3A_386] : memref<7808xf32, #tpu.memory_space<vmem>> -> memref<7808xf32, #tpu.memory_space<vmem>>
      %dma_wait3A_388 = tpu.memref_slice %arg15[%multiple_of3A_321] : memref<1000448xf32, #tpu.memory_space<vmem_shared>> -> memref<7808xf32, #tpu.memory_space<vmem_shared>>
      %dma_wait3A_389 = tpu.memref_slice %arg15[%multiple_of3A_321] : memref<1000448xf32, #tpu.memory_space<vmem_shared>> -> memref<7808xf32, #tpu.memory_space<vmem_shared>>
      %dma_wait3A_390 = arith.constant 0 : i32
      %dma_wait3A_391 = tpu.memref_slice %arg13[%dma_wait3A_390] : memref<7808xf32, #tpu.memory_space<vmem>> -> memref<7808xf32, #tpu.memory_space<vmem>>
      tpu.wait_dma2 semaphore(%arg19 : memref<!tpu.dma_semaphore, #tpu.memory_space<semaphore_mem>>) src(%dma_wait3A_391 : memref<7808xf32, #tpu.memory_space<vmem>>) dst(%dma_wait3A_389 : memref<7808xf32, #tpu.memory_space<vmem_shared>>)
      %dma_start3A_392 = arith.constant 0 : i32
      %dma_start3A_393 = arith.constant 0 : i32
      %dma_start3A_394 = tpu.memref_slice %arg13[%dma_start3A_393] : memref<7808xf32, #tpu.memory_space<vmem>> -> memref<7808xf32, #tpu.memory_space<vmem>>
      %dma_start3A_395 = tpu.memref_slice %arg3[%dma_start3A_392, %multiple_of3A_385] : memref<1x1000001xf32, #tpu.memory_space<hbm>> -> memref<1x7808xf32, #tpu.memory_space<hbm>>
      %dma_start3A_396 = tpu.memref_squeeze %dma_start3A_395 : memref<1x7808xf32, #tpu.memory_space<hbm>> -> memref<7808xf32, #tpu.memory_space<hbm>>
      %dma_start3A_397 = arith.constant 0 : i32
      %dma_start3A_398 = tpu.memref_slice %arg13[%dma_start3A_397] : memref<7808xf32, #tpu.memory_space<vmem>> -> memref<7808xf32, #tpu.memory_space<vmem>>
      %dma_start3A_399 = tpu.memref_slice %arg3[%dma_start3A_392, %multiple_of3A_385] : memref<1x1000001xf32, #tpu.memory_space<hbm>> -> memref<1x7808xf32, #tpu.memory_space<hbm>>
      %dma_start3A_400 = tpu.memref_squeeze %dma_start3A_399 : memref<1x7808xf32, #tpu.memory_space<hbm>> -> memref<7808xf32, #tpu.memory_space<hbm>>
      tpu.enqueue_dma source(%dma_start3A_400 : memref<7808xf32, #tpu.memory_space<hbm>>) target(%dma_start3A_398 : memref<7808xf32, #tpu.memory_space<vmem>>) target_semaphore(%arg18 : memref<!tpu.dma_semaphore, #tpu.memory_space<semaphore_mem>>)
      %dma_wait3A_401 = arith.constant 0 : i32
      %dma_wait3A_402 = arith.constant 0 : i32
      %dma_wait3A_403 = tpu.memref_slice %arg14[%dma_wait3A_402] : memref<7808xf32, #tpu.memory_space<vmem>> -> memref<7808xf32, #tpu.memory_space<vmem>>
      %dma_wait3A_404 = tpu.memref_slice %arg3[%dma_wait3A_401, %multiple_of3A_353] : memref<1x1000001xf32, #tpu.memory_space<hbm>> -> memref<1x7808xf32, #tpu.memory_space<hbm>>
      %dma_wait3A_405 = tpu.memref_squeeze %dma_wait3A_404 : memref<1x7808xf32, #tpu.memory_space<hbm>> -> memref<7808xf32, #tpu.memory_space<hbm>>
      %dma_wait3A_406 = arith.constant 0 : i32
      %dma_wait3A_407 = tpu.memref_slice %arg14[%dma_wait3A_406] : memref<7808xf32, #tpu.memory_space<vmem>> -> memref<7808xf32, #tpu.memory_space<vmem>>
      %dma_wait3A_408 = tpu.memref_slice %arg3[%dma_wait3A_401, %multiple_of3A_353] : memref<1x1000001xf32, #tpu.memory_space<hbm>> -> memref<1x7808xf32, #tpu.memory_space<hbm>>
      %dma_wait3A_409 = tpu.memref_squeeze %dma_wait3A_408 : memref<1x7808xf32, #tpu.memory_space<hbm>> -> memref<7808xf32, #tpu.memory_space<hbm>>
      tpu.wait_dma2 semaphore(%arg18 : memref<!tpu.dma_semaphore, #tpu.memory_space<semaphore_mem>>) src(%dma_wait3A_409 : memref<7808xf32, #tpu.memory_space<hbm>>) dst(%dma_wait3A_407 : memref<7808xf32, #tpu.memory_space<vmem>>)
      %dma_start3A_410 = arith.constant 0 : i32
      %dma_start3A_411 = tpu.memref_slice %arg14[%dma_start3A_410] : memref<7808xf32, #tpu.memory_space<vmem>> -> memref<7808xf32, #tpu.memory_space<vmem>>
      %dma_start3A_412 = tpu.memref_slice %arg15[%multiple_of3A_353] : memref<1000448xf32, #tpu.memory_space<vmem_shared>> -> memref<7808xf32, #tpu.memory_space<vmem_shared>>
      %dma_start3A_413 = tpu.memref_slice %arg15[%multiple_of3A_353] : memref<1000448xf32, #tpu.memory_space<vmem_shared>> -> memref<7808xf32, #tpu.memory_space<vmem_shared>>
      %dma_start3A_414 = arith.constant 0 : i32
      %dma_start3A_415 = tpu.memref_slice %arg14[%dma_start3A_414] : memref<7808xf32, #tpu.memory_space<vmem>> -> memref<7808xf32, #tpu.memory_space<vmem>>
      tpu.enqueue_dma source(%dma_start3A_415 : memref<7808xf32, #tpu.memory_space<vmem>>) target(%dma_start3A_413 : memref<7808xf32, #tpu.memory_space<vmem_shared>>) target_semaphore(%arg19 : memref<!tpu.dma_semaphore, #tpu.memory_space<semaphore_mem>>)
      %multiple_of3A_416 = arith.constant 993536 : i32
      %multiple_of3A_417 = tpu.assume_multiple %multiple_of3A_416, 128 : i32
      %dma_wait3A_418 = arith.constant 0 : i32
      %dma_wait3A_419 = tpu.memref_slice %arg14[%dma_wait3A_418] : memref<7808xf32, #tpu.memory_space<vmem>> -> memref<7808xf32, #tpu.memory_space<vmem>>
      %dma_wait3A_420 = tpu.memref_slice %arg15[%multiple_of3A_353] : memref<1000448xf32, #tpu.memory_space<vmem_shared>> -> memref<7808xf32, #tpu.memory_space<vmem_shared>>
      %dma_wait3A_421 = tpu.memref_slice %arg15[%multiple_of3A_353] : memref<1000448xf32, #tpu.memory_space<vmem_shared>> -> memref<7808xf32, #tpu.memory_space<vmem_shared>>
      %dma_wait3A_422 = arith.constant 0 : i32
      %dma_wait3A_423 = tpu.memref_slice %arg14[%dma_wait3A_422] : memref<7808xf32, #tpu.memory_space<vmem>> -> memref<7808xf32, #tpu.memory_space<vmem>>
      tpu.wait_dma2 semaphore(%arg19 : memref<!tpu.dma_semaphore, #tpu.memory_space<semaphore_mem>>) src(%dma_wait3A_423 : memref<7808xf32, #tpu.memory_space<vmem>>) dst(%dma_wait3A_421 : memref<7808xf32, #tpu.memory_space<vmem_shared>>)
      %dma_start3A_424 = arith.constant 0 : i32
      %dma_start3A_425 = arith.constant 0 : i32
      %dma_start3A_426 = tpu.memref_slice %arg14[%dma_start3A_425] : memref<7808xf32, #tpu.memory_space<vmem>> -> memref<6400xf32, #tpu.memory_space<vmem>>
      %dma_start3A_427 = tpu.memref_slice %arg3[%dma_start3A_424, %multiple_of3A_417] : memref<1x1000001xf32, #tpu.memory_space<hbm>> -> memref<1x6400xf32, #tpu.memory_space<hbm>>
      %dma_start3A_428 = tpu.memref_squeeze %dma_start3A_427 : memref<1x6400xf32, #tpu.memory_space<hbm>> -> memref<6400xf32, #tpu.memory_space<hbm>>
      %dma_start3A_429 = arith.constant 0 : i32
      %dma_start3A_430 = tpu.memref_slice %arg14[%dma_start3A_429] : memref<7808xf32, #tpu.memory_space<vmem>> -> memref<6400xf32, #tpu.memory_space<vmem>>
      %dma_start3A_431 = tpu.memref_slice %arg3[%dma_start3A_424, %multiple_of3A_417] : memref<1x1000001xf32, #tpu.memory_space<hbm>> -> memref<1x6400xf32, #tpu.memory_space<hbm>>
      %dma_start3A_432 = tpu.memref_squeeze %dma_start3A_431 : memref<1x6400xf32, #tpu.memory_space<hbm>> -> memref<6400xf32, #tpu.memory_space<hbm>>
      tpu.enqueue_dma source(%dma_start3A_432 : memref<6400xf32, #tpu.memory_space<hbm>>) target(%dma_start3A_430 : memref<6400xf32, #tpu.memory_space<vmem>>) target_semaphore(%arg18 : memref<!tpu.dma_semaphore, #tpu.memory_space<semaphore_mem>>)
      %dma_wait3A_433 = arith.constant 0 : i32
      %dma_wait3A_434 = arith.constant 0 : i32
      %dma_wait3A_435 = tpu.memref_slice %arg13[%dma_wait3A_434] : memref<7808xf32, #tpu.memory_space<vmem>> -> memref<7808xf32, #tpu.memory_space<vmem>>
      %dma_wait3A_436 = tpu.memref_slice %arg3[%dma_wait3A_433, %multiple_of3A_385] : memref<1x1000001xf32, #tpu.memory_space<hbm>> -> memref<1x7808xf32, #tpu.memory_space<hbm>>
      %dma_wait3A_437 = tpu.memref_squeeze %dma_wait3A_436 : memref<1x7808xf32, #tpu.memory_space<hbm>> -> memref<7808xf32, #tpu.memory_space<hbm>>
      %dma_wait3A_438 = arith.constant 0 : i32
      %dma_wait3A_439 = tpu.memref_slice %arg13[%dma_wait3A_438] : memref<7808xf32, #tpu.memory_space<vmem>> -> memref<7808xf32, #tpu.memory_space<vmem>>
      %dma_wait3A_440 = tpu.memref_slice %arg3[%dma_wait3A_433, %multiple_of3A_385] : memref<1x1000001xf32, #tpu.memory_space<hbm>> -> memref<1x7808xf32, #tpu.memory_space<hbm>>
      %dma_wait3A_441 = tpu.memref_squeeze %dma_wait3A_440 : memref<1x7808xf32, #tpu.memory_space<hbm>> -> memref<7808xf32, #tpu.memory_space<hbm>>
      tpu.wait_dma2 semaphore(%arg18 : memref<!tpu.dma_semaphore, #tpu.memory_space<semaphore_mem>>) src(%dma_wait3A_441 : memref<7808xf32, #tpu.memory_space<hbm>>) dst(%dma_wait3A_439 : memref<7808xf32, #tpu.memory_space<vmem>>)
      %dma_start3A_442 = arith.constant 0 : i32
      %dma_start3A_443 = tpu.memref_slice %arg13[%dma_start3A_442] : memref<7808xf32, #tpu.memory_space<vmem>> -> memref<7808xf32, #tpu.memory_space<vmem>>
      %dma_start3A_444 = tpu.memref_slice %arg15[%multiple_of3A_385] : memref<1000448xf32, #tpu.memory_space<vmem_shared>> -> memref<7808xf32, #tpu.memory_space<vmem_shared>>
      %dma_start3A_445 = tpu.memref_slice %arg15[%multiple_of3A_385] : memref<1000448xf32, #tpu.memory_space<vmem_shared>> -> memref<7808xf32, #tpu.memory_space<vmem_shared>>
      %dma_start3A_446 = arith.constant 0 : i32
      %dma_start3A_447 = tpu.memref_slice %arg13[%dma_start3A_446] : memref<7808xf32, #tpu.memory_space<vmem>> -> memref<7808xf32, #tpu.memory_space<vmem>>
      tpu.enqueue_dma source(%dma_start3A_447 : memref<7808xf32, #tpu.memory_space<vmem>>) target(%dma_start3A_445 : memref<7808xf32, #tpu.memory_space<vmem_shared>>) target_semaphore(%arg19 : memref<!tpu.dma_semaphore, #tpu.memory_space<semaphore_mem>>)
      %dma_wait3A_448 = arith.constant 0 : i32
      %dma_wait3A_449 = arith.constant 0 : i32
      %dma_wait3A_450 = tpu.memref_slice %arg14[%dma_wait3A_449] : memref<7808xf32, #tpu.memory_space<vmem>> -> memref<6400xf32, #tpu.memory_space<vmem>>
      %dma_wait3A_451 = tpu.memref_slice %arg3[%dma_wait3A_448, %multiple_of3A_417] : memref<1x1000001xf32, #tpu.memory_space<hbm>> -> memref<1x6400xf32, #tpu.memory_space<hbm>>
      %dma_wait3A_452 = tpu.memref_squeeze %dma_wait3A_451 : memref<1x6400xf32, #tpu.memory_space<hbm>> -> memref<6400xf32, #tpu.memory_space<hbm>>
      %dma_wait3A_453 = arith.constant 0 : i32
      %dma_wait3A_454 = tpu.memref_slice %arg14[%dma_wait3A_453] : memref<7808xf32, #tpu.memory_space<vmem>> -> memref<6400xf32, #tpu.memory_space<vmem>>
      %dma_wait3A_455 = tpu.memref_slice %arg3[%dma_wait3A_448, %multiple_of3A_417] : memref<1x1000001xf32, #tpu.memory_space<hbm>> -> memref<1x6400xf32, #tpu.memory_space<hbm>>
      %dma_wait3A_456 = tpu.memref_squeeze %dma_wait3A_455 : memref<1x6400xf32, #tpu.memory_space<hbm>> -> memref<6400xf32, #tpu.memory_space<hbm>>
      tpu.wait_dma2 semaphore(%arg18 : memref<!tpu.dma_semaphore, #tpu.memory_space<semaphore_mem>>) src(%dma_wait3A_456 : memref<6400xf32, #tpu.memory_space<hbm>>) dst(%dma_wait3A_454 : memref<6400xf32, #tpu.memory_space<vmem>>)
      %dma_start3A_457 = arith.constant 0 : i32
      %dma_start3A_458 = tpu.memref_slice %arg14[%dma_start3A_457] : memref<7808xf32, #tpu.memory_space<vmem>> -> memref<6400xf32, #tpu.memory_space<vmem>>
      %dma_start3A_459 = tpu.memref_slice %arg15[%multiple_of3A_417] : memref<1000448xf32, #tpu.memory_space<vmem_shared>> -> memref<6400xf32, #tpu.memory_space<vmem_shared>>
      %dma_start3A_460 = tpu.memref_slice %arg15[%multiple_of3A_417] : memref<1000448xf32, #tpu.memory_space<vmem_shared>> -> memref<6400xf32, #tpu.memory_space<vmem_shared>>
      %dma_start3A_461 = arith.constant 0 : i32
      %dma_start3A_462 = tpu.memref_slice %arg14[%dma_start3A_461] : memref<7808xf32, #tpu.memory_space<vmem>> -> memref<6400xf32, #tpu.memory_space<vmem>>
      tpu.enqueue_dma source(%dma_start3A_462 : memref<6400xf32, #tpu.memory_space<vmem>>) target(%dma_start3A_460 : memref<6400xf32, #tpu.memory_space<vmem_shared>>) target_semaphore(%arg19 : memref<!tpu.dma_semaphore, #tpu.memory_space<semaphore_mem>>)
      %dma_wait3A_463 = arith.constant 0 : i32
      %dma_wait3A_464 = tpu.memref_slice %arg13[%dma_wait3A_463] : memref<7808xf32, #tpu.memory_space<vmem>> -> memref<7808xf32, #tpu.memory_space<vmem>>
      %dma_wait3A_465 = tpu.memref_slice %arg15[%multiple_of3A_385] : memref<1000448xf32, #tpu.memory_space<vmem_shared>> -> memref<7808xf32, #tpu.memory_space<vmem_shared>>
      %dma_wait3A_466 = tpu.memref_slice %arg15[%multiple_of3A_385] : memref<1000448xf32, #tpu.memory_space<vmem_shared>> -> memref<7808xf32, #tpu.memory_space<vmem_shared>>
      %dma_wait3A_467 = arith.constant 0 : i32
      %dma_wait3A_468 = tpu.memref_slice %arg13[%dma_wait3A_467] : memref<7808xf32, #tpu.memory_space<vmem>> -> memref<7808xf32, #tpu.memory_space<vmem>>
      tpu.wait_dma2 semaphore(%arg19 : memref<!tpu.dma_semaphore, #tpu.memory_space<semaphore_mem>>) src(%dma_wait3A_468 : memref<7808xf32, #tpu.memory_space<vmem>>) dst(%dma_wait3A_466 : memref<7808xf32, #tpu.memory_space<vmem_shared>>)
      %dma_wait3A_469 = arith.constant 0 : i32
      %dma_wait3A_470 = tpu.memref_slice %arg14[%dma_wait3A_469] : memref<7808xf32, #tpu.memory_space<vmem>> -> memref<6400xf32, #tpu.memory_space<vmem>>
      %dma_wait3A_471 = tpu.memref_slice %arg15[%multiple_of3A_417] : memref<1000448xf32, #tpu.memory_space<vmem_shared>> -> memref<6400xf32, #tpu.memory_space<vmem_shared>>
      %dma_wait3A_472 = tpu.memref_slice %arg15[%multiple_of3A_417] : memref<1000448xf32, #tpu.memory_space<vmem_shared>> -> memref<6400xf32, #tpu.memory_space<vmem_shared>>
      %dma_wait3A_473 = arith.constant 0 : i32
      %dma_wait3A_474 = tpu.memref_slice %arg14[%dma_wait3A_473] : memref<7808xf32, #tpu.memory_space<vmem>> -> memref<6400xf32, #tpu.memory_space<vmem>>
      tpu.wait_dma2 semaphore(%arg19 : memref<!tpu.dma_semaphore, #tpu.memory_space<semaphore_mem>>) src(%dma_wait3A_474 : memref<6400xf32, #tpu.memory_space<vmem>>) dst(%dma_wait3A_472 : memref<6400xf32, #tpu.memory_space<vmem_shared>>)
      %run_scoped3A = arith.constant 0 : i32
      "tpu.region"() ({
        %run_scoped3A_475 = tpu.sem_alloc : memref<!tpu.dma_semaphore, #tpu.memory_space<semaphore_mem>>
        %dma_start3A_476 = arith.constant 0 : i32
        %dma_start3A_477 = tpu.memref_slice %arg13[%dma_start3A_476] : memref<7808xf32, #tpu.memory_space<vmem>> -> memref<128xf32, #tpu.memory_space<vmem>>
        %dma_start3A_478 = arith.constant 0 : i32
        %dma_start3A_479 = tpu.memref_slice %arg4[%run_scoped3A, %dma_start3A_478] : memref<1x128xf32, #tpu.memory_space<hbm>> -> memref<1x128xf32, #tpu.memory_space<hbm>>
        %dma_start3A_480 = tpu.memref_squeeze %dma_start3A_479 : memref<1x128xf32, #tpu.memory_space<hbm>> -> memref<128xf32, #tpu.memory_space<hbm>>
        %dma_start3A_481 = arith.constant 0 : i32
        %dma_start3A_482 = tpu.memref_slice %arg13[%dma_start3A_481] : memref<7808xf32, #tpu.memory_space<vmem>> -> memref<128xf32, #tpu.memory_space<vmem>>
        %dma_start3A_483 = arith.constant 0 : i32
        %dma_start3A_484 = tpu.memref_slice %arg4[%run_scoped3A, %dma_start3A_483] : memref<1x128xf32, #tpu.memory_space<hbm>> -> memref<1x128xf32, #tpu.memory_space<hbm>>
        %dma_start3A_485 = tpu.memref_squeeze %dma_start3A_484 : memref<1x128xf32, #tpu.memory_space<hbm>> -> memref<128xf32, #tpu.memory_space<hbm>>
        tpu.enqueue_dma source(%dma_start3A_485 : memref<128xf32, #tpu.memory_space<hbm>>) target(%dma_start3A_482 : memref<128xf32, #tpu.memory_space<vmem>>) target_semaphore(%run_scoped3A_475 : memref<!tpu.dma_semaphore, #tpu.memory_space<semaphore_mem>>)
        %dma_wait3A_486 = arith.constant 0 : i32
        %dma_wait3A_487 = tpu.memref_slice %arg13[%dma_wait3A_486] : memref<7808xf32, #tpu.memory_space<vmem>> -> memref<128xf32, #tpu.memory_space<vmem>>
        %dma_wait3A_488 = arith.constant 0 : i32
        %dma_wait3A_489 = tpu.memref_slice %arg4[%run_scoped3A, %dma_wait3A_488] : memref<1x128xf32, #tpu.memory_space<hbm>> -> memref<1x128xf32, #tpu.memory_space<hbm>>
        %dma_wait3A_490 = tpu.memref_squeeze %dma_wait3A_489 : memref<1x128xf32, #tpu.memory_space<hbm>> -> memref<128xf32, #tpu.memory_space<hbm>>
        %dma_wait3A_491 = arith.constant 0 : i32
        %dma_wait3A_492 = tpu.memref_slice %arg13[%dma_wait3A_491] : memref<7808xf32, #tpu.memory_space<vmem>> -> memref<128xf32, #tpu.memory_space<vmem>>
        %dma_wait3A_493 = arith.constant 0 : i32
        %dma_wait3A_494 = tpu.memref_slice %arg4[%run_scoped3A, %dma_wait3A_493] : memref<1x128xf32, #tpu.memory_space<hbm>> -> memref<1x128xf32, #tpu.memory_space<hbm>>
        %dma_wait3A_495 = tpu.memref_squeeze %dma_wait3A_494 : memref<1x128xf32, #tpu.memory_space<hbm>> -> memref<128xf32, #tpu.memory_space<hbm>>
        tpu.wait_dma2 semaphore(%run_scoped3A_475 : memref<!tpu.dma_semaphore, #tpu.memory_space<semaphore_mem>>) src(%dma_wait3A_495 : memref<128xf32, #tpu.memory_space<hbm>>) dst(%dma_wait3A_492 : memref<128xf32, #tpu.memory_space<vmem>>)
        tpu.yield
      }) : () -> ()
      "tpu.region"() ({
        %run_scoped3A_475 = tpu.sem_alloc : memref<!tpu.dma_semaphore, #tpu.memory_space<semaphore_mem>>
        %dma_start3A_476 = arith.constant 0 : i32
        %dma_start3A_477 = tpu.memref_slice %arg13[%dma_start3A_476] : memref<7808xf32, #tpu.memory_space<vmem>> -> memref<128xf32, #tpu.memory_space<vmem>>
        %dma_start3A_478 = arith.constant 999936 : i32
        %dma_start3A_479 = tpu.memref_slice %arg15[%dma_start3A_478] : memref<1000448xf32, #tpu.memory_space<vmem_shared>> -> memref<128xf32, #tpu.memory_space<vmem_shared>>
        %dma_start3A_480 = arith.constant 999936 : i32
        %dma_start3A_481 = tpu.memref_slice %arg15[%dma_start3A_480] : memref<1000448xf32, #tpu.memory_space<vmem_shared>> -> memref<128xf32, #tpu.memory_space<vmem_shared>>
        %dma_start3A_482 = arith.constant 0 : i32
        %dma_start3A_483 = tpu.memref_slice %arg13[%dma_start3A_482] : memref<7808xf32, #tpu.memory_space<vmem>> -> memref<128xf32, #tpu.memory_space<vmem>>
        tpu.enqueue_dma source(%dma_start3A_483 : memref<128xf32, #tpu.memory_space<vmem>>) target(%dma_start3A_481 : memref<128xf32, #tpu.memory_space<vmem_shared>>) target_semaphore(%run_scoped3A_475 : memref<!tpu.dma_semaphore, #tpu.memory_space<semaphore_mem>>)
        %dma_wait3A_484 = arith.constant 0 : i32
        %dma_wait3A_485 = tpu.memref_slice %arg13[%dma_wait3A_484] : memref<7808xf32, #tpu.memory_space<vmem>> -> memref<128xf32, #tpu.memory_space<vmem>>
        %dma_wait3A_486 = arith.constant 999936 : i32
        %dma_wait3A_487 = tpu.memref_slice %arg15[%dma_wait3A_486] : memref<1000448xf32, #tpu.memory_space<vmem_shared>> -> memref<128xf32, #tpu.memory_space<vmem_shared>>
        %dma_wait3A_488 = arith.constant 999936 : i32
        %dma_wait3A_489 = tpu.memref_slice %arg15[%dma_wait3A_488] : memref<1000448xf32, #tpu.memory_space<vmem_shared>> -> memref<128xf32, #tpu.memory_space<vmem_shared>>
        %dma_wait3A_490 = arith.constant 0 : i32
        %dma_wait3A_491 = tpu.memref_slice %arg13[%dma_wait3A_490] : memref<7808xf32, #tpu.memory_space<vmem>> -> memref<128xf32, #tpu.memory_space<vmem>>
        tpu.wait_dma2 semaphore(%run_scoped3A_475 : memref<!tpu.dma_semaphore, #tpu.memory_space<semaphore_mem>>) src(%dma_wait3A_491 : memref<128xf32, #tpu.memory_space<vmem>>) dst(%dma_wait3A_489 : memref<128xf32, #tpu.memory_space<vmem_shared>>)
        tpu.yield
      }) : () -> ()
    } else {
    }
    %scan3A_15 = arith.constant 0 : i32
    %scan3A_16 = arith.constant 0 : i32
    %scan3A_17 = arith.constant 100 : i32
    %scan3A_18 = arith.addi %scan3A_16, %scan3A_17 : i32
    %scan3A_19 = arith.constant 1 : i32
    %scan3A_20 = scf.for %scan3A_220 = %scan3A_16 to %scan3A_18 step %scan3A_19 iter_args(%scan3A_221 = %scan3A_15) -> (i32)  : i32 {
      %add3A_222 = arith.constant 0 : i32
      %add3A_223 = arith.addi %mul3A_2, %add3A_222 : i32
      %mul3A_224 = arith.constant 128 : i32
      %mul3A_225 = arith.muli %scan3A_220, %mul3A_224 : i32
      %dma_wait3A_226 = tpu.memref_slice %arg7[%mul3A_225] : memref<12800xi32, #tpu.memory_space<vmem>> -> memref<128xi32, #tpu.memory_space<vmem>>
      %dma_wait3A_227 = tpu.memref_slice %arg2[%scan3A_220, %add3A_223] : memref<100x16384xi32, #tpu.memory_space<hbm>> -> memref<1x128xi32, #tpu.memory_space<hbm>>
      %dma_wait3A_228 = tpu.memref_squeeze %dma_wait3A_227 : memref<1x128xi32, #tpu.memory_space<hbm>> -> memref<128xi32, #tpu.memory_space<hbm>>
      %dma_wait3A_229 = tpu.memref_slice %arg7[%mul3A_225] : memref<12800xi32, #tpu.memory_space<vmem>> -> memref<128xi32, #tpu.memory_space<vmem>>
      %dma_wait3A_230 = tpu.memref_slice %arg2[%scan3A_220, %add3A_223] : memref<100x16384xi32, #tpu.memory_space<hbm>> -> memref<1x128xi32, #tpu.memory_space<hbm>>
      %dma_wait3A_231 = tpu.memref_squeeze %dma_wait3A_230 : memref<1x128xi32, #tpu.memory_space<hbm>> -> memref<128xi32, #tpu.memory_space<hbm>>
      tpu.wait_dma2 semaphore(%arg17 : memref<!tpu.dma_semaphore, #tpu.memory_space<semaphore_mem>>) src(%dma_wait3A_231 : memref<128xi32, #tpu.memory_space<hbm>>) dst(%dma_wait3A_229 : memref<128xi32, #tpu.memory_space<vmem>>)
      %scan3A_232 = arith.constant 0 : i32
      scf.yield %scan3A_232 : i32
    }
    %scan3A_21 = arith.constant 100 : i32
    %barrier3A = arith.constant 0 : index
    tpu.barrier barrier_id(%barrier3A)
    %get3A = arith.constant 0 : index
    %get3A_22 = tpu.vector_load %arg12[%get3A] {strides = array<i32>} : memref<16xf32, #tpu.memory_space<vmem>>, vector<16xf32>,
    %get3A_23 = vector.shape_cast %get3A_22 : vector<16xf32> to vector<16xf32>
    %dma_start3A = arith.constant 0 : i32
    %dma_start3A_24 = arith.constant 0 : i32
    %dma_start3A_25 = tpu.memref_slice %arg9[%dma_start3A_24] : memref<12800xf32, #tpu.memory_space<vmem>> -> memref<1536xf32, #tpu.memory_space<vmem>>
    %dma_start3A_26 = arith.constant 0 : i32
    %dma_start3A_27 = tpu.memref_slice %arg7[%dma_start3A_26] : memref<12800xi32, #tpu.memory_space<vmem>> -> memref<1536xi32, #tpu.memory_space<vmem>>
    %dma_start3A_28 = arith.constant 0 : i32
    %dma_start3A_29 = tpu.memref_slice %arg3[%dma_start3A, %dma_start3A_28] : memref<1x1000001xf32, #tpu.memory_space<hbm>> -> memref<1x1000001xf32, #tpu.memory_space<hbm>>
    %dma_start3A_30 = tpu.memref_squeeze %dma_start3A_29 : memref<1x1000001xf32, #tpu.memory_space<hbm>> -> memref<1000001xf32, #tpu.memory_space<hbm>>
    %dma_start3A_31 = arith.constant 0 : i32
    %dma_start3A_32 = tpu.memref_slice %dma_start3A_30[%dma_start3A_31] : memref<1000001xf32, #tpu.memory_space<hbm>> -> memref<1000001xf32, #tpu.memory_space<hbm>>
    tpu.enqueue_indirect_dma source(%dma_start3A_32 : memref<1000001xf32, #tpu.memory_space<hbm>>) target(%dma_start3A_25 : memref<1536xf32, #tpu.memory_space<vmem>>) offsets(%dma_start3A_27 : memref<1536xi32, #tpu.memory_space<vmem>>) semaphore(%arg18 : memref<!tpu.dma_semaphore, #tpu.memory_space<semaphore_mem>>)
    %dma_start3A_33 = arith.constant 1536 : i32
    %dma_start3A_34 = tpu.memref_slice %arg9[%dma_start3A_33] : memref<12800xf32, #tpu.memory_space<vmem>> -> memref<11264xf32, #tpu.memory_space<vmem>>
    %dma_start3A_35 = arith.constant 1536 : i32
    %dma_start3A_36 = tpu.memref_slice %arg7[%dma_start3A_35] : memref<12800xi32, #tpu.memory_space<vmem>> -> memref<11264xi32, #tpu.memory_space<vmem>>
    %dma_start3A_37 = arith.constant 0 : i32
    %dma_start3A_38 = tpu.memref_slice %arg15[%dma_start3A_37] : memref<1000448xf32, #tpu.memory_space<vmem_shared>> -> memref<1000448xf32, #tpu.memory_space<vmem_shared>>
    tpu.enqueue_indirect_dma source(%dma_start3A_38 : memref<1000448xf32, #tpu.memory_space<vmem_shared>>) target(%dma_start3A_34 : memref<11264xf32, #tpu.memory_space<vmem>>) offsets(%dma_start3A_36 : memref<11264xi32, #tpu.memory_space<vmem>>) semaphore(%arg16 : memref<!tpu.dma_semaphore, #tpu.memory_space<semaphore_mem>>)
    %scan3A_39 = arith.constant 0 : i32
    %scan3A_40 = arith.constant 0 : i32
    %scan3A_41 = arith.constant 100 : i32
    %scan3A_42 = arith.addi %scan3A_40, %scan3A_41 : i32
    %scan3A_43 = arith.constant 1 : i32
    %scan3A_44 = scf.for %scan3A_220 = %scan3A_40 to %scan3A_42 step %scan3A_43 iter_args(%scan3A_221 = %scan3A_39) -> (i32)  : i32 {
      %add3A_222 = arith.constant 128 : i32
      %add3A_223 = arith.addi %mul3A_2, %add3A_222 : i32
      %mul3A_224 = arith.constant 128 : i32
      %mul3A_225 = arith.muli %scan3A_220, %mul3A_224 : i32
      %dma_start3A_226 = tpu.memref_slice %arg8[%mul3A_225] : memref<12800xi32, #tpu.memory_space<vmem>> -> memref<128xi32, #tpu.memory_space<vmem>>
      %dma_start3A_227 = tpu.memref_slice %arg2[%scan3A_220, %add3A_223] : memref<100x16384xi32, #tpu.memory_space<hbm>> -> memref<1x128xi32, #tpu.memory_space<hbm>>
      %dma_start3A_228 = tpu.memref_squeeze %dma_start3A_227 : memref<1x128xi32, #tpu.memory_space<hbm>> -> memref<128xi32, #tpu.memory_space<hbm>>
      %dma_start3A_229 = tpu.memref_slice %arg8[%mul3A_225] : memref<12800xi32, #tpu.memory_space<vmem>> -> memref<128xi32, #tpu.memory_space<vmem>>
      %dma_start3A_230 = tpu.memref_slice %arg2[%scan3A_220, %add3A_223] : memref<100x16384xi32, #tpu.memory_space<hbm>> -> memref<1x128xi32, #tpu.memory_space<hbm>>
      %dma_start3A_231 = tpu.memref_squeeze %dma_start3A_230 : memref<1x128xi32, #tpu.memory_space<hbm>> -> memref<128xi32, #tpu.memory_space<hbm>>
      tpu.enqueue_dma source(%dma_start3A_231 : memref<128xi32, #tpu.memory_space<hbm>>) target(%dma_start3A_229 : memref<128xi32, #tpu.memory_space<vmem>>) target_semaphore(%arg17 : memref<!tpu.dma_semaphore, #tpu.memory_space<semaphore_mem>>)
      %scan3A_232 = arith.constant 0 : i32
      scf.yield %scan3A_232 : i32
    }
    %scan3A_45 = arith.constant 100 : i32
    %dma_wait3A = arith.constant 0 : i32
    %dma_wait3A_46 = arith.constant 0 : i32
    %dma_wait3A_47 = tpu.memref_slice %arg9[%dma_wait3A_46] : memref<12800xf32, #tpu.memory_space<vmem>> -> memref<1536xf32, #tpu.memory_space<vmem>>
    %dma_wait3A_48 = arith.constant 0 : i32
    %dma_wait3A_49 = tpu.memref_slice %arg7[%dma_wait3A_48] : memref<12800xi32, #tpu.memory_space<vmem>> -> memref<1536xi32, #tpu.memory_space<vmem>>
    %dma_wait3A_50 = arith.constant 0 : i32
    %dma_wait3A_51 = tpu.memref_slice %arg3[%dma_wait3A, %dma_wait3A_50] : memref<1x1000001xf32, #tpu.memory_space<hbm>> -> memref<1x1000001xf32, #tpu.memory_space<hbm>>
    %dma_wait3A_52 = tpu.memref_squeeze %dma_wait3A_51 : memref<1x1000001xf32, #tpu.memory_space<hbm>> -> memref<1000001xf32, #tpu.memory_space<hbm>>
    %dma_wait3A_53 = arith.constant 0 : i32
    %dma_wait3A_54 = tpu.memref_slice %dma_wait3A_52[%dma_wait3A_53] : memref<1000001xf32, #tpu.memory_space<hbm>> -> memref<1000001xf32, #tpu.memory_space<hbm>>
    tpu.wait_indirect_dma semaphore(%arg18 : memref<!tpu.dma_semaphore, #tpu.memory_space<semaphore_mem>>) src(%dma_wait3A_54 : memref<1000001xf32, #tpu.memory_space<hbm>>) dst(%dma_wait3A_47 : memref<1536xf32, #tpu.memory_space<vmem>>)
    %dma_wait3A_55 = arith.constant 1536 : i32
    %dma_wait3A_56 = tpu.memref_slice %arg9[%dma_wait3A_55] : memref<12800xf32, #tpu.memory_space<vmem>> -> memref<11264xf32, #tpu.memory_space<vmem>>
    %dma_wait3A_57 = arith.constant 1536 : i32
    %dma_wait3A_58 = tpu.memref_slice %arg7[%dma_wait3A_57] : memref<12800xi32, #tpu.memory_space<vmem>> -> memref<11264xi32, #tpu.memory_space<vmem>>
    %dma_wait3A_59 = arith.constant 0 : i32
    %dma_wait3A_60 = tpu.memref_slice %arg15[%dma_wait3A_59] : memref<1000448xf32, #tpu.memory_space<vmem_shared>> -> memref<1000448xf32, #tpu.memory_space<vmem_shared>>
    tpu.wait_indirect_dma semaphore(%arg16 : memref<!tpu.dma_semaphore, #tpu.memory_space<semaphore_mem>>) src(%dma_wait3A_60 : memref<1000448xf32, #tpu.memory_space<vmem_shared>>) dst(%dma_wait3A_56 : memref<11264xf32, #tpu.memory_space<vmem>>)
    %scan3A_61 = arith.constant 0 : i32
    %scan3A_62 = arith.constant 0 : i32
    %scan3A_63 = arith.constant 100 : i32
    %scan3A_64 = arith.addi %scan3A_62, %scan3A_63 : i32
    %scan3A_65 = arith.constant 1 : i32
    %scan3A_66 = scf.for %scan3A_220 = %scan3A_62 to %scan3A_64 step %scan3A_65 iter_args(%scan3A_221 = %scan3A_61) -> (i32)  : i32 {
      %add3A_222 = arith.constant 128 : i32
      %add3A_223 = arith.addi %mul3A_2, %add3A_222 : i32
      %mul3A_224 = arith.constant 128 : i32
      %mul3A_225 = arith.muli %scan3A_220, %mul3A_224 : i32
      %dma_wait3A_226 = tpu.memref_slice %arg8[%mul3A_225] : memref<12800xi32, #tpu.memory_space<vmem>> -> memref<128xi32, #tpu.memory_space<vmem>>
      %dma_wait3A_227 = tpu.memref_slice %arg2[%scan3A_220, %add3A_223] : memref<100x16384xi32, #tpu.memory_space<hbm>> -> memref<1x128xi32, #tpu.memory_space<hbm>>
      %dma_wait3A_228 = tpu.memref_squeeze %dma_wait3A_227 : memref<1x128xi32, #tpu.memory_space<hbm>> -> memref<128xi32, #tpu.memory_space<hbm>>
      %dma_wait3A_229 = tpu.memref_slice %arg8[%mul3A_225] : memref<12800xi32, #tpu.memory_space<vmem>> -> memref<128xi32, #tpu.memory_space<vmem>>
      %dma_wait3A_230 = tpu.memref_slice %arg2[%scan3A_220, %add3A_223] : memref<100x16384xi32, #tpu.memory_space<hbm>> -> memref<1x128xi32, #tpu.memory_space<hbm>>
      %dma_wait3A_231 = tpu.memref_squeeze %dma_wait3A_230 : memref<1x128xi32, #tpu.memory_space<hbm>> -> memref<128xi32, #tpu.memory_space<hbm>>
      tpu.wait_dma2 semaphore(%arg17 : memref<!tpu.dma_semaphore, #tpu.memory_space<semaphore_mem>>) src(%dma_wait3A_231 : memref<128xi32, #tpu.memory_space<hbm>>) dst(%dma_wait3A_229 : memref<128xi32, #tpu.memory_space<vmem>>)
      %scan3A_232 = arith.constant 0 : i32
      scf.yield %scan3A_232 : i32
    }
    %scan3A_67 = arith.constant 100 : i32
    %dma_start3A_68 = arith.constant 0 : i32
    %dma_start3A_69 = arith.constant 0 : i32
    %dma_start3A_70 = tpu.memref_slice %arg10[%dma_start3A_69] : memref<12800xf32, #tpu.memory_space<vmem>> -> memref<1536xf32, #tpu.memory_space<vmem>>
    %dma_start3A_71 = arith.constant 0 : i32
    %dma_start3A_72 = tpu.memref_slice %arg8[%dma_start3A_71] : memref<12800xi32, #tpu.memory_space<vmem>> -> memref<1536xi32, #tpu.memory_space<vmem>>
    %dma_start3A_73 = arith.constant 0 : i32
    %dma_start3A_74 = tpu.memref_slice %arg3[%dma_start3A_68, %dma_start3A_73] : memref<1x1000001xf32, #tpu.memory_space<hbm>> -> memref<1x1000001xf32, #tpu.memory_space<hbm>>
    %dma_start3A_75 = tpu.memref_squeeze %dma_start3A_74 : memref<1x1000001xf32, #tpu.memory_space<hbm>> -> memref<1000001xf32, #tpu.memory_space<hbm>>
    %dma_start3A_76 = arith.constant 0 : i32
    %dma_start3A_77 = tpu.memref_slice %dma_start3A_75[%dma_start3A_76] : memref<1000001xf32, #tpu.memory_space<hbm>> -> memref<1000001xf32, #tpu.memory_space<hbm>>
    tpu.enqueue_indirect_dma source(%dma_start3A_77 : memref<1000001xf32, #tpu.memory_space<hbm>>) target(%dma_start3A_70 : memref<1536xf32, #tpu.memory_space<vmem>>) offsets(%dma_start3A_72 : memref<1536xi32, #tpu.memory_space<vmem>>) semaphore(%arg18 : memref<!tpu.dma_semaphore, #tpu.memory_space<semaphore_mem>>)
    %dma_start3A_78 = arith.constant 1536 : i32
    %dma_start3A_79 = tpu.memref_slice %arg10[%dma_start3A_78] : memref<12800xf32, #tpu.memory_space<vmem>> -> memref<11264xf32, #tpu.memory_space<vmem>>
    %dma_start3A_80 = arith.constant 1536 : i32
    %dma_start3A_81 = tpu.memref_slice %arg8[%dma_start3A_80] : memref<12800xi32, #tpu.memory_space<vmem>> -> memref<11264xi32, #tpu.memory_space<vmem>>
    %dma_start3A_82 = arith.constant 0 : i32
    %dma_start3A_83 = tpu.memref_slice %arg15[%dma_start3A_82] : memref<1000448xf32, #tpu.memory_space<vmem_shared>> -> memref<1000448xf32, #tpu.memory_space<vmem_shared>>
    tpu.enqueue_indirect_dma source(%dma_start3A_83 : memref<1000448xf32, #tpu.memory_space<vmem_shared>>) target(%dma_start3A_79 : memref<11264xf32, #tpu.memory_space<vmem>>) offsets(%dma_start3A_81 : memref<11264xi32, #tpu.memory_space<vmem>>) semaphore(%arg16 : memref<!tpu.dma_semaphore, #tpu.memory_space<semaphore_mem>>)
    %scan3A_84 = arith.constant 0 : i32
    %scan3A_85 = arith.constant 0 : i32
    %scan3A_86 = arith.constant 8 : i32
    %scan3A_87 = arith.addi %scan3A_85, %scan3A_86 : i32
    %scan3A_88 = arith.constant 1 : i32
    %scan3A_89 = scf.for %scan3A_220 = %scan3A_85 to %scan3A_87 step %scan3A_88 iter_args(%scan3A_221 = %scan3A_84) -> (i32)  : i32 {
      %mul3A_222 = arith.constant 16 : i32
      %mul3A_223 = arith.muli %scan3A_220, %mul3A_222 : i32
      %add3A_224 = arith.constant 0 : i32
      %add3A_225 = arith.addi %add3A_224, %mul3A_223 : i32
      %get3A_226 = arith.index_cast %add3A_225 : i32 to index
      %get3A_227 = tpu.vector_load %arg9[%get3A_226] {strides = array<i32>} : memref<12800xf32, #tpu.memory_space<vmem>>, vector<16xf32>,
      %get3A_228 = vector.shape_cast %get3A_227 : vector<16xf32> to vector<16xf32>
      %add3A_229 = arith.addf %get3A_23, %get3A_228 : vector<16xf32>
      %add3A_230 = arith.constant 128 : i32
      %add3A_231 = arith.addi %add3A_230, %mul3A_223 : i32
      %get3A_232 = arith.index_cast %add3A_231 : i32 to index
      %get3A_233 = tpu.vector_load %arg9[%get3A_232] {strides = array<i32>} : memref<12800xf32, #tpu.memory_space<vmem>>, vector<16xf32>,
      %get3A_234 = vector.shape_cast %get3A_233 : vector<16xf32> to vector<16xf32>
      %add3A_235 = arith.addf %add3A_229, %get3A_234 : vector<16xf32>
      %add3A_236 = arith.constant 256 : i32
      %add3A_237 = arith.addi %add3A_236, %mul3A_223 : i32
      %get3A_238 = arith.index_cast %add3A_237 : i32 to index
      %get3A_239 = tpu.vector_load %arg9[%get3A_238] {strides = array<i32>} : memref<12800xf32, #tpu.memory_space<vmem>>, vector<16xf32>,
      %get3A_240 = vector.shape_cast %get3A_239 : vector<16xf32> to vector<16xf32>
      %add3A_241 = arith.addf %add3A_235, %get3A_240 : vector<16xf32>
      %add3A_242 = arith.constant 384 : i32
      %add3A_243 = arith.addi %add3A_242, %mul3A_223 : i32
      %get3A_244 = arith.index_cast %add3A_243 : i32 to index
      %get3A_245 = tpu.vector_load %arg9[%get3A_244] {strides = array<i32>} : memref<12800xf32, #tpu.memory_space<vmem>>, vector<16xf32>,
      %get3A_246 = vector.shape_cast %get3A_245 : vector<16xf32> to vector<16xf32>
      %add3A_247 = arith.addf %add3A_241, %get3A_246 : vector<16xf32>
      %add3A_248 = arith.constant 512 : i32
      %add3A_249 = arith.addi %add3A_248, %mul3A_223 : i32
      %get3A_250 = arith.index_cast %add3A_249 : i32 to index
      %get3A_251 = tpu.vector_load %arg9[%get3A_250] {strides = array<i32>} : memref<12800xf32, #tpu.memory_space<vmem>>, vector<16xf32>,
      %get3A_252 = vector.shape_cast %get3A_251 : vector<16xf32> to vector<16xf32>
      %add3A_253 = arith.addf %add3A_247, %get3A_252 : vector<16xf32>
      %add3A_254 = arith.constant 640 : i32
      %add3A_255 = arith.addi %add3A_254, %mul3A_223 : i32
      %get3A_256 = arith.index_cast %add3A_255 : i32 to index
      %get3A_257 = tpu.vector_load %arg9[%get3A_256] {strides = array<i32>} : memref<12800xf32, #tpu.memory_space<vmem>>, vector<16xf32>,
      %get3A_258 = vector.shape_cast %get3A_257 : vector<16xf32> to vector<16xf32>
      %add3A_259 = arith.addf %add3A_253, %get3A_258 : vector<16xf32>
      %add3A_260 = arith.constant 768 : i32
      %add3A_261 = arith.addi %add3A_260, %mul3A_223 : i32
      %get3A_262 = arith.index_cast %add3A_261 : i32 to index
      %get3A_263 = tpu.vector_load %arg9[%get3A_262] {strides = array<i32>} : memref<12800xf32, #tpu.memory_space<vmem>>, vector<16xf32>,
      %get3A_264 = vector.shape_cast %get3A_263 : vector<16xf32> to vector<16xf32>
      %add3A_265 = arith.addf %add3A_259, %get3A_264 : vector<16xf32>
      %add3A_266 = arith.constant 896 : i32
      %add3A_267 = arith.addi %add3A_266, %mul3A_223 : i32
      %get3A_268 = arith.index_cast %add3A_267 : i32 to index
      %get3A_269 = tpu.vector_load %arg9[%get3A_268] {strides = array<i32>} : memref<12800xf32, #tpu.memory_space<vmem>>, vector<16xf32>,
      %get3A_270 = vector.shape_cast %get3A_269 : vector<16xf32> to vector<16xf32>
      %add3A_271 = arith.addf %add3A_265, %get3A_270 : vector<16xf32>
      %add3A_272 = arith.constant 1024 : i32
      %add3A_273 = arith.addi %add3A_272, %mul3A_223 : i32
      %get3A_274 = arith.index_cast %add3A_273 : i32 to index
      %get3A_275 = tpu.vector_load %arg9[%get3A_274] {strides = array<i32>} : memref<12800xf32, #tpu.memory_space<vmem>>, vector<16xf32>,
      %get3A_276 = vector.shape_cast %get3A_275 : vector<16xf32> to vector<16xf32>
      %add3A_277 = arith.addf %add3A_271, %get3A_276 : vector<16xf32>
      %add3A_278 = arith.constant 1152 : i32
      %add3A_279 = arith.addi %add3A_278, %mul3A_223 : i32
      %get3A_280 = arith.index_cast %add3A_279 : i32 to index
      %get3A_281 = tpu.vector_load %arg9[%get3A_280] {strides = array<i32>} : memref<12800xf32, #tpu.memory_space<vmem>>, vector<16xf32>,
      %get3A_282 = vector.shape_cast %get3A_281 : vector<16xf32> to vector<16xf32>
      %add3A_283 = arith.addf %add3A_277, %get3A_282 : vector<16xf32>
      %add3A_284 = arith.constant 1280 : i32
      %add3A_285 = arith.addi %add3A_284, %mul3A_223 : i32
      %get3A_286 = arith.index_cast %add3A_285 : i32 to index
      %get3A_287 = tpu.vector_load %arg9[%get3A_286] {strides = array<i32>} : memref<12800xf32, #tpu.memory_space<vmem>>, vector<16xf32>,
      %get3A_288 = vector.shape_cast %get3A_287 : vector<16xf32> to vector<16xf32>
      %add3A_289 = arith.addf %add3A_283, %get3A_288 : vector<16xf32>
      %add3A_290 = arith.constant 1408 : i32
      %add3A_291 = arith.addi %add3A_290, %mul3A_223 : i32
      %get3A_292 = arith.index_cast %add3A_291 : i32 to index
      %get3A_293 = tpu.vector_load %arg9[%get3A_292] {strides = array<i32>} : memref<12800xf32, #tpu.memory_space<vmem>>, vector<16xf32>,
      %get3A_294 = vector.shape_cast %get3A_293 : vector<16xf32> to vector<16xf32>
      %add3A_295 = arith.addf %add3A_289, %get3A_294 : vector<16xf32>
      %add3A_296 = arith.constant 1536 : i32
      %add3A_297 = arith.addi %add3A_296, %mul3A_223 : i32
      %get3A_298 = arith.index_cast %add3A_297 : i32 to index
      %get3A_299 = tpu.vector_load %arg9[%get3A_298] {strides = array<i32>} : memref<12800xf32, #tpu.memory_space<vmem>>, vector<16xf32>,
      %get3A_300 = vector.shape_cast %get3A_299 : vector<16xf32> to vector<16xf32>
      %add3A_301 = arith.addf %add3A_295, %get3A_300 : vector<16xf32>
      %add3A_302 = arith.constant 1664 : i32
      %add3A_303 = arith.addi %add3A_302, %mul3A_223 : i32
      %get3A_304 = arith.index_cast %add3A_303 : i32 to index
      %get3A_305 = tpu.vector_load %arg9[%get3A_304] {strides = array<i32>} : memref<12800xf32, #tpu.memory_space<vmem>>, vector<16xf32>,
      %get3A_306 = vector.shape_cast %get3A_305 : vector<16xf32> to vector<16xf32>
      %add3A_307 = arith.addf %add3A_301, %get3A_306 : vector<16xf32>
      %add3A_308 = arith.constant 1792 : i32
      %add3A_309 = arith.addi %add3A_308, %mul3A_223 : i32
      %get3A_310 = arith.index_cast %add3A_309 : i32 to index
      %get3A_311 = tpu.vector_load %arg9[%get3A_310] {strides = array<i32>} : memref<12800xf32, #tpu.memory_space<vmem>>, vector<16xf32>,
      %get3A_312 = vector.shape_cast %get3A_311 : vector<16xf32> to vector<16xf32>
      %add3A_313 = arith.addf %add3A_307, %get3A_312 : vector<16xf32>
      %add3A_314 = arith.constant 1920 : i32
      %add3A_315 = arith.addi %add3A_314, %mul3A_223 : i32
      %get3A_316 = arith.index_cast %add3A_315 : i32 to index
      %get3A_317 = tpu.vector_load %arg9[%get3A_316] {strides = array<i32>} : memref<12800xf32, #tpu.memory_space<vmem>>, vector<16xf32>,
      %get3A_318 = vector.shape_cast %get3A_317 : vector<16xf32> to vector<16xf32>
      %add3A_319 = arith.addf %add3A_313, %get3A_318 : vector<16xf32>
      %add3A_320 = arith.constant 2048 : i32
      %add3A_321 = arith.addi %add3A_320, %mul3A_223 : i32
      %get3A_322 = arith.index_cast %add3A_321 : i32 to index
      %get3A_323 = tpu.vector_load %arg9[%get3A_322] {strides = array<i32>} : memref<12800xf32, #tpu.memory_space<vmem>>, vector<16xf32>,
      %get3A_324 = vector.shape_cast %get3A_323 : vector<16xf32> to vector<16xf32>
      %add3A_325 = arith.addf %add3A_319, %get3A_324 : vector<16xf32>
      %add3A_326 = arith.constant 2176 : i32
      %add3A_327 = arith.addi %add3A_326, %mul3A_223 : i32
      %get3A_328 = arith.index_cast %add3A_327 : i32 to index
      %get3A_329 = tpu.vector_load %arg9[%get3A_328] {strides = array<i32>} : memref<12800xf32, #tpu.memory_space<vmem>>, vector<16xf32>,
      %get3A_330 = vector.shape_cast %get3A_329 : vector<16xf32> to vector<16xf32>
      %add3A_331 = arith.addf %add3A_325, %get3A_330 : vector<16xf32>
      %add3A_332 = arith.constant 2304 : i32
      %add3A_333 = arith.addi %add3A_332, %mul3A_223 : i32
      %get3A_334 = arith.index_cast %add3A_333 : i32 to index
      %get3A_335 = tpu.vector_load %arg9[%get3A_334] {strides = array<i32>} : memref<12800xf32, #tpu.memory_space<vmem>>, vector<16xf32>,
      %get3A_336 = vector.shape_cast %get3A_335 : vector<16xf32> to vector<16xf32>
      %add3A_337 = arith.addf %add3A_331, %get3A_336 : vector<16xf32>
      %add3A_338 = arith.constant 2432 : i32
      %add3A_339 = arith.addi %add3A_338, %mul3A_223 : i32
      %get3A_340 = arith.index_cast %add3A_339 : i32 to index
      %get3A_341 = tpu.vector_load %arg9[%get3A_340] {strides = array<i32>} : memref<12800xf32, #tpu.memory_space<vmem>>, vector<16xf32>,
      %get3A_342 = vector.shape_cast %get3A_341 : vector<16xf32> to vector<16xf32>
      %add3A_343 = arith.addf %add3A_337, %get3A_342 : vector<16xf32>
      %add3A_344 = arith.constant 2560 : i32
      %add3A_345 = arith.addi %add3A_344, %mul3A_223 : i32
      %get3A_346 = arith.index_cast %add3A_345 : i32 to index
      %get3A_347 = tpu.vector_load %arg9[%get3A_346] {strides = array<i32>} : memref<12800xf32, #tpu.memory_space<vmem>>, vector<16xf32>,
      %get3A_348 = vector.shape_cast %get3A_347 : vector<16xf32> to vector<16xf32>
      %add3A_349 = arith.addf %add3A_343, %get3A_348 : vector<16xf32>
      %add3A_350 = arith.constant 2688 : i32
      %add3A_351 = arith.addi %add3A_350, %mul3A_223 : i32
      %get3A_352 = arith.index_cast %add3A_351 : i32 to index
      %get3A_353 = tpu.vector_load %arg9[%get3A_352] {strides = array<i32>} : memref<12800xf32, #tpu.memory_space<vmem>>, vector<16xf32>,
      %get3A_354 = vector.shape_cast %get3A_353 : vector<16xf32> to vector<16xf32>
      %add3A_355 = arith.addf %add3A_349, %get3A_354 : vector<16xf32>
      %add3A_356 = arith.constant 2816 : i32
      %add3A_357 = arith.addi %add3A_356, %mul3A_223 : i32
      %get3A_358 = arith.index_cast %add3A_357 : i32 to index
      %get3A_359 = tpu.vector_load %arg9[%get3A_358] {strides = array<i32>} : memref<12800xf32, #tpu.memory_space<vmem>>, vector<16xf32>,
      %get3A_360 = vector.shape_cast %get3A_359 : vector<16xf32> to vector<16xf32>
      %add3A_361 = arith.addf %add3A_355, %get3A_360 : vector<16xf32>
      %add3A_362 = arith.constant 2944 : i32
      %add3A_363 = arith.addi %add3A_362, %mul3A_223 : i32
      %get3A_364 = arith.index_cast %add3A_363 : i32 to index
      %get3A_365 = tpu.vector_load %arg9[%get3A_364] {strides = array<i32>} : memref<12800xf32, #tpu.memory_space<vmem>>, vector<16xf32>,
      %get3A_366 = vector.shape_cast %get3A_365 : vector<16xf32> to vector<16xf32>
      %add3A_367 = arith.addf %add3A_361, %get3A_366 : vector<16xf32>
      %add3A_368 = arith.constant 3072 : i32
      %add3A_369 = arith.addi %add3A_368, %mul3A_223 : i32
      %get3A_370 = arith.index_cast %add3A_369 : i32 to index
      %get3A_371 = tpu.vector_load %arg9[%get3A_370] {strides = array<i32>} : memref<12800xf32, #tpu.memory_space<vmem>>, vector<16xf32>,
      %get3A_372 = vector.shape_cast %get3A_371 : vector<16xf32> to vector<16xf32>
      %add3A_373 = arith.addf %add3A_367, %get3A_372 : vector<16xf32>
      %add3A_374 = arith.constant 3200 : i32
      %add3A_375 = arith.addi %add3A_374, %mul3A_223 : i32
      %get3A_376 = arith.index_cast %add3A_375 : i32 to index
      %get3A_377 = tpu.vector_load %arg9[%get3A_376] {strides = array<i32>} : memref<12800xf32, #tpu.memory_space<vmem>>, vector<16xf32>,
      %get3A_378 = vector.shape_cast %get3A_377 : vector<16xf32> to vector<16xf32>
      %add3A_379 = arith.addf %add3A_373, %get3A_378 : vector<16xf32>
      %add3A_380 = arith.constant 3328 : i32
      %add3A_381 = arith.addi %add3A_380, %mul3A_223 : i32
      %get3A_382 = arith.index_cast %add3A_381 : i32 to index
      %get3A_383 = tpu.vector_load %arg9[%get3A_382] {strides = array<i32>} : memref<12800xf32, #tpu.memory_space<vmem>>, vector<16xf32>,
      %get3A_384 = vector.shape_cast %get3A_383 : vector<16xf32> to vector<16xf32>
      %add3A_385 = arith.addf %add3A_379, %get3A_384 : vector<16xf32>
      %add3A_386 = arith.constant 3456 : i32
      %add3A_387 = arith.addi %add3A_386, %mul3A_223 : i32
      %get3A_388 = arith.index_cast %add3A_387 : i32 to index
      %get3A_389 = tpu.vector_load %arg9[%get3A_388] {strides = array<i32>} : memref<12800xf32, #tpu.memory_space<vmem>>, vector<16xf32>,
      %get3A_390 = vector.shape_cast %get3A_389 : vector<16xf32> to vector<16xf32>
      %add3A_391 = arith.addf %add3A_385, %get3A_390 : vector<16xf32>
      %add3A_392 = arith.constant 3584 : i32
      %add3A_393 = arith.addi %add3A_392, %mul3A_223 : i32
      %get3A_394 = arith.index_cast %add3A_393 : i32 to index
      %get3A_395 = tpu.vector_load %arg9[%get3A_394] {strides = array<i32>} : memref<12800xf32, #tpu.memory_space<vmem>>, vector<16xf32>,
      %get3A_396 = vector.shape_cast %get3A_395 : vector<16xf32> to vector<16xf32>
      %add3A_397 = arith.addf %add3A_391, %get3A_396 : vector<16xf32>
      %add3A_398 = arith.constant 3712 : i32
      %add3A_399 = arith.addi %add3A_398, %mul3A_223 : i32
      %get3A_400 = arith.index_cast %add3A_399 : i32 to index
      %get3A_401 = tpu.vector_load %arg9[%get3A_400] {strides = array<i32>} : memref<12800xf32, #tpu.memory_space<vmem>>, vector<16xf32>,
      %get3A_402 = vector.shape_cast %get3A_401 : vector<16xf32> to vector<16xf32>
      %add3A_403 = arith.addf %add3A_397, %get3A_402 : vector<16xf32>
      %add3A_404 = arith.constant 3840 : i32
      %add3A_405 = arith.addi %add3A_404, %mul3A_223 : i32
      %get3A_406 = arith.index_cast %add3A_405 : i32 to index
      %get3A_407 = tpu.vector_load %arg9[%get3A_406] {strides = array<i32>} : memref<12800xf32, #tpu.memory_space<vmem>>, vector<16xf32>,
      %get3A_408 = vector.shape_cast %get3A_407 : vector<16xf32> to vector<16xf32>
      %add3A_409 = arith.addf %add3A_403, %get3A_408 : vector<16xf32>
      %add3A_410 = arith.constant 3968 : i32
      %add3A_411 = arith.addi %add3A_410, %mul3A_223 : i32
      %get3A_412 = arith.index_cast %add3A_411 : i32 to index
      %get3A_413 = tpu.vector_load %arg9[%get3A_412] {strides = array<i32>} : memref<12800xf32, #tpu.memory_space<vmem>>, vector<16xf32>,
      %get3A_414 = vector.shape_cast %get3A_413 : vector<16xf32> to vector<16xf32>
      %add3A_415 = arith.addf %add3A_409, %get3A_414 : vector<16xf32>
      %add3A_416 = arith.constant 4096 : i32
      %add3A_417 = arith.addi %add3A_416, %mul3A_223 : i32
      %get3A_418 = arith.index_cast %add3A_417 : i32 to index
      %get3A_419 = tpu.vector_load %arg9[%get3A_418] {strides = array<i32>} : memref<12800xf32, #tpu.memory_space<vmem>>, vector<16xf32>,
      %get3A_420 = vector.shape_cast %get3A_419 : vector<16xf32> to vector<16xf32>
      %add3A_421 = arith.addf %add3A_415, %get3A_420 : vector<16xf32>
      %add3A_422 = arith.constant 4224 : i32
      %add3A_423 = arith.addi %add3A_422, %mul3A_223 : i32
      %get3A_424 = arith.index_cast %add3A_423 : i32 to index
      %get3A_425 = tpu.vector_load %arg9[%get3A_424] {strides = array<i32>} : memref<12800xf32, #tpu.memory_space<vmem>>, vector<16xf32>,
      %get3A_426 = vector.shape_cast %get3A_425 : vector<16xf32> to vector<16xf32>
      %add3A_427 = arith.addf %add3A_421, %get3A_426 : vector<16xf32>
      %add3A_428 = arith.constant 4352 : i32
      %add3A_429 = arith.addi %add3A_428, %mul3A_223 : i32
      %get3A_430 = arith.index_cast %add3A_429 : i32 to index
      %get3A_431 = tpu.vector_load %arg9[%get3A_430] {strides = array<i32>} : memref<12800xf32, #tpu.memory_space<vmem>>, vector<16xf32>,
      %get3A_432 = vector.shape_cast %get3A_431 : vector<16xf32> to vector<16xf32>
      %add3A_433 = arith.addf %add3A_427, %get3A_432 : vector<16xf32>
      %add3A_434 = arith.constant 4480 : i32
      %add3A_435 = arith.addi %add3A_434, %mul3A_223 : i32
      %get3A_436 = arith.index_cast %add3A_435 : i32 to index
      %get3A_437 = tpu.vector_load %arg9[%get3A_436] {strides = array<i32>} : memref<12800xf32, #tpu.memory_space<vmem>>, vector<16xf32>,
      %get3A_438 = vector.shape_cast %get3A_437 : vector<16xf32> to vector<16xf32>
      %add3A_439 = arith.addf %add3A_433, %get3A_438 : vector<16xf32>
      %add3A_440 = arith.constant 4608 : i32
      %add3A_441 = arith.addi %add3A_440, %mul3A_223 : i32
      %get3A_442 = arith.index_cast %add3A_441 : i32 to index
      %get3A_443 = tpu.vector_load %arg9[%get3A_442] {strides = array<i32>} : memref<12800xf32, #tpu.memory_space<vmem>>, vector<16xf32>,
      %get3A_444 = vector.shape_cast %get3A_443 : vector<16xf32> to vector<16xf32>
      %add3A_445 = arith.addf %add3A_439, %get3A_444 : vector<16xf32>
      %add3A_446 = arith.constant 4736 : i32
      %add3A_447 = arith.addi %add3A_446, %mul3A_223 : i32
      %get3A_448 = arith.index_cast %add3A_447 : i32 to index
      %get3A_449 = tpu.vector_load %arg9[%get3A_448] {strides = array<i32>} : memref<12800xf32, #tpu.memory_space<vmem>>, vector<16xf32>,
      %get3A_450 = vector.shape_cast %get3A_449 : vector<16xf32> to vector<16xf32>
      %add3A_451 = arith.addf %add3A_445, %get3A_450 : vector<16xf32>
      %add3A_452 = arith.constant 4864 : i32
      %add3A_453 = arith.addi %add3A_452, %mul3A_223 : i32
      %get3A_454 = arith.index_cast %add3A_453 : i32 to index
      %get3A_455 = tpu.vector_load %arg9[%get3A_454] {strides = array<i32>} : memref<12800xf32, #tpu.memory_space<vmem>>, vector<16xf32>,
      %get3A_456 = vector.shape_cast %get3A_455 : vector<16xf32> to vector<16xf32>
      %add3A_457 = arith.addf %add3A_451, %get3A_456 : vector<16xf32>
      %add3A_458 = arith.constant 4992 : i32
      %add3A_459 = arith.addi %add3A_458, %mul3A_223 : i32
      %get3A_460 = arith.index_cast %add3A_459 : i32 to index
      %get3A_461 = tpu.vector_load %arg9[%get3A_460] {strides = array<i32>} : memref<12800xf32, #tpu.memory_space<vmem>>, vector<16xf32>,
      %get3A_462 = vector.shape_cast %get3A_461 : vector<16xf32> to vector<16xf32>
      %add3A_463 = arith.addf %add3A_457, %get3A_462 : vector<16xf32>
      %add3A_464 = arith.constant 5120 : i32
      %add3A_465 = arith.addi %add3A_464, %mul3A_223 : i32
      %get3A_466 = arith.index_cast %add3A_465 : i32 to index
      %get3A_467 = tpu.vector_load %arg9[%get3A_466] {strides = array<i32>} : memref<12800xf32, #tpu.memory_space<vmem>>, vector<16xf32>,
      %get3A_468 = vector.shape_cast %get3A_467 : vector<16xf32> to vector<16xf32>
      %add3A_469 = arith.addf %add3A_463, %get3A_468 : vector<16xf32>
      %add3A_470 = arith.constant 5248 : i32
      %add3A_471 = arith.addi %add3A_470, %mul3A_223 : i32
      %get3A_472 = arith.index_cast %add3A_471 : i32 to index
      %get3A_473 = tpu.vector_load %arg9[%get3A_472] {strides = array<i32>} : memref<12800xf32, #tpu.memory_space<vmem>>, vector<16xf32>,
      %get3A_474 = vector.shape_cast %get3A_473 : vector<16xf32> to vector<16xf32>
      %add3A_475 = arith.addf %add3A_469, %get3A_474 : vector<16xf32>
      %add3A_476 = arith.constant 5376 : i32
      %add3A_477 = arith.addi %add3A_476, %mul3A_223 : i32
      %get3A_478 = arith.index_cast %add3A_477 : i32 to index
      %get3A_479 = tpu.vector_load %arg9[%get3A_478] {strides = array<i32>} : memref<12800xf32, #tpu.memory_space<vmem>>, vector<16xf32>,
      %get3A_480 = vector.shape_cast %get3A_479 : vector<16xf32> to vector<16xf32>
      %add3A_481 = arith.addf %add3A_475, %get3A_480 : vector<16xf32>
      %add3A_482 = arith.constant 5504 : i32
      %add3A_483 = arith.addi %add3A_482, %mul3A_223 : i32
      %get3A_484 = arith.index_cast %add3A_483 : i32 to index
      %get3A_485 = tpu.vector_load %arg9[%get3A_484] {strides = array<i32>} : memref<12800xf32, #tpu.memory_space<vmem>>, vector<16xf32>,
      %get3A_486 = vector.shape_cast %get3A_485 : vector<16xf32> to vector<16xf32>
      %add3A_487 = arith.addf %add3A_481, %get3A_486 : vector<16xf32>
      %add3A_488 = arith.constant 5632 : i32
      %add3A_489 = arith.addi %add3A_488, %mul3A_223 : i32
      %get3A_490 = arith.index_cast %add3A_489 : i32 to index
      %get3A_491 = tpu.vector_load %arg9[%get3A_490] {strides = array<i32>} : memref<12800xf32, #tpu.memory_space<vmem>>, vector<16xf32>,
      %get3A_492 = vector.shape_cast %get3A_491 : vector<16xf32> to vector<16xf32>
      %add3A_493 = arith.addf %add3A_487, %get3A_492 : vector<16xf32>
      %add3A_494 = arith.constant 5760 : i32
      %add3A_495 = arith.addi %add3A_494, %mul3A_223 : i32
      %get3A_496 = arith.index_cast %add3A_495 : i32 to index
      %get3A_497 = tpu.vector_load %arg9[%get3A_496] {strides = array<i32>} : memref<12800xf32, #tpu.memory_space<vmem>>, vector<16xf32>,
      %get3A_498 = vector.shape_cast %get3A_497 : vector<16xf32> to vector<16xf32>
      %add3A_499 = arith.addf %add3A_493, %get3A_498 : vector<16xf32>
      %add3A_500 = arith.constant 5888 : i32
      %add3A_501 = arith.addi %add3A_500, %mul3A_223 : i32
      %get3A_502 = arith.index_cast %add3A_501 : i32 to index
      %get3A_503 = tpu.vector_load %arg9[%get3A_502] {strides = array<i32>} : memref<12800xf32, #tpu.memory_space<vmem>>, vector<16xf32>,
      %get3A_504 = vector.shape_cast %get3A_503 : vector<16xf32> to vector<16xf32>
      %add3A_505 = arith.addf %add3A_499, %get3A_504 : vector<16xf32>
      %add3A_506 = arith.constant 6016 : i32
      %add3A_507 = arith.addi %add3A_506, %mul3A_223 : i32
      %get3A_508 = arith.index_cast %add3A_507 : i32 to index
      %get3A_509 = tpu.vector_load %arg9[%get3A_508] {strides = array<i32>} : memref<12800xf32, #tpu.memory_space<vmem>>, vector<16xf32>,
      %get3A_510 = vector.shape_cast %get3A_509 : vector<16xf32> to vector<16xf32>
      %add3A_511 = arith.addf %add3A_505, %get3A_510 : vector<16xf32>
      %add3A_512 = arith.constant 6144 : i32
      %add3A_513 = arith.addi %add3A_512, %mul3A_223 : i32
      %get3A_514 = arith.index_cast %add3A_513 : i32 to index
      %get3A_515 = tpu.vector_load %arg9[%get3A_514] {strides = array<i32>} : memref<12800xf32, #tpu.memory_space<vmem>>, vector<16xf32>,
      %get3A_516 = vector.shape_cast %get3A_515 : vector<16xf32> to vector<16xf32>
      %add3A_517 = arith.addf %add3A_511, %get3A_516 : vector<16xf32>
      %add3A_518 = arith.constant 6272 : i32
      %add3A_519 = arith.addi %add3A_518, %mul3A_223 : i32
      %get3A_520 = arith.index_cast %add3A_519 : i32 to index
      %get3A_521 = tpu.vector_load %arg9[%get3A_520] {strides = array<i32>} : memref<12800xf32, #tpu.memory_space<vmem>>, vector<16xf32>,
      %get3A_522 = vector.shape_cast %get3A_521 : vector<16xf32> to vector<16xf32>
      %add3A_523 = arith.addf %add3A_517, %get3A_522 : vector<16xf32>
      %add3A_524 = arith.constant 6400 : i32
      %add3A_525 = arith.addi %add3A_524, %mul3A_223 : i32
      %get3A_526 = arith.index_cast %add3A_525 : i32 to index
      %get3A_527 = tpu.vector_load %arg9[%get3A_526] {strides = array<i32>} : memref<12800xf32, #tpu.memory_space<vmem>>, vector<16xf32>,
      %get3A_528 = vector.shape_cast %get3A_527 : vector<16xf32> to vector<16xf32>
      %add3A_529 = arith.addf %add3A_523, %get3A_528 : vector<16xf32>
      %add3A_530 = arith.constant 6528 : i32
      %add3A_531 = arith.addi %add3A_530, %mul3A_223 : i32
      %get3A_532 = arith.index_cast %add3A_531 : i32 to index
      %get3A_533 = tpu.vector_load %arg9[%get3A_532] {strides = array<i32>} : memref<12800xf32, #tpu.memory_space<vmem>>, vector<16xf32>,
      %get3A_534 = vector.shape_cast %get3A_533 : vector<16xf32> to vector<16xf32>
      %add3A_535 = arith.addf %add3A_529, %get3A_534 : vector<16xf32>
      %add3A_536 = arith.constant 6656 : i32
      %add3A_537 = arith.addi %add3A_536, %mul3A_223 : i32
      %get3A_538 = arith.index_cast %add3A_537 : i32 to index
      %get3A_539 = tpu.vector_load %arg9[%get3A_538] {strides = array<i32>} : memref<12800xf32, #tpu.memory_space<vmem>>, vector<16xf32>,
      %get3A_540 = vector.shape_cast %get3A_539 : vector<16xf32> to vector<16xf32>
      %add3A_541 = arith.addf %add3A_535, %get3A_540 : vector<16xf32>
      %add3A_542 = arith.constant 6784 : i32
      %add3A_543 = arith.addi %add3A_542, %mul3A_223 : i32
      %get3A_544 = arith.index_cast %add3A_543 : i32 to index
      %get3A_545 = tpu.vector_load %arg9[%get3A_544] {strides = array<i32>} : memref<12800xf32, #tpu.memory_space<vmem>>, vector<16xf32>,
      %get3A_546 = vector.shape_cast %get3A_545 : vector<16xf32> to vector<16xf32>
      %add3A_547 = arith.addf %add3A_541, %get3A_546 : vector<16xf32>
      %add3A_548 = arith.constant 6912 : i32
      %add3A_549 = arith.addi %add3A_548, %mul3A_223 : i32
      %get3A_550 = arith.index_cast %add3A_549 : i32 to index
      %get3A_551 = tpu.vector_load %arg9[%get3A_550] {strides = array<i32>} : memref<12800xf32, #tpu.memory_space<vmem>>, vector<16xf32>,
      %get3A_552 = vector.shape_cast %get3A_551 : vector<16xf32> to vector<16xf32>
      %add3A_553 = arith.addf %add3A_547, %get3A_552 : vector<16xf32>
      %add3A_554 = arith.constant 7040 : i32
      %add3A_555 = arith.addi %add3A_554, %mul3A_223 : i32
      %get3A_556 = arith.index_cast %add3A_555 : i32 to index
      %get3A_557 = tpu.vector_load %arg9[%get3A_556] {strides = array<i32>} : memref<12800xf32, #tpu.memory_space<vmem>>, vector<16xf32>,
      %get3A_558 = vector.shape_cast %get3A_557 : vector<16xf32> to vector<16xf32>
      %add3A_559 = arith.addf %add3A_553, %get3A_558 : vector<16xf32>
      %add3A_560 = arith.constant 7168 : i32
      %add3A_561 = arith.addi %add3A_560, %mul3A_223 : i32
      %get3A_562 = arith.index_cast %add3A_561 : i32 to index
      %get3A_563 = tpu.vector_load %arg9[%get3A_562] {strides = array<i32>} : memref<12800xf32, #tpu.memory_space<vmem>>, vector<16xf32>,
      %get3A_564 = vector.shape_cast %get3A_563 : vector<16xf32> to vector<16xf32>
      %add3A_565 = arith.addf %add3A_559, %get3A_564 : vector<16xf32>
      %add3A_566 = arith.constant 7296 : i32
      %add3A_567 = arith.addi %add3A_566, %mul3A_223 : i32
      %get3A_568 = arith.index_cast %add3A_567 : i32 to index
      %get3A_569 = tpu.vector_load %arg9[%get3A_568] {strides = array<i32>} : memref<12800xf32, #tpu.memory_space<vmem>>, vector<16xf32>,
      %get3A_570 = vector.shape_cast %get3A_569 : vector<16xf32> to vector<16xf32>
      %add3A_571 = arith.addf %add3A_565, %get3A_570 : vector<16xf32>
      %add3A_572 = arith.constant 7424 : i32
      %add3A_573 = arith.addi %add3A_572, %mul3A_223 : i32
      %get3A_574 = arith.index_cast %add3A_573 : i32 to index
      %get3A_575 = tpu.vector_load %arg9[%get3A_574] {strides = array<i32>} : memref<12800xf32, #tpu.memory_space<vmem>>, vector<16xf32>,
      %get3A_576 = vector.shape_cast %get3A_575 : vector<16xf32> to vector<16xf32>
      %add3A_577 = arith.addf %add3A_571, %get3A_576 : vector<16xf32>
      %add3A_578 = arith.constant 7552 : i32
      %add3A_579 = arith.addi %add3A_578, %mul3A_223 : i32
      %get3A_580 = arith.index_cast %add3A_579 : i32 to index
      %get3A_581 = tpu.vector_load %arg9[%get3A_580] {strides = array<i32>} : memref<12800xf32, #tpu.memory_space<vmem>>, vector<16xf32>,
      %get3A_582 = vector.shape_cast %get3A_581 : vector<16xf32> to vector<16xf32>
      %add3A_583 = arith.addf %add3A_577, %get3A_582 : vector<16xf32>
      %add3A_584 = arith.constant 7680 : i32
      %add3A_585 = arith.addi %add3A_584, %mul3A_223 : i32
      %get3A_586 = arith.index_cast %add3A_585 : i32 to index
      %get3A_587 = tpu.vector_load %arg9[%get3A_586] {strides = array<i32>} : memref<12800xf32, #tpu.memory_space<vmem>>, vector<16xf32>,
      %get3A_588 = vector.shape_cast %get3A_587 : vector<16xf32> to vector<16xf32>
      %add3A_589 = arith.addf %add3A_583, %get3A_588 : vector<16xf32>
      %add3A_590 = arith.constant 7808 : i32
      %add3A_591 = arith.addi %add3A_590, %mul3A_223 : i32
      %get3A_592 = arith.index_cast %add3A_591 : i32 to index
      %get3A_593 = tpu.vector_load %arg9[%get3A_592] {strides = array<i32>} : memref<12800xf32, #tpu.memory_space<vmem>>, vector<16xf32>,
      %get3A_594 = vector.shape_cast %get3A_593 : vector<16xf32> to vector<16xf32>
      %add3A_595 = arith.addf %add3A_589, %get3A_594 : vector<16xf32>
      %add3A_596 = arith.constant 7936 : i32
      %add3A_597 = arith.addi %add3A_596, %mul3A_223 : i32
      %get3A_598 = arith.index_cast %add3A_597 : i32 to index
      %get3A_599 = tpu.vector_load %arg9[%get3A_598] {strides = array<i32>} : memref<12800xf32, #tpu.memory_space<vmem>>, vector<16xf32>,
      %get3A_600 = vector.shape_cast %get3A_599 : vector<16xf32> to vector<16xf32>
      %add3A_601 = arith.addf %add3A_595, %get3A_600 : vector<16xf32>
      %add3A_602 = arith.constant 8064 : i32
      %add3A_603 = arith.addi %add3A_602, %mul3A_223 : i32
      %get3A_604 = arith.index_cast %add3A_603 : i32 to index
      %get3A_605 = tpu.vector_load %arg9[%get3A_604] {strides = array<i32>} : memref<12800xf32, #tpu.memory_space<vmem>>, vector<16xf32>,
      %get3A_606 = vector.shape_cast %get3A_605 : vector<16xf32> to vector<16xf32>
      %add3A_607 = arith.addf %add3A_601, %get3A_606 : vector<16xf32>
      %add3A_608 = arith.constant 8192 : i32
      %add3A_609 = arith.addi %add3A_608, %mul3A_223 : i32
      %get3A_610 = arith.index_cast %add3A_609 : i32 to index
      %get3A_611 = tpu.vector_load %arg9[%get3A_610] {strides = array<i32>} : memref<12800xf32, #tpu.memory_space<vmem>>, vector<16xf32>,
      %get3A_612 = vector.shape_cast %get3A_611 : vector<16xf32> to vector<16xf32>
      %add3A_613 = arith.addf %add3A_607, %get3A_612 : vector<16xf32>
      %add3A_614 = arith.constant 8320 : i32
      %add3A_615 = arith.addi %add3A_614, %mul3A_223 : i32
      %get3A_616 = arith.index_cast %add3A_615 : i32 to index
      %get3A_617 = tpu.vector_load %arg9[%get3A_616] {strides = array<i32>} : memref<12800xf32, #tpu.memory_space<vmem>>, vector<16xf32>,
      %get3A_618 = vector.shape_cast %get3A_617 : vector<16xf32> to vector<16xf32>
      %add3A_619 = arith.addf %add3A_613, %get3A_618 : vector<16xf32>
      %add3A_620 = arith.constant 8448 : i32
      %add3A_621 = arith.addi %add3A_620, %mul3A_223 : i32
      %get3A_622 = arith.index_cast %add3A_621 : i32 to index
      %get3A_623 = tpu.vector_load %arg9[%get3A_622] {strides = array<i32>} : memref<12800xf32, #tpu.memory_space<vmem>>, vector<16xf32>,
      %get3A_624 = vector.shape_cast %get3A_623 : vector<16xf32> to vector<16xf32>
      %add3A_625 = arith.addf %add3A_619, %get3A_624 : vector<16xf32>
      %add3A_626 = arith.constant 8576 : i32
      %add3A_627 = arith.addi %add3A_626, %mul3A_223 : i32
      %get3A_628 = arith.index_cast %add3A_627 : i32 to index
      %get3A_629 = tpu.vector_load %arg9[%get3A_628] {strides = array<i32>} : memref<12800xf32, #tpu.memory_space<vmem>>, vector<16xf32>,
      %get3A_630 = vector.shape_cast %get3A_629 : vector<16xf32> to vector<16xf32>
      %add3A_631 = arith.addf %add3A_625, %get3A_630 : vector<16xf32>
      %add3A_632 = arith.constant 8704 : i32
      %add3A_633 = arith.addi %add3A_632, %mul3A_223 : i32
      %get3A_634 = arith.index_cast %add3A_633 : i32 to index
      %get3A_635 = tpu.vector_load %arg9[%get3A_634] {strides = array<i32>} : memref<12800xf32, #tpu.memory_space<vmem>>, vector<16xf32>,
      %get3A_636 = vector.shape_cast %get3A_635 : vector<16xf32> to vector<16xf32>
      %add3A_637 = arith.addf %add3A_631, %get3A_636 : vector<16xf32>
      %add3A_638 = arith.constant 8832 : i32
      %add3A_639 = arith.addi %add3A_638, %mul3A_223 : i32
      %get3A_640 = arith.index_cast %add3A_639 : i32 to index
      %get3A_641 = tpu.vector_load %arg9[%get3A_640] {strides = array<i32>} : memref<12800xf32, #tpu.memory_space<vmem>>, vector<16xf32>,
      %get3A_642 = vector.shape_cast %get3A_641 : vector<16xf32> to vector<16xf32>
      %add3A_643 = arith.addf %add3A_637, %get3A_642 : vector<16xf32>
      %add3A_644 = arith.constant 8960 : i32
      %add3A_645 = arith.addi %add3A_644, %mul3A_223 : i32
      %get3A_646 = arith.index_cast %add3A_645 : i32 to index
      %get3A_647 = tpu.vector_load %arg9[%get3A_646] {strides = array<i32>} : memref<12800xf32, #tpu.memory_space<vmem>>, vector<16xf32>,
      %get3A_648 = vector.shape_cast %get3A_647 : vector<16xf32> to vector<16xf32>
      %add3A_649 = arith.addf %add3A_643, %get3A_648 : vector<16xf32>
      %add3A_650 = arith.constant 9088 : i32
      %add3A_651 = arith.addi %add3A_650, %mul3A_223 : i32
      %get3A_652 = arith.index_cast %add3A_651 : i32 to index
      %get3A_653 = tpu.vector_load %arg9[%get3A_652] {strides = array<i32>} : memref<12800xf32, #tpu.memory_space<vmem>>, vector<16xf32>,
      %get3A_654 = vector.shape_cast %get3A_653 : vector<16xf32> to vector<16xf32>
      %add3A_655 = arith.addf %add3A_649, %get3A_654 : vector<16xf32>
      %add3A_656 = arith.constant 9216 : i32
      %add3A_657 = arith.addi %add3A_656, %mul3A_223 : i32
      %get3A_658 = arith.index_cast %add3A_657 : i32 to index
      %get3A_659 = tpu.vector_load %arg9[%get3A_658] {strides = array<i32>} : memref<12800xf32, #tpu.memory_space<vmem>>, vector<16xf32>,
      %get3A_660 = vector.shape_cast %get3A_659 : vector<16xf32> to vector<16xf32>
      %add3A_661 = arith.addf %add3A_655, %get3A_660 : vector<16xf32>
      %add3A_662 = arith.constant 9344 : i32
      %add3A_663 = arith.addi %add3A_662, %mul3A_223 : i32
      %get3A_664 = arith.index_cast %add3A_663 : i32 to index
      %get3A_665 = tpu.vector_load %arg9[%get3A_664] {strides = array<i32>} : memref<12800xf32, #tpu.memory_space<vmem>>, vector<16xf32>,
      %get3A_666 = vector.shape_cast %get3A_665 : vector<16xf32> to vector<16xf32>
      %add3A_667 = arith.addf %add3A_661, %get3A_666 : vector<16xf32>
      %add3A_668 = arith.constant 9472 : i32
      %add3A_669 = arith.addi %add3A_668, %mul3A_223 : i32
      %get3A_670 = arith.index_cast %add3A_669 : i32 to index
      %get3A_671 = tpu.vector_load %arg9[%get3A_670] {strides = array<i32>} : memref<12800xf32, #tpu.memory_space<vmem>>, vector<16xf32>,
      %get3A_672 = vector.shape_cast %get3A_671 : vector<16xf32> to vector<16xf32>
      %add3A_673 = arith.addf %add3A_667, %get3A_672 : vector<16xf32>
      %add3A_674 = arith.constant 9600 : i32
      %add3A_675 = arith.addi %add3A_674, %mul3A_223 : i32
      %get3A_676 = arith.index_cast %add3A_675 : i32 to index
      %get3A_677 = tpu.vector_load %arg9[%get3A_676] {strides = array<i32>} : memref<12800xf32, #tpu.memory_space<vmem>>, vector<16xf32>,
      %get3A_678 = vector.shape_cast %get3A_677 : vector<16xf32> to vector<16xf32>
      %add3A_679 = arith.addf %add3A_673, %get3A_678 : vector<16xf32>
      %add3A_680 = arith.constant 9728 : i32
      %add3A_681 = arith.addi %add3A_680, %mul3A_223 : i32
      %get3A_682 = arith.index_cast %add3A_681 : i32 to index
      %get3A_683 = tpu.vector_load %arg9[%get3A_682] {strides = array<i32>} : memref<12800xf32, #tpu.memory_space<vmem>>, vector<16xf32>,
      %get3A_684 = vector.shape_cast %get3A_683 : vector<16xf32> to vector<16xf32>
      %add3A_685 = arith.addf %add3A_679, %get3A_684 : vector<16xf32>
      %add3A_686 = arith.constant 9856 : i32
      %add3A_687 = arith.addi %add3A_686, %mul3A_223 : i32
      %get3A_688 = arith.index_cast %add3A_687 : i32 to index
      %get3A_689 = tpu.vector_load %arg9[%get3A_688] {strides = array<i32>} : memref<12800xf32, #tpu.memory_space<vmem>>, vector<16xf32>,
      %get3A_690 = vector.shape_cast %get3A_689 : vector<16xf32> to vector<16xf32>
      %add3A_691 = arith.addf %add3A_685, %get3A_690 : vector<16xf32>
      %add3A_692 = arith.constant 9984 : i32
      %add3A_693 = arith.addi %add3A_692, %mul3A_223 : i32
      %get3A_694 = arith.index_cast %add3A_693 : i32 to index
      %get3A_695 = tpu.vector_load %arg9[%get3A_694] {strides = array<i32>} : memref<12800xf32, #tpu.memory_space<vmem>>, vector<16xf32>,
      %get3A_696 = vector.shape_cast %get3A_695 : vector<16xf32> to vector<16xf32>
      %add3A_697 = arith.addf %add3A_691, %get3A_696 : vector<16xf32>
      %add3A_698 = arith.constant 10112 : i32
      %add3A_699 = arith.addi %add3A_698, %mul3A_223 : i32
      %get3A_700 = arith.index_cast %add3A_699 : i32 to index
      %get3A_701 = tpu.vector_load %arg9[%get3A_700] {strides = array<i32>} : memref<12800xf32, #tpu.memory_space<vmem>>, vector<16xf32>,
      %get3A_702 = vector.shape_cast %get3A_701 : vector<16xf32> to vector<16xf32>
      %add3A_703 = arith.addf %add3A_697, %get3A_702 : vector<16xf32>
      %add3A_704 = arith.constant 10240 : i32
      %add3A_705 = arith.addi %add3A_704, %mul3A_223 : i32
      %get3A_706 = arith.index_cast %add3A_705 : i32 to index
      %get3A_707 = tpu.vector_load %arg9[%get3A_706] {strides = array<i32>} : memref<12800xf32, #tpu.memory_space<vmem>>, vector<16xf32>,
      %get3A_708 = vector.shape_cast %get3A_707 : vector<16xf32> to vector<16xf32>
      %add3A_709 = arith.addf %add3A_703, %get3A_708 : vector<16xf32>
      %add3A_710 = arith.constant 10368 : i32
      %add3A_711 = arith.addi %add3A_710, %mul3A_223 : i32
      %get3A_712 = arith.index_cast %add3A_711 : i32 to index
      %get3A_713 = tpu.vector_load %arg9[%get3A_712] {strides = array<i32>} : memref<12800xf32, #tpu.memory_space<vmem>>, vector<16xf32>,
      %get3A_714 = vector.shape_cast %get3A_713 : vector<16xf32> to vector<16xf32>
      %add3A_715 = arith.addf %add3A_709, %get3A_714 : vector<16xf32>
      %add3A_716 = arith.constant 10496 : i32
      %add3A_717 = arith.addi %add3A_716, %mul3A_223 : i32
      %get3A_718 = arith.index_cast %add3A_717 : i32 to index
      %get3A_719 = tpu.vector_load %arg9[%get3A_718] {strides = array<i32>} : memref<12800xf32, #tpu.memory_space<vmem>>, vector<16xf32>,
      %get3A_720 = vector.shape_cast %get3A_719 : vector<16xf32> to vector<16xf32>
      %add3A_721 = arith.addf %add3A_715, %get3A_720 : vector<16xf32>
      %add3A_722 = arith.constant 10624 : i32
      %add3A_723 = arith.addi %add3A_722, %mul3A_223 : i32
      %get3A_724 = arith.index_cast %add3A_723 : i32 to index
      %get3A_725 = tpu.vector_load %arg9[%get3A_724] {strides = array<i32>} : memref<12800xf32, #tpu.memory_space<vmem>>, vector<16xf32>,
      %get3A_726 = vector.shape_cast %get3A_725 : vector<16xf32> to vector<16xf32>
      %add3A_727 = arith.addf %add3A_721, %get3A_726 : vector<16xf32>
      %add3A_728 = arith.constant 10752 : i32
      %add3A_729 = arith.addi %add3A_728, %mul3A_223 : i32
      %get3A_730 = arith.index_cast %add3A_729 : i32 to index
      %get3A_731 = tpu.vector_load %arg9[%get3A_730] {strides = array<i32>} : memref<12800xf32, #tpu.memory_space<vmem>>, vector<16xf32>,
      %get3A_732 = vector.shape_cast %get3A_731 : vector<16xf32> to vector<16xf32>
      %add3A_733 = arith.addf %add3A_727, %get3A_732 : vector<16xf32>
      %add3A_734 = arith.constant 10880 : i32
      %add3A_735 = arith.addi %add3A_734, %mul3A_223 : i32
      %get3A_736 = arith.index_cast %add3A_735 : i32 to index
      %get3A_737 = tpu.vector_load %arg9[%get3A_736] {strides = array<i32>} : memref<12800xf32, #tpu.memory_space<vmem>>, vector<16xf32>,
      %get3A_738 = vector.shape_cast %get3A_737 : vector<16xf32> to vector<16xf32>
      %add3A_739 = arith.addf %add3A_733, %get3A_738 : vector<16xf32>
      %add3A_740 = arith.constant 11008 : i32
      %add3A_741 = arith.addi %add3A_740, %mul3A_223 : i32
      %get3A_742 = arith.index_cast %add3A_741 : i32 to index
      %get3A_743 = tpu.vector_load %arg9[%get3A_742] {strides = array<i32>} : memref<12800xf32, #tpu.memory_space<vmem>>, vector<16xf32>,
      %get3A_744 = vector.shape_cast %get3A_743 : vector<16xf32> to vector<16xf32>
      %add3A_745 = arith.addf %add3A_739, %get3A_744 : vector<16xf32>
      %add3A_746 = arith.constant 11136 : i32
      %add3A_747 = arith.addi %add3A_746, %mul3A_223 : i32
      %get3A_748 = arith.index_cast %add3A_747 : i32 to index
      %get3A_749 = tpu.vector_load %arg9[%get3A_748] {strides = array<i32>} : memref<12800xf32, #tpu.memory_space<vmem>>, vector<16xf32>,
      %get3A_750 = vector.shape_cast %get3A_749 : vector<16xf32> to vector<16xf32>
      %add3A_751 = arith.addf %add3A_745, %get3A_750 : vector<16xf32>
      %add3A_752 = arith.constant 11264 : i32
      %add3A_753 = arith.addi %add3A_752, %mul3A_223 : i32
      %get3A_754 = arith.index_cast %add3A_753 : i32 to index
      %get3A_755 = tpu.vector_load %arg9[%get3A_754] {strides = array<i32>} : memref<12800xf32, #tpu.memory_space<vmem>>, vector<16xf32>,
      %get3A_756 = vector.shape_cast %get3A_755 : vector<16xf32> to vector<16xf32>
      %add3A_757 = arith.addf %add3A_751, %get3A_756 : vector<16xf32>
      %add3A_758 = arith.constant 11392 : i32
      %add3A_759 = arith.addi %add3A_758, %mul3A_223 : i32
      %get3A_760 = arith.index_cast %add3A_759 : i32 to index
      %get3A_761 = tpu.vector_load %arg9[%get3A_760] {strides = array<i32>} : memref<12800xf32, #tpu.memory_space<vmem>>, vector<16xf32>,
      %get3A_762 = vector.shape_cast %get3A_761 : vector<16xf32> to vector<16xf32>
      %add3A_763 = arith.addf %add3A_757, %get3A_762 : vector<16xf32>
      %add3A_764 = arith.constant 11520 : i32
      %add3A_765 = arith.addi %add3A_764, %mul3A_223 : i32
      %get3A_766 = arith.index_cast %add3A_765 : i32 to index
      %get3A_767 = tpu.vector_load %arg9[%get3A_766] {strides = array<i32>} : memref<12800xf32, #tpu.memory_space<vmem>>, vector<16xf32>,
      %get3A_768 = vector.shape_cast %get3A_767 : vector<16xf32> to vector<16xf32>
      %add3A_769 = arith.addf %add3A_763, %get3A_768 : vector<16xf32>
      %add3A_770 = arith.constant 11648 : i32
      %add3A_771 = arith.addi %add3A_770, %mul3A_223 : i32
      %get3A_772 = arith.index_cast %add3A_771 : i32 to index
      %get3A_773 = tpu.vector_load %arg9[%get3A_772] {strides = array<i32>} : memref<12800xf32, #tpu.memory_space<vmem>>, vector<16xf32>,
      %get3A_774 = vector.shape_cast %get3A_773 : vector<16xf32> to vector<16xf32>
      %add3A_775 = arith.addf %add3A_769, %get3A_774 : vector<16xf32>
      %add3A_776 = arith.constant 11776 : i32
      %add3A_777 = arith.addi %add3A_776, %mul3A_223 : i32
      %get3A_778 = arith.index_cast %add3A_777 : i32 to index
      %get3A_779 = tpu.vector_load %arg9[%get3A_778] {strides = array<i32>} : memref<12800xf32, #tpu.memory_space<vmem>>, vector<16xf32>,
      %get3A_780 = vector.shape_cast %get3A_779 : vector<16xf32> to vector<16xf32>
      %add3A_781 = arith.addf %add3A_775, %get3A_780 : vector<16xf32>
      %add3A_782 = arith.constant 11904 : i32
      %add3A_783 = arith.addi %add3A_782, %mul3A_223 : i32
      %get3A_784 = arith.index_cast %add3A_783 : i32 to index
      %get3A_785 = tpu.vector_load %arg9[%get3A_784] {strides = array<i32>} : memref<12800xf32, #tpu.memory_space<vmem>>, vector<16xf32>,
      %get3A_786 = vector.shape_cast %get3A_785 : vector<16xf32> to vector<16xf32>
      %add3A_787 = arith.addf %add3A_781, %get3A_786 : vector<16xf32>
      %add3A_788 = arith.constant 12032 : i32
      %add3A_789 = arith.addi %add3A_788, %mul3A_223 : i32
      %get3A_790 = arith.index_cast %add3A_789 : i32 to index
      %get3A_791 = tpu.vector_load %arg9[%get3A_790] {strides = array<i32>} : memref<12800xf32, #tpu.memory_space<vmem>>, vector<16xf32>,
      %get3A_792 = vector.shape_cast %get3A_791 : vector<16xf32> to vector<16xf32>
      %add3A_793 = arith.addf %add3A_787, %get3A_792 : vector<16xf32>
      %add3A_794 = arith.constant 12160 : i32
      %add3A_795 = arith.addi %add3A_794, %mul3A_223 : i32
      %get3A_796 = arith.index_cast %add3A_795 : i32 to index
      %get3A_797 = tpu.vector_load %arg9[%get3A_796] {strides = array<i32>} : memref<12800xf32, #tpu.memory_space<vmem>>, vector<16xf32>,
      %get3A_798 = vector.shape_cast %get3A_797 : vector<16xf32> to vector<16xf32>
      %add3A_799 = arith.addf %add3A_793, %get3A_798 : vector<16xf32>
      %add3A_800 = arith.constant 12288 : i32
      %add3A_801 = arith.addi %add3A_800, %mul3A_223 : i32
      %get3A_802 = arith.index_cast %add3A_801 : i32 to index
      %get3A_803 = tpu.vector_load %arg9[%get3A_802] {strides = array<i32>} : memref<12800xf32, #tpu.memory_space<vmem>>, vector<16xf32>,
      %get3A_804 = vector.shape_cast %get3A_803 : vector<16xf32> to vector<16xf32>
      %add3A_805 = arith.addf %add3A_799, %get3A_804 : vector<16xf32>
      %add3A_806 = arith.constant 12416 : i32
      %add3A_807 = arith.addi %add3A_806, %mul3A_223 : i32
      %get3A_808 = arith.index_cast %add3A_807 : i32 to index
      %get3A_809 = tpu.vector_load %arg9[%get3A_808] {strides = array<i32>} : memref<12800xf32, #tpu.memory_space<vmem>>, vector<16xf32>,
      %get3A_810 = vector.shape_cast %get3A_809 : vector<16xf32> to vector<16xf32>
      %add3A_811 = arith.addf %add3A_805, %get3A_810 : vector<16xf32>
      %add3A_812 = arith.constant 12544 : i32
      %add3A_813 = arith.addi %add3A_812, %mul3A_223 : i32
      %get3A_814 = arith.index_cast %add3A_813 : i32 to index
      %get3A_815 = tpu.vector_load %arg9[%get3A_814] {strides = array<i32>} : memref<12800xf32, #tpu.memory_space<vmem>>, vector<16xf32>,
      %get3A_816 = vector.shape_cast %get3A_815 : vector<16xf32> to vector<16xf32>
      %add3A_817 = arith.addf %add3A_811, %get3A_816 : vector<16xf32>
      %add3A_818 = arith.constant 12672 : i32
      %add3A_819 = arith.addi %add3A_818, %mul3A_223 : i32
      %get3A_820 = arith.index_cast %add3A_819 : i32 to index
      %get3A_821 = tpu.vector_load %arg9[%get3A_820] {strides = array<i32>} : memref<12800xf32, #tpu.memory_space<vmem>>, vector<16xf32>,
      %get3A_822 = vector.shape_cast %get3A_821 : vector<16xf32> to vector<16xf32>
      %add3A_823 = arith.addf %add3A_817, %get3A_822 : vector<16xf32>
      %add3A_824 = arith.constant 0 : i32
      %add3A_825 = arith.addi %add3A_824, %mul3A_223 : i32
      %swap3A = arith.index_cast %add3A_825 : i32 to index
      %swap3A_826 = tpu.vector_load %arg11[%swap3A] {strides = array<i32>} : memref<512xf32, #tpu.memory_space<vmem>>, vector<16xf32>,
      %swap3A_827 = vector.shape_cast %swap3A_826 : vector<16xf32> to vector<16xf32>
      %swap3A_828 = vector.shape_cast %add3A_823 : vector<16xf32> to vector<16xf32>
      tpu.vector_store %arg11[%swap3A], %swap3A_828 {strides = array<i32>} : memref<512xf32, #tpu.memory_space<vmem>>, vector<16xf32>,
      %scan3A_829 = arith.constant 0 : i32
      scf.yield %scan3A_829 : i32
    }
    %scan3A_90 = arith.constant 8 : i32
    %scan3A_91 = arith.constant 0 : i32
    %scan3A_92 = arith.constant 0 : i32
    %scan3A_93 = arith.constant 100 : i32
    %scan3A_94 = arith.addi %scan3A_92, %scan3A_93 : i32
    %scan3A_95 = arith.constant 1 : i32
    %scan3A_96 = scf.for %scan3A_220 = %scan3A_92 to %scan3A_94 step %scan3A_95 iter_args(%scan3A_221 = %scan3A_91) -> (i32)  : i32 {
      %add3A_222 = arith.constant 256 : i32
      %add3A_223 = arith.addi %mul3A_2, %add3A_222 : i32
      %mul3A_224 = arith.constant 128 : i32
      %mul3A_225 = arith.muli %scan3A_220, %mul3A_224 : i32
      %dma_start3A_226 = tpu.memref_slice %arg7[%mul3A_225] : memref<12800xi32, #tpu.memory_space<vmem>> -> memref<128xi32, #tpu.memory_space<vmem>>
      %dma_start3A_227 = tpu.memref_slice %arg2[%scan3A_220, %add3A_223] : memref<100x16384xi32, #tpu.memory_space<hbm>> -> memref<1x128xi32, #tpu.memory_space<hbm>>
      %dma_start3A_228 = tpu.memref_squeeze %dma_start3A_227 : memref<1x128xi32, #tpu.memory_space<hbm>> -> memref<128xi32, #tpu.memory_space<hbm>>
      %dma_start3A_229 = tpu.memref_slice %arg7[%mul3A_225] : memref<12800xi32, #tpu.memory_space<vmem>> -> memref<128xi32, #tpu.memory_space<vmem>>
      %dma_start3A_230 = tpu.memref_slice %arg2[%scan3A_220, %add3A_223] : memref<100x16384xi32, #tpu.memory_space<hbm>> -> memref<1x128xi32, #tpu.memory_space<hbm>>
      %dma_start3A_231 = tpu.memref_squeeze %dma_start3A_230 : memref<1x128xi32, #tpu.memory_space<hbm>> -> memref<128xi32, #tpu.memory_space<hbm>>
      tpu.enqueue_dma source(%dma_start3A_231 : memref<128xi32, #tpu.memory_space<hbm>>) target(%dma_start3A_229 : memref<128xi32, #tpu.memory_space<vmem>>) target_semaphore(%arg17 : memref<!tpu.dma_semaphore, #tpu.memory_space<semaphore_mem>>)
      %scan3A_232 = arith.constant 0 : i32
      scf.yield %scan3A_232 : i32
    }
    %scan3A_97 = arith.constant 100 : i32
    %dma_wait3A_98 = arith.constant 0 : i32
    %dma_wait3A_99 = arith.constant 0 : i32
    %dma_wait3A_100 = tpu.memref_slice %arg10[%dma_wait3A_99] : memref<12800xf32, #tpu.memory_space<vmem>> -> memref<1536xf32, #tpu.memory_space<vmem>>
    %dma_wait3A_101 = arith.constant 0 : i32
    %dma_wait3A_102 = tpu.memref_slice %arg8[%dma_wait3A_101] : memref<12800xi32, #tpu.memory_space<vmem>> -> memref<1536xi32, #tpu.memory_space<vmem>>
    %dma_wait3A_103 = arith.constant 0 : i32
    %dma_wait3A_104 = tpu.memref_slice %arg3[%dma_wait3A_98, %dma_wait3A_103] : memref<1x1000001xf32, #tpu.memory_space<hbm>> -> memref<1x1000001xf32, #tpu.memory_space<hbm>>
    %dma_wait3A_105 = tpu.memref_squeeze %dma_wait3A_104 : memref<1x1000001xf32, #tpu.memory_space<hbm>> -> memref<1000001xf32, #tpu.memory_space<hbm>>
    %dma_wait3A_106 = arith.constant 0 : i32
    %dma_wait3A_107 = tpu.memref_slice %dma_wait3A_105[%dma_wait3A_106] : memref<1000001xf32, #tpu.memory_space<hbm>> -> memref<1000001xf32, #tpu.memory_space<hbm>>
    tpu.wait_indirect_dma semaphore(%arg18 : memref<!tpu.dma_semaphore, #tpu.memory_space<semaphore_mem>>) src(%dma_wait3A_107 : memref<1000001xf32, #tpu.memory_space<hbm>>) dst(%dma_wait3A_100 : memref<1536xf32, #tpu.memory_space<vmem>>)
    %dma_wait3A_108 = arith.constant 1536 : i32
    %dma_wait3A_109 = tpu.memref_slice %arg10[%dma_wait3A_108] : memref<12800xf32, #tpu.memory_space<vmem>> -> memref<11264xf32, #tpu.memory_space<vmem>>
    %dma_wait3A_110 = arith.constant 1536 : i32
    %dma_wait3A_111 = tpu.memref_slice %arg8[%dma_wait3A_110] : memref<12800xi32, #tpu.memory_space<vmem>> -> memref<11264xi32, #tpu.memory_space<vmem>>
    %dma_wait3A_112 = arith.constant 0 : i32
    %dma_wait3A_113 = tpu.memref_slice %arg15[%dma_wait3A_112] : memref<1000448xf32, #tpu.memory_space<vmem_shared>> -> memref<1000448xf32, #tpu.memory_space<vmem_shared>>
    tpu.wait_indirect_dma semaphore(%arg16 : memref<!tpu.dma_semaphore, #tpu.memory_space<semaphore_mem>>) src(%dma_wait3A_113 : memref<1000448xf32, #tpu.memory_space<vmem_shared>>) dst(%dma_wait3A_109 : memref<11264xf32, #tpu.memory_space<vmem>>)
    %scan3A_114 = arith.constant 0 : i32
    %scan3A_115 = arith.constant 0 : i32
    %scan3A_116 = arith.constant 100 : i32
    %scan3A_117 = arith.addi %scan3A_115, %scan3A_116 : i32
    %scan3A_118 = arith.constant 1 : i32
    %scan3A_119 = scf.for %scan3A_220 = %scan3A_115 to %scan3A_117 step %scan3A_118 iter_args(%scan3A_221 = %scan3A_114) -> (i32)  : i32 {
      %add3A_222 = arith.constant 256 : i32
      %add3A_223 = arith.addi %mul3A_2, %add3A_222 : i32
      %mul3A_224 = arith.constant 128 : i32
      %mul3A_225 = arith.muli %scan3A_220, %mul3A_224 : i32
      %dma_wait3A_226 = tpu.memref_slice %arg7[%mul3A_225] : memref<12800xi32, #tpu.memory_space<vmem>> -> memref<128xi32, #tpu.memory_space<vmem>>
      %dma_wait3A_227 = tpu.memref_slice %arg2[%scan3A_220, %add3A_223] : memref<100x16384xi32, #tpu.memory_space<hbm>> -> memref<1x128xi32, #tpu.memory_space<hbm>>
      %dma_wait3A_228 = tpu.memref_squeeze %dma_wait3A_227 : memref<1x128xi32, #tpu.memory_space<hbm>> -> memref<128xi32, #tpu.memory_space<hbm>>
      %dma_wait3A_229 = tpu.memref_slice %arg7[%mul3A_225] : memref<12800xi32, #tpu.memory_space<vmem>> -> memref<128xi32, #tpu.memory_space<vmem>>
      %dma_wait3A_230 = tpu.memref_slice %arg2[%scan3A_220, %add3A_223] : memref<100x16384xi32, #tpu.memory_space<hbm>> -> memref<1x128xi32, #tpu.memory_space<hbm>>
      %dma_wait3A_231 = tpu.memref_squeeze %dma_wait3A_230 : memref<1x128xi32, #tpu.memory_space<hbm>> -> memref<128xi32, #tpu.memory_space<hbm>>
      tpu.wait_dma2 semaphore(%arg17 : memref<!tpu.dma_semaphore, #tpu.memory_space<semaphore_mem>>) src(%dma_wait3A_231 : memref<128xi32, #tpu.memory_space<hbm>>) dst(%dma_wait3A_229 : memref<128xi32, #tpu.memory_space<vmem>>)
      %scan3A_232 = arith.constant 0 : i32
      scf.yield %scan3A_232 : i32
    }
    %scan3A_120 = arith.constant 100 : i32
    %dma_start3A_121 = arith.constant 0 : i32
    %dma_start3A_122 = arith.constant 0 : i32
    %dma_start3A_123 = tpu.memref_slice %arg9[%dma_start3A_122] : memref<12800xf32, #tpu.memory_space<vmem>> -> memref<1536xf32, #tpu.memory_space<vmem>>
    %dma_start3A_124 = arith.constant 0 : i32
    %dma_start3A_125 = tpu.memref_slice %arg7[%dma_start3A_124] : memref<12800xi32, #tpu.memory_space<vmem>> -> memref<1536xi32, #tpu.memory_space<vmem>>
    %dma_start3A_126 = arith.constant 0 : i32
    %dma_start3A_127 = tpu.memref_slice %arg3[%dma_start3A_121, %dma_start3A_126] : memref<1x1000001xf32, #tpu.memory_space<hbm>> -> memref<1x1000001xf32, #tpu.memory_space<hbm>>
    %dma_start3A_128 = tpu.memref_squeeze %dma_start3A_127 : memref<1x1000001xf32, #tpu.memory_space<hbm>> -> memref<1000001xf32, #tpu.memory_space<hbm>>
    %dma_start3A_129 = arith.constant 0 : i32
    %dma_start3A_130 = tpu.memref_slice %dma_start3A_128[%dma_start3A_129] : memref<1000001xf32, #tpu.memory_space<hbm>> -> memref<1000001xf32, #tpu.memory_space<hbm>>
    tpu.enqueue_indirect_dma source(%dma_start3A_130 : memref<1000001xf32, #tpu.memory_space<hbm>>) target(%dma_start3A_123 : memref<1536xf32, #tpu.memory_space<vmem>>) offsets(%dma_start3A_125 : memref<1536xi32, #tpu.memory_space<vmem>>) semaphore(%arg18 : memref<!tpu.dma_semaphore, #tpu.memory_space<semaphore_mem>>)
    %dma_start3A_131 = arith.constant 1536 : i32
    %dma_start3A_132 = tpu.memref_slice %arg9[%dma_start3A_131] : memref<12800xf32, #tpu.memory_space<vmem>> -> memref<11264xf32, #tpu.memory_space<vmem>>
    %dma_start3A_133 = arith.constant 1536 : i32
    %dma_start3A_134 = tpu.memref_slice %arg7[%dma_start3A_133] : memref<12800xi32, #tpu.memory_space<vmem>> -> memref<11264xi32, #tpu.memory_space<vmem>>
    %dma_start3A_135 = arith.constant 0 : i32
    %dma_start3A_136 = tpu.memref_slice %arg15[%dma_start3A_135] : memref<1000448xf32, #tpu.memory_space<vmem_shared>> -> memref<1000448xf32, #tpu.memory_space<vmem_shared>>
    tpu.enqueue_indirect_dma source(%dma_start3A_136 : memref<1000448xf32, #tpu.memory_space<vmem_shared>>) target(%dma_start3A_132 : memref<11264xf32, #tpu.memory_space<vmem>>) offsets(%dma_start3A_134 : memref<11264xi32, #tpu.memory_space<vmem>>) semaphore(%arg16 : memref<!tpu.dma_semaphore, #tpu.memory_space<semaphore_mem>>)
    %scan3A_137 = arith.constant 0 : i32
    %scan3A_138 = arith.constant 0 : i32
    %scan3A_139 = arith.constant 8 : i32
    %scan3A_140 = arith.addi %scan3A_138, %scan3A_139 : i32
    %scan3A_141 = arith.constant 1 : i32
    %scan3A_142 = scf.for %scan3A_220 = %scan3A_138 to %scan3A_140 step %scan3A_141 iter_args(%scan3A_221 = %scan3A_137) -> (i32)  : i32 {
      %mul3A_222 = arith.constant 16 : i32
      %mul3A_223 = arith.muli %scan3A_220, %mul3A_222 : i32
      %add3A_224 = arith.constant 0 : i32
      %add3A_225 = arith.addi %add3A_224, %mul3A_223 : i32
      %get3A_226 = arith.index_cast %add3A_225 : i32 to index
      %get3A_227 = tpu.vector_load %arg10[%get3A_226] {strides = array<i32>} : memref<12800xf32, #tpu.memory_space<vmem>>, vector<16xf32>,
      %get3A_228 = vector.shape_cast %get3A_227 : vector<16xf32> to vector<16xf32>
      %add3A_229 = arith.addf %get3A_23, %get3A_228 : vector<16xf32>
      %add3A_230 = arith.constant 128 : i32
      %add3A_231 = arith.addi %add3A_230, %mul3A_223 : i32
      %get3A_232 = arith.index_cast %add3A_231 : i32 to index
      %get3A_233 = tpu.vector_load %arg10[%get3A_232] {strides = array<i32>} : memref<12800xf32, #tpu.memory_space<vmem>>, vector<16xf32>,
      %get3A_234 = vector.shape_cast %get3A_233 : vector<16xf32> to vector<16xf32>
      %add3A_235 = arith.addf %add3A_229, %get3A_234 : vector<16xf32>
      %add3A_236 = arith.constant 256 : i32
      %add3A_237 = arith.addi %add3A_236, %mul3A_223 : i32
      %get3A_238 = arith.index_cast %add3A_237 : i32 to index
      %get3A_239 = tpu.vector_load %arg10[%get3A_238] {strides = array<i32>} : memref<12800xf32, #tpu.memory_space<vmem>>, vector<16xf32>,
      %get3A_240 = vector.shape_cast %get3A_239 : vector<16xf32> to vector<16xf32>
      %add3A_241 = arith.addf %add3A_235, %get3A_240 : vector<16xf32>
      %add3A_242 = arith.constant 384 : i32
      %add3A_243 = arith.addi %add3A_242, %mul3A_223 : i32
      %get3A_244 = arith.index_cast %add3A_243 : i32 to index
      %get3A_245 = tpu.vector_load %arg10[%get3A_244] {strides = array<i32>} : memref<12800xf32, #tpu.memory_space<vmem>>, vector<16xf32>,
      %get3A_246 = vector.shape_cast %get3A_245 : vector<16xf32> to vector<16xf32>
      %add3A_247 = arith.addf %add3A_241, %get3A_246 : vector<16xf32>
      %add3A_248 = arith.constant 512 : i32
      %add3A_249 = arith.addi %add3A_248, %mul3A_223 : i32
      %get3A_250 = arith.index_cast %add3A_249 : i32 to index
      %get3A_251 = tpu.vector_load %arg10[%get3A_250] {strides = array<i32>} : memref<12800xf32, #tpu.memory_space<vmem>>, vector<16xf32>,
      %get3A_252 = vector.shape_cast %get3A_251 : vector<16xf32> to vector<16xf32>
      %add3A_253 = arith.addf %add3A_247, %get3A_252 : vector<16xf32>
      %add3A_254 = arith.constant 640 : i32
      %add3A_255 = arith.addi %add3A_254, %mul3A_223 : i32
      %get3A_256 = arith.index_cast %add3A_255 : i32 to index
      %get3A_257 = tpu.vector_load %arg10[%get3A_256] {strides = array<i32>} : memref<12800xf32, #tpu.memory_space<vmem>>, vector<16xf32>,
      %get3A_258 = vector.shape_cast %get3A_257 : vector<16xf32> to vector<16xf32>
      %add3A_259 = arith.addf %add3A_253, %get3A_258 : vector<16xf32>
      %add3A_260 = arith.constant 768 : i32
      %add3A_261 = arith.addi %add3A_260, %mul3A_223 : i32
      %get3A_262 = arith.index_cast %add3A_261 : i32 to index
      %get3A_263 = tpu.vector_load %arg10[%get3A_262] {strides = array<i32>} : memref<12800xf32, #tpu.memory_space<vmem>>, vector<16xf32>,
      %get3A_264 = vector.shape_cast %get3A_263 : vector<16xf32> to vector<16xf32>
      %add3A_265 = arith.addf %add3A_259, %get3A_264 : vector<16xf32>
      %add3A_266 = arith.constant 896 : i32
      %add3A_267 = arith.addi %add3A_266, %mul3A_223 : i32
      %get3A_268 = arith.index_cast %add3A_267 : i32 to index
      %get3A_269 = tpu.vector_load %arg10[%get3A_268] {strides = array<i32>} : memref<12800xf32, #tpu.memory_space<vmem>>, vector<16xf32>,
      %get3A_270 = vector.shape_cast %get3A_269 : vector<16xf32> to vector<16xf32>
      %add3A_271 = arith.addf %add3A_265, %get3A_270 : vector<16xf32>
      %add3A_272 = arith.constant 1024 : i32
      %add3A_273 = arith.addi %add3A_272, %mul3A_223 : i32
      %get3A_274 = arith.index_cast %add3A_273 : i32 to index
      %get3A_275 = tpu.vector_load %arg10[%get3A_274] {strides = array<i32>} : memref<12800xf32, #tpu.memory_space<vmem>>, vector<16xf32>,
      %get3A_276 = vector.shape_cast %get3A_275 : vector<16xf32> to vector<16xf32>
      %add3A_277 = arith.addf %add3A_271, %get3A_276 : vector<16xf32>
      %add3A_278 = arith.constant 1152 : i32
      %add3A_279 = arith.addi %add3A_278, %mul3A_223 : i32
      %get3A_280 = arith.index_cast %add3A_279 : i32 to index
      %get3A_281 = tpu.vector_load %arg10[%get3A_280] {strides = array<i32>} : memref<12800xf32, #tpu.memory_space<vmem>>, vector<16xf32>,
      %get3A_282 = vector.shape_cast %get3A_281 : vector<16xf32> to vector<16xf32>
      %add3A_283 = arith.addf %add3A_277, %get3A_282 : vector<16xf32>
      %add3A_284 = arith.constant 1280 : i32
      %add3A_285 = arith.addi %add3A_284, %mul3A_223 : i32
      %get3A_286 = arith.index_cast %add3A_285 : i32 to index
      %get3A_287 = tpu.vector_load %arg10[%get3A_286] {strides = array<i32>} : memref<12800xf32, #tpu.memory_space<vmem>>, vector<16xf32>,
      %get3A_288 = vector.shape_cast %get3A_287 : vector<16xf32> to vector<16xf32>
      %add3A_289 = arith.addf %add3A_283, %get3A_288 : vector<16xf32>
      %add3A_290 = arith.constant 1408 : i32
      %add3A_291 = arith.addi %add3A_290, %mul3A_223 : i32
      %get3A_292 = arith.index_cast %add3A_291 : i32 to index
      %get3A_293 = tpu.vector_load %arg10[%get3A_292] {strides = array<i32>} : memref<12800xf32, #tpu.memory_space<vmem>>, vector<16xf32>,
      %get3A_294 = vector.shape_cast %get3A_293 : vector<16xf32> to vector<16xf32>
      %add3A_295 = arith.addf %add3A_289, %get3A_294 : vector<16xf32>
      %add3A_296 = arith.constant 1536 : i32
      %add3A_297 = arith.addi %add3A_296, %mul3A_223 : i32
      %get3A_298 = arith.index_cast %add3A_297 : i32 to index
      %get3A_299 = tpu.vector_load %arg10[%get3A_298] {strides = array<i32>} : memref<12800xf32, #tpu.memory_space<vmem>>, vector<16xf32>,
      %get3A_300 = vector.shape_cast %get3A_299 : vector<16xf32> to vector<16xf32>
      %add3A_301 = arith.addf %add3A_295, %get3A_300 : vector<16xf32>
      %add3A_302 = arith.constant 1664 : i32
      %add3A_303 = arith.addi %add3A_302, %mul3A_223 : i32
      %get3A_304 = arith.index_cast %add3A_303 : i32 to index
      %get3A_305 = tpu.vector_load %arg10[%get3A_304] {strides = array<i32>} : memref<12800xf32, #tpu.memory_space<vmem>>, vector<16xf32>,
      %get3A_306 = vector.shape_cast %get3A_305 : vector<16xf32> to vector<16xf32>
      %add3A_307 = arith.addf %add3A_301, %get3A_306 : vector<16xf32>
      %add3A_308 = arith.constant 1792 : i32
      %add3A_309 = arith.addi %add3A_308, %mul3A_223 : i32
      %get3A_310 = arith.index_cast %add3A_309 : i32 to index
      %get3A_311 = tpu.vector_load %arg10[%get3A_310] {strides = array<i32>} : memref<12800xf32, #tpu.memory_space<vmem>>, vector<16xf32>,
      %get3A_312 = vector.shape_cast %get3A_311 : vector<16xf32> to vector<16xf32>
      %add3A_313 = arith.addf %add3A_307, %get3A_312 : vector<16xf32>
      %add3A_314 = arith.constant 1920 : i32
      %add3A_315 = arith.addi %add3A_314, %mul3A_223 : i32
      %get3A_316 = arith.index_cast %add3A_315 : i32 to index
      %get3A_317 = tpu.vector_load %arg10[%get3A_316] {strides = array<i32>} : memref<12800xf32, #tpu.memory_space<vmem>>, vector<16xf32>,
      %get3A_318 = vector.shape_cast %get3A_317 : vector<16xf32> to vector<16xf32>
      %add3A_319 = arith.addf %add3A_313, %get3A_318 : vector<16xf32>
      %add3A_320 = arith.constant 2048 : i32
      %add3A_321 = arith.addi %add3A_320, %mul3A_223 : i32
      %get3A_322 = arith.index_cast %add3A_321 : i32 to index
      %get3A_323 = tpu.vector_load %arg10[%get3A_322] {strides = array<i32>} : memref<12800xf32, #tpu.memory_space<vmem>>, vector<16xf32>,
      %get3A_324 = vector.shape_cast %get3A_323 : vector<16xf32> to vector<16xf32>
      %add3A_325 = arith.addf %add3A_319, %get3A_324 : vector<16xf32>
      %add3A_326 = arith.constant 2176 : i32
      %add3A_327 = arith.addi %add3A_326, %mul3A_223 : i32
      %get3A_328 = arith.index_cast %add3A_327 : i32 to index
      %get3A_329 = tpu.vector_load %arg10[%get3A_328] {strides = array<i32>} : memref<12800xf32, #tpu.memory_space<vmem>>, vector<16xf32>,
      %get3A_330 = vector.shape_cast %get3A_329 : vector<16xf32> to vector<16xf32>
      %add3A_331 = arith.addf %add3A_325, %get3A_330 : vector<16xf32>
      %add3A_332 = arith.constant 2304 : i32
      %add3A_333 = arith.addi %add3A_332, %mul3A_223 : i32
      %get3A_334 = arith.index_cast %add3A_333 : i32 to index
      %get3A_335 = tpu.vector_load %arg10[%get3A_334] {strides = array<i32>} : memref<12800xf32, #tpu.memory_space<vmem>>, vector<16xf32>,
      %get3A_336 = vector.shape_cast %get3A_335 : vector<16xf32> to vector<16xf32>
      %add3A_337 = arith.addf %add3A_331, %get3A_336 : vector<16xf32>
      %add3A_338 = arith.constant 2432 : i32
      %add3A_339 = arith.addi %add3A_338, %mul3A_223 : i32
      %get3A_340 = arith.index_cast %add3A_339 : i32 to index
      %get3A_341 = tpu.vector_load %arg10[%get3A_340] {strides = array<i32>} : memref<12800xf32, #tpu.memory_space<vmem>>, vector<16xf32>,
      %get3A_342 = vector.shape_cast %get3A_341 : vector<16xf32> to vector<16xf32>
      %add3A_343 = arith.addf %add3A_337, %get3A_342 : vector<16xf32>
      %add3A_344 = arith.constant 2560 : i32
      %add3A_345 = arith.addi %add3A_344, %mul3A_223 : i32
      %get3A_346 = arith.index_cast %add3A_345 : i32 to index
      %get3A_347 = tpu.vector_load %arg10[%get3A_346] {strides = array<i32>} : memref<12800xf32, #tpu.memory_space<vmem>>, vector<16xf32>,
      %get3A_348 = vector.shape_cast %get3A_347 : vector<16xf32> to vector<16xf32>
      %add3A_349 = arith.addf %add3A_343, %get3A_348 : vector<16xf32>
      %add3A_350 = arith.constant 2688 : i32
      %add3A_351 = arith.addi %add3A_350, %mul3A_223 : i32
      %get3A_352 = arith.index_cast %add3A_351 : i32 to index
      %get3A_353 = tpu.vector_load %arg10[%get3A_352] {strides = array<i32>} : memref<12800xf32, #tpu.memory_space<vmem>>, vector<16xf32>,
      %get3A_354 = vector.shape_cast %get3A_353 : vector<16xf32> to vector<16xf32>
      %add3A_355 = arith.addf %add3A_349, %get3A_354 : vector<16xf32>
      %add3A_356 = arith.constant 2816 : i32
      %add3A_357 = arith.addi %add3A_356, %mul3A_223 : i32
      %get3A_358 = arith.index_cast %add3A_357 : i32 to index
      %get3A_359 = tpu.vector_load %arg10[%get3A_358] {strides = array<i32>} : memref<12800xf32, #tpu.memory_space<vmem>>, vector<16xf32>,
      %get3A_360 = vector.shape_cast %get3A_359 : vector<16xf32> to vector<16xf32>
      %add3A_361 = arith.addf %add3A_355, %get3A_360 : vector<16xf32>
      %add3A_362 = arith.constant 2944 : i32
      %add3A_363 = arith.addi %add3A_362, %mul3A_223 : i32
      %get3A_364 = arith.index_cast %add3A_363 : i32 to index
      %get3A_365 = tpu.vector_load %arg10[%get3A_364] {strides = array<i32>} : memref<12800xf32, #tpu.memory_space<vmem>>, vector<16xf32>,
      %get3A_366 = vector.shape_cast %get3A_365 : vector<16xf32> to vector<16xf32>
      %add3A_367 = arith.addf %add3A_361, %get3A_366 : vector<16xf32>
      %add3A_368 = arith.constant 3072 : i32
      %add3A_369 = arith.addi %add3A_368, %mul3A_223 : i32
      %get3A_370 = arith.index_cast %add3A_369 : i32 to index
      %get3A_371 = tpu.vector_load %arg10[%get3A_370] {strides = array<i32>} : memref<12800xf32, #tpu.memory_space<vmem>>, vector<16xf32>,
      %get3A_372 = vector.shape_cast %get3A_371 : vector<16xf32> to vector<16xf32>
      %add3A_373 = arith.addf %add3A_367, %get3A_372 : vector<16xf32>
      %add3A_374 = arith.constant 3200 : i32
      %add3A_375 = arith.addi %add3A_374, %mul3A_223 : i32
      %get3A_376 = arith.index_cast %add3A_375 : i32 to index
      %get3A_377 = tpu.vector_load %arg10[%get3A_376] {strides = array<i32>} : memref<12800xf32, #tpu.memory_space<vmem>>, vector<16xf32>,
      %get3A_378 = vector.shape_cast %get3A_377 : vector<16xf32> to vector<16xf32>
      %add3A_379 = arith.addf %add3A_373, %get3A_378 : vector<16xf32>
      %add3A_380 = arith.constant 3328 : i32
      %add3A_381 = arith.addi %add3A_380, %mul3A_223 : i32
      %get3A_382 = arith.index_cast %add3A_381 : i32 to index
      %get3A_383 = tpu.vector_load %arg10[%get3A_382] {strides = array<i32>} : memref<12800xf32, #tpu.memory_space<vmem>>, vector<16xf32>,
      %get3A_384 = vector.shape_cast %get3A_383 : vector<16xf32> to vector<16xf32>
      %add3A_385 = arith.addf %add3A_379, %get3A_384 : vector<16xf32>
      %add3A_386 = arith.constant 3456 : i32
      %add3A_387 = arith.addi %add3A_386, %mul3A_223 : i32
      %get3A_388 = arith.index_cast %add3A_387 : i32 to index
      %get3A_389 = tpu.vector_load %arg10[%get3A_388] {strides = array<i32>} : memref<12800xf32, #tpu.memory_space<vmem>>, vector<16xf32>,
      %get3A_390 = vector.shape_cast %get3A_389 : vector<16xf32> to vector<16xf32>
      %add3A_391 = arith.addf %add3A_385, %get3A_390 : vector<16xf32>
      %add3A_392 = arith.constant 3584 : i32
      %add3A_393 = arith.addi %add3A_392, %mul3A_223 : i32
      %get3A_394 = arith.index_cast %add3A_393 : i32 to index
      %get3A_395 = tpu.vector_load %arg10[%get3A_394] {strides = array<i32>} : memref<12800xf32, #tpu.memory_space<vmem>>, vector<16xf32>,
      %get3A_396 = vector.shape_cast %get3A_395 : vector<16xf32> to vector<16xf32>
      %add3A_397 = arith.addf %add3A_391, %get3A_396 : vector<16xf32>
      %add3A_398 = arith.constant 3712 : i32
      %add3A_399 = arith.addi %add3A_398, %mul3A_223 : i32
      %get3A_400 = arith.index_cast %add3A_399 : i32 to index
      %get3A_401 = tpu.vector_load %arg10[%get3A_400] {strides = array<i32>} : memref<12800xf32, #tpu.memory_space<vmem>>, vector<16xf32>,
      %get3A_402 = vector.shape_cast %get3A_401 : vector<16xf32> to vector<16xf32>
      %add3A_403 = arith.addf %add3A_397, %get3A_402 : vector<16xf32>
      %add3A_404 = arith.constant 3840 : i32
      %add3A_405 = arith.addi %add3A_404, %mul3A_223 : i32
      %get3A_406 = arith.index_cast %add3A_405 : i32 to index
      %get3A_407 = tpu.vector_load %arg10[%get3A_406] {strides = array<i32>} : memref<12800xf32, #tpu.memory_space<vmem>>, vector<16xf32>,
      %get3A_408 = vector.shape_cast %get3A_407 : vector<16xf32> to vector<16xf32>
      %add3A_409 = arith.addf %add3A_403, %get3A_408 : vector<16xf32>
      %add3A_410 = arith.constant 3968 : i32
      %add3A_411 = arith.addi %add3A_410, %mul3A_223 : i32
      %get3A_412 = arith.index_cast %add3A_411 : i32 to index
      %get3A_413 = tpu.vector_load %arg10[%get3A_412] {strides = array<i32>} : memref<12800xf32, #tpu.memory_space<vmem>>, vector<16xf32>,
      %get3A_414 = vector.shape_cast %get3A_413 : vector<16xf32> to vector<16xf32>
      %add3A_415 = arith.addf %add3A_409, %get3A_414 : vector<16xf32>
      %add3A_416 = arith.constant 4096 : i32
      %add3A_417 = arith.addi %add3A_416, %mul3A_223 : i32
      %get3A_418 = arith.index_cast %add3A_417 : i32 to index
      %get3A_419 = tpu.vector_load %arg10[%get3A_418] {strides = array<i32>} : memref<12800xf32, #tpu.memory_space<vmem>>, vector<16xf32>,
      %get3A_420 = vector.shape_cast %get3A_419 : vector<16xf32> to vector<16xf32>
      %add3A_421 = arith.addf %add3A_415, %get3A_420 : vector<16xf32>
      %add3A_422 = arith.constant 4224 : i32
      %add3A_423 = arith.addi %add3A_422, %mul3A_223 : i32
      %get3A_424 = arith.index_cast %add3A_423 : i32 to index
      %get3A_425 = tpu.vector_load %arg10[%get3A_424] {strides = array<i32>} : memref<12800xf32, #tpu.memory_space<vmem>>, vector<16xf32>,
      %get3A_426 = vector.shape_cast %get3A_425 : vector<16xf32> to vector<16xf32>
      %add3A_427 = arith.addf %add3A_421, %get3A_426 : vector<16xf32>
      %add3A_428 = arith.constant 4352 : i32
      %add3A_429 = arith.addi %add3A_428, %mul3A_223 : i32
      %get3A_430 = arith.index_cast %add3A_429 : i32 to index
      %get3A_431 = tpu.vector_load %arg10[%get3A_430] {strides = array<i32>} : memref<12800xf32, #tpu.memory_space<vmem>>, vector<16xf32>,
      %get3A_432 = vector.shape_cast %get3A_431 : vector<16xf32> to vector<16xf32>
      %add3A_433 = arith.addf %add3A_427, %get3A_432 : vector<16xf32>
      %add3A_434 = arith.constant 4480 : i32
      %add3A_435 = arith.addi %add3A_434, %mul3A_223 : i32
      %get3A_436 = arith.index_cast %add3A_435 : i32 to index
      %get3A_437 = tpu.vector_load %arg10[%get3A_436] {strides = array<i32>} : memref<12800xf32, #tpu.memory_space<vmem>>, vector<16xf32>,
      %get3A_438 = vector.shape_cast %get3A_437 : vector<16xf32> to vector<16xf32>
      %add3A_439 = arith.addf %add3A_433, %get3A_438 : vector<16xf32>
      %add3A_440 = arith.constant 4608 : i32
      %add3A_441 = arith.addi %add3A_440, %mul3A_223 : i32
      %get3A_442 = arith.index_cast %add3A_441 : i32 to index
      %get3A_443 = tpu.vector_load %arg10[%get3A_442] {strides = array<i32>} : memref<12800xf32, #tpu.memory_space<vmem>>, vector<16xf32>,
      %get3A_444 = vector.shape_cast %get3A_443 : vector<16xf32> to vector<16xf32>
      %add3A_445 = arith.addf %add3A_439, %get3A_444 : vector<16xf32>
      %add3A_446 = arith.constant 4736 : i32
      %add3A_447 = arith.addi %add3A_446, %mul3A_223 : i32
      %get3A_448 = arith.index_cast %add3A_447 : i32 to index
      %get3A_449 = tpu.vector_load %arg10[%get3A_448] {strides = array<i32>} : memref<12800xf32, #tpu.memory_space<vmem>>, vector<16xf32>,
      %get3A_450 = vector.shape_cast %get3A_449 : vector<16xf32> to vector<16xf32>
      %add3A_451 = arith.addf %add3A_445, %get3A_450 : vector<16xf32>
      %add3A_452 = arith.constant 4864 : i32
      %add3A_453 = arith.addi %add3A_452, %mul3A_223 : i32
      %get3A_454 = arith.index_cast %add3A_453 : i32 to index
      %get3A_455 = tpu.vector_load %arg10[%get3A_454] {strides = array<i32>} : memref<12800xf32, #tpu.memory_space<vmem>>, vector<16xf32>,
      %get3A_456 = vector.shape_cast %get3A_455 : vector<16xf32> to vector<16xf32>
      %add3A_457 = arith.addf %add3A_451, %get3A_456 : vector<16xf32>
      %add3A_458 = arith.constant 4992 : i32
      %add3A_459 = arith.addi %add3A_458, %mul3A_223 : i32
      %get3A_460 = arith.index_cast %add3A_459 : i32 to index
      %get3A_461 = tpu.vector_load %arg10[%get3A_460] {strides = array<i32>} : memref<12800xf32, #tpu.memory_space<vmem>>, vector<16xf32>,
      %get3A_462 = vector.shape_cast %get3A_461 : vector<16xf32> to vector<16xf32>
      %add3A_463 = arith.addf %add3A_457, %get3A_462 : vector<16xf32>
      %add3A_464 = arith.constant 5120 : i32
      %add3A_465 = arith.addi %add3A_464, %mul3A_223 : i32
      %get3A_466 = arith.index_cast %add3A_465 : i32 to index
      %get3A_467 = tpu.vector_load %arg10[%get3A_466] {strides = array<i32>} : memref<12800xf32, #tpu.memory_space<vmem>>, vector<16xf32>,
      %get3A_468 = vector.shape_cast %get3A_467 : vector<16xf32> to vector<16xf32>
      %add3A_469 = arith.addf %add3A_463, %get3A_468 : vector<16xf32>
      %add3A_470 = arith.constant 5248 : i32
      %add3A_471 = arith.addi %add3A_470, %mul3A_223 : i32
      %get3A_472 = arith.index_cast %add3A_471 : i32 to index
      %get3A_473 = tpu.vector_load %arg10[%get3A_472] {strides = array<i32>} : memref<12800xf32, #tpu.memory_space<vmem>>, vector<16xf32>,
      %get3A_474 = vector.shape_cast %get3A_473 : vector<16xf32> to vector<16xf32>
      %add3A_475 = arith.addf %add3A_469, %get3A_474 : vector<16xf32>
      %add3A_476 = arith.constant 5376 : i32
      %add3A_477 = arith.addi %add3A_476, %mul3A_223 : i32
      %get3A_478 = arith.index_cast %add3A_477 : i32 to index
      %get3A_479 = tpu.vector_load %arg10[%get3A_478] {strides = array<i32>} : memref<12800xf32, #tpu.memory_space<vmem>>, vector<16xf32>,
      %get3A_480 = vector.shape_cast %get3A_479 : vector<16xf32> to vector<16xf32>
      %add3A_481 = arith.addf %add3A_475, %get3A_480 : vector<16xf32>
      %add3A_482 = arith.constant 5504 : i32
      %add3A_483 = arith.addi %add3A_482, %mul3A_223 : i32
      %get3A_484 = arith.index_cast %add3A_483 : i32 to index
      %get3A_485 = tpu.vector_load %arg10[%get3A_484] {strides = array<i32>} : memref<12800xf32, #tpu.memory_space<vmem>>, vector<16xf32>,
      %get3A_486 = vector.shape_cast %get3A_485 : vector<16xf32> to vector<16xf32>
      %add3A_487 = arith.addf %add3A_481, %get3A_486 : vector<16xf32>
      %add3A_488 = arith.constant 5632 : i32
      %add3A_489 = arith.addi %add3A_488, %mul3A_223 : i32
      %get3A_490 = arith.index_cast %add3A_489 : i32 to index
      %get3A_491 = tpu.vector_load %arg10[%get3A_490] {strides = array<i32>} : memref<12800xf32, #tpu.memory_space<vmem>>, vector<16xf32>,
      %get3A_492 = vector.shape_cast %get3A_491 : vector<16xf32> to vector<16xf32>
      %add3A_493 = arith.addf %add3A_487, %get3A_492 : vector<16xf32>
      %add3A_494 = arith.constant 5760 : i32
      %add3A_495 = arith.addi %add3A_494, %mul3A_223 : i32
      %get3A_496 = arith.index_cast %add3A_495 : i32 to index
      %get3A_497 = tpu.vector_load %arg10[%get3A_496] {strides = array<i32>} : memref<12800xf32, #tpu.memory_space<vmem>>, vector<16xf32>,
      %get3A_498 = vector.shape_cast %get3A_497 : vector<16xf32> to vector<16xf32>
      %add3A_499 = arith.addf %add3A_493, %get3A_498 : vector<16xf32>
      %add3A_500 = arith.constant 5888 : i32
      %add3A_501 = arith.addi %add3A_500, %mul3A_223 : i32
      %get3A_502 = arith.index_cast %add3A_501 : i32 to index
      %get3A_503 = tpu.vector_load %arg10[%get3A_502] {strides = array<i32>} : memref<12800xf32, #tpu.memory_space<vmem>>, vector<16xf32>,
      %get3A_504 = vector.shape_cast %get3A_503 : vector<16xf32> to vector<16xf32>
      %add3A_505 = arith.addf %add3A_499, %get3A_504 : vector<16xf32>
      %add3A_506 = arith.constant 6016 : i32
      %add3A_507 = arith.addi %add3A_506, %mul3A_223 : i32
      %get3A_508 = arith.index_cast %add3A_507 : i32 to index
      %get3A_509 = tpu.vector_load %arg10[%get3A_508] {strides = array<i32>} : memref<12800xf32, #tpu.memory_space<vmem>>, vector<16xf32>,
      %get3A_510 = vector.shape_cast %get3A_509 : vector<16xf32> to vector<16xf32>
      %add3A_511 = arith.addf %add3A_505, %get3A_510 : vector<16xf32>
      %add3A_512 = arith.constant 6144 : i32
      %add3A_513 = arith.addi %add3A_512, %mul3A_223 : i32
      %get3A_514 = arith.index_cast %add3A_513 : i32 to index
      %get3A_515 = tpu.vector_load %arg10[%get3A_514] {strides = array<i32>} : memref<12800xf32, #tpu.memory_space<vmem>>, vector<16xf32>,
      %get3A_516 = vector.shape_cast %get3A_515 : vector<16xf32> to vector<16xf32>
      %add3A_517 = arith.addf %add3A_511, %get3A_516 : vector<16xf32>
      %add3A_518 = arith.constant 6272 : i32
      %add3A_519 = arith.addi %add3A_518, %mul3A_223 : i32
      %get3A_520 = arith.index_cast %add3A_519 : i32 to index
      %get3A_521 = tpu.vector_load %arg10[%get3A_520] {strides = array<i32>} : memref<12800xf32, #tpu.memory_space<vmem>>, vector<16xf32>,
      %get3A_522 = vector.shape_cast %get3A_521 : vector<16xf32> to vector<16xf32>
      %add3A_523 = arith.addf %add3A_517, %get3A_522 : vector<16xf32>
      %add3A_524 = arith.constant 6400 : i32
      %add3A_525 = arith.addi %add3A_524, %mul3A_223 : i32
      %get3A_526 = arith.index_cast %add3A_525 : i32 to index
      %get3A_527 = tpu.vector_load %arg10[%get3A_526] {strides = array<i32>} : memref<12800xf32, #tpu.memory_space<vmem>>, vector<16xf32>,
      %get3A_528 = vector.shape_cast %get3A_527 : vector<16xf32> to vector<16xf32>
      %add3A_529 = arith.addf %add3A_523, %get3A_528 : vector<16xf32>
      %add3A_530 = arith.constant 6528 : i32
      %add3A_531 = arith.addi %add3A_530, %mul3A_223 : i32
      %get3A_532 = arith.index_cast %add3A_531 : i32 to index
      %get3A_533 = tpu.vector_load %arg10[%get3A_532] {strides = array<i32>} : memref<12800xf32, #tpu.memory_space<vmem>>, vector<16xf32>,
      %get3A_534 = vector.shape_cast %get3A_533 : vector<16xf32> to vector<16xf32>
      %add3A_535 = arith.addf %add3A_529, %get3A_534 : vector<16xf32>
      %add3A_536 = arith.constant 6656 : i32
      %add3A_537 = arith.addi %add3A_536, %mul3A_223 : i32
      %get3A_538 = arith.index_cast %add3A_537 : i32 to index
      %get3A_539 = tpu.vector_load %arg10[%get3A_538] {strides = array<i32>} : memref<12800xf32, #tpu.memory_space<vmem>>, vector<16xf32>,
      %get3A_540 = vector.shape_cast %get3A_539 : vector<16xf32> to vector<16xf32>
      %add3A_541 = arith.addf %add3A_535, %get3A_540 : vector<16xf32>
      %add3A_542 = arith.constant 6784 : i32
      %add3A_543 = arith.addi %add3A_542, %mul3A_223 : i32
      %get3A_544 = arith.index_cast %add3A_543 : i32 to index
      %get3A_545 = tpu.vector_load %arg10[%get3A_544] {strides = array<i32>} : memref<12800xf32, #tpu.memory_space<vmem>>, vector<16xf32>,
      %get3A_546 = vector.shape_cast %get3A_545 : vector<16xf32> to vector<16xf32>
      %add3A_547 = arith.addf %add3A_541, %get3A_546 : vector<16xf32>
      %add3A_548 = arith.constant 6912 : i32
      %add3A_549 = arith.addi %add3A_548, %mul3A_223 : i32
      %get3A_550 = arith.index_cast %add3A_549 : i32 to index
      %get3A_551 = tpu.vector_load %arg10[%get3A_550] {strides = array<i32>} : memref<12800xf32, #tpu.memory_space<vmem>>, vector<16xf32>,
      %get3A_552 = vector.shape_cast %get3A_551 : vector<16xf32> to vector<16xf32>
      %add3A_553 = arith.addf %add3A_547, %get3A_552 : vector<16xf32>
      %add3A_554 = arith.constant 7040 : i32
      %add3A_555 = arith.addi %add3A_554, %mul3A_223 : i32
      %get3A_556 = arith.index_cast %add3A_555 : i32 to index
      %get3A_557 = tpu.vector_load %arg10[%get3A_556] {strides = array<i32>} : memref<12800xf32, #tpu.memory_space<vmem>>, vector<16xf32>,
      %get3A_558 = vector.shape_cast %get3A_557 : vector<16xf32> to vector<16xf32>
      %add3A_559 = arith.addf %add3A_553, %get3A_558 : vector<16xf32>
      %add3A_560 = arith.constant 7168 : i32
      %add3A_561 = arith.addi %add3A_560, %mul3A_223 : i32
      %get3A_562 = arith.index_cast %add3A_561 : i32 to index
      %get3A_563 = tpu.vector_load %arg10[%get3A_562] {strides = array<i32>} : memref<12800xf32, #tpu.memory_space<vmem>>, vector<16xf32>,
      %get3A_564 = vector.shape_cast %get3A_563 : vector<16xf32> to vector<16xf32>
      %add3A_565 = arith.addf %add3A_559, %get3A_564 : vector<16xf32>
      %add3A_566 = arith.constant 7296 : i32
      %add3A_567 = arith.addi %add3A_566, %mul3A_223 : i32
      %get3A_568 = arith.index_cast %add3A_567 : i32 to index
      %get3A_569 = tpu.vector_load %arg10[%get3A_568] {strides = array<i32>} : memref<12800xf32, #tpu.memory_space<vmem>>, vector<16xf32>,
      %get3A_570 = vector.shape_cast %get3A_569 : vector<16xf32> to vector<16xf32>
      %add3A_571 = arith.addf %add3A_565, %get3A_570 : vector<16xf32>
      %add3A_572 = arith.constant 7424 : i32
      %add3A_573 = arith.addi %add3A_572, %mul3A_223 : i32
      %get3A_574 = arith.index_cast %add3A_573 : i32 to index
      %get3A_575 = tpu.vector_load %arg10[%get3A_574] {strides = array<i32>} : memref<12800xf32, #tpu.memory_space<vmem>>, vector<16xf32>,
      %get3A_576 = vector.shape_cast %get3A_575 : vector<16xf32> to vector<16xf32>
      %add3A_577 = arith.addf %add3A_571, %get3A_576 : vector<16xf32>
      %add3A_578 = arith.constant 7552 : i32
      %add3A_579 = arith.addi %add3A_578, %mul3A_223 : i32
      %get3A_580 = arith.index_cast %add3A_579 : i32 to index
      %get3A_581 = tpu.vector_load %arg10[%get3A_580] {strides = array<i32>} : memref<12800xf32, #tpu.memory_space<vmem>>, vector<16xf32>,
      %get3A_582 = vector.shape_cast %get3A_581 : vector<16xf32> to vector<16xf32>
      %add3A_583 = arith.addf %add3A_577, %get3A_582 : vector<16xf32>
      %add3A_584 = arith.constant 7680 : i32
      %add3A_585 = arith.addi %add3A_584, %mul3A_223 : i32
      %get3A_586 = arith.index_cast %add3A_585 : i32 to index
      %get3A_587 = tpu.vector_load %arg10[%get3A_586] {strides = array<i32>} : memref<12800xf32, #tpu.memory_space<vmem>>, vector<16xf32>,
      %get3A_588 = vector.shape_cast %get3A_587 : vector<16xf32> to vector<16xf32>
      %add3A_589 = arith.addf %add3A_583, %get3A_588 : vector<16xf32>
      %add3A_590 = arith.constant 7808 : i32
      %add3A_591 = arith.addi %add3A_590, %mul3A_223 : i32
      %get3A_592 = arith.index_cast %add3A_591 : i32 to index
      %get3A_593 = tpu.vector_load %arg10[%get3A_592] {strides = array<i32>} : memref<12800xf32, #tpu.memory_space<vmem>>, vector<16xf32>,
      %get3A_594 = vector.shape_cast %get3A_593 : vector<16xf32> to vector<16xf32>
      %add3A_595 = arith.addf %add3A_589, %get3A_594 : vector<16xf32>
      %add3A_596 = arith.constant 7936 : i32
      %add3A_597 = arith.addi %add3A_596, %mul3A_223 : i32
      %get3A_598 = arith.index_cast %add3A_597 : i32 to index
      %get3A_599 = tpu.vector_load %arg10[%get3A_598] {strides = array<i32>} : memref<12800xf32, #tpu.memory_space<vmem>>, vector<16xf32>,
      %get3A_600 = vector.shape_cast %get3A_599 : vector<16xf32> to vector<16xf32>
      %add3A_601 = arith.addf %add3A_595, %get3A_600 : vector<16xf32>
      %add3A_602 = arith.constant 8064 : i32
      %add3A_603 = arith.addi %add3A_602, %mul3A_223 : i32
      %get3A_604 = arith.index_cast %add3A_603 : i32 to index
      %get3A_605 = tpu.vector_load %arg10[%get3A_604] {strides = array<i32>} : memref<12800xf32, #tpu.memory_space<vmem>>, vector<16xf32>,
      %get3A_606 = vector.shape_cast %get3A_605 : vector<16xf32> to vector<16xf32>
      %add3A_607 = arith.addf %add3A_601, %get3A_606 : vector<16xf32>
      %add3A_608 = arith.constant 8192 : i32
      %add3A_609 = arith.addi %add3A_608, %mul3A_223 : i32
      %get3A_610 = arith.index_cast %add3A_609 : i32 to index
      %get3A_611 = tpu.vector_load %arg10[%get3A_610] {strides = array<i32>} : memref<12800xf32, #tpu.memory_space<vmem>>, vector<16xf32>,
      %get3A_612 = vector.shape_cast %get3A_611 : vector<16xf32> to vector<16xf32>
      %add3A_613 = arith.addf %add3A_607, %get3A_612 : vector<16xf32>
      %add3A_614 = arith.constant 8320 : i32
      %add3A_615 = arith.addi %add3A_614, %mul3A_223 : i32
      %get3A_616 = arith.index_cast %add3A_615 : i32 to index
      %get3A_617 = tpu.vector_load %arg10[%get3A_616] {strides = array<i32>} : memref<12800xf32, #tpu.memory_space<vmem>>, vector<16xf32>,
      %get3A_618 = vector.shape_cast %get3A_617 : vector<16xf32> to vector<16xf32>
      %add3A_619 = arith.addf %add3A_613, %get3A_618 : vector<16xf32>
      %add3A_620 = arith.constant 8448 : i32
      %add3A_621 = arith.addi %add3A_620, %mul3A_223 : i32
      %get3A_622 = arith.index_cast %add3A_621 : i32 to index
      %get3A_623 = tpu.vector_load %arg10[%get3A_622] {strides = array<i32>} : memref<12800xf32, #tpu.memory_space<vmem>>, vector<16xf32>,
      %get3A_624 = vector.shape_cast %get3A_623 : vector<16xf32> to vector<16xf32>
      %add3A_625 = arith.addf %add3A_619, %get3A_624 : vector<16xf32>
      %add3A_626 = arith.constant 8576 : i32
      %add3A_627 = arith.addi %add3A_626, %mul3A_223 : i32
      %get3A_628 = arith.index_cast %add3A_627 : i32 to index
      %get3A_629 = tpu.vector_load %arg10[%get3A_628] {strides = array<i32>} : memref<12800xf32, #tpu.memory_space<vmem>>, vector<16xf32>,
      %get3A_630 = vector.shape_cast %get3A_629 : vector<16xf32> to vector<16xf32>
      %add3A_631 = arith.addf %add3A_625, %get3A_630 : vector<16xf32>
      %add3A_632 = arith.constant 8704 : i32
      %add3A_633 = arith.addi %add3A_632, %mul3A_223 : i32
      %get3A_634 = arith.index_cast %add3A_633 : i32 to index
      %get3A_635 = tpu.vector_load %arg10[%get3A_634] {strides = array<i32>} : memref<12800xf32, #tpu.memory_space<vmem>>, vector<16xf32>,
      %get3A_636 = vector.shape_cast %get3A_635 : vector<16xf32> to vector<16xf32>
      %add3A_637 = arith.addf %add3A_631, %get3A_636 : vector<16xf32>
      %add3A_638 = arith.constant 8832 : i32
      %add3A_639 = arith.addi %add3A_638, %mul3A_223 : i32
      %get3A_640 = arith.index_cast %add3A_639 : i32 to index
      %get3A_641 = tpu.vector_load %arg10[%get3A_640] {strides = array<i32>} : memref<12800xf32, #tpu.memory_space<vmem>>, vector<16xf32>,
      %get3A_642 = vector.shape_cast %get3A_641 : vector<16xf32> to vector<16xf32>
      %add3A_643 = arith.addf %add3A_637, %get3A_642 : vector<16xf32>
      %add3A_644 = arith.constant 8960 : i32
      %add3A_645 = arith.addi %add3A_644, %mul3A_223 : i32
      %get3A_646 = arith.index_cast %add3A_645 : i32 to index
      %get3A_647 = tpu.vector_load %arg10[%get3A_646] {strides = array<i32>} : memref<12800xf32, #tpu.memory_space<vmem>>, vector<16xf32>,
      %get3A_648 = vector.shape_cast %get3A_647 : vector<16xf32> to vector<16xf32>
      %add3A_649 = arith.addf %add3A_643, %get3A_648 : vector<16xf32>
      %add3A_650 = arith.constant 9088 : i32
      %add3A_651 = arith.addi %add3A_650, %mul3A_223 : i32
      %get3A_652 = arith.index_cast %add3A_651 : i32 to index
      %get3A_653 = tpu.vector_load %arg10[%get3A_652] {strides = array<i32>} : memref<12800xf32, #tpu.memory_space<vmem>>, vector<16xf32>,
      %get3A_654 = vector.shape_cast %get3A_653 : vector<16xf32> to vector<16xf32>
      %add3A_655 = arith.addf %add3A_649, %get3A_654 : vector<16xf32>
      %add3A_656 = arith.constant 9216 : i32
      %add3A_657 = arith.addi %add3A_656, %mul3A_223 : i32
      %get3A_658 = arith.index_cast %add3A_657 : i32 to index
      %get3A_659 = tpu.vector_load %arg10[%get3A_658] {strides = array<i32>} : memref<12800xf32, #tpu.memory_space<vmem>>, vector<16xf32>,
      %get3A_660 = vector.shape_cast %get3A_659 : vector<16xf32> to vector<16xf32>
      %add3A_661 = arith.addf %add3A_655, %get3A_660 : vector<16xf32>
      %add3A_662 = arith.constant 9344 : i32
      %add3A_663 = arith.addi %add3A_662, %mul3A_223 : i32
      %get3A_664 = arith.index_cast %add3A_663 : i32 to index
      %get3A_665 = tpu.vector_load %arg10[%get3A_664] {strides = array<i32>} : memref<12800xf32, #tpu.memory_space<vmem>>, vector<16xf32>,
      %get3A_666 = vector.shape_cast %get3A_665 : vector<16xf32> to vector<16xf32>
      %add3A_667 = arith.addf %add3A_661, %get3A_666 : vector<16xf32>
      %add3A_668 = arith.constant 9472 : i32
      %add3A_669 = arith.addi %add3A_668, %mul3A_223 : i32
      %get3A_670 = arith.index_cast %add3A_669 : i32 to index
      %get3A_671 = tpu.vector_load %arg10[%get3A_670] {strides = array<i32>} : memref<12800xf32, #tpu.memory_space<vmem>>, vector<16xf32>,
      %get3A_672 = vector.shape_cast %get3A_671 : vector<16xf32> to vector<16xf32>
      %add3A_673 = arith.addf %add3A_667, %get3A_672 : vector<16xf32>
      %add3A_674 = arith.constant 9600 : i32
      %add3A_675 = arith.addi %add3A_674, %mul3A_223 : i32
      %get3A_676 = arith.index_cast %add3A_675 : i32 to index
      %get3A_677 = tpu.vector_load %arg10[%get3A_676] {strides = array<i32>} : memref<12800xf32, #tpu.memory_space<vmem>>, vector<16xf32>,
      %get3A_678 = vector.shape_cast %get3A_677 : vector<16xf32> to vector<16xf32>
      %add3A_679 = arith.addf %add3A_673, %get3A_678 : vector<16xf32>
      %add3A_680 = arith.constant 9728 : i32
      %add3A_681 = arith.addi %add3A_680, %mul3A_223 : i32
      %get3A_682 = arith.index_cast %add3A_681 : i32 to index
      %get3A_683 = tpu.vector_load %arg10[%get3A_682] {strides = array<i32>} : memref<12800xf32, #tpu.memory_space<vmem>>, vector<16xf32>,
      %get3A_684 = vector.shape_cast %get3A_683 : vector<16xf32> to vector<16xf32>
      %add3A_685 = arith.addf %add3A_679, %get3A_684 : vector<16xf32>
      %add3A_686 = arith.constant 9856 : i32
      %add3A_687 = arith.addi %add3A_686, %mul3A_223 : i32
      %get3A_688 = arith.index_cast %add3A_687 : i32 to index
      %get3A_689 = tpu.vector_load %arg10[%get3A_688] {strides = array<i32>} : memref<12800xf32, #tpu.memory_space<vmem>>, vector<16xf32>,
      %get3A_690 = vector.shape_cast %get3A_689 : vector<16xf32> to vector<16xf32>
      %add3A_691 = arith.addf %add3A_685, %get3A_690 : vector<16xf32>
      %add3A_692 = arith.constant 9984 : i32
      %add3A_693 = arith.addi %add3A_692, %mul3A_223 : i32
      %get3A_694 = arith.index_cast %add3A_693 : i32 to index
      %get3A_695 = tpu.vector_load %arg10[%get3A_694] {strides = array<i32>} : memref<12800xf32, #tpu.memory_space<vmem>>, vector<16xf32>,
      %get3A_696 = vector.shape_cast %get3A_695 : vector<16xf32> to vector<16xf32>
      %add3A_697 = arith.addf %add3A_691, %get3A_696 : vector<16xf32>
      %add3A_698 = arith.constant 10112 : i32
      %add3A_699 = arith.addi %add3A_698, %mul3A_223 : i32
      %get3A_700 = arith.index_cast %add3A_699 : i32 to index
      %get3A_701 = tpu.vector_load %arg10[%get3A_700] {strides = array<i32>} : memref<12800xf32, #tpu.memory_space<vmem>>, vector<16xf32>,
      %get3A_702 = vector.shape_cast %get3A_701 : vector<16xf32> to vector<16xf32>
      %add3A_703 = arith.addf %add3A_697, %get3A_702 : vector<16xf32>
      %add3A_704 = arith.constant 10240 : i32
      %add3A_705 = arith.addi %add3A_704, %mul3A_223 : i32
      %get3A_706 = arith.index_cast %add3A_705 : i32 to index
      %get3A_707 = tpu.vector_load %arg10[%get3A_706] {strides = array<i32>} : memref<12800xf32, #tpu.memory_space<vmem>>, vector<16xf32>,
      %get3A_708 = vector.shape_cast %get3A_707 : vector<16xf32> to vector<16xf32>
      %add3A_709 = arith.addf %add3A_703, %get3A_708 : vector<16xf32>
      %add3A_710 = arith.constant 10368 : i32
      %add3A_711 = arith.addi %add3A_710, %mul3A_223 : i32
      %get3A_712 = arith.index_cast %add3A_711 : i32 to index
      %get3A_713 = tpu.vector_load %arg10[%get3A_712] {strides = array<i32>} : memref<12800xf32, #tpu.memory_space<vmem>>, vector<16xf32>,
      %get3A_714 = vector.shape_cast %get3A_713 : vector<16xf32> to vector<16xf32>
      %add3A_715 = arith.addf %add3A_709, %get3A_714 : vector<16xf32>
      %add3A_716 = arith.constant 10496 : i32
      %add3A_717 = arith.addi %add3A_716, %mul3A_223 : i32
      %get3A_718 = arith.index_cast %add3A_717 : i32 to index
      %get3A_719 = tpu.vector_load %arg10[%get3A_718] {strides = array<i32>} : memref<12800xf32, #tpu.memory_space<vmem>>, vector<16xf32>,
      %get3A_720 = vector.shape_cast %get3A_719 : vector<16xf32> to vector<16xf32>
      %add3A_721 = arith.addf %add3A_715, %get3A_720 : vector<16xf32>
      %add3A_722 = arith.constant 10624 : i32
      %add3A_723 = arith.addi %add3A_722, %mul3A_223 : i32
      %get3A_724 = arith.index_cast %add3A_723 : i32 to index
      %get3A_725 = tpu.vector_load %arg10[%get3A_724] {strides = array<i32>} : memref<12800xf32, #tpu.memory_space<vmem>>, vector<16xf32>,
      %get3A_726 = vector.shape_cast %get3A_725 : vector<16xf32> to vector<16xf32>
      %add3A_727 = arith.addf %add3A_721, %get3A_726 : vector<16xf32>
      %add3A_728 = arith.constant 10752 : i32
      %add3A_729 = arith.addi %add3A_728, %mul3A_223 : i32
      %get3A_730 = arith.index_cast %add3A_729 : i32 to index
      %get3A_731 = tpu.vector_load %arg10[%get3A_730] {strides = array<i32>} : memref<12800xf32, #tpu.memory_space<vmem>>, vector<16xf32>,
      %get3A_732 = vector.shape_cast %get3A_731 : vector<16xf32> to vector<16xf32>
      %add3A_733 = arith.addf %add3A_727, %get3A_732 : vector<16xf32>
      %add3A_734 = arith.constant 10880 : i32
      %add3A_735 = arith.addi %add3A_734, %mul3A_223 : i32
      %get3A_736 = arith.index_cast %add3A_735 : i32 to index
      %get3A_737 = tpu.vector_load %arg10[%get3A_736] {strides = array<i32>} : memref<12800xf32, #tpu.memory_space<vmem>>, vector<16xf32>,
      %get3A_738 = vector.shape_cast %get3A_737 : vector<16xf32> to vector<16xf32>
      %add3A_739 = arith.addf %add3A_733, %get3A_738 : vector<16xf32>
      %add3A_740 = arith.constant 11008 : i32
      %add3A_741 = arith.addi %add3A_740, %mul3A_223 : i32
      %get3A_742 = arith.index_cast %add3A_741 : i32 to index
      %get3A_743 = tpu.vector_load %arg10[%get3A_742] {strides = array<i32>} : memref<12800xf32, #tpu.memory_space<vmem>>, vector<16xf32>,
      %get3A_744 = vector.shape_cast %get3A_743 : vector<16xf32> to vector<16xf32>
      %add3A_745 = arith.addf %add3A_739, %get3A_744 : vector<16xf32>
      %add3A_746 = arith.constant 11136 : i32
      %add3A_747 = arith.addi %add3A_746, %mul3A_223 : i32
      %get3A_748 = arith.index_cast %add3A_747 : i32 to index
      %get3A_749 = tpu.vector_load %arg10[%get3A_748] {strides = array<i32>} : memref<12800xf32, #tpu.memory_space<vmem>>, vector<16xf32>,
      %get3A_750 = vector.shape_cast %get3A_749 : vector<16xf32> to vector<16xf32>
      %add3A_751 = arith.addf %add3A_745, %get3A_750 : vector<16xf32>
      %add3A_752 = arith.constant 11264 : i32
      %add3A_753 = arith.addi %add3A_752, %mul3A_223 : i32
      %get3A_754 = arith.index_cast %add3A_753 : i32 to index
      %get3A_755 = tpu.vector_load %arg10[%get3A_754] {strides = array<i32>} : memref<12800xf32, #tpu.memory_space<vmem>>, vector<16xf32>,
      %get3A_756 = vector.shape_cast %get3A_755 : vector<16xf32> to vector<16xf32>
      %add3A_757 = arith.addf %add3A_751, %get3A_756 : vector<16xf32>
      %add3A_758 = arith.constant 11392 : i32
      %add3A_759 = arith.addi %add3A_758, %mul3A_223 : i32
      %get3A_760 = arith.index_cast %add3A_759 : i32 to index
      %get3A_761 = tpu.vector_load %arg10[%get3A_760] {strides = array<i32>} : memref<12800xf32, #tpu.memory_space<vmem>>, vector<16xf32>,
      %get3A_762 = vector.shape_cast %get3A_761 : vector<16xf32> to vector<16xf32>
      %add3A_763 = arith.addf %add3A_757, %get3A_762 : vector<16xf32>
      %add3A_764 = arith.constant 11520 : i32
      %add3A_765 = arith.addi %add3A_764, %mul3A_223 : i32
      %get3A_766 = arith.index_cast %add3A_765 : i32 to index
      %get3A_767 = tpu.vector_load %arg10[%get3A_766] {strides = array<i32>} : memref<12800xf32, #tpu.memory_space<vmem>>, vector<16xf32>,
      %get3A_768 = vector.shape_cast %get3A_767 : vector<16xf32> to vector<16xf32>
      %add3A_769 = arith.addf %add3A_763, %get3A_768 : vector<16xf32>
      %add3A_770 = arith.constant 11648 : i32
      %add3A_771 = arith.addi %add3A_770, %mul3A_223 : i32
      %get3A_772 = arith.index_cast %add3A_771 : i32 to index
      %get3A_773 = tpu.vector_load %arg10[%get3A_772] {strides = array<i32>} : memref<12800xf32, #tpu.memory_space<vmem>>, vector<16xf32>,
      %get3A_774 = vector.shape_cast %get3A_773 : vector<16xf32> to vector<16xf32>
      %add3A_775 = arith.addf %add3A_769, %get3A_774 : vector<16xf32>
      %add3A_776 = arith.constant 11776 : i32
      %add3A_777 = arith.addi %add3A_776, %mul3A_223 : i32
      %get3A_778 = arith.index_cast %add3A_777 : i32 to index
      %get3A_779 = tpu.vector_load %arg10[%get3A_778] {strides = array<i32>} : memref<12800xf32, #tpu.memory_space<vmem>>, vector<16xf32>,
      %get3A_780 = vector.shape_cast %get3A_779 : vector<16xf32> to vector<16xf32>
      %add3A_781 = arith.addf %add3A_775, %get3A_780 : vector<16xf32>
      %add3A_782 = arith.constant 11904 : i32
      %add3A_783 = arith.addi %add3A_782, %mul3A_223 : i32
      %get3A_784 = arith.index_cast %add3A_783 : i32 to index
      %get3A_785 = tpu.vector_load %arg10[%get3A_784] {strides = array<i32>} : memref<12800xf32, #tpu.memory_space<vmem>>, vector<16xf32>,
      %get3A_786 = vector.shape_cast %get3A_785 : vector<16xf32> to vector<16xf32>
      %add3A_787 = arith.addf %add3A_781, %get3A_786 : vector<16xf32>
      %add3A_788 = arith.constant 12032 : i32
      %add3A_789 = arith.addi %add3A_788, %mul3A_223 : i32
      %get3A_790 = arith.index_cast %add3A_789 : i32 to index
      %get3A_791 = tpu.vector_load %arg10[%get3A_790] {strides = array<i32>} : memref<12800xf32, #tpu.memory_space<vmem>>, vector<16xf32>,
      %get3A_792 = vector.shape_cast %get3A_791 : vector<16xf32> to vector<16xf32>
      %add3A_793 = arith.addf %add3A_787, %get3A_792 : vector<16xf32>
      %add3A_794 = arith.constant 12160 : i32
      %add3A_795 = arith.addi %add3A_794, %mul3A_223 : i32
      %get3A_796 = arith.index_cast %add3A_795 : i32 to index
      %get3A_797 = tpu.vector_load %arg10[%get3A_796] {strides = array<i32>} : memref<12800xf32, #tpu.memory_space<vmem>>, vector<16xf32>,
      %get3A_798 = vector.shape_cast %get3A_797 : vector<16xf32> to vector<16xf32>
      %add3A_799 = arith.addf %add3A_793, %get3A_798 : vector<16xf32>
      %add3A_800 = arith.constant 12288 : i32
      %add3A_801 = arith.addi %add3A_800, %mul3A_223 : i32
      %get3A_802 = arith.index_cast %add3A_801 : i32 to index
      %get3A_803 = tpu.vector_load %arg10[%get3A_802] {strides = array<i32>} : memref<12800xf32, #tpu.memory_space<vmem>>, vector<16xf32>,
      %get3A_804 = vector.shape_cast %get3A_803 : vector<16xf32> to vector<16xf32>
      %add3A_805 = arith.addf %add3A_799, %get3A_804 : vector<16xf32>
      %add3A_806 = arith.constant 12416 : i32
      %add3A_807 = arith.addi %add3A_806, %mul3A_223 : i32
      %get3A_808 = arith.index_cast %add3A_807 : i32 to index
      %get3A_809 = tpu.vector_load %arg10[%get3A_808] {strides = array<i32>} : memref<12800xf32, #tpu.memory_space<vmem>>, vector<16xf32>,
      %get3A_810 = vector.shape_cast %get3A_809 : vector<16xf32> to vector<16xf32>
      %add3A_811 = arith.addf %add3A_805, %get3A_810 : vector<16xf32>
      %add3A_812 = arith.constant 12544 : i32
      %add3A_813 = arith.addi %add3A_812, %mul3A_223 : i32
      %get3A_814 = arith.index_cast %add3A_813 : i32 to index
      %get3A_815 = tpu.vector_load %arg10[%get3A_814] {strides = array<i32>} : memref<12800xf32, #tpu.memory_space<vmem>>, vector<16xf32>,
      %get3A_816 = vector.shape_cast %get3A_815 : vector<16xf32> to vector<16xf32>
      %add3A_817 = arith.addf %add3A_811, %get3A_816 : vector<16xf32>
      %add3A_818 = arith.constant 12672 : i32
      %add3A_819 = arith.addi %add3A_818, %mul3A_223 : i32
      %get3A_820 = arith.index_cast %add3A_819 : i32 to index
      %get3A_821 = tpu.vector_load %arg10[%get3A_820] {strides = array<i32>} : memref<12800xf32, #tpu.memory_space<vmem>>, vector<16xf32>,
      %get3A_822 = vector.shape_cast %get3A_821 : vector<16xf32> to vector<16xf32>
      %add3A_823 = arith.addf %add3A_817, %get3A_822 : vector<16xf32>
      %add3A_824 = arith.constant 128 : i32
      %add3A_825 = arith.addi %add3A_824, %mul3A_223 : i32
      %swap3A = arith.index_cast %add3A_825 : i32 to index
      %swap3A_826 = tpu.vector_load %arg11[%swap3A] {strides = array<i32>} : memref<512xf32, #tpu.memory_space<vmem>>, vector<16xf32>,
      %swap3A_827 = vector.shape_cast %swap3A_826 : vector<16xf32> to vector<16xf32>
      %swap3A_828 = vector.shape_cast %add3A_823 : vector<16xf32> to vector<16xf32>
      tpu.vector_store %arg11[%swap3A], %swap3A_828 {strides = array<i32>} : memref<512xf32, #tpu.memory_space<vmem>>, vector<16xf32>,
      %scan3A_829 = arith.constant 0 : i32
      scf.yield %scan3A_829 : i32
    }
    %scan3A_143 = arith.constant 8 : i32
    %scan3A_144 = arith.constant 0 : i32
    %scan3A_145 = arith.constant 0 : i32
    %scan3A_146 = arith.constant 100 : i32
    %scan3A_147 = arith.addi %scan3A_145, %scan3A_146 : i32
    %scan3A_148 = arith.constant 1 : i32
    %scan3A_149 = scf.for %scan3A_220 = %scan3A_145 to %scan3A_147 step %scan3A_148 iter_args(%scan3A_221 = %scan3A_144) -> (i32)  : i32 {
      %add3A_222 = arith.constant 384 : i32
      %add3A_223 = arith.addi %mul3A_2, %add3A_222 : i32
      %mul3A_224 = arith.constant 128 : i32
      %mul3A_225 = arith.muli %scan3A_220, %mul3A_224 : i32
      %dma_start3A_226 = tpu.memref_slice %arg8[%mul3A_225] : memref<12800xi32, #tpu.memory_space<vmem>> -> memref<128xi32, #tpu.memory_space<vmem>>
      %dma_start3A_227 = tpu.memref_slice %arg2[%scan3A_220, %add3A_223] : memref<100x16384xi32, #tpu.memory_space<hbm>> -> memref<1x128xi32, #tpu.memory_space<hbm>>
      %dma_start3A_228 = tpu.memref_squeeze %dma_start3A_227 : memref<1x128xi32, #tpu.memory_space<hbm>> -> memref<128xi32, #tpu.memory_space<hbm>>
      %dma_start3A_229 = tpu.memref_slice %arg8[%mul3A_225] : memref<12800xi32, #tpu.memory_space<vmem>> -> memref<128xi32, #tpu.memory_space<vmem>>
      %dma_start3A_230 = tpu.memref_slice %arg2[%scan3A_220, %add3A_223] : memref<100x16384xi32, #tpu.memory_space<hbm>> -> memref<1x128xi32, #tpu.memory_space<hbm>>
      %dma_start3A_231 = tpu.memref_squeeze %dma_start3A_230 : memref<1x128xi32, #tpu.memory_space<hbm>> -> memref<128xi32, #tpu.memory_space<hbm>>
      tpu.enqueue_dma source(%dma_start3A_231 : memref<128xi32, #tpu.memory_space<hbm>>) target(%dma_start3A_229 : memref<128xi32, #tpu.memory_space<vmem>>) target_semaphore(%arg17 : memref<!tpu.dma_semaphore, #tpu.memory_space<semaphore_mem>>)
      %scan3A_232 = arith.constant 0 : i32
      scf.yield %scan3A_232 : i32
    }
    %scan3A_150 = arith.constant 100 : i32
    %dma_wait3A_151 = arith.constant 0 : i32
    %dma_wait3A_152 = arith.constant 0 : i32
    %dma_wait3A_153 = tpu.memref_slice %arg9[%dma_wait3A_152] : memref<12800xf32, #tpu.memory_space<vmem>> -> memref<1536xf32, #tpu.memory_space<vmem>>
    %dma_wait3A_154 = arith.constant 0 : i32
    %dma_wait3A_155 = tpu.memref_slice %arg7[%dma_wait3A_154] : memref<12800xi32, #tpu.memory_space<vmem>> -> memref<1536xi32, #tpu.memory_space<vmem>>
    %dma_wait3A_156 = arith.constant 0 : i32
    %dma_wait3A_157 = tpu.memref_slice %arg3[%dma_wait3A_151, %dma_wait3A_156] : memref<1x1000001xf32, #tpu.memory_space<hbm>> -> memref<1x1000001xf32, #tpu.memory_space<hbm>>
    %dma_wait3A_158 = tpu.memref_squeeze %dma_wait3A_157 : memref<1x1000001xf32, #tpu.memory_space<hbm>> -> memref<1000001xf32, #tpu.memory_space<hbm>>
    %dma_wait3A_159 = arith.constant 0 : i32
    %dma_wait3A_160 = tpu.memref_slice %dma_wait3A_158[%dma_wait3A_159] : memref<1000001xf32, #tpu.memory_space<hbm>> -> memref<1000001xf32, #tpu.memory_space<hbm>>
    tpu.wait_indirect_dma semaphore(%arg18 : memref<!tpu.dma_semaphore, #tpu.memory_space<semaphore_mem>>) src(%dma_wait3A_160 : memref<1000001xf32, #tpu.memory_space<hbm>>) dst(%dma_wait3A_153 : memref<1536xf32, #tpu.memory_space<vmem>>)
    %dma_wait3A_161 = arith.constant 1536 : i32
    %dma_wait3A_162 = tpu.memref_slice %arg9[%dma_wait3A_161] : memref<12800xf32, #tpu.memory_space<vmem>> -> memref<11264xf32, #tpu.memory_space<vmem>>
    %dma_wait3A_163 = arith.constant 1536 : i32
    %dma_wait3A_164 = tpu.memref_slice %arg7[%dma_wait3A_163] : memref<12800xi32, #tpu.memory_space<vmem>> -> memref<11264xi32, #tpu.memory_space<vmem>>
    %dma_wait3A_165 = arith.constant 0 : i32
    %dma_wait3A_166 = tpu.memref_slice %arg15[%dma_wait3A_165] : memref<1000448xf32, #tpu.memory_space<vmem_shared>> -> memref<1000448xf32, #tpu.memory_space<vmem_shared>>
    tpu.wait_indirect_dma semaphore(%arg16 : memref<!tpu.dma_semaphore, #tpu.memory_space<semaphore_mem>>) src(%dma_wait3A_166 : memref<1000448xf32, #tpu.memory_space<vmem_shared>>) dst(%dma_wait3A_162 : memref<11264xf32, #tpu.memory_space<vmem>>)
    %scan3A_167 = arith.constant 0 : i32
    %scan3A_168 = arith.constant 0 : i32
    %scan3A_169 = arith.constant 100 : i32
    %scan3A_170 = arith.addi %scan3A_168, %scan3A_169 : i32
    %scan3A_171 = arith.constant 1 : i32
    %scan3A_172 = scf.for %scan3A_220 = %scan3A_168 to %scan3A_170 step %scan3A_171 iter_args(%scan3A_221 = %scan3A_167) -> (i32)  : i32 {
      %add3A_222 = arith.constant 384 : i32
      %add3A_223 = arith.addi %mul3A_2, %add3A_222 : i32
      %mul3A_224 = arith.constant 128 : i32
      %mul3A_225 = arith.muli %scan3A_220, %mul3A_224 : i32
      %dma_wait3A_226 = tpu.memref_slice %arg8[%mul3A_225] : memref<12800xi32, #tpu.memory_space<vmem>> -> memref<128xi32, #tpu.memory_space<vmem>>
      %dma_wait3A_227 = tpu.memref_slice %arg2[%scan3A_220, %add3A_223] : memref<100x16384xi32, #tpu.memory_space<hbm>> -> memref<1x128xi32, #tpu.memory_space<hbm>>
      %dma_wait3A_228 = tpu.memref_squeeze %dma_wait3A_227 : memref<1x128xi32, #tpu.memory_space<hbm>> -> memref<128xi32, #tpu.memory_space<hbm>>
      %dma_wait3A_229 = tpu.memref_slice %arg8[%mul3A_225] : memref<12800xi32, #tpu.memory_space<vmem>> -> memref<128xi32, #tpu.memory_space<vmem>>
      %dma_wait3A_230 = tpu.memref_slice %arg2[%scan3A_220, %add3A_223] : memref<100x16384xi32, #tpu.memory_space<hbm>> -> memref<1x128xi32, #tpu.memory_space<hbm>>
      %dma_wait3A_231 = tpu.memref_squeeze %dma_wait3A_230 : memref<1x128xi32, #tpu.memory_space<hbm>> -> memref<128xi32, #tpu.memory_space<hbm>>
      tpu.wait_dma2 semaphore(%arg17 : memref<!tpu.dma_semaphore, #tpu.memory_space<semaphore_mem>>) src(%dma_wait3A_231 : memref<128xi32, #tpu.memory_space<hbm>>) dst(%dma_wait3A_229 : memref<128xi32, #tpu.memory_space<vmem>>)
      %scan3A_232 = arith.constant 0 : i32
      scf.yield %scan3A_232 : i32
    }
    %scan3A_173 = arith.constant 100 : i32
    %dma_start3A_174 = arith.constant 0 : i32
    %dma_start3A_175 = arith.constant 0 : i32
    %dma_start3A_176 = tpu.memref_slice %arg10[%dma_start3A_175] : memref<12800xf32, #tpu.memory_space<vmem>> -> memref<1536xf32, #tpu.memory_space<vmem>>
    %dma_start3A_177 = arith.constant 0 : i32
    %dma_start3A_178 = tpu.memref_slice %arg8[%dma_start3A_177] : memref<12800xi32, #tpu.memory_space<vmem>> -> memref<1536xi32, #tpu.memory_space<vmem>>
    %dma_start3A_179 = arith.constant 0 : i32
    %dma_start3A_180 = tpu.memref_slice %arg3[%dma_start3A_174, %dma_start3A_179] : memref<1x1000001xf32, #tpu.memory_space<hbm>> -> memref<1x1000001xf32, #tpu.memory_space<hbm>>
    %dma_start3A_181 = tpu.memref_squeeze %dma_start3A_180 : memref<1x1000001xf32, #tpu.memory_space<hbm>> -> memref<1000001xf32, #tpu.memory_space<hbm>>
    %dma_start3A_182 = arith.constant 0 : i32
    %dma_start3A_183 = tpu.memref_slice %dma_start3A_181[%dma_start3A_182] : memref<1000001xf32, #tpu.memory_space<hbm>> -> memref<1000001xf32, #tpu.memory_space<hbm>>
    tpu.enqueue_indirect_dma source(%dma_start3A_183 : memref<1000001xf32, #tpu.memory_space<hbm>>) target(%dma_start3A_176 : memref<1536xf32, #tpu.memory_space<vmem>>) offsets(%dma_start3A_178 : memref<1536xi32, #tpu.memory_space<vmem>>) semaphore(%arg18 : memref<!tpu.dma_semaphore, #tpu.memory_space<semaphore_mem>>)
    %dma_start3A_184 = arith.constant 1536 : i32
    %dma_start3A_185 = tpu.memref_slice %arg10[%dma_start3A_184] : memref<12800xf32, #tpu.memory_space<vmem>> -> memref<11264xf32, #tpu.memory_space<vmem>>
    %dma_start3A_186 = arith.constant 1536 : i32
    %dma_start3A_187 = tpu.memref_slice %arg8[%dma_start3A_186] : memref<12800xi32, #tpu.memory_space<vmem>> -> memref<11264xi32, #tpu.memory_space<vmem>>
    %dma_start3A_188 = arith.constant 0 : i32
    %dma_start3A_189 = tpu.memref_slice %arg15[%dma_start3A_188] : memref<1000448xf32, #tpu.memory_space<vmem_shared>> -> memref<1000448xf32, #tpu.memory_space<vmem_shared>>
    tpu.enqueue_indirect_dma source(%dma_start3A_189 : memref<1000448xf32, #tpu.memory_space<vmem_shared>>) target(%dma_start3A_185 : memref<11264xf32, #tpu.memory_space<vmem>>) offsets(%dma_start3A_187 : memref<11264xi32, #tpu.memory_space<vmem>>) semaphore(%arg16 : memref<!tpu.dma_semaphore, #tpu.memory_space<semaphore_mem>>)
    %scan3A_190 = arith.constant 0 : i32
    %scan3A_191 = arith.constant 0 : i32
    %scan3A_192 = arith.constant 8 : i32
    %scan3A_193 = arith.addi %scan3A_191, %scan3A_192 : i32
    %scan3A_194 = arith.constant 1 : i32
    %scan3A_195 = scf.for %scan3A_220 = %scan3A_191 to %scan3A_193 step %scan3A_194 iter_args(%scan3A_221 = %scan3A_190) -> (i32)  : i32 {
      %mul3A_222 = arith.constant 16 : i32
      %mul3A_223 = arith.muli %scan3A_220, %mul3A_222 : i32
      %add3A_224 = arith.constant 0 : i32
      %add3A_225 = arith.addi %add3A_224, %mul3A_223 : i32
      %get3A_226 = arith.index_cast %add3A_225 : i32 to index
      %get3A_227 = tpu.vector_load %arg9[%get3A_226] {strides = array<i32>} : memref<12800xf32, #tpu.memory_space<vmem>>, vector<16xf32>,
      %get3A_228 = vector.shape_cast %get3A_227 : vector<16xf32> to vector<16xf32>
      %add3A_229 = arith.addf %get3A_23, %get3A_228 : vector<16xf32>
      %add3A_230 = arith.constant 128 : i32
      %add3A_231 = arith.addi %add3A_230, %mul3A_223 : i32
      %get3A_232 = arith.index_cast %add3A_231 : i32 to index
      %get3A_233 = tpu.vector_load %arg9[%get3A_232] {strides = array<i32>} : memref<12800xf32, #tpu.memory_space<vmem>>, vector<16xf32>,
      %get3A_234 = vector.shape_cast %get3A_233 : vector<16xf32> to vector<16xf32>
      %add3A_235 = arith.addf %add3A_229, %get3A_234 : vector<16xf32>
      %add3A_236 = arith.constant 256 : i32
      %add3A_237 = arith.addi %add3A_236, %mul3A_223 : i32
      %get3A_238 = arith.index_cast %add3A_237 : i32 to index
      %get3A_239 = tpu.vector_load %arg9[%get3A_238] {strides = array<i32>} : memref<12800xf32, #tpu.memory_space<vmem>>, vector<16xf32>,
      %get3A_240 = vector.shape_cast %get3A_239 : vector<16xf32> to vector<16xf32>
      %add3A_241 = arith.addf %add3A_235, %get3A_240 : vector<16xf32>
      %add3A_242 = arith.constant 384 : i32
      %add3A_243 = arith.addi %add3A_242, %mul3A_223 : i32
      %get3A_244 = arith.index_cast %add3A_243 : i32 to index
      %get3A_245 = tpu.vector_load %arg9[%get3A_244] {strides = array<i32>} : memref<12800xf32, #tpu.memory_space<vmem>>, vector<16xf32>,
      %get3A_246 = vector.shape_cast %get3A_245 : vector<16xf32> to vector<16xf32>
      %add3A_247 = arith.addf %add3A_241, %get3A_246 : vector<16xf32>
      %add3A_248 = arith.constant 512 : i32
      %add3A_249 = arith.addi %add3A_248, %mul3A_223 : i32
      %get3A_250 = arith.index_cast %add3A_249 : i32 to index
      %get3A_251 = tpu.vector_load %arg9[%get3A_250] {strides = array<i32>} : memref<12800xf32, #tpu.memory_space<vmem>>, vector<16xf32>,
      %get3A_252 = vector.shape_cast %get3A_251 : vector<16xf32> to vector<16xf32>
      %add3A_253 = arith.addf %add3A_247, %get3A_252 : vector<16xf32>
      %add3A_254 = arith.constant 640 : i32
      %add3A_255 = arith.addi %add3A_254, %mul3A_223 : i32
      %get3A_256 = arith.index_cast %add3A_255 : i32 to index
      %get3A_257 = tpu.vector_load %arg9[%get3A_256] {strides = array<i32>} : memref<12800xf32, #tpu.memory_space<vmem>>, vector<16xf32>,
      %get3A_258 = vector.shape_cast %get3A_257 : vector<16xf32> to vector<16xf32>
      %add3A_259 = arith.addf %add3A_253, %get3A_258 : vector<16xf32>
      %add3A_260 = arith.constant 768 : i32
      %add3A_261 = arith.addi %add3A_260, %mul3A_223 : i32
      %get3A_262 = arith.index_cast %add3A_261 : i32 to index
      %get3A_263 = tpu.vector_load %arg9[%get3A_262] {strides = array<i32>} : memref<12800xf32, #tpu.memory_space<vmem>>, vector<16xf32>,
      %get3A_264 = vector.shape_cast %get3A_263 : vector<16xf32> to vector<16xf32>
      %add3A_265 = arith.addf %add3A_259, %get3A_264 : vector<16xf32>
      %add3A_266 = arith.constant 896 : i32
      %add3A_267 = arith.addi %add3A_266, %mul3A_223 : i32
      %get3A_268 = arith.index_cast %add3A_267 : i32 to index
      %get3A_269 = tpu.vector_load %arg9[%get3A_268] {strides = array<i32>} : memref<12800xf32, #tpu.memory_space<vmem>>, vector<16xf32>,
      %get3A_270 = vector.shape_cast %get3A_269 : vector<16xf32> to vector<16xf32>
      %add3A_271 = arith.addf %add3A_265, %get3A_270 : vector<16xf32>
      %add3A_272 = arith.constant 1024 : i32
      %add3A_273 = arith.addi %add3A_272, %mul3A_223 : i32
      %get3A_274 = arith.index_cast %add3A_273 : i32 to index
      %get3A_275 = tpu.vector_load %arg9[%get3A_274] {strides = array<i32>} : memref<12800xf32, #tpu.memory_space<vmem>>, vector<16xf32>,
      %get3A_276 = vector.shape_cast %get3A_275 : vector<16xf32> to vector<16xf32>
      %add3A_277 = arith.addf %add3A_271, %get3A_276 : vector<16xf32>
      %add3A_278 = arith.constant 1152 : i32
      %add3A_279 = arith.addi %add3A_278, %mul3A_223 : i32
      %get3A_280 = arith.index_cast %add3A_279 : i32 to index
      %get3A_281 = tpu.vector_load %arg9[%get3A_280] {strides = array<i32>} : memref<12800xf32, #tpu.memory_space<vmem>>, vector<16xf32>,
      %get3A_282 = vector.shape_cast %get3A_281 : vector<16xf32> to vector<16xf32>
      %add3A_283 = arith.addf %add3A_277, %get3A_282 : vector<16xf32>
      %add3A_284 = arith.constant 1280 : i32
      %add3A_285 = arith.addi %add3A_284, %mul3A_223 : i32
      %get3A_286 = arith.index_cast %add3A_285 : i32 to index
      %get3A_287 = tpu.vector_load %arg9[%get3A_286] {strides = array<i32>} : memref<12800xf32, #tpu.memory_space<vmem>>, vector<16xf32>,
      %get3A_288 = vector.shape_cast %get3A_287 : vector<16xf32> to vector<16xf32>
      %add3A_289 = arith.addf %add3A_283, %get3A_288 : vector<16xf32>
      %add3A_290 = arith.constant 1408 : i32
      %add3A_291 = arith.addi %add3A_290, %mul3A_223 : i32
      %get3A_292 = arith.index_cast %add3A_291 : i32 to index
      %get3A_293 = tpu.vector_load %arg9[%get3A_292] {strides = array<i32>} : memref<12800xf32, #tpu.memory_space<vmem>>, vector<16xf32>,
      %get3A_294 = vector.shape_cast %get3A_293 : vector<16xf32> to vector<16xf32>
      %add3A_295 = arith.addf %add3A_289, %get3A_294 : vector<16xf32>
      %add3A_296 = arith.constant 1536 : i32
      %add3A_297 = arith.addi %add3A_296, %mul3A_223 : i32
      %get3A_298 = arith.index_cast %add3A_297 : i32 to index
      %get3A_299 = tpu.vector_load %arg9[%get3A_298] {strides = array<i32>} : memref<12800xf32, #tpu.memory_space<vmem>>, vector<16xf32>,
      %get3A_300 = vector.shape_cast %get3A_299 : vector<16xf32> to vector<16xf32>
      %add3A_301 = arith.addf %add3A_295, %get3A_300 : vector<16xf32>
      %add3A_302 = arith.constant 1664 : i32
      %add3A_303 = arith.addi %add3A_302, %mul3A_223 : i32
      %get3A_304 = arith.index_cast %add3A_303 : i32 to index
      %get3A_305 = tpu.vector_load %arg9[%get3A_304] {strides = array<i32>} : memref<12800xf32, #tpu.memory_space<vmem>>, vector<16xf32>,
      %get3A_306 = vector.shape_cast %get3A_305 : vector<16xf32> to vector<16xf32>
      %add3A_307 = arith.addf %add3A_301, %get3A_306 : vector<16xf32>
      %add3A_308 = arith.constant 1792 : i32
      %add3A_309 = arith.addi %add3A_308, %mul3A_223 : i32
      %get3A_310 = arith.index_cast %add3A_309 : i32 to index
      %get3A_311 = tpu.vector_load %arg9[%get3A_310] {strides = array<i32>} : memref<12800xf32, #tpu.memory_space<vmem>>, vector<16xf32>,
      %get3A_312 = vector.shape_cast %get3A_311 : vector<16xf32> to vector<16xf32>
      %add3A_313 = arith.addf %add3A_307, %get3A_312 : vector<16xf32>
      %add3A_314 = arith.constant 1920 : i32
      %add3A_315 = arith.addi %add3A_314, %mul3A_223 : i32
      %get3A_316 = arith.index_cast %add3A_315 : i32 to index
      %get3A_317 = tpu.vector_load %arg9[%get3A_316] {strides = array<i32>} : memref<12800xf32, #tpu.memory_space<vmem>>, vector<16xf32>,
      %get3A_318 = vector.shape_cast %get3A_317 : vector<16xf32> to vector<16xf32>
      %add3A_319 = arith.addf %add3A_313, %get3A_318 : vector<16xf32>
      %add3A_320 = arith.constant 2048 : i32
      %add3A_321 = arith.addi %add3A_320, %mul3A_223 : i32
      %get3A_322 = arith.index_cast %add3A_321 : i32 to index
      %get3A_323 = tpu.vector_load %arg9[%get3A_322] {strides = array<i32>} : memref<12800xf32, #tpu.memory_space<vmem>>, vector<16xf32>,
      %get3A_324 = vector.shape_cast %get3A_323 : vector<16xf32> to vector<16xf32>
      %add3A_325 = arith.addf %add3A_319, %get3A_324 : vector<16xf32>
      %add3A_326 = arith.constant 2176 : i32
      %add3A_327 = arith.addi %add3A_326, %mul3A_223 : i32
      %get3A_328 = arith.index_cast %add3A_327 : i32 to index
      %get3A_329 = tpu.vector_load %arg9[%get3A_328] {strides = array<i32>} : memref<12800xf32, #tpu.memory_space<vmem>>, vector<16xf32>,
      %get3A_330 = vector.shape_cast %get3A_329 : vector<16xf32> to vector<16xf32>
      %add3A_331 = arith.addf %add3A_325, %get3A_330 : vector<16xf32>
      %add3A_332 = arith.constant 2304 : i32
      %add3A_333 = arith.addi %add3A_332, %mul3A_223 : i32
      %get3A_334 = arith.index_cast %add3A_333 : i32 to index
      %get3A_335 = tpu.vector_load %arg9[%get3A_334] {strides = array<i32>} : memref<12800xf32, #tpu.memory_space<vmem>>, vector<16xf32>,
      %get3A_336 = vector.shape_cast %get3A_335 : vector<16xf32> to vector<16xf32>
      %add3A_337 = arith.addf %add3A_331, %get3A_336 : vector<16xf32>
      %add3A_338 = arith.constant 2432 : i32
      %add3A_339 = arith.addi %add3A_338, %mul3A_223 : i32
      %get3A_340 = arith.index_cast %add3A_339 : i32 to index
      %get3A_341 = tpu.vector_load %arg9[%get3A_340] {strides = array<i32>} : memref<12800xf32, #tpu.memory_space<vmem>>, vector<16xf32>,
      %get3A_342 = vector.shape_cast %get3A_341 : vector<16xf32> to vector<16xf32>
      %add3A_343 = arith.addf %add3A_337, %get3A_342 : vector<16xf32>
      %add3A_344 = arith.constant 2560 : i32
      %add3A_345 = arith.addi %add3A_344, %mul3A_223 : i32
      %get3A_346 = arith.index_cast %add3A_345 : i32 to index
      %get3A_347 = tpu.vector_load %arg9[%get3A_346] {strides = array<i32>} : memref<12800xf32, #tpu.memory_space<vmem>>, vector<16xf32>,
      %get3A_348 = vector.shape_cast %get3A_347 : vector<16xf32> to vector<16xf32>
      %add3A_349 = arith.addf %add3A_343, %get3A_348 : vector<16xf32>
      %add3A_350 = arith.constant 2688 : i32
      %add3A_351 = arith.addi %add3A_350, %mul3A_223 : i32
      %get3A_352 = arith.index_cast %add3A_351 : i32 to index
      %get3A_353 = tpu.vector_load %arg9[%get3A_352] {strides = array<i32>} : memref<12800xf32, #tpu.memory_space<vmem>>, vector<16xf32>,
      %get3A_354 = vector.shape_cast %get3A_353 : vector<16xf32> to vector<16xf32>
      %add3A_355 = arith.addf %add3A_349, %get3A_354 : vector<16xf32>
      %add3A_356 = arith.constant 2816 : i32
      %add3A_357 = arith.addi %add3A_356, %mul3A_223 : i32
      %get3A_358 = arith.index_cast %add3A_357 : i32 to index
      %get3A_359 = tpu.vector_load %arg9[%get3A_358] {strides = array<i32>} : memref<12800xf32, #tpu.memory_space<vmem>>, vector<16xf32>,
      %get3A_360 = vector.shape_cast %get3A_359 : vector<16xf32> to vector<16xf32>
      %add3A_361 = arith.addf %add3A_355, %get3A_360 : vector<16xf32>
      %add3A_362 = arith.constant 2944 : i32
      %add3A_363 = arith.addi %add3A_362, %mul3A_223 : i32
      %get3A_364 = arith.index_cast %add3A_363 : i32 to index
      %get3A_365 = tpu.vector_load %arg9[%get3A_364] {strides = array<i32>} : memref<12800xf32, #tpu.memory_space<vmem>>, vector<16xf32>,
      %get3A_366 = vector.shape_cast %get3A_365 : vector<16xf32> to vector<16xf32>
      %add3A_367 = arith.addf %add3A_361, %get3A_366 : vector<16xf32>
      %add3A_368 = arith.constant 3072 : i32
      %add3A_369 = arith.addi %add3A_368, %mul3A_223 : i32
      %get3A_370 = arith.index_cast %add3A_369 : i32 to index
      %get3A_371 = tpu.vector_load %arg9[%get3A_370] {strides = array<i32>} : memref<12800xf32, #tpu.memory_space<vmem>>, vector<16xf32>,
      %get3A_372 = vector.shape_cast %get3A_371 : vector<16xf32> to vector<16xf32>
      %add3A_373 = arith.addf %add3A_367, %get3A_372 : vector<16xf32>
      %add3A_374 = arith.constant 3200 : i32
      %add3A_375 = arith.addi %add3A_374, %mul3A_223 : i32
      %get3A_376 = arith.index_cast %add3A_375 : i32 to index
      %get3A_377 = tpu.vector_load %arg9[%get3A_376] {strides = array<i32>} : memref<12800xf32, #tpu.memory_space<vmem>>, vector<16xf32>,
      %get3A_378 = vector.shape_cast %get3A_377 : vector<16xf32> to vector<16xf32>
      %add3A_379 = arith.addf %add3A_373, %get3A_378 : vector<16xf32>
      %add3A_380 = arith.constant 3328 : i32
      %add3A_381 = arith.addi %add3A_380, %mul3A_223 : i32
      %get3A_382 = arith.index_cast %add3A_381 : i32 to index
      %get3A_383 = tpu.vector_load %arg9[%get3A_382] {strides = array<i32>} : memref<12800xf32, #tpu.memory_space<vmem>>, vector<16xf32>,
      %get3A_384 = vector.shape_cast %get3A_383 : vector<16xf32> to vector<16xf32>
      %add3A_385 = arith.addf %add3A_379, %get3A_384 : vector<16xf32>
      %add3A_386 = arith.constant 3456 : i32
      %add3A_387 = arith.addi %add3A_386, %mul3A_223 : i32
      %get3A_388 = arith.index_cast %add3A_387 : i32 to index
      %get3A_389 = tpu.vector_load %arg9[%get3A_388] {strides = array<i32>} : memref<12800xf32, #tpu.memory_space<vmem>>, vector<16xf32>,
      %get3A_390 = vector.shape_cast %get3A_389 : vector<16xf32> to vector<16xf32>
      %add3A_391 = arith.addf %add3A_385, %get3A_390 : vector<16xf32>
      %add3A_392 = arith.constant 3584 : i32
      %add3A_393 = arith.addi %add3A_392, %mul3A_223 : i32
      %get3A_394 = arith.index_cast %add3A_393 : i32 to index
      %get3A_395 = tpu.vector_load %arg9[%get3A_394] {strides = array<i32>} : memref<12800xf32, #tpu.memory_space<vmem>>, vector<16xf32>,
      %get3A_396 = vector.shape_cast %get3A_395 : vector<16xf32> to vector<16xf32>
      %add3A_397 = arith.addf %add3A_391, %get3A_396 : vector<16xf32>
      %add3A_398 = arith.constant 3712 : i32
      %add3A_399 = arith.addi %add3A_398, %mul3A_223 : i32
      %get3A_400 = arith.index_cast %add3A_399 : i32 to index
      %get3A_401 = tpu.vector_load %arg9[%get3A_400] {strides = array<i32>} : memref<12800xf32, #tpu.memory_space<vmem>>, vector<16xf32>,
      %get3A_402 = vector.shape_cast %get3A_401 : vector<16xf32> to vector<16xf32>
      %add3A_403 = arith.addf %add3A_397, %get3A_402 : vector<16xf32>
      %add3A_404 = arith.constant 3840 : i32
      %add3A_405 = arith.addi %add3A_404, %mul3A_223 : i32
      %get3A_406 = arith.index_cast %add3A_405 : i32 to index
      %get3A_407 = tpu.vector_load %arg9[%get3A_406] {strides = array<i32>} : memref<12800xf32, #tpu.memory_space<vmem>>, vector<16xf32>,
      %get3A_408 = vector.shape_cast %get3A_407 : vector<16xf32> to vector<16xf32>
      %add3A_409 = arith.addf %add3A_403, %get3A_408 : vector<16xf32>
      %add3A_410 = arith.constant 3968 : i32
      %add3A_411 = arith.addi %add3A_410, %mul3A_223 : i32
      %get3A_412 = arith.index_cast %add3A_411 : i32 to index
      %get3A_413 = tpu.vector_load %arg9[%get3A_412] {strides = array<i32>} : memref<12800xf32, #tpu.memory_space<vmem>>, vector<16xf32>,
      %get3A_414 = vector.shape_cast %get3A_413 : vector<16xf32> to vector<16xf32>
      %add3A_415 = arith.addf %add3A_409, %get3A_414 : vector<16xf32>
      %add3A_416 = arith.constant 4096 : i32
      %add3A_417 = arith.addi %add3A_416, %mul3A_223 : i32
      %get3A_418 = arith.index_cast %add3A_417 : i32 to index
      %get3A_419 = tpu.vector_load %arg9[%get3A_418] {strides = array<i32>} : memref<12800xf32, #tpu.memory_space<vmem>>, vector<16xf32>,
      %get3A_420 = vector.shape_cast %get3A_419 : vector<16xf32> to vector<16xf32>
      %add3A_421 = arith.addf %add3A_415, %get3A_420 : vector<16xf32>
      %add3A_422 = arith.constant 4224 : i32
      %add3A_423 = arith.addi %add3A_422, %mul3A_223 : i32
      %get3A_424 = arith.index_cast %add3A_423 : i32 to index
      %get3A_425 = tpu.vector_load %arg9[%get3A_424] {strides = array<i32>} : memref<12800xf32, #tpu.memory_space<vmem>>, vector<16xf32>,
      %get3A_426 = vector.shape_cast %get3A_425 : vector<16xf32> to vector<16xf32>
      %add3A_427 = arith.addf %add3A_421, %get3A_426 : vector<16xf32>
      %add3A_428 = arith.constant 4352 : i32
      %add3A_429 = arith.addi %add3A_428, %mul3A_223 : i32
      %get3A_430 = arith.index_cast %add3A_429 : i32 to index
      %get3A_431 = tpu.vector_load %arg9[%get3A_430] {strides = array<i32>} : memref<12800xf32, #tpu.memory_space<vmem>>, vector<16xf32>,
      %get3A_432 = vector.shape_cast %get3A_431 : vector<16xf32> to vector<16xf32>
      %add3A_433 = arith.addf %add3A_427, %get3A_432 : vector<16xf32>
      %add3A_434 = arith.constant 4480 : i32
      %add3A_435 = arith.addi %add3A_434, %mul3A_223 : i32
      %get3A_436 = arith.index_cast %add3A_435 : i32 to index
      %get3A_437 = tpu.vector_load %arg9[%get3A_436] {strides = array<i32>} : memref<12800xf32, #tpu.memory_space<vmem>>, vector<16xf32>,
      %get3A_438 = vector.shape_cast %get3A_437 : vector<16xf32> to vector<16xf32>
      %add3A_439 = arith.addf %add3A_433, %get3A_438 : vector<16xf32>
      %add3A_440 = arith.constant 4608 : i32
      %add3A_441 = arith.addi %add3A_440, %mul3A_223 : i32
      %get3A_442 = arith.index_cast %add3A_441 : i32 to index
      %get3A_443 = tpu.vector_load %arg9[%get3A_442] {strides = array<i32>} : memref<12800xf32, #tpu.memory_space<vmem>>, vector<16xf32>,
      %get3A_444 = vector.shape_cast %get3A_443 : vector<16xf32> to vector<16xf32>
      %add3A_445 = arith.addf %add3A_439, %get3A_444 : vector<16xf32>
      %add3A_446 = arith.constant 4736 : i32
      %add3A_447 = arith.addi %add3A_446, %mul3A_223 : i32
      %get3A_448 = arith.index_cast %add3A_447 : i32 to index
      %get3A_449 = tpu.vector_load %arg9[%get3A_448] {strides = array<i32>} : memref<12800xf32, #tpu.memory_space<vmem>>, vector<16xf32>,
      %get3A_450 = vector.shape_cast %get3A_449 : vector<16xf32> to vector<16xf32>
      %add3A_451 = arith.addf %add3A_445, %get3A_450 : vector<16xf32>
      %add3A_452 = arith.constant 4864 : i32
      %add3A_453 = arith.addi %add3A_452, %mul3A_223 : i32
      %get3A_454 = arith.index_cast %add3A_453 : i32 to index
      %get3A_455 = tpu.vector_load %arg9[%get3A_454] {strides = array<i32>} : memref<12800xf32, #tpu.memory_space<vmem>>, vector<16xf32>,
      %get3A_456 = vector.shape_cast %get3A_455 : vector<16xf32> to vector<16xf32>
      %add3A_457 = arith.addf %add3A_451, %get3A_456 : vector<16xf32>
      %add3A_458 = arith.constant 4992 : i32
      %add3A_459 = arith.addi %add3A_458, %mul3A_223 : i32
      %get3A_460 = arith.index_cast %add3A_459 : i32 to index
      %get3A_461 = tpu.vector_load %arg9[%get3A_460] {strides = array<i32>} : memref<12800xf32, #tpu.memory_space<vmem>>, vector<16xf32>,
      %get3A_462 = vector.shape_cast %get3A_461 : vector<16xf32> to vector<16xf32>
      %add3A_463 = arith.addf %add3A_457, %get3A_462 : vector<16xf32>
      %add3A_464 = arith.constant 5120 : i32
      %add3A_465 = arith.addi %add3A_464, %mul3A_223 : i32
      %get3A_466 = arith.index_cast %add3A_465 : i32 to index
      %get3A_467 = tpu.vector_load %arg9[%get3A_466] {strides = array<i32>} : memref<12800xf32, #tpu.memory_space<vmem>>, vector<16xf32>,
      %get3A_468 = vector.shape_cast %get3A_467 : vector<16xf32> to vector<16xf32>
      %add3A_469 = arith.addf %add3A_463, %get3A_468 : vector<16xf32>
      %add3A_470 = arith.constant 5248 : i32
      %add3A_471 = arith.addi %add3A_470, %mul3A_223 : i32
      %get3A_472 = arith.index_cast %add3A_471 : i32 to index
      %get3A_473 = tpu.vector_load %arg9[%get3A_472] {strides = array<i32>} : memref<12800xf32, #tpu.memory_space<vmem>>, vector<16xf32>,
      %get3A_474 = vector.shape_cast %get3A_473 : vector<16xf32> to vector<16xf32>
      %add3A_475 = arith.addf %add3A_469, %get3A_474 : vector<16xf32>
      %add3A_476 = arith.constant 5376 : i32
      %add3A_477 = arith.addi %add3A_476, %mul3A_223 : i32
      %get3A_478 = arith.index_cast %add3A_477 : i32 to index
      %get3A_479 = tpu.vector_load %arg9[%get3A_478] {strides = array<i32>} : memref<12800xf32, #tpu.memory_space<vmem>>, vector<16xf32>,
      %get3A_480 = vector.shape_cast %get3A_479 : vector<16xf32> to vector<16xf32>
      %add3A_481 = arith.addf %add3A_475, %get3A_480 : vector<16xf32>
      %add3A_482 = arith.constant 5504 : i32
      %add3A_483 = arith.addi %add3A_482, %mul3A_223 : i32
      %get3A_484 = arith.index_cast %add3A_483 : i32 to index
      %get3A_485 = tpu.vector_load %arg9[%get3A_484] {strides = array<i32>} : memref<12800xf32, #tpu.memory_space<vmem>>, vector<16xf32>,
      %get3A_486 = vector.shape_cast %get3A_485 : vector<16xf32> to vector<16xf32>
      %add3A_487 = arith.addf %add3A_481, %get3A_486 : vector<16xf32>
      %add3A_488 = arith.constant 5632 : i32
      %add3A_489 = arith.addi %add3A_488, %mul3A_223 : i32
      %get3A_490 = arith.index_cast %add3A_489 : i32 to index
      %get3A_491 = tpu.vector_load %arg9[%get3A_490] {strides = array<i32>} : memref<12800xf32, #tpu.memory_space<vmem>>, vector<16xf32>,
      %get3A_492 = vector.shape_cast %get3A_491 : vector<16xf32> to vector<16xf32>
      %add3A_493 = arith.addf %add3A_487, %get3A_492 : vector<16xf32>
      %add3A_494 = arith.constant 5760 : i32
      %add3A_495 = arith.addi %add3A_494, %mul3A_223 : i32
      %get3A_496 = arith.index_cast %add3A_495 : i32 to index
      %get3A_497 = tpu.vector_load %arg9[%get3A_496] {strides = array<i32>} : memref<12800xf32, #tpu.memory_space<vmem>>, vector<16xf32>,
      %get3A_498 = vector.shape_cast %get3A_497 : vector<16xf32> to vector<16xf32>
      %add3A_499 = arith.addf %add3A_493, %get3A_498 : vector<16xf32>
      %add3A_500 = arith.constant 5888 : i32
      %add3A_501 = arith.addi %add3A_500, %mul3A_223 : i32
      %get3A_502 = arith.index_cast %add3A_501 : i32 to index
      %get3A_503 = tpu.vector_load %arg9[%get3A_502] {strides = array<i32>} : memref<12800xf32, #tpu.memory_space<vmem>>, vector<16xf32>,
      %get3A_504 = vector.shape_cast %get3A_503 : vector<16xf32> to vector<16xf32>
      %add3A_505 = arith.addf %add3A_499, %get3A_504 : vector<16xf32>
      %add3A_506 = arith.constant 6016 : i32
      %add3A_507 = arith.addi %add3A_506, %mul3A_223 : i32
      %get3A_508 = arith.index_cast %add3A_507 : i32 to index
      %get3A_509 = tpu.vector_load %arg9[%get3A_508] {strides = array<i32>} : memref<12800xf32, #tpu.memory_space<vmem>>, vector<16xf32>,
      %get3A_510 = vector.shape_cast %get3A_509 : vector<16xf32> to vector<16xf32>
      %add3A_511 = arith.addf %add3A_505, %get3A_510 : vector<16xf32>
      %add3A_512 = arith.constant 6144 : i32
      %add3A_513 = arith.addi %add3A_512, %mul3A_223 : i32
      %get3A_514 = arith.index_cast %add3A_513 : i32 to index
      %get3A_515 = tpu.vector_load %arg9[%get3A_514] {strides = array<i32>} : memref<12800xf32, #tpu.memory_space<vmem>>, vector<16xf32>,
      %get3A_516 = vector.shape_cast %get3A_515 : vector<16xf32> to vector<16xf32>
      %add3A_517 = arith.addf %add3A_511, %get3A_516 : vector<16xf32>
      %add3A_518 = arith.constant 6272 : i32
      %add3A_519 = arith.addi %add3A_518, %mul3A_223 : i32
      %get3A_520 = arith.index_cast %add3A_519 : i32 to index
      %get3A_521 = tpu.vector_load %arg9[%get3A_520] {strides = array<i32>} : memref<12800xf32, #tpu.memory_space<vmem>>, vector<16xf32>,
      %get3A_522 = vector.shape_cast %get3A_521 : vector<16xf32> to vector<16xf32>
      %add3A_523 = arith.addf %add3A_517, %get3A_522 : vector<16xf32>
      %add3A_524 = arith.constant 6400 : i32
      %add3A_525 = arith.addi %add3A_524, %mul3A_223 : i32
      %get3A_526 = arith.index_cast %add3A_525 : i32 to index
      %get3A_527 = tpu.vector_load %arg9[%get3A_526] {strides = array<i32>} : memref<12800xf32, #tpu.memory_space<vmem>>, vector<16xf32>,
      %get3A_528 = vector.shape_cast %get3A_527 : vector<16xf32> to vector<16xf32>
      %add3A_529 = arith.addf %add3A_523, %get3A_528 : vector<16xf32>
      %add3A_530 = arith.constant 6528 : i32
      %add3A_531 = arith.addi %add3A_530, %mul3A_223 : i32
      %get3A_532 = arith.index_cast %add3A_531 : i32 to index
      %get3A_533 = tpu.vector_load %arg9[%get3A_532] {strides = array<i32>} : memref<12800xf32, #tpu.memory_space<vmem>>, vector<16xf32>,
      %get3A_534 = vector.shape_cast %get3A_533 : vector<16xf32> to vector<16xf32>
      %add3A_535 = arith.addf %add3A_529, %get3A_534 : vector<16xf32>
      %add3A_536 = arith.constant 6656 : i32
      %add3A_537 = arith.addi %add3A_536, %mul3A_223 : i32
      %get3A_538 = arith.index_cast %add3A_537 : i32 to index
      %get3A_539 = tpu.vector_load %arg9[%get3A_538] {strides = array<i32>} : memref<12800xf32, #tpu.memory_space<vmem>>, vector<16xf32>,
      %get3A_540 = vector.shape_cast %get3A_539 : vector<16xf32> to vector<16xf32>
      %add3A_541 = arith.addf %add3A_535, %get3A_540 : vector<16xf32>
      %add3A_542 = arith.constant 6784 : i32
      %add3A_543 = arith.addi %add3A_542, %mul3A_223 : i32
      %get3A_544 = arith.index_cast %add3A_543 : i32 to index
      %get3A_545 = tpu.vector_load %arg9[%get3A_544] {strides = array<i32>} : memref<12800xf32, #tpu.memory_space<vmem>>, vector<16xf32>,
      %get3A_546 = vector.shape_cast %get3A_545 : vector<16xf32> to vector<16xf32>
      %add3A_547 = arith.addf %add3A_541, %get3A_546 : vector<16xf32>
      %add3A_548 = arith.constant 6912 : i32
      %add3A_549 = arith.addi %add3A_548, %mul3A_223 : i32
      %get3A_550 = arith.index_cast %add3A_549 : i32 to index
      %get3A_551 = tpu.vector_load %arg9[%get3A_550] {strides = array<i32>} : memref<12800xf32, #tpu.memory_space<vmem>>, vector<16xf32>,
      %get3A_552 = vector.shape_cast %get3A_551 : vector<16xf32> to vector<16xf32>
      %add3A_553 = arith.addf %add3A_547, %get3A_552 : vector<16xf32>
      %add3A_554 = arith.constant 7040 : i32
      %add3A_555 = arith.addi %add3A_554, %mul3A_223 : i32
      %get3A_556 = arith.index_cast %add3A_555 : i32 to index
      %get3A_557 = tpu.vector_load %arg9[%get3A_556] {strides = array<i32>} : memref<12800xf32, #tpu.memory_space<vmem>>, vector<16xf32>,
      %get3A_558 = vector.shape_cast %get3A_557 : vector<16xf32> to vector<16xf32>
      %add3A_559 = arith.addf %add3A_553, %get3A_558 : vector<16xf32>
      %add3A_560 = arith.constant 7168 : i32
      %add3A_561 = arith.addi %add3A_560, %mul3A_223 : i32
      %get3A_562 = arith.index_cast %add3A_561 : i32 to index
      %get3A_563 = tpu.vector_load %arg9[%get3A_562] {strides = array<i32>} : memref<12800xf32, #tpu.memory_space<vmem>>, vector<16xf32>,
      %get3A_564 = vector.shape_cast %get3A_563 : vector<16xf32> to vector<16xf32>
      %add3A_565 = arith.addf %add3A_559, %get3A_564 : vector<16xf32>
      %add3A_566 = arith.constant 7296 : i32
      %add3A_567 = arith.addi %add3A_566, %mul3A_223 : i32
      %get3A_568 = arith.index_cast %add3A_567 : i32 to index
      %get3A_569 = tpu.vector_load %arg9[%get3A_568] {strides = array<i32>} : memref<12800xf32, #tpu.memory_space<vmem>>, vector<16xf32>,
      %get3A_570 = vector.shape_cast %get3A_569 : vector<16xf32> to vector<16xf32>
      %add3A_571 = arith.addf %add3A_565, %get3A_570 : vector<16xf32>
      %add3A_572 = arith.constant 7424 : i32
      %add3A_573 = arith.addi %add3A_572, %mul3A_223 : i32
      %get3A_574 = arith.index_cast %add3A_573 : i32 to index
      %get3A_575 = tpu.vector_load %arg9[%get3A_574] {strides = array<i32>} : memref<12800xf32, #tpu.memory_space<vmem>>, vector<16xf32>,
      %get3A_576 = vector.shape_cast %get3A_575 : vector<16xf32> to vector<16xf32>
      %add3A_577 = arith.addf %add3A_571, %get3A_576 : vector<16xf32>
      %add3A_578 = arith.constant 7552 : i32
      %add3A_579 = arith.addi %add3A_578, %mul3A_223 : i32
      %get3A_580 = arith.index_cast %add3A_579 : i32 to index
      %get3A_581 = tpu.vector_load %arg9[%get3A_580] {strides = array<i32>} : memref<12800xf32, #tpu.memory_space<vmem>>, vector<16xf32>,
      %get3A_582 = vector.shape_cast %get3A_581 : vector<16xf32> to vector<16xf32>
      %add3A_583 = arith.addf %add3A_577, %get3A_582 : vector<16xf32>
      %add3A_584 = arith.constant 7680 : i32
      %add3A_585 = arith.addi %add3A_584, %mul3A_223 : i32
      %get3A_586 = arith.index_cast %add3A_585 : i32 to index
      %get3A_587 = tpu.vector_load %arg9[%get3A_586] {strides = array<i32>} : memref<12800xf32, #tpu.memory_space<vmem>>, vector<16xf32>,
      %get3A_588 = vector.shape_cast %get3A_587 : vector<16xf32> to vector<16xf32>
      %add3A_589 = arith.addf %add3A_583, %get3A_588 : vector<16xf32>
      %add3A_590 = arith.constant 7808 : i32
      %add3A_591 = arith.addi %add3A_590, %mul3A_223 : i32
      %get3A_592 = arith.index_cast %add3A_591 : i32 to index
      %get3A_593 = tpu.vector_load %arg9[%get3A_592] {strides = array<i32>} : memref<12800xf32, #tpu.memory_space<vmem>>, vector<16xf32>,
      %get3A_594 = vector.shape_cast %get3A_593 : vector<16xf32> to vector<16xf32>
      %add3A_595 = arith.addf %add3A_589, %get3A_594 : vector<16xf32>
      %add3A_596 = arith.constant 7936 : i32
      %add3A_597 = arith.addi %add3A_596, %mul3A_223 : i32
      %get3A_598 = arith.index_cast %add3A_597 : i32 to index
      %get3A_599 = tpu.vector_load %arg9[%get3A_598] {strides = array<i32>} : memref<12800xf32, #tpu.memory_space<vmem>>, vector<16xf32>,
      %get3A_600 = vector.shape_cast %get3A_599 : vector<16xf32> to vector<16xf32>
      %add3A_601 = arith.addf %add3A_595, %get3A_600 : vector<16xf32>
      %add3A_602 = arith.constant 8064 : i32
      %add3A_603 = arith.addi %add3A_602, %mul3A_223 : i32
      %get3A_604 = arith.index_cast %add3A_603 : i32 to index
      %get3A_605 = tpu.vector_load %arg9[%get3A_604] {strides = array<i32>} : memref<12800xf32, #tpu.memory_space<vmem>>, vector<16xf32>,
      %get3A_606 = vector.shape_cast %get3A_605 : vector<16xf32> to vector<16xf32>
      %add3A_607 = arith.addf %add3A_601, %get3A_606 : vector<16xf32>
      %add3A_608 = arith.constant 8192 : i32
      %add3A_609 = arith.addi %add3A_608, %mul3A_223 : i32
      %get3A_610 = arith.index_cast %add3A_609 : i32 to index
      %get3A_611 = tpu.vector_load %arg9[%get3A_610] {strides = array<i32>} : memref<12800xf32, #tpu.memory_space<vmem>>, vector<16xf32>,
      %get3A_612 = vector.shape_cast %get3A_611 : vector<16xf32> to vector<16xf32>
      %add3A_613 = arith.addf %add3A_607, %get3A_612 : vector<16xf32>
      %add3A_614 = arith.constant 8320 : i32
      %add3A_615 = arith.addi %add3A_614, %mul3A_223 : i32
      %get3A_616 = arith.index_cast %add3A_615 : i32 to index
      %get3A_617 = tpu.vector_load %arg9[%get3A_616] {strides = array<i32>} : memref<12800xf32, #tpu.memory_space<vmem>>, vector<16xf32>,
      %get3A_618 = vector.shape_cast %get3A_617 : vector<16xf32> to vector<16xf32>
      %add3A_619 = arith.addf %add3A_613, %get3A_618 : vector<16xf32>
      %add3A_620 = arith.constant 8448 : i32
      %add3A_621 = arith.addi %add3A_620, %mul3A_223 : i32
      %get3A_622 = arith.index_cast %add3A_621 : i32 to index
      %get3A_623 = tpu.vector_load %arg9[%get3A_622] {strides = array<i32>} : memref<12800xf32, #tpu.memory_space<vmem>>, vector<16xf32>,
      %get3A_624 = vector.shape_cast %get3A_623 : vector<16xf32> to vector<16xf32>
      %add3A_625 = arith.addf %add3A_619, %get3A_624 : vector<16xf32>
      %add3A_626 = arith.constant 8576 : i32
      %add3A_627 = arith.addi %add3A_626, %mul3A_223 : i32
      %get3A_628 = arith.index_cast %add3A_627 : i32 to index
      %get3A_629 = tpu.vector_load %arg9[%get3A_628] {strides = array<i32>} : memref<12800xf32, #tpu.memory_space<vmem>>, vector<16xf32>,
      %get3A_630 = vector.shape_cast %get3A_629 : vector<16xf32> to vector<16xf32>
      %add3A_631 = arith.addf %add3A_625, %get3A_630 : vector<16xf32>
      %add3A_632 = arith.constant 8704 : i32
      %add3A_633 = arith.addi %add3A_632, %mul3A_223 : i32
      %get3A_634 = arith.index_cast %add3A_633 : i32 to index
      %get3A_635 = tpu.vector_load %arg9[%get3A_634] {strides = array<i32>} : memref<12800xf32, #tpu.memory_space<vmem>>, vector<16xf32>,
      %get3A_636 = vector.shape_cast %get3A_635 : vector<16xf32> to vector<16xf32>
      %add3A_637 = arith.addf %add3A_631, %get3A_636 : vector<16xf32>
      %add3A_638 = arith.constant 8832 : i32
      %add3A_639 = arith.addi %add3A_638, %mul3A_223 : i32
      %get3A_640 = arith.index_cast %add3A_639 : i32 to index
      %get3A_641 = tpu.vector_load %arg9[%get3A_640] {strides = array<i32>} : memref<12800xf32, #tpu.memory_space<vmem>>, vector<16xf32>,
      %get3A_642 = vector.shape_cast %get3A_641 : vector<16xf32> to vector<16xf32>
      %add3A_643 = arith.addf %add3A_637, %get3A_642 : vector<16xf32>
      %add3A_644 = arith.constant 8960 : i32
      %add3A_645 = arith.addi %add3A_644, %mul3A_223 : i32
      %get3A_646 = arith.index_cast %add3A_645 : i32 to index
      %get3A_647 = tpu.vector_load %arg9[%get3A_646] {strides = array<i32>} : memref<12800xf32, #tpu.memory_space<vmem>>, vector<16xf32>,
      %get3A_648 = vector.shape_cast %get3A_647 : vector<16xf32> to vector<16xf32>
      %add3A_649 = arith.addf %add3A_643, %get3A_648 : vector<16xf32>
      %add3A_650 = arith.constant 9088 : i32
      %add3A_651 = arith.addi %add3A_650, %mul3A_223 : i32
      %get3A_652 = arith.index_cast %add3A_651 : i32 to index
      %get3A_653 = tpu.vector_load %arg9[%get3A_652] {strides = array<i32>} : memref<12800xf32, #tpu.memory_space<vmem>>, vector<16xf32>,
      %get3A_654 = vector.shape_cast %get3A_653 : vector<16xf32> to vector<16xf32>
      %add3A_655 = arith.addf %add3A_649, %get3A_654 : vector<16xf32>
      %add3A_656 = arith.constant 9216 : i32
      %add3A_657 = arith.addi %add3A_656, %mul3A_223 : i32
      %get3A_658 = arith.index_cast %add3A_657 : i32 to index
      %get3A_659 = tpu.vector_load %arg9[%get3A_658] {strides = array<i32>} : memref<12800xf32, #tpu.memory_space<vmem>>, vector<16xf32>,
      %get3A_660 = vector.shape_cast %get3A_659 : vector<16xf32> to vector<16xf32>
      %add3A_661 = arith.addf %add3A_655, %get3A_660 : vector<16xf32>
      %add3A_662 = arith.constant 9344 : i32
      %add3A_663 = arith.addi %add3A_662, %mul3A_223 : i32
      %get3A_664 = arith.index_cast %add3A_663 : i32 to index
      %get3A_665 = tpu.vector_load %arg9[%get3A_664] {strides = array<i32>} : memref<12800xf32, #tpu.memory_space<vmem>>, vector<16xf32>,
      %get3A_666 = vector.shape_cast %get3A_665 : vector<16xf32> to vector<16xf32>
      %add3A_667 = arith.addf %add3A_661, %get3A_666 : vector<16xf32>
      %add3A_668 = arith.constant 9472 : i32
      %add3A_669 = arith.addi %add3A_668, %mul3A_223 : i32
      %get3A_670 = arith.index_cast %add3A_669 : i32 to index
      %get3A_671 = tpu.vector_load %arg9[%get3A_670] {strides = array<i32>} : memref<12800xf32, #tpu.memory_space<vmem>>, vector<16xf32>,
      %get3A_672 = vector.shape_cast %get3A_671 : vector<16xf32> to vector<16xf32>
      %add3A_673 = arith.addf %add3A_667, %get3A_672 : vector<16xf32>
      %add3A_674 = arith.constant 9600 : i32
      %add3A_675 = arith.addi %add3A_674, %mul3A_223 : i32
      %get3A_676 = arith.index_cast %add3A_675 : i32 to index
      %get3A_677 = tpu.vector_load %arg9[%get3A_676] {strides = array<i32>} : memref<12800xf32, #tpu.memory_space<vmem>>, vector<16xf32>,
      %get3A_678 = vector.shape_cast %get3A_677 : vector<16xf32> to vector<16xf32>
      %add3A_679 = arith.addf %add3A_673, %get3A_678 : vector<16xf32>
      %add3A_680 = arith.constant 9728 : i32
      %add3A_681 = arith.addi %add3A_680, %mul3A_223 : i32
      %get3A_682 = arith.index_cast %add3A_681 : i32 to index
      %get3A_683 = tpu.vector_load %arg9[%get3A_682] {strides = array<i32>} : memref<12800xf32, #tpu.memory_space<vmem>>, vector<16xf32>,
      %get3A_684 = vector.shape_cast %get3A_683 : vector<16xf32> to vector<16xf32>
      %add3A_685 = arith.addf %add3A_679, %get3A_684 : vector<16xf32>
      %add3A_686 = arith.constant 9856 : i32
      %add3A_687 = arith.addi %add3A_686, %mul3A_223 : i32
      %get3A_688 = arith.index_cast %add3A_687 : i32 to index
      %get3A_689 = tpu.vector_load %arg9[%get3A_688] {strides = array<i32>} : memref<12800xf32, #tpu.memory_space<vmem>>, vector<16xf32>,
      %get3A_690 = vector.shape_cast %get3A_689 : vector<16xf32> to vector<16xf32>
      %add3A_691 = arith.addf %add3A_685, %get3A_690 : vector<16xf32>
      %add3A_692 = arith.constant 9984 : i32
      %add3A_693 = arith.addi %add3A_692, %mul3A_223 : i32
      %get3A_694 = arith.index_cast %add3A_693 : i32 to index
      %get3A_695 = tpu.vector_load %arg9[%get3A_694] {strides = array<i32>} : memref<12800xf32, #tpu.memory_space<vmem>>, vector<16xf32>,
      %get3A_696 = vector.shape_cast %get3A_695 : vector<16xf32> to vector<16xf32>
      %add3A_697 = arith.addf %add3A_691, %get3A_696 : vector<16xf32>
      %add3A_698 = arith.constant 10112 : i32
      %add3A_699 = arith.addi %add3A_698, %mul3A_223 : i32
      %get3A_700 = arith.index_cast %add3A_699 : i32 to index
      %get3A_701 = tpu.vector_load %arg9[%get3A_700] {strides = array<i32>} : memref<12800xf32, #tpu.memory_space<vmem>>, vector<16xf32>,
      %get3A_702 = vector.shape_cast %get3A_701 : vector<16xf32> to vector<16xf32>
      %add3A_703 = arith.addf %add3A_697, %get3A_702 : vector<16xf32>
      %add3A_704 = arith.constant 10240 : i32
      %add3A_705 = arith.addi %add3A_704, %mul3A_223 : i32
      %get3A_706 = arith.index_cast %add3A_705 : i32 to index
      %get3A_707 = tpu.vector_load %arg9[%get3A_706] {strides = array<i32>} : memref<12800xf32, #tpu.memory_space<vmem>>, vector<16xf32>,
      %get3A_708 = vector.shape_cast %get3A_707 : vector<16xf32> to vector<16xf32>
      %add3A_709 = arith.addf %add3A_703, %get3A_708 : vector<16xf32>
      %add3A_710 = arith.constant 10368 : i32
      %add3A_711 = arith.addi %add3A_710, %mul3A_223 : i32
      %get3A_712 = arith.index_cast %add3A_711 : i32 to index
      %get3A_713 = tpu.vector_load %arg9[%get3A_712] {strides = array<i32>} : memref<12800xf32, #tpu.memory_space<vmem>>, vector<16xf32>,
      %get3A_714 = vector.shape_cast %get3A_713 : vector<16xf32> to vector<16xf32>
      %add3A_715 = arith.addf %add3A_709, %get3A_714 : vector<16xf32>
      %add3A_716 = arith.constant 10496 : i32
      %add3A_717 = arith.addi %add3A_716, %mul3A_223 : i32
      %get3A_718 = arith.index_cast %add3A_717 : i32 to index
      %get3A_719 = tpu.vector_load %arg9[%get3A_718] {strides = array<i32>} : memref<12800xf32, #tpu.memory_space<vmem>>, vector<16xf32>,
      %get3A_720 = vector.shape_cast %get3A_719 : vector<16xf32> to vector<16xf32>
      %add3A_721 = arith.addf %add3A_715, %get3A_720 : vector<16xf32>
      %add3A_722 = arith.constant 10624 : i32
      %add3A_723 = arith.addi %add3A_722, %mul3A_223 : i32
      %get3A_724 = arith.index_cast %add3A_723 : i32 to index
      %get3A_725 = tpu.vector_load %arg9[%get3A_724] {strides = array<i32>} : memref<12800xf32, #tpu.memory_space<vmem>>, vector<16xf32>,
      %get3A_726 = vector.shape_cast %get3A_725 : vector<16xf32> to vector<16xf32>
      %add3A_727 = arith.addf %add3A_721, %get3A_726 : vector<16xf32>
      %add3A_728 = arith.constant 10752 : i32
      %add3A_729 = arith.addi %add3A_728, %mul3A_223 : i32
      %get3A_730 = arith.index_cast %add3A_729 : i32 to index
      %get3A_731 = tpu.vector_load %arg9[%get3A_730] {strides = array<i32>} : memref<12800xf32, #tpu.memory_space<vmem>>, vector<16xf32>,
      %get3A_732 = vector.shape_cast %get3A_731 : vector<16xf32> to vector<16xf32>
      %add3A_733 = arith.addf %add3A_727, %get3A_732 : vector<16xf32>
      %add3A_734 = arith.constant 10880 : i32
      %add3A_735 = arith.addi %add3A_734, %mul3A_223 : i32
      %get3A_736 = arith.index_cast %add3A_735 : i32 to index
      %get3A_737 = tpu.vector_load %arg9[%get3A_736] {strides = array<i32>} : memref<12800xf32, #tpu.memory_space<vmem>>, vector<16xf32>,
      %get3A_738 = vector.shape_cast %get3A_737 : vector<16xf32> to vector<16xf32>
      %add3A_739 = arith.addf %add3A_733, %get3A_738 : vector<16xf32>
      %add3A_740 = arith.constant 11008 : i32
      %add3A_741 = arith.addi %add3A_740, %mul3A_223 : i32
      %get3A_742 = arith.index_cast %add3A_741 : i32 to index
      %get3A_743 = tpu.vector_load %arg9[%get3A_742] {strides = array<i32>} : memref<12800xf32, #tpu.memory_space<vmem>>, vector<16xf32>,
      %get3A_744 = vector.shape_cast %get3A_743 : vector<16xf32> to vector<16xf32>
      %add3A_745 = arith.addf %add3A_739, %get3A_744 : vector<16xf32>
      %add3A_746 = arith.constant 11136 : i32
      %add3A_747 = arith.addi %add3A_746, %mul3A_223 : i32
      %get3A_748 = arith.index_cast %add3A_747 : i32 to index
      %get3A_749 = tpu.vector_load %arg9[%get3A_748] {strides = array<i32>} : memref<12800xf32, #tpu.memory_space<vmem>>, vector<16xf32>,
      %get3A_750 = vector.shape_cast %get3A_749 : vector<16xf32> to vector<16xf32>
      %add3A_751 = arith.addf %add3A_745, %get3A_750 : vector<16xf32>
      %add3A_752 = arith.constant 11264 : i32
      %add3A_753 = arith.addi %add3A_752, %mul3A_223 : i32
      %get3A_754 = arith.index_cast %add3A_753 : i32 to index
      %get3A_755 = tpu.vector_load %arg9[%get3A_754] {strides = array<i32>} : memref<12800xf32, #tpu.memory_space<vmem>>, vector<16xf32>,
      %get3A_756 = vector.shape_cast %get3A_755 : vector<16xf32> to vector<16xf32>
      %add3A_757 = arith.addf %add3A_751, %get3A_756 : vector<16xf32>
      %add3A_758 = arith.constant 11392 : i32
      %add3A_759 = arith.addi %add3A_758, %mul3A_223 : i32
      %get3A_760 = arith.index_cast %add3A_759 : i32 to index
      %get3A_761 = tpu.vector_load %arg9[%get3A_760] {strides = array<i32>} : memref<12800xf32, #tpu.memory_space<vmem>>, vector<16xf32>,
      %get3A_762 = vector.shape_cast %get3A_761 : vector<16xf32> to vector<16xf32>
      %add3A_763 = arith.addf %add3A_757, %get3A_762 : vector<16xf32>
      %add3A_764 = arith.constant 11520 : i32
      %add3A_765 = arith.addi %add3A_764, %mul3A_223 : i32
      %get3A_766 = arith.index_cast %add3A_765 : i32 to index
      %get3A_767 = tpu.vector_load %arg9[%get3A_766] {strides = array<i32>} : memref<12800xf32, #tpu.memory_space<vmem>>, vector<16xf32>,
      %get3A_768 = vector.shape_cast %get3A_767 : vector<16xf32> to vector<16xf32>
      %add3A_769 = arith.addf %add3A_763, %get3A_768 : vector<16xf32>
      %add3A_770 = arith.constant 11648 : i32
      %add3A_771 = arith.addi %add3A_770, %mul3A_223 : i32
      %get3A_772 = arith.index_cast %add3A_771 : i32 to index
      %get3A_773 = tpu.vector_load %arg9[%get3A_772] {strides = array<i32>} : memref<12800xf32, #tpu.memory_space<vmem>>, vector<16xf32>,
      %get3A_774 = vector.shape_cast %get3A_773 : vector<16xf32> to vector<16xf32>
      %add3A_775 = arith.addf %add3A_769, %get3A_774 : vector<16xf32>
      %add3A_776 = arith.constant 11776 : i32
      %add3A_777 = arith.addi %add3A_776, %mul3A_223 : i32
      %get3A_778 = arith.index_cast %add3A_777 : i32 to index
      %get3A_779 = tpu.vector_load %arg9[%get3A_778] {strides = array<i32>} : memref<12800xf32, #tpu.memory_space<vmem>>, vector<16xf32>,
      %get3A_780 = vector.shape_cast %get3A_779 : vector<16xf32> to vector<16xf32>
      %add3A_781 = arith.addf %add3A_775, %get3A_780 : vector<16xf32>
      %add3A_782 = arith.constant 11904 : i32
      %add3A_783 = arith.addi %add3A_782, %mul3A_223 : i32
      %get3A_784 = arith.index_cast %add3A_783 : i32 to index
      %get3A_785 = tpu.vector_load %arg9[%get3A_784] {strides = array<i32>} : memref<12800xf32, #tpu.memory_space<vmem>>, vector<16xf32>,
      %get3A_786 = vector.shape_cast %get3A_785 : vector<16xf32> to vector<16xf32>
      %add3A_787 = arith.addf %add3A_781, %get3A_786 : vector<16xf32>
      %add3A_788 = arith.constant 12032 : i32
      %add3A_789 = arith.addi %add3A_788, %mul3A_223 : i32
      %get3A_790 = arith.index_cast %add3A_789 : i32 to index
      %get3A_791 = tpu.vector_load %arg9[%get3A_790] {strides = array<i32>} : memref<12800xf32, #tpu.memory_space<vmem>>, vector<16xf32>,
      %get3A_792 = vector.shape_cast %get3A_791 : vector<16xf32> to vector<16xf32>
      %add3A_793 = arith.addf %add3A_787, %get3A_792 : vector<16xf32>
      %add3A_794 = arith.constant 12160 : i32
      %add3A_795 = arith.addi %add3A_794, %mul3A_223 : i32
      %get3A_796 = arith.index_cast %add3A_795 : i32 to index
      %get3A_797 = tpu.vector_load %arg9[%get3A_796] {strides = array<i32>} : memref<12800xf32, #tpu.memory_space<vmem>>, vector<16xf32>,
      %get3A_798 = vector.shape_cast %get3A_797 : vector<16xf32> to vector<16xf32>
      %add3A_799 = arith.addf %add3A_793, %get3A_798 : vector<16xf32>
      %add3A_800 = arith.constant 12288 : i32
      %add3A_801 = arith.addi %add3A_800, %mul3A_223 : i32
      %get3A_802 = arith.index_cast %add3A_801 : i32 to index
      %get3A_803 = tpu.vector_load %arg9[%get3A_802] {strides = array<i32>} : memref<12800xf32, #tpu.memory_space<vmem>>, vector<16xf32>,
      %get3A_804 = vector.shape_cast %get3A_803 : vector<16xf32> to vector<16xf32>
      %add3A_805 = arith.addf %add3A_799, %get3A_804 : vector<16xf32>
      %add3A_806 = arith.constant 12416 : i32
      %add3A_807 = arith.addi %add3A_806, %mul3A_223 : i32
      %get3A_808 = arith.index_cast %add3A_807 : i32 to index
      %get3A_809 = tpu.vector_load %arg9[%get3A_808] {strides = array<i32>} : memref<12800xf32, #tpu.memory_space<vmem>>, vector<16xf32>,
      %get3A_810 = vector.shape_cast %get3A_809 : vector<16xf32> to vector<16xf32>
      %add3A_811 = arith.addf %add3A_805, %get3A_810 : vector<16xf32>
      %add3A_812 = arith.constant 12544 : i32
      %add3A_813 = arith.addi %add3A_812, %mul3A_223 : i32
      %get3A_814 = arith.index_cast %add3A_813 : i32 to index
      %get3A_815 = tpu.vector_load %arg9[%get3A_814] {strides = array<i32>} : memref<12800xf32, #tpu.memory_space<vmem>>, vector<16xf32>,
      %get3A_816 = vector.shape_cast %get3A_815 : vector<16xf32> to vector<16xf32>
      %add3A_817 = arith.addf %add3A_811, %get3A_816 : vector<16xf32>
      %add3A_818 = arith.constant 12672 : i32
      %add3A_819 = arith.addi %add3A_818, %mul3A_223 : i32
      %get3A_820 = arith.index_cast %add3A_819 : i32 to index
      %get3A_821 = tpu.vector_load %arg9[%get3A_820] {strides = array<i32>} : memref<12800xf32, #tpu.memory_space<vmem>>, vector<16xf32>,
      %get3A_822 = vector.shape_cast %get3A_821 : vector<16xf32> to vector<16xf32>
      %add3A_823 = arith.addf %add3A_817, %get3A_822 : vector<16xf32>
      %add3A_824 = arith.constant 256 : i32
      %add3A_825 = arith.addi %add3A_824, %mul3A_223 : i32
      %swap3A = arith.index_cast %add3A_825 : i32 to index
      %swap3A_826 = tpu.vector_load %arg11[%swap3A] {strides = array<i32>} : memref<512xf32, #tpu.memory_space<vmem>>, vector<16xf32>,
      %swap3A_827 = vector.shape_cast %swap3A_826 : vector<16xf32> to vector<16xf32>
      %swap3A_828 = vector.shape_cast %add3A_823 : vector<16xf32> to vector<16xf32>
      tpu.vector_store %arg11[%swap3A], %swap3A_828 {strides = array<i32>} : memref<512xf32, #tpu.memory_space<vmem>>, vector<16xf32>,
      %scan3A_829 = arith.constant 0 : i32
      scf.yield %scan3A_829 : i32
    }
    %scan3A_196 = arith.constant 8 : i32
    %dma_wait3A_197 = arith.constant 0 : i32
    %dma_wait3A_198 = arith.constant 0 : i32
    %dma_wait3A_199 = tpu.memref_slice %arg10[%dma_wait3A_198] : memref<12800xf32, #tpu.memory_space<vmem>> -> memref<1536xf32, #tpu.memory_space<vmem>>
    %dma_wait3A_200 = arith.constant 0 : i32
    %dma_wait3A_201 = tpu.memref_slice %arg8[%dma_wait3A_200] : memref<12800xi32, #tpu.memory_space<vmem>> -> memref<1536xi32, #tpu.memory_space<vmem>>
    %dma_wait3A_202 = arith.constant 0 : i32
    %dma_wait3A_203 = tpu.memref_slice %arg3[%dma_wait3A_197, %dma_wait3A_202] : memref<1x1000001xf32, #tpu.memory_space<hbm>> -> memref<1x1000001xf32, #tpu.memory_space<hbm>>
    %dma_wait3A_204 = tpu.memref_squeeze %dma_wait3A_203 : memref<1x1000001xf32, #tpu.memory_space<hbm>> -> memref<1000001xf32, #tpu.memory_space<hbm>>
    %dma_wait3A_205 = arith.constant 0 : i32
    %dma_wait3A_206 = tpu.memref_slice %dma_wait3A_204[%dma_wait3A_205] : memref<1000001xf32, #tpu.memory_space<hbm>> -> memref<1000001xf32, #tpu.memory_space<hbm>>
    tpu.wait_indirect_dma semaphore(%arg18 : memref<!tpu.dma_semaphore, #tpu.memory_space<semaphore_mem>>) src(%dma_wait3A_206 : memref<1000001xf32, #tpu.memory_space<hbm>>) dst(%dma_wait3A_199 : memref<1536xf32, #tpu.memory_space<vmem>>)
    %dma_wait3A_207 = arith.constant 1536 : i32
    %dma_wait3A_208 = tpu.memref_slice %arg10[%dma_wait3A_207] : memref<12800xf32, #tpu.memory_space<vmem>> -> memref<11264xf32, #tpu.memory_space<vmem>>
    %dma_wait3A_209 = arith.constant 1536 : i32
    %dma_wait3A_210 = tpu.memref_slice %arg8[%dma_wait3A_209] : memref<12800xi32, #tpu.memory_space<vmem>> -> memref<11264xi32, #tpu.memory_space<vmem>>
    %dma_wait3A_211 = arith.constant 0 : i32
    %dma_wait3A_212 = tpu.memref_slice %arg15[%dma_wait3A_211] : memref<1000448xf32, #tpu.memory_space<vmem_shared>> -> memref<1000448xf32, #tpu.memory_space<vmem_shared>>
    tpu.wait_indirect_dma semaphore(%arg16 : memref<!tpu.dma_semaphore, #tpu.memory_space<semaphore_mem>>) src(%dma_wait3A_212 : memref<1000448xf32, #tpu.memory_space<vmem_shared>>) dst(%dma_wait3A_208 : memref<11264xf32, #tpu.memory_space<vmem>>)
    %scan3A_213 = arith.constant 0 : i32
    %scan3A_214 = arith.constant 0 : i32
    %scan3A_215 = arith.constant 8 : i32
    %scan3A_216 = arith.addi %scan3A_214, %scan3A_215 : i32
    %scan3A_217 = arith.constant 1 : i32
    %scan3A_218 = scf.for %scan3A_220 = %scan3A_214 to %scan3A_216 step %scan3A_217 iter_args(%scan3A_221 = %scan3A_213) -> (i32)  : i32 {
      %mul3A_222 = arith.constant 16 : i32
      %mul3A_223 = arith.muli %scan3A_220, %mul3A_222 : i32
      %add3A_224 = arith.constant 0 : i32
      %add3A_225 = arith.addi %add3A_224, %mul3A_223 : i32
      %get3A_226 = arith.index_cast %add3A_225 : i32 to index
      %get3A_227 = tpu.vector_load %arg10[%get3A_226] {strides = array<i32>} : memref<12800xf32, #tpu.memory_space<vmem>>, vector<16xf32>,
      %get3A_228 = vector.shape_cast %get3A_227 : vector<16xf32> to vector<16xf32>
      %add3A_229 = arith.addf %get3A_23, %get3A_228 : vector<16xf32>
      %add3A_230 = arith.constant 128 : i32
      %add3A_231 = arith.addi %add3A_230, %mul3A_223 : i32
      %get3A_232 = arith.index_cast %add3A_231 : i32 to index
      %get3A_233 = tpu.vector_load %arg10[%get3A_232] {strides = array<i32>} : memref<12800xf32, #tpu.memory_space<vmem>>, vector<16xf32>,
      %get3A_234 = vector.shape_cast %get3A_233 : vector<16xf32> to vector<16xf32>
      %add3A_235 = arith.addf %add3A_229, %get3A_234 : vector<16xf32>
      %add3A_236 = arith.constant 256 : i32
      %add3A_237 = arith.addi %add3A_236, %mul3A_223 : i32
      %get3A_238 = arith.index_cast %add3A_237 : i32 to index
      %get3A_239 = tpu.vector_load %arg10[%get3A_238] {strides = array<i32>} : memref<12800xf32, #tpu.memory_space<vmem>>, vector<16xf32>,
      %get3A_240 = vector.shape_cast %get3A_239 : vector<16xf32> to vector<16xf32>
      %add3A_241 = arith.addf %add3A_235, %get3A_240 : vector<16xf32>
      %add3A_242 = arith.constant 384 : i32
      %add3A_243 = arith.addi %add3A_242, %mul3A_223 : i32
      %get3A_244 = arith.index_cast %add3A_243 : i32 to index
      %get3A_245 = tpu.vector_load %arg10[%get3A_244] {strides = array<i32>} : memref<12800xf32, #tpu.memory_space<vmem>>, vector<16xf32>,
      %get3A_246 = vector.shape_cast %get3A_245 : vector<16xf32> to vector<16xf32>
      %add3A_247 = arith.addf %add3A_241, %get3A_246 : vector<16xf32>
      %add3A_248 = arith.constant 512 : i32
      %add3A_249 = arith.addi %add3A_248, %mul3A_223 : i32
      %get3A_250 = arith.index_cast %add3A_249 : i32 to index
      %get3A_251 = tpu.vector_load %arg10[%get3A_250] {strides = array<i32>} : memref<12800xf32, #tpu.memory_space<vmem>>, vector<16xf32>,
      %get3A_252 = vector.shape_cast %get3A_251 : vector<16xf32> to vector<16xf32>
      %add3A_253 = arith.addf %add3A_247, %get3A_252 : vector<16xf32>
      %add3A_254 = arith.constant 640 : i32
      %add3A_255 = arith.addi %add3A_254, %mul3A_223 : i32
      %get3A_256 = arith.index_cast %add3A_255 : i32 to index
      %get3A_257 = tpu.vector_load %arg10[%get3A_256] {strides = array<i32>} : memref<12800xf32, #tpu.memory_space<vmem>>, vector<16xf32>,
      %get3A_258 = vector.shape_cast %get3A_257 : vector<16xf32> to vector<16xf32>
      %add3A_259 = arith.addf %add3A_253, %get3A_258 : vector<16xf32>
      %add3A_260 = arith.constant 768 : i32
      %add3A_261 = arith.addi %add3A_260, %mul3A_223 : i32
      %get3A_262 = arith.index_cast %add3A_261 : i32 to index
      %get3A_263 = tpu.vector_load %arg10[%get3A_262] {strides = array<i32>} : memref<12800xf32, #tpu.memory_space<vmem>>, vector<16xf32>,
      %get3A_264 = vector.shape_cast %get3A_263 : vector<16xf32> to vector<16xf32>
      %add3A_265 = arith.addf %add3A_259, %get3A_264 : vector<16xf32>
      %add3A_266 = arith.constant 896 : i32
      %add3A_267 = arith.addi %add3A_266, %mul3A_223 : i32
      %get3A_268 = arith.index_cast %add3A_267 : i32 to index
      %get3A_269 = tpu.vector_load %arg10[%get3A_268] {strides = array<i32>} : memref<12800xf32, #tpu.memory_space<vmem>>, vector<16xf32>,
      %get3A_270 = vector.shape_cast %get3A_269 : vector<16xf32> to vector<16xf32>
      %add3A_271 = arith.addf %add3A_265, %get3A_270 : vector<16xf32>
      %add3A_272 = arith.constant 1024 : i32
      %add3A_273 = arith.addi %add3A_272, %mul3A_223 : i32
      %get3A_274 = arith.index_cast %add3A_273 : i32 to index
      %get3A_275 = tpu.vector_load %arg10[%get3A_274] {strides = array<i32>} : memref<12800xf32, #tpu.memory_space<vmem>>, vector<16xf32>,
      %get3A_276 = vector.shape_cast %get3A_275 : vector<16xf32> to vector<16xf32>
      %add3A_277 = arith.addf %add3A_271, %get3A_276 : vector<16xf32>
      %add3A_278 = arith.constant 1152 : i32
      %add3A_279 = arith.addi %add3A_278, %mul3A_223 : i32
      %get3A_280 = arith.index_cast %add3A_279 : i32 to index
      %get3A_281 = tpu.vector_load %arg10[%get3A_280] {strides = array<i32>} : memref<12800xf32, #tpu.memory_space<vmem>>, vector<16xf32>,
      %get3A_282 = vector.shape_cast %get3A_281 : vector<16xf32> to vector<16xf32>
      %add3A_283 = arith.addf %add3A_277, %get3A_282 : vector<16xf32>
      %add3A_284 = arith.constant 1280 : i32
      %add3A_285 = arith.addi %add3A_284, %mul3A_223 : i32
      %get3A_286 = arith.index_cast %add3A_285 : i32 to index
      %get3A_287 = tpu.vector_load %arg10[%get3A_286] {strides = array<i32>} : memref<12800xf32, #tpu.memory_space<vmem>>, vector<16xf32>,
      %get3A_288 = vector.shape_cast %get3A_287 : vector<16xf32> to vector<16xf32>
      %add3A_289 = arith.addf %add3A_283, %get3A_288 : vector<16xf32>
      %add3A_290 = arith.constant 1408 : i32
      %add3A_291 = arith.addi %add3A_290, %mul3A_223 : i32
      %get3A_292 = arith.index_cast %add3A_291 : i32 to index
      %get3A_293 = tpu.vector_load %arg10[%get3A_292] {strides = array<i32>} : memref<12800xf32, #tpu.memory_space<vmem>>, vector<16xf32>,
      %get3A_294 = vector.shape_cast %get3A_293 : vector<16xf32> to vector<16xf32>
      %add3A_295 = arith.addf %add3A_289, %get3A_294 : vector<16xf32>
      %add3A_296 = arith.constant 1536 : i32
      %add3A_297 = arith.addi %add3A_296, %mul3A_223 : i32
      %get3A_298 = arith.index_cast %add3A_297 : i32 to index
      %get3A_299 = tpu.vector_load %arg10[%get3A_298] {strides = array<i32>} : memref<12800xf32, #tpu.memory_space<vmem>>, vector<16xf32>,
      %get3A_300 = vector.shape_cast %get3A_299 : vector<16xf32> to vector<16xf32>
      %add3A_301 = arith.addf %add3A_295, %get3A_300 : vector<16xf32>
      %add3A_302 = arith.constant 1664 : i32
      %add3A_303 = arith.addi %add3A_302, %mul3A_223 : i32
      %get3A_304 = arith.index_cast %add3A_303 : i32 to index
      %get3A_305 = tpu.vector_load %arg10[%get3A_304] {strides = array<i32>} : memref<12800xf32, #tpu.memory_space<vmem>>, vector<16xf32>,
      %get3A_306 = vector.shape_cast %get3A_305 : vector<16xf32> to vector<16xf32>
      %add3A_307 = arith.addf %add3A_301, %get3A_306 : vector<16xf32>
      %add3A_308 = arith.constant 1792 : i32
      %add3A_309 = arith.addi %add3A_308, %mul3A_223 : i32
      %get3A_310 = arith.index_cast %add3A_309 : i32 to index
      %get3A_311 = tpu.vector_load %arg10[%get3A_310] {strides = array<i32>} : memref<12800xf32, #tpu.memory_space<vmem>>, vector<16xf32>,
      %get3A_312 = vector.shape_cast %get3A_311 : vector<16xf32> to vector<16xf32>
      %add3A_313 = arith.addf %add3A_307, %get3A_312 : vector<16xf32>
      %add3A_314 = arith.constant 1920 : i32
      %add3A_315 = arith.addi %add3A_314, %mul3A_223 : i32
      %get3A_316 = arith.index_cast %add3A_315 : i32 to index
      %get3A_317 = tpu.vector_load %arg10[%get3A_316] {strides = array<i32>} : memref<12800xf32, #tpu.memory_space<vmem>>, vector<16xf32>,
      %get3A_318 = vector.shape_cast %get3A_317 : vector<16xf32> to vector<16xf32>
      %add3A_319 = arith.addf %add3A_313, %get3A_318 : vector<16xf32>
      %add3A_320 = arith.constant 2048 : i32
      %add3A_321 = arith.addi %add3A_320, %mul3A_223 : i32
      %get3A_322 = arith.index_cast %add3A_321 : i32 to index
      %get3A_323 = tpu.vector_load %arg10[%get3A_322] {strides = array<i32>} : memref<12800xf32, #tpu.memory_space<vmem>>, vector<16xf32>,
      %get3A_324 = vector.shape_cast %get3A_323 : vector<16xf32> to vector<16xf32>
      %add3A_325 = arith.addf %add3A_319, %get3A_324 : vector<16xf32>
      %add3A_326 = arith.constant 2176 : i32
      %add3A_327 = arith.addi %add3A_326, %mul3A_223 : i32
      %get3A_328 = arith.index_cast %add3A_327 : i32 to index
      %get3A_329 = tpu.vector_load %arg10[%get3A_328] {strides = array<i32>} : memref<12800xf32, #tpu.memory_space<vmem>>, vector<16xf32>,
      %get3A_330 = vector.shape_cast %get3A_329 : vector<16xf32> to vector<16xf32>
      %add3A_331 = arith.addf %add3A_325, %get3A_330 : vector<16xf32>
      %add3A_332 = arith.constant 2304 : i32
      %add3A_333 = arith.addi %add3A_332, %mul3A_223 : i32
      %get3A_334 = arith.index_cast %add3A_333 : i32 to index
      %get3A_335 = tpu.vector_load %arg10[%get3A_334] {strides = array<i32>} : memref<12800xf32, #tpu.memory_space<vmem>>, vector<16xf32>,
      %get3A_336 = vector.shape_cast %get3A_335 : vector<16xf32> to vector<16xf32>
      %add3A_337 = arith.addf %add3A_331, %get3A_336 : vector<16xf32>
      %add3A_338 = arith.constant 2432 : i32
      %add3A_339 = arith.addi %add3A_338, %mul3A_223 : i32
      %get3A_340 = arith.index_cast %add3A_339 : i32 to index
      %get3A_341 = tpu.vector_load %arg10[%get3A_340] {strides = array<i32>} : memref<12800xf32, #tpu.memory_space<vmem>>, vector<16xf32>,
      %get3A_342 = vector.shape_cast %get3A_341 : vector<16xf32> to vector<16xf32>
      %add3A_343 = arith.addf %add3A_337, %get3A_342 : vector<16xf32>
      %add3A_344 = arith.constant 2560 : i32
      %add3A_345 = arith.addi %add3A_344, %mul3A_223 : i32
      %get3A_346 = arith.index_cast %add3A_345 : i32 to index
      %get3A_347 = tpu.vector_load %arg10[%get3A_346] {strides = array<i32>} : memref<12800xf32, #tpu.memory_space<vmem>>, vector<16xf32>,
      %get3A_348 = vector.shape_cast %get3A_347 : vector<16xf32> to vector<16xf32>
      %add3A_349 = arith.addf %add3A_343, %get3A_348 : vector<16xf32>
      %add3A_350 = arith.constant 2688 : i32
      %add3A_351 = arith.addi %add3A_350, %mul3A_223 : i32
      %get3A_352 = arith.index_cast %add3A_351 : i32 to index
      %get3A_353 = tpu.vector_load %arg10[%get3A_352] {strides = array<i32>} : memref<12800xf32, #tpu.memory_space<vmem>>, vector<16xf32>,
      %get3A_354 = vector.shape_cast %get3A_353 : vector<16xf32> to vector<16xf32>
      %add3A_355 = arith.addf %add3A_349, %get3A_354 : vector<16xf32>
      %add3A_356 = arith.constant 2816 : i32
      %add3A_357 = arith.addi %add3A_356, %mul3A_223 : i32
      %get3A_358 = arith.index_cast %add3A_357 : i32 to index
      %get3A_359 = tpu.vector_load %arg10[%get3A_358] {strides = array<i32>} : memref<12800xf32, #tpu.memory_space<vmem>>, vector<16xf32>,
      %get3A_360 = vector.shape_cast %get3A_359 : vector<16xf32> to vector<16xf32>
      %add3A_361 = arith.addf %add3A_355, %get3A_360 : vector<16xf32>
      %add3A_362 = arith.constant 2944 : i32
      %add3A_363 = arith.addi %add3A_362, %mul3A_223 : i32
      %get3A_364 = arith.index_cast %add3A_363 : i32 to index
      %get3A_365 = tpu.vector_load %arg10[%get3A_364] {strides = array<i32>} : memref<12800xf32, #tpu.memory_space<vmem>>, vector<16xf32>,
      %get3A_366 = vector.shape_cast %get3A_365 : vector<16xf32> to vector<16xf32>
      %add3A_367 = arith.addf %add3A_361, %get3A_366 : vector<16xf32>
      %add3A_368 = arith.constant 3072 : i32
      %add3A_369 = arith.addi %add3A_368, %mul3A_223 : i32
      %get3A_370 = arith.index_cast %add3A_369 : i32 to index
      %get3A_371 = tpu.vector_load %arg10[%get3A_370] {strides = array<i32>} : memref<12800xf32, #tpu.memory_space<vmem>>, vector<16xf32>,
      %get3A_372 = vector.shape_cast %get3A_371 : vector<16xf32> to vector<16xf32>
      %add3A_373 = arith.addf %add3A_367, %get3A_372 : vector<16xf32>
      %add3A_374 = arith.constant 3200 : i32
      %add3A_375 = arith.addi %add3A_374, %mul3A_223 : i32
      %get3A_376 = arith.index_cast %add3A_375 : i32 to index
      %get3A_377 = tpu.vector_load %arg10[%get3A_376] {strides = array<i32>} : memref<12800xf32, #tpu.memory_space<vmem>>, vector<16xf32>,
      %get3A_378 = vector.shape_cast %get3A_377 : vector<16xf32> to vector<16xf32>
      %add3A_379 = arith.addf %add3A_373, %get3A_378 : vector<16xf32>
      %add3A_380 = arith.constant 3328 : i32
      %add3A_381 = arith.addi %add3A_380, %mul3A_223 : i32
      %get3A_382 = arith.index_cast %add3A_381 : i32 to index
      %get3A_383 = tpu.vector_load %arg10[%get3A_382] {strides = array<i32>} : memref<12800xf32, #tpu.memory_space<vmem>>, vector<16xf32>,
      %get3A_384 = vector.shape_cast %get3A_383 : vector<16xf32> to vector<16xf32>
      %add3A_385 = arith.addf %add3A_379, %get3A_384 : vector<16xf32>
      %add3A_386 = arith.constant 3456 : i32
      %add3A_387 = arith.addi %add3A_386, %mul3A_223 : i32
      %get3A_388 = arith.index_cast %add3A_387 : i32 to index
      %get3A_389 = tpu.vector_load %arg10[%get3A_388] {strides = array<i32>} : memref<12800xf32, #tpu.memory_space<vmem>>, vector<16xf32>,
      %get3A_390 = vector.shape_cast %get3A_389 : vector<16xf32> to vector<16xf32>
      %add3A_391 = arith.addf %add3A_385, %get3A_390 : vector<16xf32>
      %add3A_392 = arith.constant 3584 : i32
      %add3A_393 = arith.addi %add3A_392, %mul3A_223 : i32
      %get3A_394 = arith.index_cast %add3A_393 : i32 to index
      %get3A_395 = tpu.vector_load %arg10[%get3A_394] {strides = array<i32>} : memref<12800xf32, #tpu.memory_space<vmem>>, vector<16xf32>,
      %get3A_396 = vector.shape_cast %get3A_395 : vector<16xf32> to vector<16xf32>
      %add3A_397 = arith.addf %add3A_391, %get3A_396 : vector<16xf32>
      %add3A_398 = arith.constant 3712 : i32
      %add3A_399 = arith.addi %add3A_398, %mul3A_223 : i32
      %get3A_400 = arith.index_cast %add3A_399 : i32 to index
      %get3A_401 = tpu.vector_load %arg10[%get3A_400] {strides = array<i32>} : memref<12800xf32, #tpu.memory_space<vmem>>, vector<16xf32>,
      %get3A_402 = vector.shape_cast %get3A_401 : vector<16xf32> to vector<16xf32>
      %add3A_403 = arith.addf %add3A_397, %get3A_402 : vector<16xf32>
      %add3A_404 = arith.constant 3840 : i32
      %add3A_405 = arith.addi %add3A_404, %mul3A_223 : i32
      %get3A_406 = arith.index_cast %add3A_405 : i32 to index
      %get3A_407 = tpu.vector_load %arg10[%get3A_406] {strides = array<i32>} : memref<12800xf32, #tpu.memory_space<vmem>>, vector<16xf32>,
      %get3A_408 = vector.shape_cast %get3A_407 : vector<16xf32> to vector<16xf32>
      %add3A_409 = arith.addf %add3A_403, %get3A_408 : vector<16xf32>
      %add3A_410 = arith.constant 3968 : i32
      %add3A_411 = arith.addi %add3A_410, %mul3A_223 : i32
      %get3A_412 = arith.index_cast %add3A_411 : i32 to index
      %get3A_413 = tpu.vector_load %arg10[%get3A_412] {strides = array<i32>} : memref<12800xf32, #tpu.memory_space<vmem>>, vector<16xf32>,
      %get3A_414 = vector.shape_cast %get3A_413 : vector<16xf32> to vector<16xf32>
      %add3A_415 = arith.addf %add3A_409, %get3A_414 : vector<16xf32>
      %add3A_416 = arith.constant 4096 : i32
      %add3A_417 = arith.addi %add3A_416, %mul3A_223 : i32
      %get3A_418 = arith.index_cast %add3A_417 : i32 to index
      %get3A_419 = tpu.vector_load %arg10[%get3A_418] {strides = array<i32>} : memref<12800xf32, #tpu.memory_space<vmem>>, vector<16xf32>,
      %get3A_420 = vector.shape_cast %get3A_419 : vector<16xf32> to vector<16xf32>
      %add3A_421 = arith.addf %add3A_415, %get3A_420 : vector<16xf32>
      %add3A_422 = arith.constant 4224 : i32
      %add3A_423 = arith.addi %add3A_422, %mul3A_223 : i32
      %get3A_424 = arith.index_cast %add3A_423 : i32 to index
      %get3A_425 = tpu.vector_load %arg10[%get3A_424] {strides = array<i32>} : memref<12800xf32, #tpu.memory_space<vmem>>, vector<16xf32>,
      %get3A_426 = vector.shape_cast %get3A_425 : vector<16xf32> to vector<16xf32>
      %add3A_427 = arith.addf %add3A_421, %get3A_426 : vector<16xf32>
      %add3A_428 = arith.constant 4352 : i32
      %add3A_429 = arith.addi %add3A_428, %mul3A_223 : i32
      %get3A_430 = arith.index_cast %add3A_429 : i32 to index
      %get3A_431 = tpu.vector_load %arg10[%get3A_430] {strides = array<i32>} : memref<12800xf32, #tpu.memory_space<vmem>>, vector<16xf32>,
      %get3A_432 = vector.shape_cast %get3A_431 : vector<16xf32> to vector<16xf32>
      %add3A_433 = arith.addf %add3A_427, %get3A_432 : vector<16xf32>
      %add3A_434 = arith.constant 4480 : i32
      %add3A_435 = arith.addi %add3A_434, %mul3A_223 : i32
      %get3A_436 = arith.index_cast %add3A_435 : i32 to index
      %get3A_437 = tpu.vector_load %arg10[%get3A_436] {strides = array<i32>} : memref<12800xf32, #tpu.memory_space<vmem>>, vector<16xf32>,
      %get3A_438 = vector.shape_cast %get3A_437 : vector<16xf32> to vector<16xf32>
      %add3A_439 = arith.addf %add3A_433, %get3A_438 : vector<16xf32>
      %add3A_440 = arith.constant 4608 : i32
      %add3A_441 = arith.addi %add3A_440, %mul3A_223 : i32
      %get3A_442 = arith.index_cast %add3A_441 : i32 to index
      %get3A_443 = tpu.vector_load %arg10[%get3A_442] {strides = array<i32>} : memref<12800xf32, #tpu.memory_space<vmem>>, vector<16xf32>,
      %get3A_444 = vector.shape_cast %get3A_443 : vector<16xf32> to vector<16xf32>
      %add3A_445 = arith.addf %add3A_439, %get3A_444 : vector<16xf32>
      %add3A_446 = arith.constant 4736 : i32
      %add3A_447 = arith.addi %add3A_446, %mul3A_223 : i32
      %get3A_448 = arith.index_cast %add3A_447 : i32 to index
      %get3A_449 = tpu.vector_load %arg10[%get3A_448] {strides = array<i32>} : memref<12800xf32, #tpu.memory_space<vmem>>, vector<16xf32>,
      %get3A_450 = vector.shape_cast %get3A_449 : vector<16xf32> to vector<16xf32>
      %add3A_451 = arith.addf %add3A_445, %get3A_450 : vector<16xf32>
      %add3A_452 = arith.constant 4864 : i32
      %add3A_453 = arith.addi %add3A_452, %mul3A_223 : i32
      %get3A_454 = arith.index_cast %add3A_453 : i32 to index
      %get3A_455 = tpu.vector_load %arg10[%get3A_454] {strides = array<i32>} : memref<12800xf32, #tpu.memory_space<vmem>>, vector<16xf32>,
      %get3A_456 = vector.shape_cast %get3A_455 : vector<16xf32> to vector<16xf32>
      %add3A_457 = arith.addf %add3A_451, %get3A_456 : vector<16xf32>
      %add3A_458 = arith.constant 4992 : i32
      %add3A_459 = arith.addi %add3A_458, %mul3A_223 : i32
      %get3A_460 = arith.index_cast %add3A_459 : i32 to index
      %get3A_461 = tpu.vector_load %arg10[%get3A_460] {strides = array<i32>} : memref<12800xf32, #tpu.memory_space<vmem>>, vector<16xf32>,
      %get3A_462 = vector.shape_cast %get3A_461 : vector<16xf32> to vector<16xf32>
      %add3A_463 = arith.addf %add3A_457, %get3A_462 : vector<16xf32>
      %add3A_464 = arith.constant 5120 : i32
      %add3A_465 = arith.addi %add3A_464, %mul3A_223 : i32
      %get3A_466 = arith.index_cast %add3A_465 : i32 to index
      %get3A_467 = tpu.vector_load %arg10[%get3A_466] {strides = array<i32>} : memref<12800xf32, #tpu.memory_space<vmem>>, vector<16xf32>,
      %get3A_468 = vector.shape_cast %get3A_467 : vector<16xf32> to vector<16xf32>
      %add3A_469 = arith.addf %add3A_463, %get3A_468 : vector<16xf32>
      %add3A_470 = arith.constant 5248 : i32
      %add3A_471 = arith.addi %add3A_470, %mul3A_223 : i32
      %get3A_472 = arith.index_cast %add3A_471 : i32 to index
      %get3A_473 = tpu.vector_load %arg10[%get3A_472] {strides = array<i32>} : memref<12800xf32, #tpu.memory_space<vmem>>, vector<16xf32>,
      %get3A_474 = vector.shape_cast %get3A_473 : vector<16xf32> to vector<16xf32>
      %add3A_475 = arith.addf %add3A_469, %get3A_474 : vector<16xf32>
      %add3A_476 = arith.constant 5376 : i32
      %add3A_477 = arith.addi %add3A_476, %mul3A_223 : i32
      %get3A_478 = arith.index_cast %add3A_477 : i32 to index
      %get3A_479 = tpu.vector_load %arg10[%get3A_478] {strides = array<i32>} : memref<12800xf32, #tpu.memory_space<vmem>>, vector<16xf32>,
      %get3A_480 = vector.shape_cast %get3A_479 : vector<16xf32> to vector<16xf32>
      %add3A_481 = arith.addf %add3A_475, %get3A_480 : vector<16xf32>
      %add3A_482 = arith.constant 5504 : i32
      %add3A_483 = arith.addi %add3A_482, %mul3A_223 : i32
      %get3A_484 = arith.index_cast %add3A_483 : i32 to index
      %get3A_485 = tpu.vector_load %arg10[%get3A_484] {strides = array<i32>} : memref<12800xf32, #tpu.memory_space<vmem>>, vector<16xf32>,
      %get3A_486 = vector.shape_cast %get3A_485 : vector<16xf32> to vector<16xf32>
      %add3A_487 = arith.addf %add3A_481, %get3A_486 : vector<16xf32>
      %add3A_488 = arith.constant 5632 : i32
      %add3A_489 = arith.addi %add3A_488, %mul3A_223 : i32
      %get3A_490 = arith.index_cast %add3A_489 : i32 to index
      %get3A_491 = tpu.vector_load %arg10[%get3A_490] {strides = array<i32>} : memref<12800xf32, #tpu.memory_space<vmem>>, vector<16xf32>,
      %get3A_492 = vector.shape_cast %get3A_491 : vector<16xf32> to vector<16xf32>
      %add3A_493 = arith.addf %add3A_487, %get3A_492 : vector<16xf32>
      %add3A_494 = arith.constant 5760 : i32
      %add3A_495 = arith.addi %add3A_494, %mul3A_223 : i32
      %get3A_496 = arith.index_cast %add3A_495 : i32 to index
      %get3A_497 = tpu.vector_load %arg10[%get3A_496] {strides = array<i32>} : memref<12800xf32, #tpu.memory_space<vmem>>, vector<16xf32>,
      %get3A_498 = vector.shape_cast %get3A_497 : vector<16xf32> to vector<16xf32>
      %add3A_499 = arith.addf %add3A_493, %get3A_498 : vector<16xf32>
      %add3A_500 = arith.constant 5888 : i32
      %add3A_501 = arith.addi %add3A_500, %mul3A_223 : i32
      %get3A_502 = arith.index_cast %add3A_501 : i32 to index
      %get3A_503 = tpu.vector_load %arg10[%get3A_502] {strides = array<i32>} : memref<12800xf32, #tpu.memory_space<vmem>>, vector<16xf32>,
      %get3A_504 = vector.shape_cast %get3A_503 : vector<16xf32> to vector<16xf32>
      %add3A_505 = arith.addf %add3A_499, %get3A_504 : vector<16xf32>
      %add3A_506 = arith.constant 6016 : i32
      %add3A_507 = arith.addi %add3A_506, %mul3A_223 : i32
      %get3A_508 = arith.index_cast %add3A_507 : i32 to index
      %get3A_509 = tpu.vector_load %arg10[%get3A_508] {strides = array<i32>} : memref<12800xf32, #tpu.memory_space<vmem>>, vector<16xf32>,
      %get3A_510 = vector.shape_cast %get3A_509 : vector<16xf32> to vector<16xf32>
      %add3A_511 = arith.addf %add3A_505, %get3A_510 : vector<16xf32>
      %add3A_512 = arith.constant 6144 : i32
      %add3A_513 = arith.addi %add3A_512, %mul3A_223 : i32
      %get3A_514 = arith.index_cast %add3A_513 : i32 to index
      %get3A_515 = tpu.vector_load %arg10[%get3A_514] {strides = array<i32>} : memref<12800xf32, #tpu.memory_space<vmem>>, vector<16xf32>,
      %get3A_516 = vector.shape_cast %get3A_515 : vector<16xf32> to vector<16xf32>
      %add3A_517 = arith.addf %add3A_511, %get3A_516 : vector<16xf32>
      %add3A_518 = arith.constant 6272 : i32
      %add3A_519 = arith.addi %add3A_518, %mul3A_223 : i32
      %get3A_520 = arith.index_cast %add3A_519 : i32 to index
      %get3A_521 = tpu.vector_load %arg10[%get3A_520] {strides = array<i32>} : memref<12800xf32, #tpu.memory_space<vmem>>, vector<16xf32>,
      %get3A_522 = vector.shape_cast %get3A_521 : vector<16xf32> to vector<16xf32>
      %add3A_523 = arith.addf %add3A_517, %get3A_522 : vector<16xf32>
      %add3A_524 = arith.constant 6400 : i32
      %add3A_525 = arith.addi %add3A_524, %mul3A_223 : i32
      %get3A_526 = arith.index_cast %add3A_525 : i32 to index
      %get3A_527 = tpu.vector_load %arg10[%get3A_526] {strides = array<i32>} : memref<12800xf32, #tpu.memory_space<vmem>>, vector<16xf32>,
      %get3A_528 = vector.shape_cast %get3A_527 : vector<16xf32> to vector<16xf32>
      %add3A_529 = arith.addf %add3A_523, %get3A_528 : vector<16xf32>
      %add3A_530 = arith.constant 6528 : i32
      %add3A_531 = arith.addi %add3A_530, %mul3A_223 : i32
      %get3A_532 = arith.index_cast %add3A_531 : i32 to index
      %get3A_533 = tpu.vector_load %arg10[%get3A_532] {strides = array<i32>} : memref<12800xf32, #tpu.memory_space<vmem>>, vector<16xf32>,
      %get3A_534 = vector.shape_cast %get3A_533 : vector<16xf32> to vector<16xf32>
      %add3A_535 = arith.addf %add3A_529, %get3A_534 : vector<16xf32>
      %add3A_536 = arith.constant 6656 : i32
      %add3A_537 = arith.addi %add3A_536, %mul3A_223 : i32
      %get3A_538 = arith.index_cast %add3A_537 : i32 to index
      %get3A_539 = tpu.vector_load %arg10[%get3A_538] {strides = array<i32>} : memref<12800xf32, #tpu.memory_space<vmem>>, vector<16xf32>,
      %get3A_540 = vector.shape_cast %get3A_539 : vector<16xf32> to vector<16xf32>
      %add3A_541 = arith.addf %add3A_535, %get3A_540 : vector<16xf32>
      %add3A_542 = arith.constant 6784 : i32
      %add3A_543 = arith.addi %add3A_542, %mul3A_223 : i32
      %get3A_544 = arith.index_cast %add3A_543 : i32 to index
      %get3A_545 = tpu.vector_load %arg10[%get3A_544] {strides = array<i32>} : memref<12800xf32, #tpu.memory_space<vmem>>, vector<16xf32>,
      %get3A_546 = vector.shape_cast %get3A_545 : vector<16xf32> to vector<16xf32>
      %add3A_547 = arith.addf %add3A_541, %get3A_546 : vector<16xf32>
      %add3A_548 = arith.constant 6912 : i32
      %add3A_549 = arith.addi %add3A_548, %mul3A_223 : i32
      %get3A_550 = arith.index_cast %add3A_549 : i32 to index
      %get3A_551 = tpu.vector_load %arg10[%get3A_550] {strides = array<i32>} : memref<12800xf32, #tpu.memory_space<vmem>>, vector<16xf32>,
      %get3A_552 = vector.shape_cast %get3A_551 : vector<16xf32> to vector<16xf32>
      %add3A_553 = arith.addf %add3A_547, %get3A_552 : vector<16xf32>
      %add3A_554 = arith.constant 7040 : i32
      %add3A_555 = arith.addi %add3A_554, %mul3A_223 : i32
      %get3A_556 = arith.index_cast %add3A_555 : i32 to index
      %get3A_557 = tpu.vector_load %arg10[%get3A_556] {strides = array<i32>} : memref<12800xf32, #tpu.memory_space<vmem>>, vector<16xf32>,
      %get3A_558 = vector.shape_cast %get3A_557 : vector<16xf32> to vector<16xf32>
      %add3A_559 = arith.addf %add3A_553, %get3A_558 : vector<16xf32>
      %add3A_560 = arith.constant 7168 : i32
      %add3A_561 = arith.addi %add3A_560, %mul3A_223 : i32
      %get3A_562 = arith.index_cast %add3A_561 : i32 to index
      %get3A_563 = tpu.vector_load %arg10[%get3A_562] {strides = array<i32>} : memref<12800xf32, #tpu.memory_space<vmem>>, vector<16xf32>,
      %get3A_564 = vector.shape_cast %get3A_563 : vector<16xf32> to vector<16xf32>
      %add3A_565 = arith.addf %add3A_559, %get3A_564 : vector<16xf32>
      %add3A_566 = arith.constant 7296 : i32
      %add3A_567 = arith.addi %add3A_566, %mul3A_223 : i32
      %get3A_568 = arith.index_cast %add3A_567 : i32 to index
      %get3A_569 = tpu.vector_load %arg10[%get3A_568] {strides = array<i32>} : memref<12800xf32, #tpu.memory_space<vmem>>, vector<16xf32>,
      %get3A_570 = vector.shape_cast %get3A_569 : vector<16xf32> to vector<16xf32>
      %add3A_571 = arith.addf %add3A_565, %get3A_570 : vector<16xf32>
      %add3A_572 = arith.constant 7424 : i32
      %add3A_573 = arith.addi %add3A_572, %mul3A_223 : i32
      %get3A_574 = arith.index_cast %add3A_573 : i32 to index
      %get3A_575 = tpu.vector_load %arg10[%get3A_574] {strides = array<i32>} : memref<12800xf32, #tpu.memory_space<vmem>>, vector<16xf32>,
      %get3A_576 = vector.shape_cast %get3A_575 : vector<16xf32> to vector<16xf32>
      %add3A_577 = arith.addf %add3A_571, %get3A_576 : vector<16xf32>
      %add3A_578 = arith.constant 7552 : i32
      %add3A_579 = arith.addi %add3A_578, %mul3A_223 : i32
      %get3A_580 = arith.index_cast %add3A_579 : i32 to index
      %get3A_581 = tpu.vector_load %arg10[%get3A_580] {strides = array<i32>} : memref<12800xf32, #tpu.memory_space<vmem>>, vector<16xf32>,
      %get3A_582 = vector.shape_cast %get3A_581 : vector<16xf32> to vector<16xf32>
      %add3A_583 = arith.addf %add3A_577, %get3A_582 : vector<16xf32>
      %add3A_584 = arith.constant 7680 : i32
      %add3A_585 = arith.addi %add3A_584, %mul3A_223 : i32
      %get3A_586 = arith.index_cast %add3A_585 : i32 to index
      %get3A_587 = tpu.vector_load %arg10[%get3A_586] {strides = array<i32>} : memref<12800xf32, #tpu.memory_space<vmem>>, vector<16xf32>,
      %get3A_588 = vector.shape_cast %get3A_587 : vector<16xf32> to vector<16xf32>
      %add3A_589 = arith.addf %add3A_583, %get3A_588 : vector<16xf32>
      %add3A_590 = arith.constant 7808 : i32
      %add3A_591 = arith.addi %add3A_590, %mul3A_223 : i32
      %get3A_592 = arith.index_cast %add3A_591 : i32 to index
      %get3A_593 = tpu.vector_load %arg10[%get3A_592] {strides = array<i32>} : memref<12800xf32, #tpu.memory_space<vmem>>, vector<16xf32>,
      %get3A_594 = vector.shape_cast %get3A_593 : vector<16xf32> to vector<16xf32>
      %add3A_595 = arith.addf %add3A_589, %get3A_594 : vector<16xf32>
      %add3A_596 = arith.constant 7936 : i32
      %add3A_597 = arith.addi %add3A_596, %mul3A_223 : i32
      %get3A_598 = arith.index_cast %add3A_597 : i32 to index
      %get3A_599 = tpu.vector_load %arg10[%get3A_598] {strides = array<i32>} : memref<12800xf32, #tpu.memory_space<vmem>>, vector<16xf32>,
      %get3A_600 = vector.shape_cast %get3A_599 : vector<16xf32> to vector<16xf32>
      %add3A_601 = arith.addf %add3A_595, %get3A_600 : vector<16xf32>
      %add3A_602 = arith.constant 8064 : i32
      %add3A_603 = arith.addi %add3A_602, %mul3A_223 : i32
      %get3A_604 = arith.index_cast %add3A_603 : i32 to index
      %get3A_605 = tpu.vector_load %arg10[%get3A_604] {strides = array<i32>} : memref<12800xf32, #tpu.memory_space<vmem>>, vector<16xf32>,
      %get3A_606 = vector.shape_cast %get3A_605 : vector<16xf32> to vector<16xf32>
      %add3A_607 = arith.addf %add3A_601, %get3A_606 : vector<16xf32>
      %add3A_608 = arith.constant 8192 : i32
      %add3A_609 = arith.addi %add3A_608, %mul3A_223 : i32
      %get3A_610 = arith.index_cast %add3A_609 : i32 to index
      %get3A_611 = tpu.vector_load %arg10[%get3A_610] {strides = array<i32>} : memref<12800xf32, #tpu.memory_space<vmem>>, vector<16xf32>,
      %get3A_612 = vector.shape_cast %get3A_611 : vector<16xf32> to vector<16xf32>
      %add3A_613 = arith.addf %add3A_607, %get3A_612 : vector<16xf32>
      %add3A_614 = arith.constant 8320 : i32
      %add3A_615 = arith.addi %add3A_614, %mul3A_223 : i32
      %get3A_616 = arith.index_cast %add3A_615 : i32 to index
      %get3A_617 = tpu.vector_load %arg10[%get3A_616] {strides = array<i32>} : memref<12800xf32, #tpu.memory_space<vmem>>, vector<16xf32>,
      %get3A_618 = vector.shape_cast %get3A_617 : vector<16xf32> to vector<16xf32>
      %add3A_619 = arith.addf %add3A_613, %get3A_618 : vector<16xf32>
      %add3A_620 = arith.constant 8448 : i32
      %add3A_621 = arith.addi %add3A_620, %mul3A_223 : i32
      %get3A_622 = arith.index_cast %add3A_621 : i32 to index
      %get3A_623 = tpu.vector_load %arg10[%get3A_622] {strides = array<i32>} : memref<12800xf32, #tpu.memory_space<vmem>>, vector<16xf32>,
      %get3A_624 = vector.shape_cast %get3A_623 : vector<16xf32> to vector<16xf32>
      %add3A_625 = arith.addf %add3A_619, %get3A_624 : vector<16xf32>
      %add3A_626 = arith.constant 8576 : i32
      %add3A_627 = arith.addi %add3A_626, %mul3A_223 : i32
      %get3A_628 = arith.index_cast %add3A_627 : i32 to index
      %get3A_629 = tpu.vector_load %arg10[%get3A_628] {strides = array<i32>} : memref<12800xf32, #tpu.memory_space<vmem>>, vector<16xf32>,
      %get3A_630 = vector.shape_cast %get3A_629 : vector<16xf32> to vector<16xf32>
      %add3A_631 = arith.addf %add3A_625, %get3A_630 : vector<16xf32>
      %add3A_632 = arith.constant 8704 : i32
      %add3A_633 = arith.addi %add3A_632, %mul3A_223 : i32
      %get3A_634 = arith.index_cast %add3A_633 : i32 to index
      %get3A_635 = tpu.vector_load %arg10[%get3A_634] {strides = array<i32>} : memref<12800xf32, #tpu.memory_space<vmem>>, vector<16xf32>,
      %get3A_636 = vector.shape_cast %get3A_635 : vector<16xf32> to vector<16xf32>
      %add3A_637 = arith.addf %add3A_631, %get3A_636 : vector<16xf32>
      %add3A_638 = arith.constant 8832 : i32
      %add3A_639 = arith.addi %add3A_638, %mul3A_223 : i32
      %get3A_640 = arith.index_cast %add3A_639 : i32 to index
      %get3A_641 = tpu.vector_load %arg10[%get3A_640] {strides = array<i32>} : memref<12800xf32, #tpu.memory_space<vmem>>, vector<16xf32>,
      %get3A_642 = vector.shape_cast %get3A_641 : vector<16xf32> to vector<16xf32>
      %add3A_643 = arith.addf %add3A_637, %get3A_642 : vector<16xf32>
      %add3A_644 = arith.constant 8960 : i32
      %add3A_645 = arith.addi %add3A_644, %mul3A_223 : i32
      %get3A_646 = arith.index_cast %add3A_645 : i32 to index
      %get3A_647 = tpu.vector_load %arg10[%get3A_646] {strides = array<i32>} : memref<12800xf32, #tpu.memory_space<vmem>>, vector<16xf32>,
      %get3A_648 = vector.shape_cast %get3A_647 : vector<16xf32> to vector<16xf32>
      %add3A_649 = arith.addf %add3A_643, %get3A_648 : vector<16xf32>
      %add3A_650 = arith.constant 9088 : i32
      %add3A_651 = arith.addi %add3A_650, %mul3A_223 : i32
      %get3A_652 = arith.index_cast %add3A_651 : i32 to index
      %get3A_653 = tpu.vector_load %arg10[%get3A_652] {strides = array<i32>} : memref<12800xf32, #tpu.memory_space<vmem>>, vector<16xf32>,
      %get3A_654 = vector.shape_cast %get3A_653 : vector<16xf32> to vector<16xf32>
      %add3A_655 = arith.addf %add3A_649, %get3A_654 : vector<16xf32>
      %add3A_656 = arith.constant 9216 : i32
      %add3A_657 = arith.addi %add3A_656, %mul3A_223 : i32
      %get3A_658 = arith.index_cast %add3A_657 : i32 to index
      %get3A_659 = tpu.vector_load %arg10[%get3A_658] {strides = array<i32>} : memref<12800xf32, #tpu.memory_space<vmem>>, vector<16xf32>,
      %get3A_660 = vector.shape_cast %get3A_659 : vector<16xf32> to vector<16xf32>
      %add3A_661 = arith.addf %add3A_655, %get3A_660 : vector<16xf32>
      %add3A_662 = arith.constant 9344 : i32
      %add3A_663 = arith.addi %add3A_662, %mul3A_223 : i32
      %get3A_664 = arith.index_cast %add3A_663 : i32 to index
      %get3A_665 = tpu.vector_load %arg10[%get3A_664] {strides = array<i32>} : memref<12800xf32, #tpu.memory_space<vmem>>, vector<16xf32>,
      %get3A_666 = vector.shape_cast %get3A_665 : vector<16xf32> to vector<16xf32>
      %add3A_667 = arith.addf %add3A_661, %get3A_666 : vector<16xf32>
      %add3A_668 = arith.constant 9472 : i32
      %add3A_669 = arith.addi %add3A_668, %mul3A_223 : i32
      %get3A_670 = arith.index_cast %add3A_669 : i32 to index
      %get3A_671 = tpu.vector_load %arg10[%get3A_670] {strides = array<i32>} : memref<12800xf32, #tpu.memory_space<vmem>>, vector<16xf32>,
      %get3A_672 = vector.shape_cast %get3A_671 : vector<16xf32> to vector<16xf32>
      %add3A_673 = arith.addf %add3A_667, %get3A_672 : vector<16xf32>
      %add3A_674 = arith.constant 9600 : i32
      %add3A_675 = arith.addi %add3A_674, %mul3A_223 : i32
      %get3A_676 = arith.index_cast %add3A_675 : i32 to index
      %get3A_677 = tpu.vector_load %arg10[%get3A_676] {strides = array<i32>} : memref<12800xf32, #tpu.memory_space<vmem>>, vector<16xf32>,
      %get3A_678 = vector.shape_cast %get3A_677 : vector<16xf32> to vector<16xf32>
      %add3A_679 = arith.addf %add3A_673, %get3A_678 : vector<16xf32>
      %add3A_680 = arith.constant 9728 : i32
      %add3A_681 = arith.addi %add3A_680, %mul3A_223 : i32
      %get3A_682 = arith.index_cast %add3A_681 : i32 to index
      %get3A_683 = tpu.vector_load %arg10[%get3A_682] {strides = array<i32>} : memref<12800xf32, #tpu.memory_space<vmem>>, vector<16xf32>,
      %get3A_684 = vector.shape_cast %get3A_683 : vector<16xf32> to vector<16xf32>
      %add3A_685 = arith.addf %add3A_679, %get3A_684 : vector<16xf32>
      %add3A_686 = arith.constant 9856 : i32
      %add3A_687 = arith.addi %add3A_686, %mul3A_223 : i32
      %get3A_688 = arith.index_cast %add3A_687 : i32 to index
      %get3A_689 = tpu.vector_load %arg10[%get3A_688] {strides = array<i32>} : memref<12800xf32, #tpu.memory_space<vmem>>, vector<16xf32>,
      %get3A_690 = vector.shape_cast %get3A_689 : vector<16xf32> to vector<16xf32>
      %add3A_691 = arith.addf %add3A_685, %get3A_690 : vector<16xf32>
      %add3A_692 = arith.constant 9984 : i32
      %add3A_693 = arith.addi %add3A_692, %mul3A_223 : i32
      %get3A_694 = arith.index_cast %add3A_693 : i32 to index
      %get3A_695 = tpu.vector_load %arg10[%get3A_694] {strides = array<i32>} : memref<12800xf32, #tpu.memory_space<vmem>>, vector<16xf32>,
      %get3A_696 = vector.shape_cast %get3A_695 : vector<16xf32> to vector<16xf32>
      %add3A_697 = arith.addf %add3A_691, %get3A_696 : vector<16xf32>
      %add3A_698 = arith.constant 10112 : i32
      %add3A_699 = arith.addi %add3A_698, %mul3A_223 : i32
      %get3A_700 = arith.index_cast %add3A_699 : i32 to index
      %get3A_701 = tpu.vector_load %arg10[%get3A_700] {strides = array<i32>} : memref<12800xf32, #tpu.memory_space<vmem>>, vector<16xf32>,
      %get3A_702 = vector.shape_cast %get3A_701 : vector<16xf32> to vector<16xf32>
      %add3A_703 = arith.addf %add3A_697, %get3A_702 : vector<16xf32>
      %add3A_704 = arith.constant 10240 : i32
      %add3A_705 = arith.addi %add3A_704, %mul3A_223 : i32
      %get3A_706 = arith.index_cast %add3A_705 : i32 to index
      %get3A_707 = tpu.vector_load %arg10[%get3A_706] {strides = array<i32>} : memref<12800xf32, #tpu.memory_space<vmem>>, vector<16xf32>,
      %get3A_708 = vector.shape_cast %get3A_707 : vector<16xf32> to vector<16xf32>
      %add3A_709 = arith.addf %add3A_703, %get3A_708 : vector<16xf32>
      %add3A_710 = arith.constant 10368 : i32
      %add3A_711 = arith.addi %add3A_710, %mul3A_223 : i32
      %get3A_712 = arith.index_cast %add3A_711 : i32 to index
      %get3A_713 = tpu.vector_load %arg10[%get3A_712] {strides = array<i32>} : memref<12800xf32, #tpu.memory_space<vmem>>, vector<16xf32>,
      %get3A_714 = vector.shape_cast %get3A_713 : vector<16xf32> to vector<16xf32>
      %add3A_715 = arith.addf %add3A_709, %get3A_714 : vector<16xf32>
      %add3A_716 = arith.constant 10496 : i32
      %add3A_717 = arith.addi %add3A_716, %mul3A_223 : i32
      %get3A_718 = arith.index_cast %add3A_717 : i32 to index
      %get3A_719 = tpu.vector_load %arg10[%get3A_718] {strides = array<i32>} : memref<12800xf32, #tpu.memory_space<vmem>>, vector<16xf32>,
      %get3A_720 = vector.shape_cast %get3A_719 : vector<16xf32> to vector<16xf32>
      %add3A_721 = arith.addf %add3A_715, %get3A_720 : vector<16xf32>
      %add3A_722 = arith.constant 10624 : i32
      %add3A_723 = arith.addi %add3A_722, %mul3A_223 : i32
      %get3A_724 = arith.index_cast %add3A_723 : i32 to index
      %get3A_725 = tpu.vector_load %arg10[%get3A_724] {strides = array<i32>} : memref<12800xf32, #tpu.memory_space<vmem>>, vector<16xf32>,
      %get3A_726 = vector.shape_cast %get3A_725 : vector<16xf32> to vector<16xf32>
      %add3A_727 = arith.addf %add3A_721, %get3A_726 : vector<16xf32>
      %add3A_728 = arith.constant 10752 : i32
      %add3A_729 = arith.addi %add3A_728, %mul3A_223 : i32
      %get3A_730 = arith.index_cast %add3A_729 : i32 to index
      %get3A_731 = tpu.vector_load %arg10[%get3A_730] {strides = array<i32>} : memref<12800xf32, #tpu.memory_space<vmem>>, vector<16xf32>,
      %get3A_732 = vector.shape_cast %get3A_731 : vector<16xf32> to vector<16xf32>
      %add3A_733 = arith.addf %add3A_727, %get3A_732 : vector<16xf32>
      %add3A_734 = arith.constant 10880 : i32
      %add3A_735 = arith.addi %add3A_734, %mul3A_223 : i32
      %get3A_736 = arith.index_cast %add3A_735 : i32 to index
      %get3A_737 = tpu.vector_load %arg10[%get3A_736] {strides = array<i32>} : memref<12800xf32, #tpu.memory_space<vmem>>, vector<16xf32>,
      %get3A_738 = vector.shape_cast %get3A_737 : vector<16xf32> to vector<16xf32>
      %add3A_739 = arith.addf %add3A_733, %get3A_738 : vector<16xf32>
      %add3A_740 = arith.constant 11008 : i32
      %add3A_741 = arith.addi %add3A_740, %mul3A_223 : i32
      %get3A_742 = arith.index_cast %add3A_741 : i32 to index
      %get3A_743 = tpu.vector_load %arg10[%get3A_742] {strides = array<i32>} : memref<12800xf32, #tpu.memory_space<vmem>>, vector<16xf32>,
      %get3A_744 = vector.shape_cast %get3A_743 : vector<16xf32> to vector<16xf32>
      %add3A_745 = arith.addf %add3A_739, %get3A_744 : vector<16xf32>
      %add3A_746 = arith.constant 11136 : i32
      %add3A_747 = arith.addi %add3A_746, %mul3A_223 : i32
      %get3A_748 = arith.index_cast %add3A_747 : i32 to index
      %get3A_749 = tpu.vector_load %arg10[%get3A_748] {strides = array<i32>} : memref<12800xf32, #tpu.memory_space<vmem>>, vector<16xf32>,
      %get3A_750 = vector.shape_cast %get3A_749 : vector<16xf32> to vector<16xf32>
      %add3A_751 = arith.addf %add3A_745, %get3A_750 : vector<16xf32>
      %add3A_752 = arith.constant 11264 : i32
      %add3A_753 = arith.addi %add3A_752, %mul3A_223 : i32
      %get3A_754 = arith.index_cast %add3A_753 : i32 to index
      %get3A_755 = tpu.vector_load %arg10[%get3A_754] {strides = array<i32>} : memref<12800xf32, #tpu.memory_space<vmem>>, vector<16xf32>,
      %get3A_756 = vector.shape_cast %get3A_755 : vector<16xf32> to vector<16xf32>
      %add3A_757 = arith.addf %add3A_751, %get3A_756 : vector<16xf32>
      %add3A_758 = arith.constant 11392 : i32
      %add3A_759 = arith.addi %add3A_758, %mul3A_223 : i32
      %get3A_760 = arith.index_cast %add3A_759 : i32 to index
      %get3A_761 = tpu.vector_load %arg10[%get3A_760] {strides = array<i32>} : memref<12800xf32, #tpu.memory_space<vmem>>, vector<16xf32>,
      %get3A_762 = vector.shape_cast %get3A_761 : vector<16xf32> to vector<16xf32>
      %add3A_763 = arith.addf %add3A_757, %get3A_762 : vector<16xf32>
      %add3A_764 = arith.constant 11520 : i32
      %add3A_765 = arith.addi %add3A_764, %mul3A_223 : i32
      %get3A_766 = arith.index_cast %add3A_765 : i32 to index
      %get3A_767 = tpu.vector_load %arg10[%get3A_766] {strides = array<i32>} : memref<12800xf32, #tpu.memory_space<vmem>>, vector<16xf32>,
      %get3A_768 = vector.shape_cast %get3A_767 : vector<16xf32> to vector<16xf32>
      %add3A_769 = arith.addf %add3A_763, %get3A_768 : vector<16xf32>
      %add3A_770 = arith.constant 11648 : i32
      %add3A_771 = arith.addi %add3A_770, %mul3A_223 : i32
      %get3A_772 = arith.index_cast %add3A_771 : i32 to index
      %get3A_773 = tpu.vector_load %arg10[%get3A_772] {strides = array<i32>} : memref<12800xf32, #tpu.memory_space<vmem>>, vector<16xf32>,
      %get3A_774 = vector.shape_cast %get3A_773 : vector<16xf32> to vector<16xf32>
      %add3A_775 = arith.addf %add3A_769, %get3A_774 : vector<16xf32>
      %add3A_776 = arith.constant 11776 : i32
      %add3A_777 = arith.addi %add3A_776, %mul3A_223 : i32
      %get3A_778 = arith.index_cast %add3A_777 : i32 to index
      %get3A_779 = tpu.vector_load %arg10[%get3A_778] {strides = array<i32>} : memref<12800xf32, #tpu.memory_space<vmem>>, vector<16xf32>,
      %get3A_780 = vector.shape_cast %get3A_779 : vector<16xf32> to vector<16xf32>
      %add3A_781 = arith.addf %add3A_775, %get3A_780 : vector<16xf32>
      %add3A_782 = arith.constant 11904 : i32
      %add3A_783 = arith.addi %add3A_782, %mul3A_223 : i32
      %get3A_784 = arith.index_cast %add3A_783 : i32 to index
      %get3A_785 = tpu.vector_load %arg10[%get3A_784] {strides = array<i32>} : memref<12800xf32, #tpu.memory_space<vmem>>, vector<16xf32>,
      %get3A_786 = vector.shape_cast %get3A_785 : vector<16xf32> to vector<16xf32>
      %add3A_787 = arith.addf %add3A_781, %get3A_786 : vector<16xf32>
      %add3A_788 = arith.constant 12032 : i32
      %add3A_789 = arith.addi %add3A_788, %mul3A_223 : i32
      %get3A_790 = arith.index_cast %add3A_789 : i32 to index
      %get3A_791 = tpu.vector_load %arg10[%get3A_790] {strides = array<i32>} : memref<12800xf32, #tpu.memory_space<vmem>>, vector<16xf32>,
      %get3A_792 = vector.shape_cast %get3A_791 : vector<16xf32> to vector<16xf32>
      %add3A_793 = arith.addf %add3A_787, %get3A_792 : vector<16xf32>
      %add3A_794 = arith.constant 12160 : i32
      %add3A_795 = arith.addi %add3A_794, %mul3A_223 : i32
      %get3A_796 = arith.index_cast %add3A_795 : i32 to index
      %get3A_797 = tpu.vector_load %arg10[%get3A_796] {strides = array<i32>} : memref<12800xf32, #tpu.memory_space<vmem>>, vector<16xf32>,
      %get3A_798 = vector.shape_cast %get3A_797 : vector<16xf32> to vector<16xf32>
      %add3A_799 = arith.addf %add3A_793, %get3A_798 : vector<16xf32>
      %add3A_800 = arith.constant 12288 : i32
      %add3A_801 = arith.addi %add3A_800, %mul3A_223 : i32
      %get3A_802 = arith.index_cast %add3A_801 : i32 to index
      %get3A_803 = tpu.vector_load %arg10[%get3A_802] {strides = array<i32>} : memref<12800xf32, #tpu.memory_space<vmem>>, vector<16xf32>,
      %get3A_804 = vector.shape_cast %get3A_803 : vector<16xf32> to vector<16xf32>
      %add3A_805 = arith.addf %add3A_799, %get3A_804 : vector<16xf32>
      %add3A_806 = arith.constant 12416 : i32
      %add3A_807 = arith.addi %add3A_806, %mul3A_223 : i32
      %get3A_808 = arith.index_cast %add3A_807 : i32 to index
      %get3A_809 = tpu.vector_load %arg10[%get3A_808] {strides = array<i32>} : memref<12800xf32, #tpu.memory_space<vmem>>, vector<16xf32>,
      %get3A_810 = vector.shape_cast %get3A_809 : vector<16xf32> to vector<16xf32>
      %add3A_811 = arith.addf %add3A_805, %get3A_810 : vector<16xf32>
      %add3A_812 = arith.constant 12544 : i32
      %add3A_813 = arith.addi %add3A_812, %mul3A_223 : i32
      %get3A_814 = arith.index_cast %add3A_813 : i32 to index
      %get3A_815 = tpu.vector_load %arg10[%get3A_814] {strides = array<i32>} : memref<12800xf32, #tpu.memory_space<vmem>>, vector<16xf32>,
      %get3A_816 = vector.shape_cast %get3A_815 : vector<16xf32> to vector<16xf32>
      %add3A_817 = arith.addf %add3A_811, %get3A_816 : vector<16xf32>
      %add3A_818 = arith.constant 12672 : i32
      %add3A_819 = arith.addi %add3A_818, %mul3A_223 : i32
      %get3A_820 = arith.index_cast %add3A_819 : i32 to index
      %get3A_821 = tpu.vector_load %arg10[%get3A_820] {strides = array<i32>} : memref<12800xf32, #tpu.memory_space<vmem>>, vector<16xf32>,
      %get3A_822 = vector.shape_cast %get3A_821 : vector<16xf32> to vector<16xf32>
      %add3A_823 = arith.addf %add3A_817, %get3A_822 : vector<16xf32>
      %add3A_824 = arith.constant 384 : i32
      %add3A_825 = arith.addi %add3A_824, %mul3A_223 : i32
      %swap3A = arith.index_cast %add3A_825 : i32 to index
      %swap3A_826 = tpu.vector_load %arg11[%swap3A] {strides = array<i32>} : memref<512xf32, #tpu.memory_space<vmem>>, vector<16xf32>,
      %swap3A_827 = vector.shape_cast %swap3A_826 : vector<16xf32> to vector<16xf32>
      %swap3A_828 = vector.shape_cast %add3A_823 : vector<16xf32> to vector<16xf32>
      tpu.vector_store %arg11[%swap3A], %swap3A_828 {strides = array<i32>} : memref<512xf32, #tpu.memory_space<vmem>>, vector<16xf32>,
      %scan3A_829 = arith.constant 0 : i32
      scf.yield %scan3A_829 : i32
    }
    %scan3A_219 = arith.constant 8 : i32
    "tpu.region"() ({
      %run_scoped3A = tpu.sem_alloc : memref<!tpu.dma_semaphore, #tpu.memory_space<semaphore_mem>>
      %dma_start3A_220 = tpu.memref_slice %arg6[%mul3A_2] : memref<16384xf32, #tpu.memory_space<hbm>> -> memref<512xf32, #tpu.memory_space<hbm>>
      %dma_start3A_221 = tpu.memref_slice %arg6[%mul3A_2] : memref<16384xf32, #tpu.memory_space<hbm>> -> memref<512xf32, #tpu.memory_space<hbm>>
      tpu.enqueue_dma source(%arg11 : memref<512xf32, #tpu.memory_space<vmem>>) target(%dma_start3A_221 : memref<512xf32, #tpu.memory_space<hbm>>) target_semaphore(%run_scoped3A : memref<!tpu.dma_semaphore, #tpu.memory_space<semaphore_mem>>)
      %dma_wait3A_222 = tpu.memref_slice %arg6[%mul3A_2] : memref<16384xf32, #tpu.memory_space<hbm>> -> memref<512xf32, #tpu.memory_space<hbm>>
      %dma_wait3A_223 = tpu.memref_slice %arg6[%mul3A_2] : memref<16384xf32, #tpu.memory_space<hbm>> -> memref<512xf32, #tpu.memory_space<hbm>>
      tpu.wait_dma2 semaphore(%run_scoped3A : memref<!tpu.dma_semaphore, #tpu.memory_space<semaphore_mem>>) src(%arg11 : memref<512xf32, #tpu.memory_space<vmem>>) dst(%dma_wait3A_223 : memref<512xf32, #tpu.memory_space<hbm>>)
      tpu.yield
    }) : () -> ()
    return
  }
}

</mosaic_0001>

<sc_bundles>
// kernel: kernel.3.cloned.1.call-start
scs
__scs_entry_jumppad:
0x0: {  	(pc) =	sbr.rel $0x88, $3  }
0x1: {  	(tag) =	ssettag $0x0;
	lr =	simm.s32 $0x1  }
0x2: {  	[smem:$0x3F9E] =	sst lr;
	_ =	strace $0xD0000000  }
0x3: {  	_ = 	snop  }
0x4: {  	_ = 	snop  }
0x5: {  	_ = 	snop  }
0x6: {  	_ = 	snop  }
0x7: {  	_ = 	snop  }
__scs_overlays_trampoline_lowered:
0x8: {  	[smem:$0x3FAD] =	sst s0  }
0x9: {  	[smem:$0x3FAE] =	sst s1  }
0xa: {  	[smem:$0x3FAF] =	sst s2  }
0xb: {  	[smem:$0x3FB0] =	sst s3  }
0xc: {  	[smem:$0x3FB1] =	sst s4  }
0xd: {  	[smem:$0x3FB2] =	sst s5  }
0xe: {  	[smem:$0x3FB3] =	sst s6  }
0xf: {  	[smem:$0x3FB4] =	sst s7  }
0x10: {  	[smem:$0x3FB5] =	sst s8  }
0x11: {  	[smem:$0x3FB6] =	sst s9;
	s0 =	simm.s32 @!p0 $0x0  }
0x12: {  	s1 =	sld [smem:$0x3F9C];
	s0 =	simm.s32 @p0 $0x1  }
0x13: {  	[smem:$0x3FB7] =	sst s0;
	s0 =	simm.s32 @!p1 $0x0  }
0x14: {  	s2 =	sld [smem:$0x3F9B];
	s0 =	simm.s32 @p1 $0x1  }
0x15: {  	[smem:$0x3FB8] =	sst s0;
	s0 =	simm.s32 @!p2 $0x0  }
0x16: {  	s3 =	sld [smem:$0x3FDB];
	s0 =	simm.s32 @p2 $0x1  }
0x17: {  	s4 =	simm.s32 $0x1BF5;
	[smem:$0x3FBA] =	sst s0  }
0x18: {  	s0 =	sld [smem:$0x3F9D];
	_ =	swait.ge [sflag:s4], $0x0  }
0x19: {  	s7 =	sld [smem:$0x3F9E]  }
0x1a: {  	s8 =	sadd.s32 $0xFFFFE003, lr  }
0x1b: {  	s9 =	sadd.s32 $0xFFFFFEF7, lr;
	s5 =	simm.s32 $0xFFFFFFFF;
	p2 =	slt.u32 s8, $0xFFFFF086  }
0x1c: {  	p1 =	slt.u32 s9, $0xF7A;
	s5 =	simm.s32 @!p2 $0x0  }
0x1d: {  	s5 =	simm.s32 @p1 $0x1;
	p0 =	seq.s32 s7, s2  }
0x1e: {  	s7 =	smul.u32 @!p0 $0xF7A, s2;
	p2 =	seq.s32 @!p0 s5, $0x0  }
0x1f: {  	s9 =	smul.u32 $0xF7A, s1;
	s8 =	simm.s32 @!p0 $0x1BF5;
	p2 =	por !p2, p0  }
0x20: {  	[sflag:s8] =	ssyncset.s32 @!p0 $0xFFFFF086;
	s6 =	sadd.s32 @!p0 s3, s7;
	s7 =	simm.s32 @!p0 $0x108  }
0x21: {  	s3 =	sadd.s32 s3, s9;
	s6 =	sadd.s32 @!p0 $0x88, s6;
	s7 =	simm.s32 @p2 $0x1082  }
0x22: {  	[simem:s7], [sflag:s8] =	dma.local @!p0 [hbm:s6], $0xF7A  }
0x23: {  	s9 =	sor.u32 $0xD0000000, s2;
	s6 =	simm.s32 $0x108;
	_ =	swait.ge @!p0 [sflag:s8], $0x0  }
0x24: {  	s3 =	sadd.s32 $0x88, s3;
	s6 =	simm.s32 @!p1 $0x1082;
	[sflag:s4] =	ssyncset.s32 $0xFFFFF086  }
0x25: {  	[simem:s6], [sflag:s4] =	dma.local [hbm:s3], $0xF7A  }
0x26: {  	[smem:$0x3F9E] =	sst s1;
	(tag) =	ssettag s2;
	_ =	strace s9  }
0x27: {  	s1 =	sld [smem:$0x3FAE]  }
0x28: {  	s2 =	sld [smem:$0x3FAF]  }
0x29: {  	s4 =	sld [smem:$0x3FB1]  }
0x2a: {  	p0 =	seq.s32 s5, $0x0;
	s5 =	sld [smem:$0x3FB2]  }
0x2b: {  	s6 =	sld [smem:$0x3FB3]  }
0x2c: {  	s7 =	sld [smem:$0x3FB4]  }
0x2d: {  	s3 =	simm.s32 $0x108;
	s8 =	sld [smem:$0x3FB5]  }
0x2e: {  	s3 =	simm.s32 @!p0 $0x1082;
	s9 =	sld [smem:$0x3FB6]  }
0x2f: {  	lr =	sadd.s32 s0, s3;
	s0 =	sld [smem:$0x3FAD]  }
0x30: {  	s3 =	sld [smem:$0x3FB0]  }
0x31: {  	[smem:$0x3FB9] =	sst s10  }
0x32: {  	s10 =	sld [smem:$0x3FB7];
	_ =	sdelay $0x3  }
0x33: {  	p0 =	seq.s32 s10, $0x1;
	s10 =	sld [smem:$0x3FB9];
	_ =	sdelay $0x3  }
0x34: {  	[smem:$0x3FB9] =	sst s10  }
0x35: {  	s10 =	sld [smem:$0x3FB8];
	_ =	sdelay $0x3  }
0x36: {  	p1 =	seq.s32 s10, $0x1;
	s10 =	sld [smem:$0x3FB9];
	_ =	sdelay $0x3  }
0x37: {  	[smem:$0x3FB9] =	sst s10  }
0x38: {  	s10 =	sld [smem:$0x3FBA]  }
0x39: {  	_ = 	snop;
	(pc) =	sbr.ind lr, $3  }
0x3a: {  	_ = 	snop  }
0x3b: {  	_ = 	snop  }
0x3c: {  	p2 =	seq.s32 s10, $0x1;
	s10 =	sld [smem:$0x3FB9]  }
0x3d: {  	_ =	shalt  }
0x3e: {  	_ =	shalt  }
0x3f: {  	_ =	shalt  }
0x40: {  	_ =	shalt  }
0x41: {  	_ =	shalt  }
0x42: {  	_ =	shalt  }
0x43: {  	_ =	shalt  }
0x44: {  	_ =	shalt  }
0x45: {  	_ =	shalt  }
0x46: {  	_ =	shalt  }
0x47: {  	_ =	shalt  }
0x48: {  	_ =	shalt  }
0x49: {  	_ =	shalt  }
0x4a: {  	_ =	shalt  }
0x4b: {  	_ =	shalt  }
0x4c: {  	_ =	shalt  }
0x4d: {  	_ =	shalt  }
0x4e: {  	_ =	shalt  }
0x4f: {  	_ =	shalt  }
0x50: {  	_ =	shalt  }
0x51: {  	_ =	shalt  }
0x52: {  	_ =	shalt  }
0x53: {  	_ =	shalt  }
0x54: {  	_ =	shalt  }
0x55: {  	_ =	shalt  }
0x56: {  	_ =	shalt  }
0x57: {  	_ =	shalt  }
0x58: {  	_ =	shalt  }
0x59: {  	_ =	shalt  }
0x5a: {  	_ =	shalt  }
0x5b: {  	_ =	shalt  }
0x5c: {  	_ =	shalt  }
0x5d: {  	_ =	shalt  }
0x5e: {  	_ =	shalt  }
0x5f: {  	_ =	shalt  }
0x60: {  	_ =	shalt  }
0x61: {  	_ =	shalt  }
0x62: {  	_ =	shalt  }
0x63: {  	_ =	shalt  }
0x64: {  	_ =	shalt  }
0x65: {  	_ =	shalt  }
0x66: {  	_ =	shalt  }
0x67: {  	_ =	shalt  }
0x68: {  	_ =	shalt  }
0x69: {  	_ =	shalt  }
0x6a: {  	_ =	shalt  }
0x6b: {  	_ =	shalt  }
0x6c: {  	_ =	shalt  }
0x6d: {  	_ =	shalt  }
0x6e: {  	_ =	shalt  }
0x6f: {  	_ =	shalt  }
0x70: {  	_ =	shalt  }
0x71: {  	_ =	shalt  }
0x72: {  	_ =	shalt  }
0x73: {  	_ =	shalt  }
0x74: {  	_ =	shalt  }
0x75: {  	_ =	shalt  }
0x76: {  	_ =	shalt  }
0x77: {  	_ =	shalt  }
0x78: {  	_ =	shalt  }
0x79: {  	_ =	shalt  }
0x7a: {  	_ =	shalt  }
0x7b: {  	_ =	shalt  }
0x7c: {  	_ =	shalt  }
0x7d: {  	_ =	shalt  }
0x7e: {  	_ =	shalt  }
0x7f: {  	_ =	shalt  }
0x80: {  	_ =	shalt  }
0x81: {  	_ =	shalt  }
0x82: {  	_ =	shalt  }
0x83: {  	_ =	shalt  }
0x84: {  	_ =	shalt  }
0x85: {  	_ =	shalt  }
0x86: {  	_ =	shalt  }
0x87: {  	_ =	shalt  }
.Lfunc_end0:
.L_simem_size_0:
called_computation_lowered:
.L_overlay_start_0:
0x88: {  	s2 =	sld [smem:$0x3FD9]  }
0x89: {  	s3 =	sld [smem:$0x3FFE];
	_ =	sdelay $0x1  }
0x8a: {  	s1 =	srdreg.scid  }
0x8b: {  	s0 =	sand.u32 $0x1, s1  }
0x8c: {  	s17 =	sshll.u32 s0, $0xA;
	s2 =	sadd.s32 s3, s2  }
0x8d: {  	s2 =	sadd.s32 s2, s17  }
0x8e: {  	[smem:$0x3FC5] =	sst s2  }
0x8f: {  	_ = 	snop  }
0x90: {  	s2 =	sld [smem:$0x3FC9]  }
0x91: {  	s18 =	sld [smem:$0x3FC8]  }
0x92: {  	s4 =	sld [smem:$0x3FD0];
	(tm) =	ssettm $0x1  }
0x93: {  	s5 =	sld [smem:$0x3FFB];
	_ =	sdelay $0x3  }
0x94: {  	_ =	strace s5  }
0x95: {  	s5 =	sld [smem:$0x3FFC];
	_ =	sdelay $0x3  }
0x96: {  	_ =	strace s5  }
0x97: {  	s5 =	sld [smem:$0x3FFD];
	_ =	sdelay $0x3  }
0x98: {  	_ =	strace s5  }
0x99: {  	_ =	strace $0x8FFFFFFF  }
0x9a: {  	s19 =	sld [smem:$0x3FDB];
	_ =	sdelay $0x1  }
0x9b: {  	s6 =	simm.s32 $_scs_section_size  }
0x9c: {  	s7 =	simm.s32 $_size__tile_overlayer_lowered;
	s8 =	simm.s32 $_tile_overlayer_lowered  }
0x9d: {  	s22 =	simm.s32 $0x1BFF;
	s21 =	sshll.u32 s8, $0x1;
	s5 =	sadd.s32 s6, s19  }
0x9e: {  	s9 =	simm.s32 $0x0;
	s20 =	sshll.u32 s7, $0x1;
	s7 =	sadd.s32 s21, s5  }
0x9f: {  	[timem:s9], [sflag:s22] =	dma.local [hbm:s7], s20  }
0xa0: {  	_ =	swait.ge [sflag:s22], s20  }
0xa1: {  	s6 =	ssub.s32 $0x0, s20;
	[sflag:s22] =	ssyncset.done $0x0  }
0xa2: {  	[sflag:s22] =	ssyncadd.s32 s6;
	_ =	sdelay $0x1  }
0xa3: {  	s23 =	simm.s32 $0x1B8B  }
0xa4: {  	_ =	swait.ge [sflag:s23], $0x1  }
0xa5: {  	[sflag:s23] =	ssyncset.done $0x0  }
0xa6: {  	s25 =	simm.s32 $0x1B8E;
	s24 =	sld [smem:$0x3FFE];
	[sflag:s23] =	ssyncadd.s32 $0xFFFFFFFF  }
0xa7: {  	s26 =	simm.s32 $execute0_lowered;
	[smem:$0x3FD2] =	sst s25  }
0xa8: {  	s7 =	sshll.u32 s26, $0x1;
	_ =	strace $0x80000046;
	[dreg:$0x1] =	wrdreg $0xFFFFFFFF  }
0xa9: {  	s28 =	simm.s32 $_size_execute0_lowered;
	s5 =	sadd.s32 s5, s7;
	[dreg:$0x0] =	wrdreg $0x0  }
0xaa: {  	s7 =	sshll.u32 s28, $0x1;
	[dreg:$0x2] =	wrdreg s5  }
0xab: {  	[dreg:$0x3] =	wrdreg s7  }
0xac: {  	[dreg:$0x4] =	wrdreg $0xC0  }
0xad: {  	_ =	task [dreg:s9], $0x5FFFF  }
0xae: {  	[dreg:$0x1] =	wrdreg $0xFFFFFFFF  }
0xaf: {  	[dreg:$0x0] =	wrdreg $0x60  }
0xb0: {  	[dreg:$0x2] =	wrdreg s2  }
0xb1: {  	[dreg:$0x3] =	wrdreg s18  }
0xb2: {  	[dreg:$0x4] =	wrdreg s24  }
0xb3: {  	[dreg:$0x5] =	wrdreg s4  }
0xb4: {  	[dreg:$0x6] =	wrdreg $0x107800  }
0xb5: {  	[dreg:$0x7] =	wrdreg $0x9  }
0xb6: {  	_ =	task.clear_ibuf [dreg:s9], $0x8FFFF;
	_ =	strace $0x90000046  }
0xb7: {  	s29 =	simm.s32 $0x9;
	_ =	strace $0x80000048  }
0xb8: {  	_ =	swait.ge [sflag:s29], $0x1  }
0xb9: {  	[sflag:s29] =	ssyncadd.s32 $0xFFFFFFFF  }
0xba: {  	_ =	strace $0x90000048  }
0xbb: {  	_ =	sfence  }
0xbc: {  	s30 =	sld [smem:$0x0];
	_ =	sdelay $0x2  }
0xbd: {  	s31 =	sshll.u32 s1, $0xD;
	s1 =	sshrl.u32 s1, $0x2  }
0xbe: {  	s3 =	sand.u32 $0x4000, s31;
	s1 =	sadd.s32 s1, s30  }
0xbf: {  	s0 =	sor.u32 s3, s0;
	s1 =	sshll.u32 s1, $0x11  }
0xc0: {  	s0 =	sor.u32 s1, s0  }
0xc1: {  	s0 =	sadd.s32 $0x8F2B, s0  }
0xc2: {  	[sflag:s0] =	ssyncadd.remote.s32 $0x1  }
0xc3: {  	_ =	sfence.sel $0xFFFF  }
0xc4: {  	[dreg:$0x0] =	wrdreg $0xFFFFFFFF;
	(pc) =	sbr.abs _section_cstart, $3  }
0xc5: {  	[dreg:$0x1] =	wrdreg $0xFFFFFFFF  }
0xc6: {  	_ =	task.clear_ibuf [dreg:s9], $0x2FFFF;
	_ =	strace $0x9FFFFFFF  }
0xc7: {  	(tm) =	ssettm $0x7FFFFFFF  }
tec
execute0_lowered:
.L_overlay_start_1:
0x0: {  	(tag) =	ssettag $0x1  }
0x1: {  	s0 =	rddreg [dreg:$0x0]  }
0x2: {  	s1 =	rddreg [dreg:$0x1]  }
0x3: {  	s4 =	rddreg [dreg:$0x2]  }
0x4: {  	s5 =	rddreg [dreg:$0x3]  }
0x5: {  	s2 =	rddreg [dreg:$0x4];
	s3 =	simm.s32 $0x0  }
0x6: {  	s6 =	srdreg.scid;
	s14 =	stileid.u32;
	s29 =	simm.s32 $0x4  }
0x7: {  	[smem:$0x7FF] =	sst s3;
	s6 =	sand.u32 $0x1, s6;
	s8 =	sadd.s32 $0x400, s4  }
0x8: {  	s10 =	sshll.u32 s14, $0x9;
	s11 =	smul.u32 $0xF480, s14;
	p0 =	seq.s32 s14, $0xF  }
0x9: {  	s14 =	sadd.s32 $0x1D5E0, s1;
	_ =	strace $0x80000047;
	s7 =	ssub.s32 $0x2, s6  }
0xa: {  	[dreg:$0x6] =	wrdreg s8;
	s9 =	sshll.u32 s6, $0xD;
	s6 =	sadd.s32 $0x600, s4  }
0xb: {  	[dreg:$0x1e] =	wrdreg s14;
	s16 =	sshrl.u32 s7, $0x1;
	s8 =	sor.u32 s10, s9  }
0xc: {  	s17 =	sshrl.u32 s11, $0x3;
	s18 =	sadd.s32 $0x1E80, s11;
	s20 =	sadd.s32 $0x3D00, s11  }
0xd: {  	s12 =	sadd.s32 $0x5B80, s11;
	s13 =	sadd.s32 s11, s2;
	s23 =	sadd.s32 $0x7A00, s11  }
0xe: {  	s10 =	sadd.s32 $0x1CE40, s1;
	s4 =	ssub.s32 s7, s16;
	[dreg:$0x9] =	wrdreg s13  }
0xf: {  	s7 =	sadd.s32 s0, s8;
	s0 =	sadd.s32 s1, s17;
	[dreg:$0x1a] =	wrdreg s10  }
0x10: {  	s15 =	sadd.s32 $0xB700, s11;
	s9 =	sadd.s32 s18, s2;
	[dreg:$0x7] =	wrdreg s0  }
0x11: {  	s19 =	sshrl.u32 s18, $0x3;
	s24 =	sadd.s32 s20, s2;
	[dreg:$0xb] =	wrdreg s9  }
0x12: {  	s22 =	sshrl.u32 s12, $0x3;
	s12 =	sadd.s32 s12, s2;
	[dreg:$0xd] =	wrdreg s24  }
0x13: {  	s25 =	sshrl.u32 s23, $0x3;
	s0 =	sadd.s32 s1, s19;
	[dreg:$0xf] =	wrdreg s12  }
0x14: {  	s16 =	sshrl.u32 s15, $0x3;
	s9 =	sadd.s32 s1, s25;
	[dreg:$0x8] =	wrdreg s0  }
0x15: {  	s30 =	simm.s32 $0x2;
	s17 =	sadd.s32 s1, s16;
	[dreg:$0xe] =	wrdreg s9  }
0x16: {  	s31 =	simm.s32 $0x600;
	s25 =	sadd.s32 s15, s2;
	[dreg:$0x12] =	wrdreg s17  }
0x17: {  	s26 =	sadd.s32 $0x9880, s11;
	s12 =	sadd.s32 $0x1D210, s1;
	[dreg:$0x15] =	wrdreg s25  }
0x18: {  	s21 =	sshrl.u32 s20, $0x3;
	s15 =	sadd.s32 $0xE9080, s2;
	[dreg:$0x1c] =	wrdreg s12  }
0x19: {  	s18 =	sshrl.u32 s8, $0x3;
	s16 =	sadd.s32 $0x1D9B0, s1;
	[dreg:$0x1f] =	wrdreg s15  }
0x1a: {  	s20 =	sadd.s32 s5, s18;
	s18 =	sadd.s32 $0x1DD80, s1;
	[smem:$0x7F4] =	sst s16  }
0x1b: {  	s13 =	sshrl.u32 s26, $0x3;
	s0 =	sadd.s32 s1, s21;
	[smem:$0x7F6] =	sst s18  }
0x1c: {  	s19 =	sadd.s32 $0xD580, s11;
	s9 =	sadd.s32 s1, s13;
	[dreg:$0xa] =	wrdreg s0  }
0x1d: {  	s21 =	sadd.s32 $0xF400, s11;
	s11 =	sadd.s32 $0xE5380, s2;
	[dreg:$0x10] =	wrdreg s9  }
0x1e: {  	s10 =	simm.s32 $0x9600;
	s13 =	sadd.s32 $0xE7200, s2;
	[dreg:$0x1b] =	wrdreg s11  }
0x1f: {  	s28 =	smax.u32 s4, $0x1;
	s17 =	sadd.s32 $0xEAF00, s2;
	[dreg:$0x1d] =	wrdreg s13  }
0x20: {  	s4 =	simm.s32 $0x2C00;
	s25 =	sadd.s32 $0xF2900, s2;
	[smem:$0x7F5] =	sst s17  }
0x21: {  	s5 =	simm.s32 $0x6A00;
	s0 =	sadd.s32 s1, s22;
	[smem:$0x7FC] =	sst s25  }
0x22: {  	s12 =	simm.s32 $0x9C00;
	s22 =	sadd.s32 s26, s2;
	[dreg:$0xc] =	wrdreg s0  }
0x23: {  	s24 =	sshrl.u32 s21, $0x3;
	s9 =	sadd.s32 $0x1CA70, s1;
	[dreg:$0x13] =	wrdreg s22  }
0x24: {  	s25 =	simm.s32 $0xE900;
	s0 =	sadd.s32 s23, s2;
	[dreg:$0x19] =	wrdreg s9  }
0x25: {  	s11 =	simm.s32 $0x3800;
	s26 =	sadd.s32 s1, s24;
	[dreg:$0x11] =	wrdreg s0  }
0x26: {  	s13 =	simm.s32 $0x0;
	s22 =	sadd.s32 $0xEEC00, s2;
	[dreg:$0x16] =	wrdreg s26  }
0x27: {  	s23 =	sshrl.u32 s19, $0x3;
	s24 =	sadd.s32 $0xF0A80, s2;
	[smem:$0x7F9] =	sst s22  }
0x28: {  	s9 =	simm.s32 $0x3200;
	s8 =	sadd.s32 s1, s23;
	[smem:$0x7FB] =	sst s24  }
0x29: {  	s0 =	sadd.s32 s19, s2;
	s19 =	sadd.s32 $0xECD80, s2;
	[dreg:$0x14] =	wrdreg s8  }
0x2a: {  	s23 =	sadd.s32 $0x1E520, s1;
	s26 =	sadd.s32 $0xF4200, s2;
	[dreg:$0x17] =	wrdreg s0  }
0x2b: {  	s22 =	sadd.s32 $0x180, s7;
	s24 =	simm.s32 $0xCA80;
	[smem:$0x7F7] =	sst s19  }
0x2c: {  	s8 =	sadd.s32 s21, s2;
	s21 =	sadd.s32 $0x1E150, s1;
	[smem:$0x7FA] =	sst s23  }
0x2d: {  	[smem:$0x7FD] =	sst s26;
	s19 =	sadd.s32 $0x80, s7;
	s23 =	simm.s32 $0x5  }
0x2e: {  	s26 =	simm.s32 $0x3;
	s0 =	simm.s32 $0x6400;
	[dreg:$0x18] =	wrdreg s8  }
0x2f: {  	[smem:$0x7F8] =	sst s21;
	s21 =	sadd.s32 $0x100, s7;
	s8 =	simm.s32 $0x1  }
.LBB2_1:
0x30: {  	s14 =	simm.s32 $0xCA00  }
0x31: {  	[tilespmem:s14], [sflag:$0x5] =	stream.linear.gather [hbm4b:s6+s3], $0x80, $0x38;
	[tilespmem:$0x1FBC0] =	vst v63  }
0x32: {  	s18 =	sand.u32 $0x3C000, s3;
	s15 =	sand.u32 $0x70, s3;
	_ =	swait.ge [sflag:s23], $0x80  }
0x33: {  	s14 =	sor.u32 s15, s18;
	[sflag:s23] =	ssyncset.done $0x0  }
0x34: {  	s14 =	sadd.s32 s14, s7;
	[sflag:s23] =	ssyncadd.s32 $0xFFFFFF80  }
0x35: {  	[tilespmem:s3], [sflag:$0x2] =	stream.linear.gather [hbm4b:s14+s3], $0x80, $0x38;
	[tilespmem:$0x1FBC0] =	vst v63  }
0x36: {  	s16 =	simm.s32 $0x0;
	s15 =	simm.s32 $0x0;
	s14 =	simm.s32 $0x800  }
.LBB2_2:
0x37: {  	p1 =	sne.s32 s14, $0x31800  }
.Ltmp0:
0x38: {  	s17 =	sand.u32 $0x3C000, s14;
	s15 =	sadd.s32 $0x10, s15;
	(pc) =	sbr.rel @p1 .LBB2_2-.Ltmp0, $4  }
0x39: {  	s14 =	sadd.s32 $0x800, s14;
	s18 =	sand.u32 $0x70, s15  }
0x3a: {  	s17 =	sor.u32 s18, s17  }
0x3b: {  	s16 =	sadd.s32 $0x80, s16;
	s17 =	sadd.s32 s17, s7  }
0x3c: {  	[tilespmem:s16], [sflag:$0x2] =	stream.linear.gather [hbm4b:s17+s3], $0x80, $0x38;
	[tilespmem:$0x1FBC0] =	vst v63  }
.Ltmp1:
0x3d: {  	(pc) =	sbr.rel @!p0 .LBB2_4-.Ltmp1, $1  }
0x3e: {  	_ =	sdelay $0x3  }
0x3f: {  	s14 =	rddreg [dreg:$0x19]  }
0x40: {  	[tilespmem:s24], [sflag:$0x3] =	stream.linear.gather [hbm4b:s14+s3], $0x1E80, $0x38;
	[tilespmem:$0x1FBC0] =	vst v63  }
0x41: {  	s18 =	rddreg [dreg:$0x1a]  }
0x42: {  	[tilespmem:s25], [sflag:$0x3] =	stream.linear.gather [hbm4b:s18+s3], $0x1E80, $0x38;
	[tilespmem:$0x1FBC0] =	vst v63  }
0x43: {  	_ =	swait.ge [sflag:s26], $0x1E80  }
0x44: {  	[sflag:s26] =	ssyncset.done $0x0  }
0x45: {  	s15 =	rddreg [dreg:$0x1b];
	[sflag:s26] =	ssyncadd.s32 $0xFFFFE180  }
0x46: {  	[spmem:s15] =	stream.linear.scatter [tilespmem:s24], [sflag:$0x4], $0x1E80, $0x38;
	[tilespmem:$0x1FBC0] =	vst v63  }
0x47: {  	_ =	swait.ge [sflag:s29], $0x1E80  }
0x48: {  	[sflag:s29] =	ssyncset.done $0x0  }
0x49: {  	s16 =	rddreg [dreg:$0x1c];
	[sflag:s29] =	ssyncadd.s32 $0xFFFFE180  }
0x4a: {  	[tilespmem:s24], [sflag:$0x3] =	stream.linear.gather [hbm4b:s16+s3], $0x1E80, $0x38;
	[tilespmem:$0x1FBC0] =	vst v63  }
0x4b: {  	_ =	swait.ge [sflag:s26], $0x1E80  }
0x4c: {  	[sflag:s26] =	ssyncset.done $0x0  }
0x4d: {  	s17 =	rddreg [dreg:$0x1d];
	[sflag:s26] =	ssyncadd.s32 $0xFFFFE180  }
0x4e: {  	[spmem:s17] =	stream.linear.scatter [tilespmem:s25], [sflag:$0x4], $0x1E80, $0x38;
	[tilespmem:$0x1FBC0] =	vst v63  }
0x4f: {  	_ =	swait.ge [sflag:s29], $0x1E80  }
0x50: {  	[sflag:s29] =	ssyncset.done $0x0  }
0x51: {  	s18 =	rddreg [dreg:$0x1e];
	[sflag:s29] =	ssyncadd.s32 $0xFFFFE180  }
0x52: {  	[tilespmem:s25], [sflag:$0x3] =	stream.linear.gather [hbm4b:s18+s3], $0x1E80, $0x38;
	[tilespmem:$0x1FBC0] =	vst v63  }
0x53: {  	_ =	swait.ge [sflag:s26], $0x1E80  }
0x54: {  	[sflag:s26] =	ssyncset.done $0x0  }
0x55: {  	s15 =	rddreg [dreg:$0x1f];
	[sflag:s26] =	ssyncadd.s32 $0xFFFFE180  }
0x56: {  	[spmem:s15] =	stream.linear.scatter [tilespmem:s24], [sflag:$0x4], $0x1E80, $0x38;
	[tilespmem:$0x1FBC0] =	vst v63  }
0x57: {  	_ =	swait.ge [sflag:s29], $0x1E80  }
0x58: {  	s16 =	sld [smem:$0x7F4]  }
0x59: {  	[sflag:s29] =	ssyncset.done $0x0  }
0x5a: {  	[sflag:s29] =	ssyncadd.s32 $0xFFFFE180  }
0x5b: {  	[tilespmem:s24], [sflag:$0x3] =	stream.linear.gather [hbm4b:s16+s3], $0x1E80, $0x38;
	[tilespmem:$0x1FBC0] =	vst v63  }
0x5c: {  	_ =	swait.ge [sflag:s26], $0x1E80  }
0x5d: {  	s17 =	sld [smem:$0x7F5]  }
0x5e: {  	[sflag:s26] =	ssyncset.done $0x0  }
0x5f: {  	[sflag:s26] =	ssyncadd.s32 $0xFFFFE180  }
0x60: {  	[spmem:s17] =	stream.linear.scatter [tilespmem:s25], [sflag:$0x4], $0x1E80, $0x38;
	[tilespmem:$0x1FBC0] =	vst v63  }
0x61: {  	_ =	swait.ge [sflag:s29], $0x1E80  }
0x62: {  	s18 =	sld [smem:$0x7F6]  }
0x63: {  	[sflag:s29] =	ssyncset.done $0x0  }
0x64: {  	[sflag:s29] =	ssyncadd.s32 $0xFFFFE180  }
0x65: {  	[tilespmem:s25], [sflag:$0x3] =	stream.linear.gather [hbm4b:s18+s3], $0x1E80, $0x38;
	[tilespmem:$0x1FBC0] =	vst v63  }
0x66: {  	_ =	swait.ge [sflag:s26], $0x1E80  }
0x67: {  	s15 =	sld [smem:$0x7F7]  }
0x68: {  	[sflag:s26] =	ssyncset.done $0x0  }
0x69: {  	[sflag:s26] =	ssyncadd.s32 $0xFFFFE180  }
0x6a: {  	[spmem:s15] =	stream.linear.scatter [tilespmem:s24], [sflag:$0x4], $0x1E80, $0x38;
	[tilespmem:$0x1FBC0] =	vst v63  }
0x6b: {  	_ =	swait.ge [sflag:s29], $0x1E80  }
0x6c: {  	s16 =	sld [smem:$0x7F8]  }
0x6d: {  	[sflag:s29] =	ssyncset.done $0x0  }
0x6e: {  	[sflag:s29] =	ssyncadd.s32 $0xFFFFE180  }
0x6f: {  	[tilespmem:s24], [sflag:$0x3] =	stream.linear.gather [hbm4b:s16+s3], $0x1E80, $0x38;
	[tilespmem:$0x1FBC0] =	vst v63  }
0x70: {  	_ =	swait.ge [sflag:s26], $0x1E80  }
0x71: {  	s17 =	sld [smem:$0x7F9]  }
0x72: {  	[sflag:s26] =	ssyncset.done $0x0  }
0x73: {  	[sflag:s26] =	ssyncadd.s32 $0xFFFFE180  }
0x74: {  	[spmem:s17] =	stream.linear.scatter [tilespmem:s25], [sflag:$0x4], $0x1E80, $0x38;
	[tilespmem:$0x1FBC0] =	vst v63  }
0x75: {  	_ =	swait.ge [sflag:s29], $0x1E80  }
0x76: {  	s18 =	sld [smem:$0x7FA]  }
0x77: {  	[sflag:s29] =	ssyncset.done $0x0  }
0x78: {  	[sflag:s29] =	ssyncadd.s32 $0xFFFFE180  }
0x79: {  	[tilespmem:s25], [sflag:$0x3] =	stream.linear.gather [hbm4b:s18+s3], $0x1900, $0x38;
	[tilespmem:$0x1FBC0] =	vst v63  }
0x7a: {  	_ =	swait.ge [sflag:s26], $0x1E80  }
0x7b: {  	s15 =	sld [smem:$0x7FB]  }
0x7c: {  	[sflag:s26] =	ssyncset.done $0x0  }
0x7d: {  	[sflag:s26] =	ssyncadd.s32 $0xFFFFE180  }
0x7e: {  	[spmem:s15] =	stream.linear.scatter [tilespmem:s24], [sflag:$0x4], $0x1E80, $0x38;
	[tilespmem:$0x1FBC0] =	vst v63  }
0x7f: {  	_ =	swait.ge [sflag:s26], $0x1900  }
0x80: {  	s16 =	sld [smem:$0x7FC]  }
0x81: {  	[sflag:s26] =	ssyncset.done $0x0  }
0x82: {  	[sflag:s26] =	ssyncadd.s32 $0xFFFFE700  }
0x83: {  	[spmem:s16] =	stream.linear.scatter [tilespmem:s25], [sflag:$0x4], $0x1900, $0x38;
	[tilespmem:$0x1FBC0] =	vst v63  }
0x84: {  	_ =	swait.ge [sflag:s29], $0x1E80  }
0x85: {  	[sflag:s29] =	ssyncset.done $0x0  }
0x86: {  	[sflag:s29] =	ssyncadd.s32 $0xFFFFE180  }
0x87: {  	_ =	swait.ge [sflag:s29], $0x1900  }
0x88: {  	[sflag:s29] =	ssyncset.done $0x0  }
0x89: {  	s17 =	rddreg [dreg:$0x6];
	[sflag:s29] =	ssyncadd.s32 $0xFFFFE700  }
0x8a: {  	[tilespmem:s24], [sflag:$0x5] =	stream.linear.gather [hbm4b:s17+s3], $0x80, $0x38;
	[tilespmem:$0x1FBC0] =	vst v63  }
0x8b: {  	_ =	swait.ge [sflag:s23], $0x80  }
0x8c: {  	s18 =	sld [smem:$0x7FD]  }
0x8d: {  	[sflag:s23] =	ssyncset.done $0x0  }
.Ltmp2:
0x8e: {  	[sflag:s23] =	ssyncadd.s32 $0xFFFFFF80;
	(pc) =	sbr.rel .LBB2_6-.Ltmp2, $4  }
0x8f: {  	[spmem:s18] =	stream.linear.scatter [tilespmem:s24], [sflag:$0x5], $0x80, $0x38;
	[tilespmem:$0x1FBC0] =	vst v63  }
0x90: {  	_ =	swait.ge [sflag:s23], $0x80  }
0x91: {  	[sflag:s23] =	ssyncset.done $0x0  }
0x92: {  	[sflag:s23] =	ssyncadd.s32 $0xFFFFFF80  }
.LBB2_4:
0x93: {  	s14 =	rddreg [dreg:$0x7]  }
0x94: {  	[tilespmem:s24], [sflag:$0x3] =	stream.linear.gather [hbm4b:s14+s3], $0x1E80, $0x38;
	[tilespmem:$0x1FBC0] =	vst v63  }
0x95: {  	s18 =	rddreg [dreg:$0x8]  }
0x96: {  	[tilespmem:s25], [sflag:$0x3] =	stream.linear.gather [hbm4b:s18+s3], $0x1E80, $0x38;
	[tilespmem:$0x1FBC0] =	vst v63  }
0x97: {  	_ =	swait.ge [sflag:s26], $0x1E80  }
0x98: {  	[sflag:s26] =	ssyncset.done $0x0  }
0x99: {  	s15 =	rddreg [dreg:$0x9];
	[sflag:s26] =	ssyncadd.s32 $0xFFFFE180  }
0x9a: {  	[spmem:s15] =	stream.linear.scatter [tilespmem:s24], [sflag:$0x4], $0x1E80, $0x38;
	[tilespmem:$0x1FBC0] =	vst v63  }
0x9b: {  	_ =	swait.ge [sflag:s29], $0x1E80  }
0x9c: {  	[sflag:s29] =	ssyncset.done $0x0  }
0x9d: {  	s16 =	rddreg [dreg:$0xa];
	[sflag:s29] =	ssyncadd.s32 $0xFFFFE180  }
0x9e: {  	[tilespmem:s24], [sflag:$0x3] =	stream.linear.gather [hbm4b:s16+s3], $0x1E80, $0x38;
	[tilespmem:$0x1FBC0] =	vst v63  }
0x9f: {  	_ =	swait.ge [sflag:s26], $0x1E80  }
0xa0: {  	[sflag:s26] =	ssyncset.done $0x0  }
0xa1: {  	s17 =	rddreg [dreg:$0xb];
	[sflag:s26] =	ssyncadd.s32 $0xFFFFE180  }
0xa2: {  	[spmem:s17] =	stream.linear.scatter [tilespmem:s25], [sflag:$0x4], $0x1E80, $0x38;
	[tilespmem:$0x1FBC0] =	vst v63  }
0xa3: {  	_ =	swait.ge [sflag:s29], $0x1E80  }
0xa4: {  	[sflag:s29] =	ssyncset.done $0x0  }
0xa5: {  	s18 =	rddreg [dreg:$0xc];
	[sflag:s29] =	ssyncadd.s32 $0xFFFFE180  }
0xa6: {  	[tilespmem:s25], [sflag:$0x3] =	stream.linear.gather [hbm4b:s18+s3], $0x1E80, $0x38;
	[tilespmem:$0x1FBC0] =	vst v63  }
0xa7: {  	_ =	swait.ge [sflag:s26], $0x1E80  }
0xa8: {  	[sflag:s26] =	ssyncset.done $0x0  }
0xa9: {  	s15 =	rddreg [dreg:$0xd];
	[sflag:s26] =	ssyncadd.s32 $0xFFFFE180  }
0xaa: {  	[spmem:s15] =	stream.linear.scatter [tilespmem:s24], [sflag:$0x4], $0x1E80, $0x38;
	[tilespmem:$0x1FBC0] =	vst v63  }
0xab: {  	_ =	swait.ge [sflag:s29], $0x1E80  }
0xac: {  	[sflag:s29] =	ssyncset.done $0x0  }
0xad: {  	s16 =	rddreg [dreg:$0xe];
	[sflag:s29] =	ssyncadd.s32 $0xFFFFE180  }
0xae: {  	[tilespmem:s24], [sflag:$0x3] =	stream.linear.gather [hbm4b:s16+s3], $0x1E80, $0x38;
	[tilespmem:$0x1FBC0] =	vst v63  }
0xaf: {  	_ =	swait.ge [sflag:s26], $0x1E80  }
0xb0: {  	[sflag:s26] =	ssyncset.done $0x0  }
0xb1: {  	s17 =	rddreg [dreg:$0xf];
	[sflag:s26] =	ssyncadd.s32 $0xFFFFE180  }
0xb2: {  	[spmem:s17] =	stream.linear.scatter [tilespmem:s25], [sflag:$0x4], $0x1E80, $0x38;
	[tilespmem:$0x1FBC0] =	vst v63  }
0xb3: {  	_ =	swait.ge [sflag:s29], $0x1E80  }
0xb4: {  	[sflag:s29] =	ssyncset.done $0x0  }
0xb5: {  	s18 =	rddreg [dreg:$0x10];
	[sflag:s29] =	ssyncadd.s32 $0xFFFFE180  }
0xb6: {  	[tilespmem:s25], [sflag:$0x3] =	stream.linear.gather [hbm4b:s18+s3], $0x1E80, $0x38;
	[tilespmem:$0x1FBC0] =	vst v63  }
0xb7: {  	_ =	swait.ge [sflag:s26], $0x1E80  }
0xb8: {  	[sflag:s26] =	ssyncset.done $0x0  }
0xb9: {  	s15 =	rddreg [dreg:$0x11];
	[sflag:s26] =	ssyncadd.s32 $0xFFFFE180  }
0xba: {  	[spmem:s15] =	stream.linear.scatter [tilespmem:s24], [sflag:$0x4], $0x1E80, $0x38;
	[tilespmem:$0x1FBC0] =	vst v63  }
0xbb: {  	_ =	swait.ge [sflag:s29], $0x1E80  }
0xbc: {  	[sflag:s29] =	ssyncset.done $0x0  }
0xbd: {  	s16 =	rddreg [dreg:$0x12];
	[sflag:s29] =	ssyncadd.s32 $0xFFFFE180  }
0xbe: {  	[tilespmem:s24], [sflag:$0x3] =	stream.linear.gather [hbm4b:s16+s3], $0x1E80, $0x38;
	[tilespmem:$0x1FBC0] =	vst v63  }
0xbf: {  	_ =	swait.ge [sflag:s26], $0x1E80  }
0xc0: {  	[sflag:s26] =	ssyncset.done $0x0  }
0xc1: {  	s17 =	rddreg [dreg:$0x13];
	[sflag:s26] =	ssyncadd.s32 $0xFFFFE180  }
0xc2: {  	[spmem:s17] =	stream.linear.scatter [tilespmem:s25], [sflag:$0x4], $0x1E80, $0x38;
	[tilespmem:$0x1FBC0] =	vst v63  }
0xc3: {  	_ =	swait.ge [sflag:s29], $0x1E80  }
0xc4: {  	[sflag:s29] =	ssyncset.done $0x0  }
0xc5: {  	s18 =	rddreg [dreg:$0x14];
	[sflag:s29] =	ssyncadd.s32 $0xFFFFE180  }
0xc6: {  	[tilespmem:s25], [sflag:$0x3] =	stream.linear.gather [hbm4b:s18+s3], $0x1E80, $0x38;
	[tilespmem:$0x1FBC0] =	vst v63  }
0xc7: {  	_ =	swait.ge [sflag:s26], $0x1E80  }
0xc8: {  	[sflag:s26] =	ssyncset.done $0x0  }
0xc9: {  	s15 =	rddreg [dreg:$0x15];
	[sflag:s26] =	ssyncadd.s32 $0xFFFFE180  }
0xca: {  	[spmem:s15] =	stream.linear.scatter [tilespmem:s24], [sflag:$0x4], $0x1E80, $0x38;
	[tilespmem:$0x1FBC0] =	vst v63  }
0xcb: {  	_ =	swait.ge [sflag:s29], $0x1E80  }
0xcc: {  	[sflag:s29] =	ssyncset.done $0x0  }
0xcd: {  	s16 =	rddreg [dreg:$0x16];
	[sflag:s29] =	ssyncadd.s32 $0xFFFFE180  }
0xce: {  	[tilespmem:s24], [sflag:$0x3] =	stream.linear.gather [hbm4b:s16+s3], $0x80, $0x38;
	[tilespmem:$0x1FBC0] =	vst v63  }
0xcf: {  	_ =	swait.ge [sflag:s26], $0x1E80  }
0xd0: {  	[sflag:s26] =	ssyncset.done $0x0  }
0xd1: {  	s17 =	rddreg [dreg:$0x17];
	[sflag:s26] =	ssyncadd.s32 $0xFFFFE180  }
0xd2: {  	[spmem:s17] =	stream.linear.scatter [tilespmem:s25], [sflag:$0x4], $0x1E80, $0x38;
	[tilespmem:$0x1FBC0] =	vst v63  }
0xd3: {  	_ =	swait.ge [sflag:s26], $0x80  }
0xd4: {  	[sflag:s26] =	ssyncset.done $0x0  }
0xd5: {  	s18 =	rddreg [dreg:$0x18];
	[sflag:s26] =	ssyncadd.s32 $0xFFFFFF80  }
0xd6: {  	[spmem:s18] =	stream.linear.scatter [tilespmem:s24], [sflag:$0x4], $0x80, $0x38;
	[tilespmem:$0x1FBC0] =	vst v63  }
0xd7: {  	_ =	swait.ge [sflag:s29], $0x80  }
0xd8: {  	[sflag:s29] =	ssyncset.done $0x0  }
0xd9: {  	[sflag:s29] =	ssyncadd.s32 $0xFFFFFF80  }
0xda: {  	_ =	swait.ge [sflag:s29], $0x1E80  }
0xdb: {  	[sflag:s29] =	ssyncset.done $0x0  }
0xdc: {  	[sflag:s29] =	ssyncadd.s32 $0xFFFFE180  }
.LBB2_6:
0xdd: {  	_ =	swait.ge [sflag:s30], $0x80  }
0xde: {  	s14 =	simm.s32 $0x63;
	[sflag:s30] =	ssyncset.done $0x0  }
.LBB2_7:
0xdf: {  	p1 =	sne.s32 s14, $0x1;
	s14 =	sadd.s32 $0xFFFFFFFF, s14;
	[sflag:s30] =	ssyncadd.s32 $0xFFFFFF80  }
.Ltmp3:
0xe0: {  	(pc) =	sbr.rel @p1 .LBB2_7-.Ltmp3, $3  }
0xe1: {  	_ =	sdelay $0x1  }
0xe2: {  	_ =	swait.ge [sflag:s30], $0x80  }
0xe3: {  	[sflag:s30] =	ssyncset.done $0x0  }
0xe4: {  	[sflag:s30] =	ssyncadd.s32 $0xFFFFFF80;
	s14 =	simm.s32 $0x0  }
0xe5: {  	[bflag:$0x0] =	sbarrier.arrive $0xFFFF;
	s15 =	sand.u32 $0x3C000, s14  }
0xe6: {  	v0 =	vld [tilespmem:$0xCA00];
	[tilespmem:s0], [sflag:$0x3] =	stream.indirect.gather [hbm4b:s1+s31], $0x1, s14, s31, $0xb8  }
0xe7: {  	s16 =	sand.u32 $0x70, s14;
	s15 =	sadd.s32 s15, s19  }
0xe8: {  	[tilespmem:s5], [sflag:$0x1] =	stream.indirect.gather [spmem:s2], $0x1, s31, s4, $0xb8;
	[tilespmem:$0x1FBC0] =	vst v63  }
0xe9: {  	s14 =	simm.s32 $0x3200;
	s15 =	sadd.s32 s16, s15  }
0xea: {  	[tilespmem:s14], [sflag:$0x2] =	stream.linear.gather [hbm4b:s15+s3], $0x80, $0x38;
	[tilespmem:$0x1FBC0] =	vst v63  }
0xeb: {  	s16 =	simm.s32 $0x10;
	s15 =	simm.s32 $0x800  }
.LBB2_9:
0xec: {  	s17 =	sand.u32 $0x3C000, s15;
	p1 =	sne.s32 s15, $0x31800;
	s15 =	sadd.s32 $0x800, s15  }
.Ltmp4:
0xed: {  	s18 =	sand.u32 $0x70, s16;
	s17 =	sadd.s32 s17, s19;
	(pc) =	sbr.rel @p1 .LBB2_9-.Ltmp4, $4  }
0xee: {  	s14 =	sadd.s32 $0x80, s14;
	s17 =	sadd.s32 s18, s17  }
0xef: {  	[tilespmem:s14], [sflag:$0x2] =	stream.linear.gather [hbm4b:s17+s3], $0x80, $0x38;
	[tilespmem:$0x1FBC0] =	vst v63  }
0xf0: {  	_ = 	snop  }
0xf1: {  	s16 =	sadd.s32 $0x10, s16  }
0xf2: {  	_ =	swait.ge [sflag:s26], $0x600  }
0xf3: {  	[sflag:s26] =	ssyncset.done $0x0  }
0xf4: {  	[sflag:s26] =	ssyncadd.s32 $0xFFFFFA00  }
0xf5: {  	_ =	swait.ge [sflag:s8], $0x2C00  }
0xf6: {  	[sflag:s8] =	ssyncset.done $0x0  }
0xf7: {  	[sflag:s8] =	ssyncadd.s32 $0xFFFFD400  }
0xf8: {  	_ =	swait.ge [sflag:s30], $0x80  }
0xf9: {  	s14 =	simm.s32 $0x63;
	[sflag:s30] =	ssyncset.done $0x0  }
.LBB2_11:
0xfa: {  	p1 =	sne.s32 s14, $0x1;
	s14 =	sadd.s32 $0xFFFFFFFF, s14;
	[sflag:s30] =	ssyncadd.s32 $0xFFFFFF80  }
.Ltmp5:
0xfb: {  	(pc) =	sbr.rel @p1 .LBB2_11-.Ltmp5, $3  }
0xfc: {  	_ =	sdelay $0x1  }
0xfd: {  	_ =	swait.ge [sflag:s30], $0x80  }
0xfe: {  	[sflag:s30] =	ssyncset.done $0x0  }
0xff: {  	[sflag:s30] =	ssyncadd.s32 $0xFFFFFF80  }
0x100: {  	[tilespmem:s10], [sflag:$0x3] =	stream.indirect.gather [hbm4b:s1+s31], $0x1, s9, s31, $0xb8;
	[tilespmem:$0x1FBC0] =	vst v63  }
0x101: {  	s16 =	simm.s32 $0x0  }
0x102: {  	[tilespmem:s12], [sflag:$0x1] =	stream.indirect.gather [spmem:s2], $0x1, s11, s4, $0xb8;
	[tilespmem:$0x1FBC0] =	vst v63  }
0x103: {  	v1 =	vld [tilespmem:s16+$0x6400];
	_ =	sdelay $0x1  }
0x104: {  	v2 =	vld [tilespmem:s16+$0x6480];
	_ =	sdelay $0x1  }
0x105: {  	v3 =	vld [tilespmem:s16+$0x6500]  }
0x106: {  	v1 =	vadd.f32 v1, v0  }
0x107: {  	v4 =	vld [tilespmem:s16+$0x6580]  }
0x108: {  	v1 =	vadd.f32 v2, v1  }
0x109: {  	v2 =	vld [tilespmem:s16+$0x6600]  }
0x10a: {  	v1 =	vadd.f32 v3, v1  }
0x10b: {  	v3 =	vld [tilespmem:s16+$0x6680]  }
0x10c: {  	v1 =	vadd.f32 v4, v1  }
0x10d: {  	v4 =	vld [tilespmem:s16+$0x6700]  }
0x10e: {  	v1 =	vadd.f32 v2, v1  }
0x10f: {  	v2 =	vld [tilespmem:s16+$0x6780]  }
0x110: {  	v1 =	vadd.f32 v3, v1  }
0x111: {  	v3 =	vld [tilespmem:s16+$0x6800]  }
0x112: {  	v1 =	vadd.f32 v4, v1  }
0x113: {  	v4 =	vld [tilespmem:s16+$0x6880]  }
0x114: {  	v1 =	vadd.f32 v2, v1  }
0x115: {  	v2 =	vld [tilespmem:s16+$0x6900]  }
0x116: {  	v1 =	vadd.f32 v3, v1  }
0x117: {  	v3 =	vld [tilespmem:s16+$0x6980]  }
0x118: {  	v1 =	vadd.f32 v4, v1  }
0x119: {  	v4 =	vld [tilespmem:s16+$0x6A00]  }
0x11a: {  	v1 =	vadd.f32 v2, v1  }
0x11b: {  	v2 =	vld [tilespmem:s16+$0x6A80]  }
0x11c: {  	v1 =	vadd.f32 v3, v1  }
0x11d: {  	v3 =	vld [tilespmem:s16+$0x6B00]  }
0x11e: {  	v1 =	vadd.f32 v4, v1  }
0x11f: {  	v4 =	vld [tilespmem:s16+$0x6B80]  }
0x120: {  	v1 =	vadd.f32 v2, v1  }
0x121: {  	v2 =	vld [tilespmem:s16+$0x6C00]  }
0x122: {  	v1 =	vadd.f32 v3, v1  }
0x123: {  	v3 =	vld [tilespmem:s16+$0x6C80]  }
0x124: {  	v1 =	vadd.f32 v4, v1  }
0x125: {  	v4 =	vld [tilespmem:s16+$0x6D00]  }
0x126: {  	v1 =	vadd.f32 v2, v1  }
0x127: {  	v2 =	vld [tilespmem:s16+$0x6D80]  }
0x128: {  	v1 =	vadd.f32 v3, v1  }
0x129: {  	v3 =	vld [tilespmem:s16+$0x6E00]  }
0x12a: {  	v1 =	vadd.f32 v4, v1  }
0x12b: {  	v4 =	vld [tilespmem:s16+$0x6E80]  }
0x12c: {  	v1 =	vadd.f32 v2, v1  }
0x12d: {  	v2 =	vld [tilespmem:s16+$0x6F00]  }
0x12e: {  	v1 =	vadd.f32 v3, v1  }
0x12f: {  	v3 =	vld [tilespmem:s16+$0x6F80]  }
0x130: {  	v1 =	vadd.f32 v4, v1  }
0x131: {  	v4 =	vld [tilespmem:s16+$0x7000]  }
0x132: {  	v1 =	vadd.f32 v2, v1  }
0x133: {  	v2 =	vld [tilespmem:s16+$0x7080]  }
0x134: {  	v1 =	vadd.f32 v3, v1  }
0x135: {  	v3 =	vld [tilespmem:s16+$0x7100]  }
0x136: {  	v1 =	vadd.f32 v4, v1  }
0x137: {  	v4 =	vld [tilespmem:s16+$0x7180]  }
0x138: {  	v1 =	vadd.f32 v2, v1  }
0x139: {  	v2 =	vld [tilespmem:s16+$0x7200]  }
0x13a: {  	v1 =	vadd.f32 v3, v1  }
0x13b: {  	v3 =	vld [tilespmem:s16+$0x7280]  }
0x13c: {  	v1 =	vadd.f32 v4, v1  }
0x13d: {  	v4 =	vld [tilespmem:s16+$0x7300]  }
0x13e: {  	v1 =	vadd.f32 v2, v1  }
0x13f: {  	v2 =	vld [tilespmem:s16+$0x7380]  }
0x140: {  	v1 =	vadd.f32 v3, v1  }
0x141: {  	v3 =	vld [tilespmem:s16+$0x7400]  }
0x142: {  	v1 =	vadd.f32 v4, v1  }
0x143: {  	v4 =	vld [tilespmem:s16+$0x7480]  }
0x144: {  	v1 =	vadd.f32 v2, v1  }
0x145: {  	v2 =	vld [tilespmem:s16+$0x7500]  }
0x146: {  	v1 =	vadd.f32 v3, v1  }
0x147: {  	v3 =	vld [tilespmem:s16+$0x7580]  }
0x148: {  	v1 =	vadd.f32 v4, v1  }
0x149: {  	v4 =	vld [tilespmem:s16+$0x7600]  }
0x14a: {  	v1 =	vadd.f32 v2, v1  }
0x14b: {  	v2 =	vld [tilespmem:s16+$0x7680]  }
0x14c: {  	v1 =	vadd.f32 v3, v1  }
0x14d: {  	v3 =	vld [tilespmem:s16+$0x7700]  }
0x14e: {  	v1 =	vadd.f32 v4, v1  }
0x14f: {  	v4 =	vld [tilespmem:s16+$0x7780]  }
0x150: {  	v1 =	vadd.f32 v2, v1  }
0x151: {  	v2 =	vld [tilespmem:s16+$0x7800]  }
0x152: {  	v1 =	vadd.f32 v3, v1  }
0x153: {  	v3 =	vld [tilespmem:s16+$0x7880]  }
0x154: {  	v1 =	vadd.f32 v4, v1  }
0x155: {  	v4 =	vld [tilespmem:s16+$0x7900]  }
0x156: {  	v1 =	vadd.f32 v2, v1  }
0x157: {  	v2 =	vld [tilespmem:s16+$0x7980]  }
0x158: {  	v1 =	vadd.f32 v3, v1  }
0x159: {  	v3 =	vld [tilespmem:s16+$0x7A00]  }
0x15a: {  	v1 =	vadd.f32 v4, v1  }
0x15b: {  	v4 =	vld [tilespmem:s16+$0x7A80]  }
0x15c: {  	v1 =	vadd.f32 v2, v1  }
0x15d: {  	v2 =	vld [tilespmem:s16+$0x7B00]  }
0x15e: {  	v1 =	vadd.f32 v3, v1  }
0x15f: {  	v3 =	vld [tilespmem:s16+$0x7B80]  }
0x160: {  	v1 =	vadd.f32 v4, v1  }
0x161: {  	v4 =	vld [tilespmem:s16+$0x7C00]  }
0x162: {  	v1 =	vadd.f32 v2, v1  }
0x163: {  	s14 =	simm.s32 $0x10;
	v2 =	vld [tilespmem:s16+$0x7C80]  }
0x164: {  	v5 =	vld [tilespmem:s14+$0x6400];
	v1 =	vadd.f32 v3, v1  }
0x165: {  	v3 =	vld [tilespmem:s16+$0x7D00]  }
0x166: {  	v6 =	vld [tilespmem:s14+$0x6480];
	v1 =	vadd.f32 v4, v1  }
0x167: {  	v4 =	vld [tilespmem:s16+$0x7D80]  }
0x168: {  	v7 =	vld [tilespmem:s14+$0x6500];
	v1 =	vadd.f32 v2, v1  }
0x169: {  	v2 =	vld [tilespmem:s16+$0x7E00]  }
0x16a: {  	v8 =	vld [tilespmem:s14+$0x6580];
	v5 =	vadd.f32 v5, v0;
	v1 =	vadd.f32 v3, v1  }
0x16b: {  	v3 =	vld [tilespmem:s16+$0x7E80]  }
0x16c: {  	v5 =	vadd.f32 v6, v5;
	v6 =	vld [tilespmem:s14+$0x6600];
	v1 =	vadd.f32 v4, v1  }
0x16d: {  	v4 =	vld [tilespmem:s16+$0x7F00]  }
0x16e: {  	v5 =	vadd.f32 v7, v5;
	v7 =	vld [tilespmem:s14+$0x6680];
	v1 =	vadd.f32 v2, v1  }
0x16f: {  	v2 =	vld [tilespmem:s16+$0x7F80]  }
0x170: {  	v5 =	vadd.f32 v8, v5;
	v8 =	vld [tilespmem:s14+$0x6700];
	v1 =	vadd.f32 v3, v1  }
0x171: {  	v3 =	vld [tilespmem:s16+$0x8000]  }
0x172: {  	v5 =	vadd.f32 v6, v5;
	v6 =	vld [tilespmem:s14+$0x6780];
	v1 =	vadd.f32 v4, v1  }
0x173: {  	v4 =	vld [tilespmem:s16+$0x8080]  }
0x174: {  	v5 =	vadd.f32 v7, v5;
	v7 =	vld [tilespmem:s14+$0x6800];
	v1 =	vadd.f32 v2, v1  }
0x175: {  	v2 =	vld [tilespmem:s16+$0x8100]  }
0x176: {  	v5 =	vadd.f32 v8, v5;
	v8 =	vld [tilespmem:s14+$0x6880];
	v1 =	vadd.f32 v3, v1  }
0x177: {  	v3 =	vld [tilespmem:s16+$0x8180]  }
0x178: {  	v5 =	vadd.f32 v6, v5;
	v6 =	vld [tilespmem:s14+$0x6900];
	v1 =	vadd.f32 v4, v1  }
0x179: {  	v4 =	vld [tilespmem:s16+$0x8200]  }
0x17a: {  	v5 =	vadd.f32 v7, v5;
	v7 =	vld [tilespmem:s14+$0x6980];
	v1 =	vadd.f32 v2, v1  }
0x17b: {  	v2 =	vld [tilespmem:s16+$0x8280]  }
0x17c: {  	v5 =	vadd.f32 v8, v5;
	v8 =	vld [tilespmem:s14+$0x6A00];
	v1 =	vadd.f32 v3, v1  }
0x17d: {  	v3 =	vld [tilespmem:s16+$0x8300]  }
0x17e: {  	v5 =	vadd.f32 v6, v5;
	v6 =	vld [tilespmem:s14+$0x6A80];
	v1 =	vadd.f32 v4, v1  }
0x17f: {  	v4 =	vld [tilespmem:s16+$0x8380]  }
0x180: {  	v5 =	vadd.f32 v7, v5;
	v7 =	vld [tilespmem:s14+$0x6B00];
	v1 =	vadd.f32 v2, v1  }
0x181: {  	v2 =	vld [tilespmem:s16+$0x8400]  }
0x182: {  	v5 =	vadd.f32 v8, v5;
	v8 =	vld [tilespmem:s14+$0x6B80];
	v1 =	vadd.f32 v3, v1  }
0x183: {  	v3 =	vld [tilespmem:s16+$0x8480]  }
0x184: {  	v5 =	vadd.f32 v6, v5;
	v6 =	vld [tilespmem:s14+$0x6C00];
	v1 =	vadd.f32 v4, v1  }
0x185: {  	v4 =	vld [tilespmem:s16+$0x8500]  }
0x186: {  	v5 =	vadd.f32 v7, v5;
	v7 =	vld [tilespmem:s14+$0x6C80];
	v1 =	vadd.f32 v2, v1  }
0x187: {  	v2 =	vld [tilespmem:s16+$0x8580]  }
0x188: {  	v5 =	vadd.f32 v8, v5;
	v8 =	vld [tilespmem:s14+$0x6D00];
	v1 =	vadd.f32 v3, v1  }
0x189: {  	v3 =	vld [tilespmem:s16+$0x8600]  }
0x18a: {  	v5 =	vadd.f32 v6, v5;
	v6 =	vld [tilespmem:s14+$0x6D80];
	v1 =	vadd.f32 v4, v1  }
0x18b: {  	v4 =	vld [tilespmem:s16+$0x8680]  }
0x18c: {  	v5 =	vadd.f32 v7, v5;
	v7 =	vld [tilespmem:s14+$0x6E00];
	v1 =	vadd.f32 v2, v1  }
0x18d: {  	v2 =	vld [tilespmem:s16+$0x8700]  }
0x18e: {  	v5 =	vadd.f32 v8, v5;
	v8 =	vld [tilespmem:s14+$0x6E80];
	v1 =	vadd.f32 v3, v1  }
0x18f: {  	v3 =	vld [tilespmem:s16+$0x8780]  }
0x190: {  	v5 =	vadd.f32 v6, v5;
	v6 =	vld [tilespmem:s14+$0x6F00];
	v1 =	vadd.f32 v4, v1  }
0x191: {  	v4 =	vld [tilespmem:s16+$0x8800]  }
0x192: {  	v5 =	vadd.f32 v7, v5;
	v7 =	vld [tilespmem:s14+$0x6F80];
	v1 =	vadd.f32 v2, v1  }
0x193: {  	v2 =	vld [tilespmem:s16+$0x8880]  }
0x194: {  	v5 =	vadd.f32 v8, v5;
	v8 =	vld [tilespmem:s14+$0x7000];
	v1 =	vadd.f32 v3, v1  }
0x195: {  	v3 =	vld [tilespmem:s16+$0x8900]  }
0x196: {  	v5 =	vadd.f32 v6, v5;
	v6 =	vld [tilespmem:s14+$0x7080];
	v1 =	vadd.f32 v4, v1  }
0x197: {  	v4 =	vld [tilespmem:s16+$0x8980]  }
0x198: {  	v5 =	vadd.f32 v7, v5;
	v7 =	vld [tilespmem:s14+$0x7100];
	v1 =	vadd.f32 v2, v1  }
0x199: {  	v2 =	vld [tilespmem:s16+$0x8A00]  }
0x19a: {  	v5 =	vadd.f32 v8, v5;
	v8 =	vld [tilespmem:s14+$0x7180];
	v1 =	vadd.f32 v3, v1  }
0x19b: {  	v3 =	vld [tilespmem:s16+$0x8A80]  }
0x19c: {  	v5 =	vadd.f32 v6, v5;
	v6 =	vld [tilespmem:s14+$0x7200];
	v1 =	vadd.f32 v4, v1  }
0x19d: {  	v4 =	vld [tilespmem:s16+$0x8B00]  }
0x19e: {  	v5 =	vadd.f32 v7, v5;
	v7 =	vld [tilespmem:s14+$0x7280];
	v1 =	vadd.f32 v2, v1  }
0x19f: {  	v2 =	vld [tilespmem:s16+$0x8B80]  }
0x1a0: {  	v5 =	vadd.f32 v8, v5;
	v8 =	vld [tilespmem:s14+$0x7300];
	v1 =	vadd.f32 v3, v1  }
0x1a1: {  	v3 =	vld [tilespmem:s16+$0x8C00]  }
0x1a2: {  	v5 =	vadd.f32 v6, v5;
	v6 =	vld [tilespmem:s14+$0x7380];
	v1 =	vadd.f32 v4, v1  }
0x1a3: {  	v4 =	vld [tilespmem:s16+$0x8C80]  }
0x1a4: {  	v5 =	vadd.f32 v7, v5;
	v7 =	vld [tilespmem:s14+$0x7400];
	v1 =	vadd.f32 v2, v1  }
0x1a5: {  	v2 =	vld [tilespmem:s16+$0x8D00]  }
0x1a6: {  	v5 =	vadd.f32 v8, v5;
	v8 =	vld [tilespmem:s14+$0x7480];
	v1 =	vadd.f32 v3, v1  }
0x1a7: {  	v3 =	vld [tilespmem:s16+$0x8D80]  }
0x1a8: {  	v5 =	vadd.f32 v6, v5;
	v6 =	vld [tilespmem:s14+$0x7500];
	v1 =	vadd.f32 v4, v1  }
0x1a9: {  	v4 =	vld [tilespmem:s16+$0x8E00]  }
0x1aa: {  	v5 =	vadd.f32 v7, v5;
	v7 =	vld [tilespmem:s14+$0x7580];
	v1 =	vadd.f32 v2, v1  }
0x1ab: {  	v2 =	vld [tilespmem:s16+$0x8E80]  }
0x1ac: {  	v5 =	vadd.f32 v8, v5;
	v8 =	vld [tilespmem:s14+$0x7600];
	v1 =	vadd.f32 v3, v1  }
0x1ad: {  	v3 =	vld [tilespmem:s16+$0x8F00]  }
0x1ae: {  	v5 =	vadd.f32 v6, v5;
	v6 =	vld [tilespmem:s14+$0x7680];
	v1 =	vadd.f32 v4, v1  }
0x1af: {  	v4 =	vld [tilespmem:s16+$0x8F80]  }
0x1b0: {  	v5 =	vadd.f32 v7, v5;
	v7 =	vld [tilespmem:s14+$0x7700];
	v1 =	vadd.f32 v2, v1  }
0x1b1: {  	v2 =	vld [tilespmem:s16+$0x9000]  }
0x1b2: {  	v5 =	vadd.f32 v8, v5;
	v8 =	vld [tilespmem:s14+$0x7780];
	v1 =	vadd.f32 v3, v1  }
0x1b3: {  	v3 =	vld [tilespmem:s16+$0x9080]  }
0x1b4: {  	v5 =	vadd.f32 v6, v5;
	v6 =	vld [tilespmem:s14+$0x7800];
	v1 =	vadd.f32 v4, v1  }
0x1b5: {  	v4 =	vld [tilespmem:s16+$0x9100]  }
0x1b6: {  	v5 =	vadd.f32 v7, v5;
	v7 =	vld [tilespmem:s14+$0x7880];
	v1 =	vadd.f32 v2, v1  }
0x1b7: {  	v2 =	vld [tilespmem:s16+$0x9180]  }
0x1b8: {  	v5 =	vadd.f32 v8, v5;
	v8 =	vld [tilespmem:s14+$0x7900];
	v1 =	vadd.f32 v3, v1  }
0x1b9: {  	v3 =	vld [tilespmem:s16+$0x9200]  }
0x1ba: {  	v5 =	vadd.f32 v6, v5;
	v6 =	vld [tilespmem:s14+$0x7980];
	v1 =	vadd.f32 v4, v1  }
0x1bb: {  	v4 =	vld [tilespmem:s16+$0x9280]  }
0x1bc: {  	v5 =	vadd.f32 v7, v5;
	v7 =	vld [tilespmem:s14+$0x7A00];
	v1 =	vadd.f32 v2, v1  }
0x1bd: {  	v2 =	vld [tilespmem:s16+$0x9300]  }
0x1be: {  	v5 =	vadd.f32 v8, v5;
	v8 =	vld [tilespmem:s14+$0x7A80];
	v1 =	vadd.f32 v3, v1  }
0x1bf: {  	v3 =	vld [tilespmem:s16+$0x9380]  }
0x1c0: {  	v9 =	vld [tilespmem:s14+$0x7B00];
	v5 =	vadd.f32 v6, v5;
	v1 =	vadd.f32 v4, v1  }
0x1c1: {  	v6 =	vld [tilespmem:s16+$0x9400]  }
0x1c2: {  	v10 =	vld [tilespmem:s14+$0x7B80];
	v4 =	vadd.f32 v7, v5;
	v1 =	vadd.f32 v2, v1  }
0x1c3: {  	v7 =	vld [tilespmem:s16+$0x9480]  }
0x1c4: {  	v2 =	vadd.f32 v8, v4;
	v4 =	vld [tilespmem:s14+$0x7C00];
	v3 =	vadd.f32 v3, v1  }
0x1c5: {  	v1 =	vld [tilespmem:s16+$0x9500]  }
0x1c6: {  	v5 =	vld [tilespmem:s14+$0x7C80];
	v8 =	vadd.f32 v9, v2;
	v63 =	vadd.f32 v6, v3  }
0x1c7: {  	v2 =	vld [tilespmem:s16+$0x9580]  }
0x1c8: {  	s15 =	simm.s32 $0x0;
	s17 =	simm.s32 $0x20;
	s18 =	simm.s32 $0xC0;
	v6 =	vadd.f32 v10, v8;
	v3 =	vld [tilespmem:s14+$0x7D00];
	v7 =	vadd.f32 v7, v63  }
.LBB2_13:
0x1c9: {  	p1 =	sne.s32 s18, $0x1C0;
	v8 =	vld [tilespmem:s17+$0x6400]  }
0x1ca: {  	v4 =	vadd.f32 v4, v6;
	v6 =	vld [tilespmem:s14+$0x7D80];
	v1 =	vadd.f32 v1, v7  }
0x1cb: {  	v7 =	vld [tilespmem:s17+$0x6480]  }
0x1cc: {  	v4 =	vadd.f32 v5, v4;
	v5 =	vld [tilespmem:s14+$0x7E00];
	v1 =	vadd.f32 v2, v1  }
0x1cd: {  	v2 =	vld [tilespmem:s17+$0x6500]  }
0x1ce: {  	v8 =	vadd.f32 v8, v0;
	v3 =	vadd.f32 v3, v4;
	v4 =	vld [tilespmem:s14+$0x7E80];
	[tilespmem:s16+$0xC800] =	vst v1;
	s16 =	smov.u32 s14;
	s14 =	smov.u32 s17  }
0x1cf: {  	v1 =	vld [tilespmem:s14+$0x6580]  }
0x1d0: {  	v7 =	vadd.f32 v7, v8;
	v3 =	vadd.f32 v6, v3;
	v6 =	vld [tilespmem:s16+$0x7F00]  }
0x1d1: {  	v8 =	vld [tilespmem:s14+$0x6600]  }
0x1d2: {  	v2 =	vadd.f32 v2, v7;
	v3 =	vadd.f32 v5, v3;
	v5 =	vld [tilespmem:s16+$0x7F80]  }
0x1d3: {  	v7 =	vld [tilespmem:s14+$0x6680]  }
0x1d4: {  	v1 =	vadd.f32 v1, v2;
	v2 =	vadd.f32 v4, v3;
	v3 =	vld [tilespmem:s16+$0x8000]  }
0x1d5: {  	v4 =	vld [tilespmem:s14+$0x6700]  }
0x1d6: {  	v1 =	vadd.f32 v8, v1;
	v2 =	vadd.f32 v6, v2;
	v6 =	vld [tilespmem:s16+$0x8080]  }
0x1d7: {  	v8 =	vld [tilespmem:s14+$0x6780]  }
0x1d8: {  	v1 =	vadd.f32 v7, v1;
	v2 =	vadd.f32 v5, v2;
	v5 =	vld [tilespmem:s16+$0x8100]  }
0x1d9: {  	v7 =	vld [tilespmem:s14+$0x6800]  }
0x1da: {  	v1 =	vadd.f32 v4, v1;
	v2 =	vadd.f32 v3, v2;
	v3 =	vld [tilespmem:s16+$0x8180]  }
0x1db: {  	v4 =	vld [tilespmem:s14+$0x6880]  }
0x1dc: {  	v1 =	vadd.f32 v8, v1;
	v2 =	vadd.f32 v6, v2;
	v6 =	vld [tilespmem:s16+$0x8200]  }
0x1dd: {  	v8 =	vld [tilespmem:s14+$0x6900]  }
0x1de: {  	v1 =	vadd.f32 v7, v1;
	v2 =	vadd.f32 v5, v2;
	v5 =	vld [tilespmem:s16+$0x8280]  }
0x1df: {  	v7 =	vld [tilespmem:s14+$0x6980]  }
0x1e0: {  	v1 =	vadd.f32 v4, v1;
	v2 =	vadd.f32 v3, v2;
	v3 =	vld [tilespmem:s16+$0x8300]  }
0x1e1: {  	v4 =	vld [tilespmem:s14+$0x6A00]  }
0x1e2: {  	v1 =	vadd.f32 v8, v1;
	v2 =	vadd.f32 v6, v2;
	v6 =	vld [tilespmem:s16+$0x8380]  }
0x1e3: {  	v8 =	vld [tilespmem:s14+$0x6A80]  }
0x1e4: {  	v1 =	vadd.f32 v7, v1;
	v2 =	vadd.f32 v5, v2;
	v5 =	vld [tilespmem:s16+$0x8400]  }
0x1e5: {  	v7 =	vld [tilespmem:s14+$0x6B00]  }
0x1e6: {  	v1 =	vadd.f32 v4, v1;
	v2 =	vadd.f32 v3, v2;
	v3 =	vld [tilespmem:s16+$0x8480]  }
0x1e7: {  	v4 =	vld [tilespmem:s14+$0x6B80]  }
0x1e8: {  	v1 =	vadd.f32 v8, v1;
	v2 =	vadd.f32 v6, v2;
	v6 =	vld [tilespmem:s16+$0x8500]  }
0x1e9: {  	v8 =	vld [tilespmem:s14+$0x6C00]  }
0x1ea: {  	v1 =	vadd.f32 v7, v1;
	v2 =	vadd.f32 v5, v2;
	v5 =	vld [tilespmem:s16+$0x8580]  }
0x1eb: {  	v7 =	vld [tilespmem:s14+$0x6C80]  }
0x1ec: {  	v1 =	vadd.f32 v4, v1;
	v2 =	vadd.f32 v3, v2;
	v3 =	vld [tilespmem:s16+$0x8600]  }
0x1ed: {  	v4 =	vld [tilespmem:s14+$0x6D00]  }
0x1ee: {  	v1 =	vadd.f32 v8, v1;
	v2 =	vadd.f32 v6, v2;
	v6 =	vld [tilespmem:s16+$0x8680]  }
0x1ef: {  	v8 =	vld [tilespmem:s14+$0x6D80]  }
0x1f0: {  	v1 =	vadd.f32 v7, v1;
	v2 =	vadd.f32 v5, v2;
	v5 =	vld [tilespmem:s16+$0x8700]  }
0x1f1: {  	v7 =	vld [tilespmem:s14+$0x6E00]  }
0x1f2: {  	v1 =	vadd.f32 v4, v1;
	v2 =	vadd.f32 v3, v2;
	v3 =	vld [tilespmem:s16+$0x8780]  }
0x1f3: {  	v4 =	vld [tilespmem:s14+$0x6E80]  }
0x1f4: {  	v1 =	vadd.f32 v8, v1;
	v2 =	vadd.f32 v6, v2;
	v6 =	vld [tilespmem:s16+$0x8800]  }
0x1f5: {  	v8 =	vld [tilespmem:s14+$0x6F00]  }
0x1f6: {  	v1 =	vadd.f32 v7, v1;
	v2 =	vadd.f32 v5, v2;
	v5 =	vld [tilespmem:s16+$0x8880]  }
0x1f7: {  	v7 =	vld [tilespmem:s14+$0x6F80]  }
0x1f8: {  	v1 =	vadd.f32 v4, v1;
	v2 =	vadd.f32 v3, v2;
	v3 =	vld [tilespmem:s16+$0x8900]  }
0x1f9: {  	v4 =	vld [tilespmem:s14+$0x7000]  }
0x1fa: {  	v1 =	vadd.f32 v8, v1;
	v2 =	vadd.f32 v6, v2;
	v6 =	vld [tilespmem:s16+$0x8980]  }
0x1fb: {  	v8 =	vld [tilespmem:s14+$0x7080]  }
0x1fc: {  	v1 =	vadd.f32 v7, v1;
	v2 =	vadd.f32 v5, v2;
	v5 =	vld [tilespmem:s16+$0x8A00]  }
0x1fd: {  	v7 =	vld [tilespmem:s14+$0x7100]  }
0x1fe: {  	v1 =	vadd.f32 v4, v1;
	v2 =	vadd.f32 v3, v2;
	v3 =	vld [tilespmem:s16+$0x8A80]  }
0x1ff: {  	v4 =	vld [tilespmem:s14+$0x7180]  }
0x200: {  	v1 =	vadd.f32 v8, v1;
	v2 =	vadd.f32 v6, v2;
	v6 =	vld [tilespmem:s16+$0x8B00]  }
0x201: {  	v8 =	vld [tilespmem:s14+$0x7200]  }
0x202: {  	v1 =	vadd.f32 v7, v1;
	v2 =	vadd.f32 v5, v2;
	v5 =	vld [tilespmem:s16+$0x8B80]  }
0x203: {  	v7 =	vld [tilespmem:s14+$0x7280]  }
0x204: {  	v1 =	vadd.f32 v4, v1;
	v2 =	vadd.f32 v3, v2;
	v3 =	vld [tilespmem:s16+$0x8C00]  }
0x205: {  	v4 =	vld [tilespmem:s14+$0x7300]  }
0x206: {  	v1 =	vadd.f32 v8, v1;
	v2 =	vadd.f32 v6, v2;
	v6 =	vld [tilespmem:s16+$0x8C80]  }
0x207: {  	v8 =	vld [tilespmem:s14+$0x7380]  }
0x208: {  	v1 =	vadd.f32 v7, v1;
	v2 =	vadd.f32 v5, v2;
	v5 =	vld [tilespmem:s16+$0x8D00]  }
0x209: {  	v7 =	vld [tilespmem:s14+$0x7400]  }
0x20a: {  	v1 =	vadd.f32 v4, v1;
	v2 =	vadd.f32 v3, v2;
	v3 =	vld [tilespmem:s16+$0x8D80]  }
0x20b: {  	v4 =	vld [tilespmem:s14+$0x7480]  }
0x20c: {  	v1 =	vadd.f32 v8, v1;
	v2 =	vadd.f32 v6, v2;
	v6 =	vld [tilespmem:s16+$0x8E00]  }
0x20d: {  	v8 =	vld [tilespmem:s14+$0x7500]  }
0x20e: {  	v1 =	vadd.f32 v7, v1;
	v2 =	vadd.f32 v5, v2;
	v5 =	vld [tilespmem:s16+$0x8E80]  }
0x20f: {  	v7 =	vld [tilespmem:s14+$0x7580]  }
0x210: {  	v1 =	vadd.f32 v4, v1;
	v2 =	vadd.f32 v3, v2;
	v3 =	vld [tilespmem:s16+$0x8F00]  }
0x211: {  	v4 =	vld [tilespmem:s14+$0x7600]  }
0x212: {  	v1 =	vadd.f32 v8, v1;
	v2 =	vadd.f32 v6, v2;
	v6 =	vld [tilespmem:s16+$0x8F80]  }
0x213: {  	v8 =	vld [tilespmem:s14+$0x7680]  }
0x214: {  	v1 =	vadd.f32 v7, v1;
	v2 =	vadd.f32 v5, v2;
	v5 =	vld [tilespmem:s16+$0x9000]  }
0x215: {  	v7 =	vld [tilespmem:s14+$0x7700]  }
0x216: {  	v1 =	vadd.f32 v4, v1;
	v2 =	vadd.f32 v3, v2;
	v3 =	vld [tilespmem:s16+$0x9080]  }
0x217: {  	v4 =	vld [tilespmem:s14+$0x7780]  }
0x218: {  	v1 =	vadd.f32 v8, v1;
	v2 =	vadd.f32 v6, v2;
	v6 =	vld [tilespmem:s16+$0x9100]  }
0x219: {  	v8 =	vld [tilespmem:s14+$0x7800]  }
0x21a: {  	v1 =	vadd.f32 v7, v1;
	v2 =	vadd.f32 v5, v2;
	v5 =	vld [tilespmem:s16+$0x9180]  }
0x21b: {  	v7 =	vld [tilespmem:s14+$0x7880]  }
0x21c: {  	v1 =	vadd.f32 v4, v1;
	v2 =	vadd.f32 v3, v2;
	v3 =	vld [tilespmem:s16+$0x9200]  }
0x21d: {  	v4 =	vld [tilespmem:s14+$0x7900]  }
0x21e: {  	v1 =	vadd.f32 v8, v1;
	v2 =	vadd.f32 v6, v2;
	v6 =	vld [tilespmem:s16+$0x9280]  }
0x21f: {  	v8 =	vld [tilespmem:s14+$0x7980]  }
0x220: {  	v1 =	vadd.f32 v7, v1;
	v2 =	vadd.f32 v5, v2;
	v5 =	vld [tilespmem:s16+$0x9300]  }
0x221: {  	v7 =	vld [tilespmem:s14+$0x7A00]  }
0x222: {  	v1 =	vadd.f32 v4, v1;
	v2 =	vadd.f32 v3, v2;
	v3 =	vld [tilespmem:s16+$0x9380]  }
0x223: {  	v4 =	vld [tilespmem:s14+$0x7A80]  }
0x224: {  	v1 =	vadd.f32 v8, v1;
	v2 =	vadd.f32 v6, v2;
	v6 =	vld [tilespmem:s16+$0x9400]  }
0x225: {  	v8 =	vld [tilespmem:s14+$0x7B00]  }
0x226: {  	v1 =	vadd.f32 v7, v1;
	v2 =	vadd.f32 v5, v2;
	v7 =	vld [tilespmem:s16+$0x9480]  }
0x227: {  	v9 =	vld [tilespmem:s14+$0x7B80]  }
.Ltmp6:
0x228: {  	v5 =	vadd.f32 v4, v1;
	v2 =	vadd.f32 v3, v2;
	v1 =	vld [tilespmem:s16+$0x9500];
	(pc) =	sbr.rel @p1 .LBB2_13-.Ltmp6, $4  }
0x229: {  	v4 =	vld [tilespmem:s14+$0x7C00]  }
0x22a: {  	v3 =	vadd.f32 v8, v5;
	v8 =	vadd.f32 v6, v2;
	v2 =	vld [tilespmem:s16+$0x9580]  }
0x22b: {  	v5 =	vld [tilespmem:s14+$0x7C80]  }
0x22c: {  	s17 =	sshra.s32 s18, $0x2;
	s18 =	sadd.s32 $0x40, s18;
	v6 =	vadd.f32 v9, v3;
	v3 =	vld [tilespmem:s14+$0x7D00];
	v7 =	vadd.f32 v7, v8  }
0x22d: {  	v8 =	vld [tilespmem:s17+$0x6400]  }
0x22e: {  	v9 =	vld [tilespmem:s14+$0x7D80];
	v1 =	vadd.f32 v1, v7  }
0x22f: {  	v17 =	vld [tilespmem:s17+$0x6480]  }
0x230: {  	v10 =	vld [tilespmem:s14+$0x7E00];
	v4 =	vadd.f32 v4, v6;
	v1 =	vadd.f32 v2, v1  }
0x231: {  	v2 =	vld [tilespmem:s17+$0x6500]  }
0x232: {  	v18 =	vld [tilespmem:s14+$0x7E80];
	v4 =	vadd.f32 v5, v4;
	v19 =	vadd.f32 v8, v0;
	[tilespmem:s16+$0xC800] =	vst v1  }
0x233: {  	v1 =	vld [tilespmem:s17+$0x6580]  }
0x234: {  	v3 =	vadd.f32 v3, v4;
	v20 =	vadd.f32 v17, v19  }
0x235: {  	v21 =	vld [tilespmem:s17+$0x6600]  }
0x236: {  	v22 =	vld [tilespmem:s14+$0x7F00];
	v3 =	vadd.f32 v9, v3;
	v2 =	vadd.f32 v2, v20  }
0x237: {  	v23 =	vld [tilespmem:s17+$0x6680]  }
0x238: {  	v24 =	vld [tilespmem:s14+$0x7F80];
	v3 =	vadd.f32 v10, v3;
	v1 =	vadd.f32 v1, v2  }
0x239: {  	v2 =	vld [tilespmem:s17+$0x6700]  }
0x23a: {  	v25 =	vld [tilespmem:s14+$0x8000];
	v3 =	vadd.f32 v18, v3;
	v1 =	vadd.f32 v21, v1  }
0x23b: {  	v26 =	vld [tilespmem:s17+$0x6780]  }
0x23c: {  	v27 =	vld [tilespmem:s14+$0x8080];
	v3 =	vadd.f32 v22, v3;
	v1 =	vadd.f32 v23, v1  }
0x23d: {  	v28 =	vld [tilespmem:s17+$0x6800]  }
0x23e: {  	v29 =	vld [tilespmem:s14+$0x8100];
	v3 =	vadd.f32 v24, v3;
	v1 =	vadd.f32 v2, v1  }
0x23f: {  	v2 =	vld [tilespmem:s17+$0x6880]  }
0x240: {  	v30 =	vld [tilespmem:s14+$0x8180];
	v3 =	vadd.f32 v25, v3;
	v1 =	vadd.f32 v26, v1  }
0x241: {  	v31 =	vld [tilespmem:s17+$0x6900]  }
0x242: {  	v32 =	vld [tilespmem:s14+$0x8200];
	v3 =	vadd.f32 v27, v3;
	v1 =	vadd.f32 v28, v1  }
0x243: {  	v33 =	vld [tilespmem:s17+$0x6980]  }
0x244: {  	v34 =	vld [tilespmem:s14+$0x8280];
	v3 =	vadd.f32 v29, v3;
	v1 =	vadd.f32 v2, v1  }
0x245: {  	v2 =	vld [tilespmem:s17+$0x6A00]  }
0x246: {  	v35 =	vld [tilespmem:s14+$0x8300];
	v3 =	vadd.f32 v30, v3;
	v1 =	vadd.f32 v31, v1  }
0x247: {  	v36 =	vld [tilespmem:s17+$0x6A80]  }
0x248: {  	v37 =	vld [tilespmem:s14+$0x8380];
	v3 =	vadd.f32 v32, v3;
	v1 =	vadd.f32 v33, v1  }
0x249: {  	v38 =	vld [tilespmem:s17+$0x6B00]  }
0x24a: {  	v39 =	vld [tilespmem:s14+$0x8400];
	v3 =	vadd.f32 v34, v3;
	v1 =	vadd.f32 v2, v1  }
0x24b: {  	v2 =	vld [tilespmem:s17+$0x6B80]  }
0x24c: {  	v40 =	vld [tilespmem:s14+$0x8480];
	v3 =	vadd.f32 v35, v3;
	v1 =	vadd.f32 v36, v1  }
0x24d: {  	v41 =	vld [tilespmem:s17+$0x6C00]  }
0x24e: {  	v42 =	vld [tilespmem:s14+$0x8500];
	v3 =	vadd.f32 v37, v3;
	v1 =	vadd.f32 v38, v1  }
0x24f: {  	v43 =	vld [tilespmem:s17+$0x6C80]  }
0x250: {  	v44 =	vld [tilespmem:s14+$0x8580];
	v3 =	vadd.f32 v39, v3;
	v1 =	vadd.f32 v2, v1  }
0x251: {  	v2 =	vld [tilespmem:s17+$0x6D00]  }
0x252: {  	v45 =	vld [tilespmem:s14+$0x8600];
	v3 =	vadd.f32 v40, v3;
	v1 =	vadd.f32 v41, v1  }
0x253: {  	v46 =	vld [tilespmem:s17+$0x6D80]  }
0x254: {  	v47 =	vld [tilespmem:s14+$0x8680];
	v3 =	vadd.f32 v42, v3;
	v1 =	vadd.f32 v43, v1  }
0x255: {  	v48 =	vld [tilespmem:s17+$0x6E00]  }
0x256: {  	v49 =	vld [tilespmem:s14+$0x8700];
	v3 =	vadd.f32 v44, v3;
	v1 =	vadd.f32 v2, v1  }
0x257: {  	v2 =	vld [tilespmem:s17+$0x6E80]  }
0x258: {  	v50 =	vld [tilespmem:s14+$0x8780];
	v3 =	vadd.f32 v45, v3;
	v1 =	vadd.f32 v46, v1  }
0x259: {  	v51 =	vld [tilespmem:s17+$0x6F00]  }
0x25a: {  	v52 =	vld [tilespmem:s14+$0x8800];
	v3 =	vadd.f32 v47, v3;
	v1 =	vadd.f32 v48, v1  }
0x25b: {  	v53 =	vld [tilespmem:s17+$0x6F80]  }
0x25c: {  	v54 =	vld [tilespmem:s14+$0x8880];
	v3 =	vadd.f32 v49, v3;
	v1 =	vadd.f32 v2, v1  }
0x25d: {  	v2 =	vld [tilespmem:s17+$0x7000]  }
0x25e: {  	v55 =	vld [tilespmem:s14+$0x8900];
	v3 =	vadd.f32 v50, v3;
	v1 =	vadd.f32 v51, v1  }
0x25f: {  	v56 =	vld [tilespmem:s17+$0x7080]  }
0x260: {  	v57 =	vld [tilespmem:s14+$0x8980];
	v3 =	vadd.f32 v52, v3;
	v1 =	vadd.f32 v53, v1  }
0x261: {  	v58 =	vld [tilespmem:s17+$0x7100]  }
0x262: {  	v59 =	vld [tilespmem:s14+$0x8A00];
	v3 =	vadd.f32 v54, v3;
	v1 =	vadd.f32 v2, v1  }
0x263: {  	v2 =	vld [tilespmem:s17+$0x7180]  }
0x264: {  	v60 =	vld [tilespmem:s14+$0x8A80];
	v3 =	vadd.f32 v55, v3;
	v1 =	vadd.f32 v56, v1  }
0x265: {  	v61 =	vld [tilespmem:s17+$0x7200]  }
0x266: {  	v62 =	vld [tilespmem:s14+$0x8B00];
	v3 =	vadd.f32 v57, v3;
	v1 =	vadd.f32 v58, v1  }
0x267: {  	v63 =	vld [tilespmem:s17+$0x7280]  }
0x268: {  	v12 =	vld [tilespmem:s14+$0x8B80];
	v3 =	vadd.f32 v59, v3;
	v1 =	vadd.f32 v2, v1  }
0x269: {  	v2 =	vld [tilespmem:s17+$0x7300]  }
0x26a: {  	v13 =	vld [tilespmem:s14+$0x8C00];
	v3 =	vadd.f32 v60, v3;
	v1 =	vadd.f32 v61, v1  }
0x26b: {  	v14 =	vld [tilespmem:s17+$0x7380]  }
0x26c: {  	v15 =	vld [tilespmem:s14+$0x8C80];
	v3 =	vadd.f32 v62, v3;
	v1 =	vadd.f32 v63, v1  }
0x26d: {  	v16 =	vld [tilespmem:s17+$0x7400]  }
0x26e: {  	v17 =	vld [tilespmem:s14+$0x8D00];
	v3 =	vadd.f32 v12, v3;
	v1 =	vadd.f32 v2, v1  }
0x26f: {  	v2 =	vld [tilespmem:s17+$0x7480]  }
0x270: {  	v19 =	vld [tilespmem:s17+$0x7500];
	v3 =	vadd.f32 v13, v3;
	v1 =	vadd.f32 v14, v1  }
0x271: {  	v18 =	vld [tilespmem:s14+$0x8D80]  }
0x272: {  	v20 =	vld [tilespmem:s14+$0x8E00];
	v3 =	vadd.f32 v15, v3;
	v1 =	vadd.f32 v16, v1  }
0x273: {  	v21 =	vld [tilespmem:s17+$0x7580]  }
0x274: {  	v22 =	vld [tilespmem:s14+$0x8E80];
	v3 =	vadd.f32 v17, v3;
	v1 =	vadd.f32 v2, v1  }
0x275: {  	v2 =	vld [tilespmem:s17+$0x7600]  }
0x276: {  	v23 =	vld [tilespmem:s14+$0x8F00];
	v3 =	vadd.f32 v18, v3;
	v1 =	vadd.f32 v19, v1  }
0x277: {  	v24 =	vld [tilespmem:s17+$0x7680]  }
0x278: {  	v25 =	vld [tilespmem:s14+$0x8F80];
	v3 =	vadd.f32 v20, v3;
	v1 =	vadd.f32 v21, v1  }
0x279: {  	v26 =	vld [tilespmem:s17+$0x7700]  }
0x27a: {  	v27 =	vld [tilespmem:s14+$0x9000];
	v3 =	vadd.f32 v22, v3;
	v1 =	vadd.f32 v2, v1  }
0x27b: {  	v2 =	vld [tilespmem:s17+$0x7780]  }
0x27c: {  	v28 =	vld [tilespmem:s14+$0x9080];
	v3 =	vadd.f32 v23, v3;
	v1 =	vadd.f32 v24, v1  }
0x27d: {  	v29 =	vld [tilespmem:s17+$0x7800]  }
0x27e: {  	v30 =	vld [tilespmem:s14+$0x9100];
	v3 =	vadd.f32 v25, v3;
	v1 =	vadd.f32 v26, v1  }
0x27f: {  	v31 =	vld [tilespmem:s17+$0x7880]  }
0x280: {  	v32 =	vld [tilespmem:s14+$0x9180];
	v3 =	vadd.f32 v27, v3;
	v1 =	vadd.f32 v2, v1  }
0x281: {  	v2 =	vld [tilespmem:s17+$0x7900]  }
0x282: {  	v33 =	vld [tilespmem:s14+$0x9200];
	v3 =	vadd.f32 v28, v3;
	v1 =	vadd.f32 v29, v1  }
0x283: {  	v34 =	vld [tilespmem:s17+$0x7980]  }
0x284: {  	v35 =	vld [tilespmem:s14+$0x9280];
	v3 =	vadd.f32 v30, v3;
	v1 =	vadd.f32 v31, v1  }
0x285: {  	v36 =	vld [tilespmem:s17+$0x7A00]  }
0x286: {  	v37 =	vld [tilespmem:s14+$0x9300];
	v3 =	vadd.f32 v32, v3;
	v1 =	vadd.f32 v2, v1  }
0x287: {  	v2 =	vld [tilespmem:s17+$0x7A80]  }
0x288: {  	v38 =	vld [tilespmem:s14+$0x9380];
	v3 =	vadd.f32 v33, v3;
	v1 =	vadd.f32 v34, v1  }
0x289: {  	v39 =	vld [tilespmem:s17+$0x7B00]  }
0x28a: {  	v40 =	vld [tilespmem:s14+$0x9400];
	v3 =	vadd.f32 v35, v3;
	v1 =	vadd.f32 v36, v1  }
0x28b: {  	v41 =	vld [tilespmem:s17+$0x7B80]  }
0x28c: {  	v42 =	vld [tilespmem:s14+$0x9480];
	v3 =	vadd.f32 v37, v3;
	v1 =	vadd.f32 v2, v1  }
0x28d: {  	v2 =	vld [tilespmem:s17+$0x7C00]  }
0x28e: {  	v43 =	vld [tilespmem:s14+$0x9500];
	v3 =	vadd.f32 v38, v3;
	v1 =	vadd.f32 v39, v1  }
0x28f: {  	v44 =	vld [tilespmem:s17+$0x7C80]  }
0x290: {  	v45 =	vld [tilespmem:s14+$0x9580];
	v3 =	vadd.f32 v40, v3;
	v1 =	vadd.f32 v41, v1  }
0x291: {  	v46 =	vld [tilespmem:s17+$0x7D00]  }
0x292: {  	v3 =	vadd.f32 v42, v3;
	v1 =	vadd.f32 v2, v1  }
0x293: {  	v2 =	vld [tilespmem:s17+$0x7D80]  }
0x294: {  	v3 =	vadd.f32 v43, v3;
	v1 =	vadd.f32 v44, v1  }
0x295: {  	v47 =	vld [tilespmem:s17+$0x7E00]  }
0x296: {  	v3 =	vadd.f32 v45, v3;
	v1 =	vadd.f32 v46, v1  }
0x297: {  	v48 =	vld [tilespmem:s17+$0x7E80]  }
0x298: {  	[tilespmem:s14+$0xC800] =	vst v3;
	v1 =	vadd.f32 v2, v1  }
0x299: {  	v2 =	vld [tilespmem:s17+$0x7F00]  }
0x29a: {  	v1 =	vadd.f32 v47, v1  }
0x29b: {  	v3 =	vld [tilespmem:s17+$0x7F80]  }
0x29c: {  	v1 =	vadd.f32 v48, v1  }
0x29d: {  	v49 =	vld [tilespmem:s17+$0x8000]  }
0x29e: {  	v1 =	vadd.f32 v2, v1  }
0x29f: {  	v2 =	vld [tilespmem:s17+$0x8080]  }
0x2a0: {  	v1 =	vadd.f32 v3, v1  }
0x2a1: {  	v3 =	vld [tilespmem:s17+$0x8100]  }
0x2a2: {  	v1 =	vadd.f32 v49, v1  }
0x2a3: {  	v50 =	vld [tilespmem:s17+$0x8180]  }
0x2a4: {  	v1 =	vadd.f32 v2, v1  }
0x2a5: {  	v2 =	vld [tilespmem:s17+$0x8200]  }
0x2a6: {  	v1 =	vadd.f32 v3, v1  }
0x2a7: {  	v3 =	vld [tilespmem:s17+$0x8280]  }
0x2a8: {  	v1 =	vadd.f32 v50, v1  }
0x2a9: {  	v51 =	vld [tilespmem:s17+$0x8300]  }
0x2aa: {  	v1 =	vadd.f32 v2, v1  }
0x2ab: {  	v2 =	vld [tilespmem:s17+$0x8380]  }
0x2ac: {  	v1 =	vadd.f32 v3, v1  }
0x2ad: {  	v3 =	vld [tilespmem:s17+$0x8400]  }
0x2ae: {  	v1 =	vadd.f32 v51, v1  }
0x2af: {  	v52 =	vld [tilespmem:s17+$0x8480]  }
0x2b0: {  	v1 =	vadd.f32 v2, v1  }
0x2b1: {  	v2 =	vld [tilespmem:s17+$0x8500]  }
0x2b2: {  	v1 =	vadd.f32 v3, v1  }
0x2b3: {  	v3 =	vld [tilespmem:s17+$0x8580]  }
0x2b4: {  	v1 =	vadd.f32 v52, v1  }
0x2b5: {  	v53 =	vld [tilespmem:s17+$0x8600]  }
0x2b6: {  	v1 =	vadd.f32 v2, v1  }
0x2b7: {  	v2 =	vld [tilespmem:s17+$0x8680]  }
0x2b8: {  	v1 =	vadd.f32 v3, v1  }
0x2b9: {  	v3 =	vld [tilespmem:s17+$0x8700]  }
0x2ba: {  	v1 =	vadd.f32 v53, v1  }
0x2bb: {  	v54 =	vld [tilespmem:s17+$0x8780]  }
0x2bc: {  	v1 =	vadd.f32 v2, v1  }
0x2bd: {  	v2 =	vld [tilespmem:s17+$0x8800]  }
0x2be: {  	v1 =	vadd.f32 v3, v1  }
0x2bf: {  	v3 =	vld [tilespmem:s17+$0x8880]  }
0x2c0: {  	v1 =	vadd.f32 v54, v1  }
0x2c1: {  	v55 =	vld [tilespmem:s17+$0x8900]  }
0x2c2: {  	v1 =	vadd.f32 v2, v1  }
0x2c3: {  	v2 =	vld [tilespmem:s17+$0x8980]  }
0x2c4: {  	v1 =	vadd.f32 v3, v1  }
0x2c5: {  	v3 =	vld [tilespmem:s17+$0x8A00]  }
0x2c6: {  	v1 =	vadd.f32 v55, v1  }
0x2c7: {  	v56 =	vld [tilespmem:s17+$0x8A80]  }
0x2c8: {  	v1 =	vadd.f32 v2, v1  }
0x2c9: {  	v2 =	vld [tilespmem:s17+$0x8B00]  }
0x2ca: {  	v1 =	vadd.f32 v3, v1  }
0x2cb: {  	v3 =	vld [tilespmem:s17+$0x8B80]  }
0x2cc: {  	v1 =	vadd.f32 v56, v1  }
0x2cd: {  	v57 =	vld [tilespmem:s17+$0x8C00]  }
0x2ce: {  	v1 =	vadd.f32 v2, v1  }
0x2cf: {  	v2 =	vld [tilespmem:s17+$0x8C80]  }
0x2d0: {  	v1 =	vadd.f32 v3, v1  }
0x2d1: {  	v3 =	vld [tilespmem:s17+$0x8D00]  }
0x2d2: {  	v1 =	vadd.f32 v57, v1  }
0x2d3: {  	v58 =	vld [tilespmem:s17+$0x8D80]  }
0x2d4: {  	v1 =	vadd.f32 v2, v1  }
0x2d5: {  	v2 =	vld [tilespmem:s17+$0x8E00]  }
0x2d6: {  	v1 =	vadd.f32 v3, v1  }
0x2d7: {  	v3 =	vld [tilespmem:s17+$0x8E80]  }
0x2d8: {  	v1 =	vadd.f32 v58, v1  }
0x2d9: {  	v59 =	vld [tilespmem:s17+$0x8F00]  }
0x2da: {  	v1 =	vadd.f32 v2, v1  }
0x2db: {  	v2 =	vld [tilespmem:s17+$0x8F80]  }
0x2dc: {  	v1 =	vadd.f32 v3, v1  }
0x2dd: {  	v3 =	vld [tilespmem:s17+$0x9000]  }
0x2de: {  	v1 =	vadd.f32 v59, v1  }
0x2df: {  	v60 =	vld [tilespmem:s17+$0x9080]  }
0x2e0: {  	v1 =	vadd.f32 v2, v1  }
0x2e1: {  	v2 =	vld [tilespmem:s17+$0x9100]  }
0x2e2: {  	v1 =	vadd.f32 v3, v1  }
0x2e3: {  	v3 =	vld [tilespmem:s17+$0x9180]  }
0x2e4: {  	v1 =	vadd.f32 v60, v1  }
0x2e5: {  	v61 =	vld [tilespmem:s17+$0x9200]  }
0x2e6: {  	v1 =	vadd.f32 v2, v1  }
0x2e7: {  	v2 =	vld [tilespmem:s17+$0x9280]  }
0x2e8: {  	v1 =	vadd.f32 v3, v1  }
0x2e9: {  	v3 =	vld [tilespmem:s17+$0x9300]  }
0x2ea: {  	v1 =	vadd.f32 v61, v1  }
0x2eb: {  	v62 =	vld [tilespmem:s17+$0x9380]  }
0x2ec: {  	v1 =	vadd.f32 v2, v1  }
0x2ed: {  	v2 =	vld [tilespmem:s17+$0x9400]  }
0x2ee: {  	v1 =	vadd.f32 v3, v1  }
0x2ef: {  	v3 =	vld [tilespmem:s17+$0x9480]  }
0x2f0: {  	v1 =	vadd.f32 v62, v1  }
0x2f1: {  	v63 =	vld [tilespmem:s17+$0x9500]  }
0x2f2: {  	v1 =	vadd.f32 v2, v1  }
0x2f3: {  	v2 =	vld [tilespmem:s17+$0x9580]  }
0x2f4: {  	v1 =	vadd.f32 v3, v1;
	_ =	sdelay $0x1  }
0x2f5: {  	v1 =	vadd.f32 v63, v1;
	_ =	sdelay $0x1  }
0x2f6: {  	s16 =	sand.u32 $0x3C000, s15;
	v1 =	vadd.f32 v2, v1  }
0x2f7: {  	s18 =	sand.u32 $0x70, s15;
	s14 =	sadd.s32 s16, s21  }
0x2f8: {  	s14 =	sadd.s32 s18, s14;
	[tilespmem:s17+$0xC800] =	vst v1  }
0x2f9: {  	[tilespmem:s15], [sflag:$0x2] =	stream.linear.gather [hbm4b:s14+s3], $0x80, $0x38;
	[tilespmem:$0x1FBC0] =	vst v63  }
0x2fa: {  	s16 =	simm.s32 $0x10;
	s14 =	simm.s32 $0x800  }
.LBB2_15:
0x2fb: {  	s17 =	sand.u32 $0x3C000, s14;
	p1 =	sne.s32 s14, $0x31800;
	s14 =	sadd.s32 $0x800, s14  }
.Ltmp7:
0x2fc: {  	s18 =	sand.u32 $0x70, s16;
	s17 =	sadd.s32 s17, s21;
	(pc) =	sbr.rel @p1 .LBB2_15-.Ltmp7, $4  }
0x2fd: {  	s15 =	sadd.s32 $0x80, s15;
	s17 =	sadd.s32 s18, s17  }
0x2fe: {  	[tilespmem:s15], [sflag:$0x2] =	stream.linear.gather [hbm4b:s17+s3], $0x80, $0x38;
	[tilespmem:$0x1FBC0] =	vst v63  }
0x2ff: {  	_ = 	snop  }
0x300: {  	s16 =	sadd.s32 $0x10, s16  }
0x301: {  	_ =	swait.ge [sflag:s26], $0x600  }
0x302: {  	[sflag:s26] =	ssyncset.done $0x0  }
0x303: {  	[sflag:s26] =	ssyncadd.s32 $0xFFFFFA00  }
0x304: {  	_ =	swait.ge [sflag:s8], $0x2C00  }
0x305: {  	[sflag:s8] =	ssyncset.done $0x0  }
0x306: {  	[sflag:s8] =	ssyncadd.s32 $0xFFFFD400  }
0x307: {  	_ =	swait.ge [sflag:s30], $0x80  }
0x308: {  	s14 =	simm.s32 $0x63;
	[sflag:s30] =	ssyncset.done $0x0  }
.LBB2_17:
0x309: {  	p1 =	sne.s32 s14, $0x1;
	s14 =	sadd.s32 $0xFFFFFFFF, s14;
	[sflag:s30] =	ssyncadd.s32 $0xFFFFFF80  }
.Ltmp8:
0x30a: {  	(pc) =	sbr.rel @p1 .LBB2_17-.Ltmp8, $3  }
0x30b: {  	_ =	sdelay $0x1  }
0x30c: {  	_ =	swait.ge [sflag:s30], $0x80  }
0x30d: {  	[sflag:s30] =	ssyncset.done $0x0  }
0x30e: {  	[sflag:s30] =	ssyncadd.s32 $0xFFFFFF80;
	s14 =	simm.s32 $0x0  }
0x30f: {  	[tilespmem:s0], [sflag:$0x3] =	stream.indirect.gather [hbm4b:s1+s31], $0x1, s14, s31, $0xb8;
	[tilespmem:$0x1FBC0] =	vst v63  }
0x310: {  	s16 =	simm.s32 $0x0  }
0x311: {  	[tilespmem:s5], [sflag:$0x1] =	stream.indirect.gather [spmem:s2], $0x1, s31, s4, $0xb8;
	[tilespmem:$0x1FBC0] =	vst v63  }
0x312: {  	v1 =	vld [tilespmem:s16+$0x9600];
	_ =	sdelay $0x1  }
0x313: {  	v2 =	vld [tilespmem:s16+$0x9680];
	_ =	sdelay $0x1  }
0x314: {  	v3 =	vld [tilespmem:s16+$0x9700]  }
0x315: {  	v1 =	vadd.f32 v1, v0  }
0x316: {  	v4 =	vld [tilespmem:s16+$0x9780]  }
0x317: {  	v1 =	vadd.f32 v2, v1  }
0x318: {  	v2 =	vld [tilespmem:s16+$0x9800]  }
0x319: {  	v1 =	vadd.f32 v3, v1  }
0x31a: {  	v3 =	vld [tilespmem:s16+$0x9880]  }
0x31b: {  	v1 =	vadd.f32 v4, v1  }
0x31c: {  	v4 =	vld [tilespmem:s16+$0x9900]  }
0x31d: {  	v1 =	vadd.f32 v2, v1  }
0x31e: {  	v2 =	vld [tilespmem:s16+$0x9980]  }
0x31f: {  	v1 =	vadd.f32 v3, v1  }
0x320: {  	v3 =	vld [tilespmem:s16+$0x9A00]  }
0x321: {  	v1 =	vadd.f32 v4, v1  }
0x322: {  	v4 =	vld [tilespmem:s16+$0x9A80]  }
0x323: {  	v1 =	vadd.f32 v2, v1  }
0x324: {  	v2 =	vld [tilespmem:s16+$0x9B00]  }
0x325: {  	v1 =	vadd.f32 v3, v1  }
0x326: {  	v3 =	vld [tilespmem:s16+$0x9B80]  }
0x327: {  	v1 =	vadd.f32 v4, v1  }
0x328: {  	v4 =	vld [tilespmem:s16+$0x9C00]  }
0x329: {  	v1 =	vadd.f32 v2, v1  }
0x32a: {  	v2 =	vld [tilespmem:s16+$0x9C80]  }
0x32b: {  	v1 =	vadd.f32 v3, v1  }
0x32c: {  	v3 =	vld [tilespmem:s16+$0x9D00]  }
0x32d: {  	v1 =	vadd.f32 v4, v1  }
0x32e: {  	v4 =	vld [tilespmem:s16+$0x9D80]  }
0x32f: {  	v1 =	vadd.f32 v2, v1  }
0x330: {  	v2 =	vld [tilespmem:s16+$0x9E00]  }
0x331: {  	v1 =	vadd.f32 v3, v1  }
0x332: {  	v3 =	vld [tilespmem:s16+$0x9E80]  }
0x333: {  	v1 =	vadd.f32 v4, v1  }
0x334: {  	v4 =	vld [tilespmem:s16+$0x9F00]  }
0x335: {  	v1 =	vadd.f32 v2, v1  }
0x336: {  	v2 =	vld [tilespmem:s16+$0x9F80]  }
0x337: {  	v1 =	vadd.f32 v3, v1  }
0x338: {  	v3 =	vld [tilespmem:s16+$0xA000]  }
0x339: {  	v1 =	vadd.f32 v4, v1  }
0x33a: {  	v4 =	vld [tilespmem:s16+$0xA080]  }
0x33b: {  	v1 =	vadd.f32 v2, v1  }
0x33c: {  	v2 =	vld [tilespmem:s16+$0xA100]  }
0x33d: {  	v1 =	vadd.f32 v3, v1  }
0x33e: {  	v3 =	vld [tilespmem:s16+$0xA180]  }
0x33f: {  	v1 =	vadd.f32 v4, v1  }
0x340: {  	v4 =	vld [tilespmem:s16+$0xA200]  }
0x341: {  	v1 =	vadd.f32 v2, v1  }
0x342: {  	v2 =	vld [tilespmem:s16+$0xA280]  }
0x343: {  	v1 =	vadd.f32 v3, v1  }
0x344: {  	v3 =	vld [tilespmem:s16+$0xA300]  }
0x345: {  	v1 =	vadd.f32 v4, v1  }
0x346: {  	v4 =	vld [tilespmem:s16+$0xA380]  }
0x347: {  	v1 =	vadd.f32 v2, v1  }
0x348: {  	v2 =	vld [tilespmem:s16+$0xA400]  }
0x349: {  	v1 =	vadd.f32 v3, v1  }
0x34a: {  	v3 =	vld [tilespmem:s16+$0xA480]  }
0x34b: {  	v1 =	vadd.f32 v4, v1  }
0x34c: {  	v4 =	vld [tilespmem:s16+$0xA500]  }
0x34d: {  	v1 =	vadd.f32 v2, v1  }
0x34e: {  	v2 =	vld [tilespmem:s16+$0xA580]  }
0x34f: {  	v1 =	vadd.f32 v3, v1  }
0x350: {  	v3 =	vld [tilespmem:s16+$0xA600]  }
0x351: {  	v1 =	vadd.f32 v4, v1  }
0x352: {  	v4 =	vld [tilespmem:s16+$0xA680]  }
0x353: {  	v1 =	vadd.f32 v2, v1  }
0x354: {  	v2 =	vld [tilespmem:s16+$0xA700]  }
0x355: {  	v1 =	vadd.f32 v3, v1  }
0x356: {  	v3 =	vld [tilespmem:s16+$0xA780]  }
0x357: {  	v1 =	vadd.f32 v4, v1  }
0x358: {  	v4 =	vld [tilespmem:s16+$0xA800]  }
0x359: {  	v1 =	vadd.f32 v2, v1  }
0x35a: {  	v2 =	vld [tilespmem:s16+$0xA880]  }
0x35b: {  	v1 =	vadd.f32 v3, v1  }
0x35c: {  	v3 =	vld [tilespmem:s16+$0xA900]  }
0x35d: {  	v1 =	vadd.f32 v4, v1  }
0x35e: {  	v4 =	vld [tilespmem:s16+$0xA980]  }
0x35f: {  	v1 =	vadd.f32 v2, v1  }
0x360: {  	v2 =	vld [tilespmem:s16+$0xAA00]  }
0x361: {  	v1 =	vadd.f32 v3, v1  }
0x362: {  	v3 =	vld [tilespmem:s16+$0xAA80]  }
0x363: {  	v1 =	vadd.f32 v4, v1  }
0x364: {  	v4 =	vld [tilespmem:s16+$0xAB00]  }
0x365: {  	v1 =	vadd.f32 v2, v1  }
0x366: {  	v2 =	vld [tilespmem:s16+$0xAB80]  }
0x367: {  	v1 =	vadd.f32 v3, v1  }
0x368: {  	v3 =	vld [tilespmem:s16+$0xAC00]  }
0x369: {  	v1 =	vadd.f32 v4, v1  }
0x36a: {  	v4 =	vld [tilespmem:s16+$0xAC80]  }
0x36b: {  	v1 =	vadd.f32 v2, v1  }
0x36c: {  	v2 =	vld [tilespmem:s16+$0xAD00]  }
0x36d: {  	v1 =	vadd.f32 v3, v1  }
0x36e: {  	v3 =	vld [tilespmem:s16+$0xAD80]  }
0x36f: {  	v1 =	vadd.f32 v4, v1  }
0x370: {  	v4 =	vld [tilespmem:s16+$0xAE00]  }
0x371: {  	v1 =	vadd.f32 v2, v1  }
0x372: {  	s15 =	simm.s32 $0x10;
	v2 =	vld [tilespmem:s16+$0xAE80]  }
0x373: {  	v5 =	vld [tilespmem:s15+$0x9600];
	v1 =	vadd.f32 v3, v1  }
0x374: {  	v3 =	vld [tilespmem:s16+$0xAF00]  }
0x375: {  	v6 =	vld [tilespmem:s15+$0x9680];
	v1 =	vadd.f32 v4, v1  }
0x376: {  	v4 =	vld [tilespmem:s16+$0xAF80]  }
0x377: {  	v7 =	vld [tilespmem:s15+$0x9700];
	v1 =	vadd.f32 v2, v1  }
0x378: {  	v2 =	vld [tilespmem:s16+$0xB000]  }
0x379: {  	v8 =	vld [tilespmem:s15+$0x9780];
	v5 =	vadd.f32 v5, v0;
	v1 =	vadd.f32 v3, v1  }
0x37a: {  	v3 =	vld [tilespmem:s16+$0xB080]  }
0x37b: {  	v5 =	vadd.f32 v6, v5;
	v6 =	vld [tilespmem:s15+$0x9800];
	v1 =	vadd.f32 v4, v1  }
0x37c: {  	v4 =	vld [tilespmem:s16+$0xB100]  }
0x37d: {  	v5 =	vadd.f32 v7, v5;
	v7 =	vld [tilespmem:s15+$0x9880];
	v1 =	vadd.f32 v2, v1  }
0x37e: {  	v2 =	vld [tilespmem:s16+$0xB180]  }
0x37f: {  	v5 =	vadd.f32 v8, v5;
	v8 =	vld [tilespmem:s15+$0x9900];
	v1 =	vadd.f32 v3, v1  }
0x380: {  	v3 =	vld [tilespmem:s16+$0xB200]  }
0x381: {  	v5 =	vadd.f32 v6, v5;
	v6 =	vld [tilespmem:s15+$0x9980];
	v1 =	vadd.f32 v4, v1  }
0x382: {  	v4 =	vld [tilespmem:s16+$0xB280]  }
0x383: {  	v5 =	vadd.f32 v7, v5;
	v7 =	vld [tilespmem:s15+$0x9A00];
	v1 =	vadd.f32 v2, v1  }
0x384: {  	v2 =	vld [tilespmem:s16+$0xB300]  }
0x385: {  	v5 =	vadd.f32 v8, v5;
	v8 =	vld [tilespmem:s15+$0x9A80];
	v1 =	vadd.f32 v3, v1  }
0x386: {  	v3 =	vld [tilespmem:s16+$0xB380]  }
0x387: {  	v5 =	vadd.f32 v6, v5;
	v6 =	vld [tilespmem:s15+$0x9B00];
	v1 =	vadd.f32 v4, v1  }
0x388: {  	v4 =	vld [tilespmem:s16+$0xB400]  }
0x389: {  	v5 =	vadd.f32 v7, v5;
	v7 =	vld [tilespmem:s15+$0x9B80];
	v1 =	vadd.f32 v2, v1  }
0x38a: {  	v2 =	vld [tilespmem:s16+$0xB480]  }
0x38b: {  	v5 =	vadd.f32 v8, v5;
	v8 =	vld [tilespmem:s15+$0x9C00];
	v1 =	vadd.f32 v3, v1  }
0x38c: {  	v3 =	vld [tilespmem:s16+$0xB500]  }
0x38d: {  	v5 =	vadd.f32 v6, v5;
	v6 =	vld [tilespmem:s15+$0x9C80];
	v1 =	vadd.f32 v4, v1  }
0x38e: {  	v4 =	vld [tilespmem:s16+$0xB580]  }
0x38f: {  	v5 =	vadd.f32 v7, v5;
	v7 =	vld [tilespmem:s15+$0x9D00];
	v1 =	vadd.f32 v2, v1  }
0x390: {  	v2 =	vld [tilespmem:s16+$0xB600]  }
0x391: {  	v5 =	vadd.f32 v8, v5;
	v8 =	vld [tilespmem:s15+$0x9D80];
	v1 =	vadd.f32 v3, v1  }
0x392: {  	v3 =	vld [tilespmem:s16+$0xB680]  }
0x393: {  	v5 =	vadd.f32 v6, v5;
	v6 =	vld [tilespmem:s15+$0x9E00];
	v1 =	vadd.f32 v4, v1  }
0x394: {  	v4 =	vld [tilespmem:s16+$0xB700]  }
0x395: {  	v5 =	vadd.f32 v7, v5;
	v7 =	vld [tilespmem:s15+$0x9E80];
	v1 =	vadd.f32 v2, v1  }
0x396: {  	v2 =	vld [tilespmem:s16+$0xB780]  }
0x397: {  	v5 =	vadd.f32 v8, v5;
	v8 =	vld [tilespmem:s15+$0x9F00];
	v1 =	vadd.f32 v3, v1  }
0x398: {  	v3 =	vld [tilespmem:s16+$0xB800]  }
0x399: {  	v5 =	vadd.f32 v6, v5;
	v6 =	vld [tilespmem:s15+$0x9F80];
	v1 =	vadd.f32 v4, v1  }
0x39a: {  	v4 =	vld [tilespmem:s16+$0xB880]  }
0x39b: {  	v5 =	vadd.f32 v7, v5;
	v7 =	vld [tilespmem:s15+$0xA000];
	v1 =	vadd.f32 v2, v1  }
0x39c: {  	v2 =	vld [tilespmem:s16+$0xB900]  }
0x39d: {  	v5 =	vadd.f32 v8, v5;
	v8 =	vld [tilespmem:s15+$0xA080];
	v1 =	vadd.f32 v3, v1  }
0x39e: {  	v3 =	vld [tilespmem:s16+$0xB980]  }
0x39f: {  	v5 =	vadd.f32 v6, v5;
	v6 =	vld [tilespmem:s15+$0xA100];
	v1 =	vadd.f32 v4, v1  }
0x3a0: {  	v4 =	vld [tilespmem:s16+$0xBA00]  }
0x3a1: {  	v5 =	vadd.f32 v7, v5;
	v7 =	vld [tilespmem:s15+$0xA180];
	v1 =	vadd.f32 v2, v1  }
0x3a2: {  	v2 =	vld [tilespmem:s16+$0xBA80]  }
0x3a3: {  	v5 =	vadd.f32 v8, v5;
	v8 =	vld [tilespmem:s15+$0xA200];
	v1 =	vadd.f32 v3, v1  }
0x3a4: {  	v3 =	vld [tilespmem:s16+$0xBB00]  }
0x3a5: {  	v5 =	vadd.f32 v6, v5;
	v6 =	vld [tilespmem:s15+$0xA280];
	v1 =	vadd.f32 v4, v1  }
0x3a6: {  	v4 =	vld [tilespmem:s16+$0xBB80]  }
0x3a7: {  	v5 =	vadd.f32 v7, v5;
	v7 =	vld [tilespmem:s15+$0xA300];
	v1 =	vadd.f32 v2, v1  }
0x3a8: {  	v2 =	vld [tilespmem:s16+$0xBC00]  }
0x3a9: {  	v5 =	vadd.f32 v8, v5;
	v8 =	vld [tilespmem:s15+$0xA380];
	v1 =	vadd.f32 v3, v1  }
0x3aa: {  	v3 =	vld [tilespmem:s16+$0xBC80]  }
0x3ab: {  	v5 =	vadd.f32 v6, v5;
	v6 =	vld [tilespmem:s15+$0xA400];
	v1 =	vadd.f32 v4, v1  }
0x3ac: {  	v4 =	vld [tilespmem:s16+$0xBD00]  }
0x3ad: {  	v5 =	vadd.f32 v7, v5;
	v7 =	vld [tilespmem:s15+$0xA480];
	v1 =	vadd.f32 v2, v1  }
0x3ae: {  	v2 =	vld [tilespmem:s16+$0xBD80]  }
0x3af: {  	v5 =	vadd.f32 v8, v5;
	v8 =	vld [tilespmem:s15+$0xA500];
	v1 =	vadd.f32 v3, v1  }
0x3b0: {  	v3 =	vld [tilespmem:s16+$0xBE00]  }
0x3b1: {  	v5 =	vadd.f32 v6, v5;
	v6 =	vld [tilespmem:s15+$0xA580];
	v1 =	vadd.f32 v4, v1  }
0x3b2: {  	v4 =	vld [tilespmem:s16+$0xBE80]  }
0x3b3: {  	v5 =	vadd.f32 v7, v5;
	v7 =	vld [tilespmem:s15+$0xA600];
	v1 =	vadd.f32 v2, v1  }
0x3b4: {  	v2 =	vld [tilespmem:s16+$0xBF00]  }
0x3b5: {  	v5 =	vadd.f32 v8, v5;
	v8 =	vld [tilespmem:s15+$0xA680];
	v1 =	vadd.f32 v3, v1  }
0x3b6: {  	v3 =	vld [tilespmem:s16+$0xBF80]  }
0x3b7: {  	v5 =	vadd.f32 v6, v5;
	v6 =	vld [tilespmem:s15+$0xA700];
	v1 =	vadd.f32 v4, v1  }
0x3b8: {  	v4 =	vld [tilespmem:s16+$0xC000]  }
0x3b9: {  	v5 =	vadd.f32 v7, v5;
	v7 =	vld [tilespmem:s15+$0xA780];
	v1 =	vadd.f32 v2, v1  }
0x3ba: {  	v2 =	vld [tilespmem:s16+$0xC080]  }
0x3bb: {  	v5 =	vadd.f32 v8, v5;
	v8 =	vld [tilespmem:s15+$0xA800];
	v1 =	vadd.f32 v3, v1  }
0x3bc: {  	v3 =	vld [tilespmem:s16+$0xC100]  }
0x3bd: {  	v5 =	vadd.f32 v6, v5;
	v6 =	vld [tilespmem:s15+$0xA880];
	v1 =	vadd.f32 v4, v1  }
0x3be: {  	v4 =	vld [tilespmem:s16+$0xC180]  }
0x3bf: {  	v5 =	vadd.f32 v7, v5;
	v7 =	vld [tilespmem:s15+$0xA900];
	v1 =	vadd.f32 v2, v1  }
0x3c0: {  	v2 =	vld [tilespmem:s16+$0xC200]  }
0x3c1: {  	v5 =	vadd.f32 v8, v5;
	v8 =	vld [tilespmem:s15+$0xA980];
	v1 =	vadd.f32 v3, v1  }
0x3c2: {  	v3 =	vld [tilespmem:s16+$0xC280]  }
0x3c3: {  	v5 =	vadd.f32 v6, v5;
	v6 =	vld [tilespmem:s15+$0xAA00];
	v1 =	vadd.f32 v4, v1  }
0x3c4: {  	v4 =	vld [tilespmem:s16+$0xC300]  }
0x3c5: {  	v5 =	vadd.f32 v7, v5;
	v7 =	vld [tilespmem:s15+$0xAA80];
	v1 =	vadd.f32 v2, v1  }
0x3c6: {  	v2 =	vld [tilespmem:s16+$0xC380]  }
0x3c7: {  	v5 =	vadd.f32 v8, v5;
	v8 =	vld [tilespmem:s15+$0xAB00];
	v1 =	vadd.f32 v3, v1  }
0x3c8: {  	v3 =	vld [tilespmem:s16+$0xC400]  }
0x3c9: {  	v5 =	vadd.f32 v6, v5;
	v6 =	vld [tilespmem:s15+$0xAB80];
	v1 =	vadd.f32 v4, v1  }
0x3ca: {  	v4 =	vld [tilespmem:s16+$0xC480]  }
0x3cb: {  	v5 =	vadd.f32 v7, v5;
	v7 =	vld [tilespmem:s15+$0xAC00];
	v1 =	vadd.f32 v2, v1  }
0x3cc: {  	v2 =	vld [tilespmem:s16+$0xC500]  }
0x3cd: {  	v5 =	vadd.f32 v8, v5;
	v8 =	vld [tilespmem:s15+$0xAC80];
	v1 =	vadd.f32 v3, v1  }
0x3ce: {  	v3 =	vld [tilespmem:s16+$0xC580]  }
0x3cf: {  	v9 =	vld [tilespmem:s15+$0xAD00];
	v5 =	vadd.f32 v6, v5;
	v1 =	vadd.f32 v4, v1  }
0x3d0: {  	v6 =	vld [tilespmem:s16+$0xC600]  }
0x3d1: {  	v10 =	vld [tilespmem:s15+$0xAD80];
	v4 =	vadd.f32 v7, v5;
	v1 =	vadd.f32 v2, v1  }
0x3d2: {  	v7 =	vld [tilespmem:s16+$0xC680]  }
0x3d3: {  	v2 =	vadd.f32 v8, v4;
	v4 =	vld [tilespmem:s15+$0xAE00];
	v3 =	vadd.f32 v3, v1  }
0x3d4: {  	v1 =	vld [tilespmem:s16+$0xC700]  }
0x3d5: {  	v5 =	vld [tilespmem:s15+$0xAE80];
	v8 =	vadd.f32 v9, v2;
	v63 =	vadd.f32 v6, v3  }
0x3d6: {  	v2 =	vld [tilespmem:s16+$0xC780]  }
0x3d7: {  	s17 =	simm.s32 $0x20;
	s18 =	simm.s32 $0xC0;
	v6 =	vadd.f32 v10, v8;
	v3 =	vld [tilespmem:s15+$0xAF00];
	v7 =	vadd.f32 v7, v63  }
.LBB2_19:
0x3d8: {  	p1 =	sne.s32 s18, $0x1C0;
	v8 =	vld [tilespmem:s17+$0x9600]  }
0x3d9: {  	v4 =	vadd.f32 v4, v6;
	v6 =	vld [tilespmem:s15+$0xAF80];
	v1 =	vadd.f32 v1, v7  }
0x3da: {  	v7 =	vld [tilespmem:s17+$0x9680]  }
0x3db: {  	v4 =	vadd.f32 v5, v4;
	v5 =	vld [tilespmem:s15+$0xB000];
	v1 =	vadd.f32 v2, v1  }
0x3dc: {  	v2 =	vld [tilespmem:s17+$0x9700]  }
0x3dd: {  	v8 =	vadd.f32 v8, v0;
	v3 =	vadd.f32 v3, v4;
	v4 =	vld [tilespmem:s15+$0xB080];
	[tilespmem:s16+$0xC880] =	vst v1;
	s16 =	smov.u32 s15;
	s15 =	smov.u32 s17  }
0x3de: {  	v1 =	vld [tilespmem:s15+$0x9780]  }
0x3df: {  	v7 =	vadd.f32 v7, v8;
	v3 =	vadd.f32 v6, v3;
	v6 =	vld [tilespmem:s16+$0xB100]  }
0x3e0: {  	v8 =	vld [tilespmem:s15+$0x9800]  }
0x3e1: {  	v2 =	vadd.f32 v2, v7;
	v3 =	vadd.f32 v5, v3;
	v5 =	vld [tilespmem:s16+$0xB180]  }
0x3e2: {  	v7 =	vld [tilespmem:s15+$0x9880]  }
0x3e3: {  	v1 =	vadd.f32 v1, v2;
	v2 =	vadd.f32 v4, v3;
	v3 =	vld [tilespmem:s16+$0xB200]  }
0x3e4: {  	v4 =	vld [tilespmem:s15+$0x9900]  }
0x3e5: {  	v1 =	vadd.f32 v8, v1;
	v2 =	vadd.f32 v6, v2;
	v6 =	vld [tilespmem:s16+$0xB280]  }
0x3e6: {  	v8 =	vld [tilespmem:s15+$0x9980]  }
0x3e7: {  	v1 =	vadd.f32 v7, v1;
	v2 =	vadd.f32 v5, v2;
	v5 =	vld [tilespmem:s16+$0xB300]  }
0x3e8: {  	v7 =	vld [tilespmem:s15+$0x9A00]  }
0x3e9: {  	v1 =	vadd.f32 v4, v1;
	v2 =	vadd.f32 v3, v2;
	v3 =	vld [tilespmem:s16+$0xB380]  }
0x3ea: {  	v4 =	vld [tilespmem:s15+$0x9A80]  }
0x3eb: {  	v1 =	vadd.f32 v8, v1;
	v2 =	vadd.f32 v6, v2;
	v6 =	vld [tilespmem:s16+$0xB400]  }
0x3ec: {  	v8 =	vld [tilespmem:s15+$0x9B00]  }
0x3ed: {  	v1 =	vadd.f32 v7, v1;
	v2 =	vadd.f32 v5, v2;
	v5 =	vld [tilespmem:s16+$0xB480]  }
0x3ee: {  	v7 =	vld [tilespmem:s15+$0x9B80]  }
0x3ef: {  	v1 =	vadd.f32 v4, v1;
	v2 =	vadd.f32 v3, v2;
	v3 =	vld [tilespmem:s16+$0xB500]  }
0x3f0: {  	v4 =	vld [tilespmem:s15+$0x9C00]  }
0x3f1: {  	v1 =	vadd.f32 v8, v1;
	v2 =	vadd.f32 v6, v2;
	v6 =	vld [tilespmem:s16+$0xB580]  }
0x3f2: {  	v8 =	vld [tilespmem:s15+$0x9C80]  }
0x3f3: {  	v1 =	vadd.f32 v7, v1;
	v2 =	vadd.f32 v5, v2;
	v5 =	vld [tilespmem:s16+$0xB600]  }
0x3f4: {  	v7 =	vld [tilespmem:s15+$0x9D00]  }
0x3f5: {  	v1 =	vadd.f32 v4, v1;
	v2 =	vadd.f32 v3, v2;
	v3 =	vld [tilespmem:s16+$0xB680]  }
0x3f6: {  	v4 =	vld [tilespmem:s15+$0x9D80]  }
0x3f7: {  	v1 =	vadd.f32 v8, v1;
	v2 =	vadd.f32 v6, v2;
	v6 =	vld [tilespmem:s16+$0xB700]  }
0x3f8: {  	v8 =	vld [tilespmem:s15+$0x9E00]  }
0x3f9: {  	v1 =	vadd.f32 v7, v1;
	v2 =	vadd.f32 v5, v2;
	v5 =	vld [tilespmem:s16+$0xB780]  }
0x3fa: {  	v7 =	vld [tilespmem:s15+$0x9E80]  }
0x3fb: {  	v1 =	vadd.f32 v4, v1;
	v2 =	vadd.f32 v3, v2;
	v3 =	vld [tilespmem:s16+$0xB800]  }
0x3fc: {  	v4 =	vld [tilespmem:s15+$0x9F00]  }
0x3fd: {  	v1 =	vadd.f32 v8, v1;
	v2 =	vadd.f32 v6, v2;
	v6 =	vld [tilespmem:s16+$0xB880]  }
0x3fe: {  	v8 =	vld [tilespmem:s15+$0x9F80]  }
0x3ff: {  	v1 =	vadd.f32 v7, v1;
	v2 =	vadd.f32 v5, v2;
	v5 =	vld [tilespmem:s16+$0xB900]  }
0x400: {  	v7 =	vld [tilespmem:s15+$0xA000]  }
0x401: {  	v1 =	vadd.f32 v4, v1;
	v2 =	vadd.f32 v3, v2;
	v3 =	vld [tilespmem:s16+$0xB980]  }
0x402: {  	v4 =	vld [tilespmem:s15+$0xA080]  }
0x403: {  	v1 =	vadd.f32 v8, v1;
	v2 =	vadd.f32 v6, v2;
	v6 =	vld [tilespmem:s16+$0xBA00]  }
0x404: {  	v8 =	vld [tilespmem:s15+$0xA100]  }
0x405: {  	v1 =	vadd.f32 v7, v1;
	v2 =	vadd.f32 v5, v2;
	v5 =	vld [tilespmem:s16+$0xBA80]  }
0x406: {  	v7 =	vld [tilespmem:s15+$0xA180]  }
0x407: {  	v1 =	vadd.f32 v4, v1;
	v2 =	vadd.f32 v3, v2;
	v3 =	vld [tilespmem:s16+$0xBB00]  }
0x408: {  	v4 =	vld [tilespmem:s15+$0xA200]  }
0x409: {  	v1 =	vadd.f32 v8, v1;
	v2 =	vadd.f32 v6, v2;
	v6 =	vld [tilespmem:s16+$0xBB80]  }
0x40a: {  	v8 =	vld [tilespmem:s15+$0xA280]  }
0x40b: {  	v1 =	vadd.f32 v7, v1;
	v2 =	vadd.f32 v5, v2;
	v5 =	vld [tilespmem:s16+$0xBC00]  }
0x40c: {  	v7 =	vld [tilespmem:s15+$0xA300]  }
0x40d: {  	v1 =	vadd.f32 v4, v1;
	v2 =	vadd.f32 v3, v2;
	v3 =	vld [tilespmem:s16+$0xBC80]  }
0x40e: {  	v4 =	vld [tilespmem:s15+$0xA380]  }
0x40f: {  	v1 =	vadd.f32 v8, v1;
	v2 =	vadd.f32 v6, v2;
	v6 =	vld [tilespmem:s16+$0xBD00]  }
0x410: {  	v8 =	vld [tilespmem:s15+$0xA400]  }
0x411: {  	v1 =	vadd.f32 v7, v1;
	v2 =	vadd.f32 v5, v2;
	v5 =	vld [tilespmem:s16+$0xBD80]  }
0x412: {  	v7 =	vld [tilespmem:s15+$0xA480]  }
0x413: {  	v1 =	vadd.f32 v4, v1;
	v2 =	vadd.f32 v3, v2;
	v3 =	vld [tilespmem:s16+$0xBE00]  }
0x414: {  	v4 =	vld [tilespmem:s15+$0xA500]  }
0x415: {  	v1 =	vadd.f32 v8, v1;
	v2 =	vadd.f32 v6, v2;
	v6 =	vld [tilespmem:s16+$0xBE80]  }
0x416: {  	v8 =	vld [tilespmem:s15+$0xA580]  }
0x417: {  	v1 =	vadd.f32 v7, v1;
	v2 =	vadd.f32 v5, v2;
	v5 =	vld [tilespmem:s16+$0xBF00]  }
0x418: {  	v7 =	vld [tilespmem:s15+$0xA600]  }
0x419: {  	v1 =	vadd.f32 v4, v1;
	v2 =	vadd.f32 v3, v2;
	v3 =	vld [tilespmem:s16+$0xBF80]  }
0x41a: {  	v4 =	vld [tilespmem:s15+$0xA680]  }
0x41b: {  	v1 =	vadd.f32 v8, v1;
	v2 =	vadd.f32 v6, v2;
	v6 =	vld [tilespmem:s16+$0xC000]  }
0x41c: {  	v8 =	vld [tilespmem:s15+$0xA700]  }
0x41d: {  	v1 =	vadd.f32 v7, v1;
	v2 =	vadd.f32 v5, v2;
	v5 =	vld [tilespmem:s16+$0xC080]  }
0x41e: {  	v7 =	vld [tilespmem:s15+$0xA780]  }
0x41f: {  	v1 =	vadd.f32 v4, v1;
	v2 =	vadd.f32 v3, v2;
	v3 =	vld [tilespmem:s16+$0xC100]  }
0x420: {  	v4 =	vld [tilespmem:s15+$0xA800]  }
0x421: {  	v1 =	vadd.f32 v8, v1;
	v2 =	vadd.f32 v6, v2;
	v6 =	vld [tilespmem:s16+$0xC180]  }
0x422: {  	v8 =	vld [tilespmem:s15+$0xA880]  }
0x423: {  	v1 =	vadd.f32 v7, v1;
	v2 =	vadd.f32 v5, v2;
	v5 =	vld [tilespmem:s16+$0xC200]  }
0x424: {  	v7 =	vld [tilespmem:s15+$0xA900]  }
0x425: {  	v1 =	vadd.f32 v4, v1;
	v2 =	vadd.f32 v3, v2;
	v3 =	vld [tilespmem:s16+$0xC280]  }
0x426: {  	v4 =	vld [tilespmem:s15+$0xA980]  }
0x427: {  	v1 =	vadd.f32 v8, v1;
	v2 =	vadd.f32 v6, v2;
	v6 =	vld [tilespmem:s16+$0xC300]  }
0x428: {  	v8 =	vld [tilespmem:s15+$0xAA00]  }
0x429: {  	v1 =	vadd.f32 v7, v1;
	v2 =	vadd.f32 v5, v2;
	v5 =	vld [tilespmem:s16+$0xC380]  }
0x42a: {  	v7 =	vld [tilespmem:s15+$0xAA80]  }
0x42b: {  	v1 =	vadd.f32 v4, v1;
	v2 =	vadd.f32 v3, v2;
	v3 =	vld [tilespmem:s16+$0xC400]  }
0x42c: {  	v4 =	vld [tilespmem:s15+$0xAB00]  }
0x42d: {  	v1 =	vadd.f32 v8, v1;
	v2 =	vadd.f32 v6, v2;
	v6 =	vld [tilespmem:s16+$0xC480]  }
0x42e: {  	v8 =	vld [tilespmem:s15+$0xAB80]  }
0x42f: {  	v1 =	vadd.f32 v7, v1;
	v2 =	vadd.f32 v5, v2;
	v5 =	vld [tilespmem:s16+$0xC500]  }
0x430: {  	v7 =	vld [tilespmem:s15+$0xAC00]  }
0x431: {  	v1 =	vadd.f32 v4, v1;
	v2 =	vadd.f32 v3, v2;
	v3 =	vld [tilespmem:s16+$0xC580]  }
0x432: {  	v4 =	vld [tilespmem:s15+$0xAC80]  }
0x433: {  	v1 =	vadd.f32 v8, v1;
	v2 =	vadd.f32 v6, v2;
	v6 =	vld [tilespmem:s16+$0xC600]  }
0x434: {  	v8 =	vld [tilespmem:s15+$0xAD00]  }
0x435: {  	v1 =	vadd.f32 v7, v1;
	v2 =	vadd.f32 v5, v2;
	v7 =	vld [tilespmem:s16+$0xC680]  }
0x436: {  	v9 =	vld [tilespmem:s15+$0xAD80]  }
.Ltmp9:
0x437: {  	v5 =	vadd.f32 v4, v1;
	v2 =	vadd.f32 v3, v2;
	v1 =	vld [tilespmem:s16+$0xC700];
	(pc) =	sbr.rel @p1 .LBB2_19-.Ltmp9, $4  }
0x438: {  	v4 =	vld [tilespmem:s15+$0xAE00]  }
0x439: {  	v3 =	vadd.f32 v8, v5;
	v8 =	vadd.f32 v6, v2;
	v2 =	vld [tilespmem:s16+$0xC780]  }
0x43a: {  	v5 =	vld [tilespmem:s15+$0xAE80]  }
0x43b: {  	s17 =	sshra.s32 s18, $0x2;
	s18 =	sadd.s32 $0x40, s18;
	v6 =	vadd.f32 v9, v3;
	v3 =	vld [tilespmem:s15+$0xAF00];
	v7 =	vadd.f32 v7, v8  }
0x43c: {  	v8 =	vld [tilespmem:s17+$0x9600]  }
0x43d: {  	v9 =	vld [tilespmem:s15+$0xAF80];
	v1 =	vadd.f32 v1, v7  }
0x43e: {  	v17 =	vld [tilespmem:s17+$0x9680]  }
0x43f: {  	v10 =	vld [tilespmem:s15+$0xB000];
	v4 =	vadd.f32 v4, v6;
	v1 =	vadd.f32 v2, v1  }
0x440: {  	v2 =	vld [tilespmem:s17+$0x9700]  }
0x441: {  	v18 =	vld [tilespmem:s15+$0xB080];
	v4 =	vadd.f32 v5, v4;
	v19 =	vadd.f32 v8, v0;
	[tilespmem:s16+$0xC880] =	vst v1  }
0x442: {  	v1 =	vld [tilespmem:s17+$0x9780]  }
0x443: {  	v3 =	vadd.f32 v3, v4;
	v20 =	vadd.f32 v17, v19  }
0x444: {  	v21 =	vld [tilespmem:s17+$0x9800]  }
0x445: {  	v22 =	vld [tilespmem:s15+$0xB100];
	v3 =	vadd.f32 v9, v3;
	v2 =	vadd.f32 v2, v20  }
0x446: {  	v23 =	vld [tilespmem:s17+$0x9880]  }
0x447: {  	v24 =	vld [tilespmem:s15+$0xB180];
	v3 =	vadd.f32 v10, v3;
	v1 =	vadd.f32 v1, v2  }
0x448: {  	v2 =	vld [tilespmem:s17+$0x9900]  }
0x449: {  	v25 =	vld [tilespmem:s15+$0xB200];
	v3 =	vadd.f32 v18, v3;
	v1 =	vadd.f32 v21, v1  }
0x44a: {  	v26 =	vld [tilespmem:s17+$0x9980]  }
0x44b: {  	v27 =	vld [tilespmem:s15+$0xB280];
	v3 =	vadd.f32 v22, v3;
	v1 =	vadd.f32 v23, v1  }
0x44c: {  	v28 =	vld [tilespmem:s17+$0x9A00]  }
0x44d: {  	v29 =	vld [tilespmem:s15+$0xB300];
	v3 =	vadd.f32 v24, v3;
	v1 =	vadd.f32 v2, v1  }
0x44e: {  	v2 =	vld [tilespmem:s17+$0x9A80]  }
0x44f: {  	v30 =	vld [tilespmem:s15+$0xB380];
	v3 =	vadd.f32 v25, v3;
	v1 =	vadd.f32 v26, v1  }
0x450: {  	v31 =	vld [tilespmem:s17+$0x9B00]  }
0x451: {  	v32 =	vld [tilespmem:s15+$0xB400];
	v3 =	vadd.f32 v27, v3;
	v1 =	vadd.f32 v28, v1  }
0x452: {  	v33 =	vld [tilespmem:s17+$0x9B80]  }
0x453: {  	v34 =	vld [tilespmem:s15+$0xB480];
	v3 =	vadd.f32 v29, v3;
	v1 =	vadd.f32 v2, v1  }
0x454: {  	v2 =	vld [tilespmem:s17+$0x9C00]  }
0x455: {  	v35 =	vld [tilespmem:s15+$0xB500];
	v3 =	vadd.f32 v30, v3;
	v1 =	vadd.f32 v31, v1  }
0x456: {  	v36 =	vld [tilespmem:s17+$0x9C80]  }
0x457: {  	v37 =	vld [tilespmem:s15+$0xB580];
	v3 =	vadd.f32 v32, v3;
	v1 =	vadd.f32 v33, v1  }
0x458: {  	v38 =	vld [tilespmem:s17+$0x9D00]  }
0x459: {  	v39 =	vld [tilespmem:s15+$0xB600];
	v3 =	vadd.f32 v34, v3;
	v1 =	vadd.f32 v2, v1  }
0x45a: {  	v2 =	vld [tilespmem:s17+$0x9D80]  }
0x45b: {  	v40 =	vld [tilespmem:s15+$0xB680];
	v3 =	vadd.f32 v35, v3;
	v1 =	vadd.f32 v36, v1  }
0x45c: {  	v41 =	vld [tilespmem:s17+$0x9E00]  }
0x45d: {  	v42 =	vld [tilespmem:s15+$0xB700];
	v3 =	vadd.f32 v37, v3;
	v1 =	vadd.f32 v38, v1  }
0x45e: {  	v43 =	vld [tilespmem:s17+$0x9E80]  }
0x45f: {  	v44 =	vld [tilespmem:s15+$0xB780];
	v3 =	vadd.f32 v39, v3;
	v1 =	vadd.f32 v2, v1  }
0x460: {  	v2 =	vld [tilespmem:s17+$0x9F00]  }
0x461: {  	v45 =	vld [tilespmem:s15+$0xB800];
	v3 =	vadd.f32 v40, v3;
	v1 =	vadd.f32 v41, v1  }
0x462: {  	v46 =	vld [tilespmem:s17+$0x9F80]  }
0x463: {  	v47 =	vld [tilespmem:s15+$0xB880];
	v3 =	vadd.f32 v42, v3;
	v1 =	vadd.f32 v43, v1  }
0x464: {  	v48 =	vld [tilespmem:s17+$0xA000]  }
0x465: {  	v49 =	vld [tilespmem:s15+$0xB900];
	v3 =	vadd.f32 v44, v3;
	v1 =	vadd.f32 v2, v1  }
0x466: {  	v2 =	vld [tilespmem:s17+$0xA080]  }
0x467: {  	v50 =	vld [tilespmem:s15+$0xB980];
	v3 =	vadd.f32 v45, v3;
	v1 =	vadd.f32 v46, v1  }
0x468: {  	v51 =	vld [tilespmem:s17+$0xA100]  }
0x469: {  	v52 =	vld [tilespmem:s15+$0xBA00];
	v3 =	vadd.f32 v47, v3;
	v1 =	vadd.f32 v48, v1  }
0x46a: {  	v53 =	vld [tilespmem:s17+$0xA180]  }
0x46b: {  	v54 =	vld [tilespmem:s15+$0xBA80];
	v3 =	vadd.f32 v49, v3;
	v1 =	vadd.f32 v2, v1  }
0x46c: {  	v2 =	vld [tilespmem:s17+$0xA200]  }
0x46d: {  	v55 =	vld [tilespmem:s15+$0xBB00];
	v3 =	vadd.f32 v50, v3;
	v1 =	vadd.f32 v51, v1  }
0x46e: {  	v56 =	vld [tilespmem:s17+$0xA280]  }
0x46f: {  	v57 =	vld [tilespmem:s15+$0xBB80];
	v3 =	vadd.f32 v52, v3;
	v1 =	vadd.f32 v53, v1  }
0x470: {  	v58 =	vld [tilespmem:s17+$0xA300]  }
0x471: {  	v59 =	vld [tilespmem:s15+$0xBC00];
	v3 =	vadd.f32 v54, v3;
	v1 =	vadd.f32 v2, v1  }
0x472: {  	v2 =	vld [tilespmem:s17+$0xA380]  }
0x473: {  	v60 =	vld [tilespmem:s15+$0xBC80];
	v3 =	vadd.f32 v55, v3;
	v1 =	vadd.f32 v56, v1  }
0x474: {  	v61 =	vld [tilespmem:s17+$0xA400]  }
0x475: {  	v62 =	vld [tilespmem:s15+$0xBD00];
	v3 =	vadd.f32 v57, v3;
	v1 =	vadd.f32 v58, v1  }
0x476: {  	v63 =	vld [tilespmem:s17+$0xA480]  }
0x477: {  	v12 =	vld [tilespmem:s15+$0xBD80];
	v3 =	vadd.f32 v59, v3;
	v1 =	vadd.f32 v2, v1  }
0x478: {  	v2 =	vld [tilespmem:s17+$0xA500]  }
0x479: {  	v13 =	vld [tilespmem:s15+$0xBE00];
	v3 =	vadd.f32 v60, v3;
	v1 =	vadd.f32 v61, v1  }
0x47a: {  	v14 =	vld [tilespmem:s17+$0xA580]  }
0x47b: {  	v15 =	vld [tilespmem:s15+$0xBE80];
	v3 =	vadd.f32 v62, v3;
	v1 =	vadd.f32 v63, v1  }
0x47c: {  	v16 =	vld [tilespmem:s17+$0xA600]  }
0x47d: {  	v17 =	vld [tilespmem:s15+$0xBF00];
	v3 =	vadd.f32 v12, v3;
	v1 =	vadd.f32 v2, v1  }
0x47e: {  	v2 =	vld [tilespmem:s17+$0xA680]  }
0x47f: {  	v19 =	vld [tilespmem:s17+$0xA700];
	v3 =	vadd.f32 v13, v3;
	v1 =	vadd.f32 v14, v1  }
0x480: {  	v18 =	vld [tilespmem:s15+$0xBF80]  }
0x481: {  	v20 =	vld [tilespmem:s15+$0xC000];
	v3 =	vadd.f32 v15, v3;
	v1 =	vadd.f32 v16, v1  }
0x482: {  	v21 =	vld [tilespmem:s17+$0xA780]  }
0x483: {  	v22 =	vld [tilespmem:s15+$0xC080];
	v3 =	vadd.f32 v17, v3;
	v1 =	vadd.f32 v2, v1  }
0x484: {  	v2 =	vld [tilespmem:s17+$0xA800]  }
0x485: {  	v23 =	vld [tilespmem:s15+$0xC100];
	v3 =	vadd.f32 v18, v3;
	v1 =	vadd.f32 v19, v1  }
0x486: {  	v24 =	vld [tilespmem:s17+$0xA880]  }
0x487: {  	v25 =	vld [tilespmem:s15+$0xC180];
	v3 =	vadd.f32 v20, v3;
	v1 =	vadd.f32 v21, v1  }
0x488: {  	v26 =	vld [tilespmem:s17+$0xA900]  }
0x489: {  	v27 =	vld [tilespmem:s15+$0xC200];
	v3 =	vadd.f32 v22, v3;
	v1 =	vadd.f32 v2, v1  }
0x48a: {  	v2 =	vld [tilespmem:s17+$0xA980]  }
0x48b: {  	v28 =	vld [tilespmem:s15+$0xC280];
	v3 =	vadd.f32 v23, v3;
	v1 =	vadd.f32 v24, v1  }
0x48c: {  	v29 =	vld [tilespmem:s17+$0xAA00]  }
0x48d: {  	v30 =	vld [tilespmem:s15+$0xC300];
	v3 =	vadd.f32 v25, v3;
	v1 =	vadd.f32 v26, v1  }
0x48e: {  	v31 =	vld [tilespmem:s17+$0xAA80]  }
0x48f: {  	v32 =	vld [tilespmem:s15+$0xC380];
	v3 =	vadd.f32 v27, v3;
	v1 =	vadd.f32 v2, v1  }
0x490: {  	v2 =	vld [tilespmem:s17+$0xAB00]  }
0x491: {  	v33 =	vld [tilespmem:s15+$0xC400];
	v3 =	vadd.f32 v28, v3;
	v1 =	vadd.f32 v29, v1  }
0x492: {  	v34 =	vld [tilespmem:s17+$0xAB80]  }
0x493: {  	v35 =	vld [tilespmem:s15+$0xC480];
	v3 =	vadd.f32 v30, v3;
	v1 =	vadd.f32 v31, v1  }
0x494: {  	v36 =	vld [tilespmem:s17+$0xAC00]  }
0x495: {  	v37 =	vld [tilespmem:s15+$0xC500];
	v3 =	vadd.f32 v32, v3;
	v1 =	vadd.f32 v2, v1  }
0x496: {  	v2 =	vld [tilespmem:s17+$0xAC80]  }
0x497: {  	v38 =	vld [tilespmem:s15+$0xC580];
	v3 =	vadd.f32 v33, v3;
	v1 =	vadd.f32 v34, v1  }
0x498: {  	v39 =	vld [tilespmem:s17+$0xAD00]  }
0x499: {  	v40 =	vld [tilespmem:s15+$0xC600];
	v3 =	vadd.f32 v35, v3;
	v1 =	vadd.f32 v36, v1  }
0x49a: {  	v41 =	vld [tilespmem:s17+$0xAD80]  }
0x49b: {  	v42 =	vld [tilespmem:s15+$0xC680];
	v3 =	vadd.f32 v37, v3;
	v1 =	vadd.f32 v2, v1  }
0x49c: {  	v2 =	vld [tilespmem:s17+$0xAE00]  }
0x49d: {  	v43 =	vld [tilespmem:s15+$0xC700];
	v3 =	vadd.f32 v38, v3;
	v1 =	vadd.f32 v39, v1  }
0x49e: {  	v44 =	vld [tilespmem:s17+$0xAE80]  }
0x49f: {  	v45 =	vld [tilespmem:s15+$0xC780];
	v3 =	vadd.f32 v40, v3;
	v1 =	vadd.f32 v41, v1  }
0x4a0: {  	v46 =	vld [tilespmem:s17+$0xAF00]  }
0x4a1: {  	v3 =	vadd.f32 v42, v3;
	v1 =	vadd.f32 v2, v1  }
0x4a2: {  	v2 =	vld [tilespmem:s17+$0xAF80]  }
0x4a3: {  	v3 =	vadd.f32 v43, v3;
	v1 =	vadd.f32 v44, v1  }
0x4a4: {  	v47 =	vld [tilespmem:s17+$0xB000]  }
0x4a5: {  	v3 =	vadd.f32 v45, v3;
	v1 =	vadd.f32 v46, v1  }
0x4a6: {  	v48 =	vld [tilespmem:s17+$0xB080]  }
0x4a7: {  	[tilespmem:s15+$0xC880] =	vst v3;
	v1 =	vadd.f32 v2, v1  }
0x4a8: {  	v2 =	vld [tilespmem:s17+$0xB100]  }
0x4a9: {  	v1 =	vadd.f32 v47, v1  }
0x4aa: {  	v3 =	vld [tilespmem:s17+$0xB180]  }
0x4ab: {  	v1 =	vadd.f32 v48, v1  }
0x4ac: {  	v49 =	vld [tilespmem:s17+$0xB200]  }
0x4ad: {  	v1 =	vadd.f32 v2, v1  }
0x4ae: {  	v2 =	vld [tilespmem:s17+$0xB280]  }
0x4af: {  	v1 =	vadd.f32 v3, v1  }
0x4b0: {  	v3 =	vld [tilespmem:s17+$0xB300]  }
0x4b1: {  	v1 =	vadd.f32 v49, v1  }
0x4b2: {  	v50 =	vld [tilespmem:s17+$0xB380]  }
0x4b3: {  	v1 =	vadd.f32 v2, v1  }
0x4b4: {  	v2 =	vld [tilespmem:s17+$0xB400]  }
0x4b5: {  	v1 =	vadd.f32 v3, v1  }
0x4b6: {  	v3 =	vld [tilespmem:s17+$0xB480]  }
0x4b7: {  	v1 =	vadd.f32 v50, v1  }
0x4b8: {  	v51 =	vld [tilespmem:s17+$0xB500]  }
0x4b9: {  	v1 =	vadd.f32 v2, v1  }
0x4ba: {  	v2 =	vld [tilespmem:s17+$0xB580]  }
0x4bb: {  	v1 =	vadd.f32 v3, v1  }
0x4bc: {  	v3 =	vld [tilespmem:s17+$0xB600]  }
0x4bd: {  	v1 =	vadd.f32 v51, v1  }
0x4be: {  	v52 =	vld [tilespmem:s17+$0xB680]  }
0x4bf: {  	v1 =	vadd.f32 v2, v1  }
0x4c0: {  	v2 =	vld [tilespmem:s17+$0xB700]  }
0x4c1: {  	v1 =	vadd.f32 v3, v1  }
0x4c2: {  	v3 =	vld [tilespmem:s17+$0xB780]  }
0x4c3: {  	v1 =	vadd.f32 v52, v1  }
0x4c4: {  	v53 =	vld [tilespmem:s17+$0xB800]  }
0x4c5: {  	v1 =	vadd.f32 v2, v1  }
0x4c6: {  	v2 =	vld [tilespmem:s17+$0xB880]  }
0x4c7: {  	v1 =	vadd.f32 v3, v1  }
0x4c8: {  	v3 =	vld [tilespmem:s17+$0xB900]  }
0x4c9: {  	v1 =	vadd.f32 v53, v1  }
0x4ca: {  	v54 =	vld [tilespmem:s17+$0xB980]  }
0x4cb: {  	v1 =	vadd.f32 v2, v1  }
0x4cc: {  	v2 =	vld [tilespmem:s17+$0xBA00]  }
0x4cd: {  	v1 =	vadd.f32 v3, v1  }
0x4ce: {  	v3 =	vld [tilespmem:s17+$0xBA80]  }
0x4cf: {  	v1 =	vadd.f32 v54, v1  }
0x4d0: {  	v55 =	vld [tilespmem:s17+$0xBB00]  }
0x4d1: {  	v1 =	vadd.f32 v2, v1  }
0x4d2: {  	v2 =	vld [tilespmem:s17+$0xBB80]  }
0x4d3: {  	v1 =	vadd.f32 v3, v1  }
0x4d4: {  	v3 =	vld [tilespmem:s17+$0xBC00]  }
0x4d5: {  	v1 =	vadd.f32 v55, v1  }
0x4d6: {  	v56 =	vld [tilespmem:s17+$0xBC80]  }
0x4d7: {  	v1 =	vadd.f32 v2, v1  }
0x4d8: {  	v2 =	vld [tilespmem:s17+$0xBD00]  }
0x4d9: {  	v1 =	vadd.f32 v3, v1  }
0x4da: {  	v3 =	vld [tilespmem:s17+$0xBD80]  }
0x4db: {  	v1 =	vadd.f32 v56, v1  }
0x4dc: {  	v57 =	vld [tilespmem:s17+$0xBE00]  }
0x4dd: {  	v1 =	vadd.f32 v2, v1  }
0x4de: {  	v2 =	vld [tilespmem:s17+$0xBE80]  }
0x4df: {  	v1 =	vadd.f32 v3, v1  }
0x4e0: {  	v3 =	vld [tilespmem:s17+$0xBF00]  }
0x4e1: {  	v1 =	vadd.f32 v57, v1  }
0x4e2: {  	v58 =	vld [tilespmem:s17+$0xBF80]  }
0x4e3: {  	v1 =	vadd.f32 v2, v1  }
0x4e4: {  	v2 =	vld [tilespmem:s17+$0xC000]  }
0x4e5: {  	v1 =	vadd.f32 v3, v1  }
0x4e6: {  	v3 =	vld [tilespmem:s17+$0xC080]  }
0x4e7: {  	v1 =	vadd.f32 v58, v1  }
0x4e8: {  	v59 =	vld [tilespmem:s17+$0xC100]  }
0x4e9: {  	v1 =	vadd.f32 v2, v1  }
0x4ea: {  	v2 =	vld [tilespmem:s17+$0xC180]  }
0x4eb: {  	v1 =	vadd.f32 v3, v1  }
0x4ec: {  	v3 =	vld [tilespmem:s17+$0xC200]  }
0x4ed: {  	v1 =	vadd.f32 v59, v1  }
0x4ee: {  	v60 =	vld [tilespmem:s17+$0xC280]  }
0x4ef: {  	v1 =	vadd.f32 v2, v1  }
0x4f0: {  	v2 =	vld [tilespmem:s17+$0xC300]  }
0x4f1: {  	v1 =	vadd.f32 v3, v1  }
0x4f2: {  	v3 =	vld [tilespmem:s17+$0xC380]  }
0x4f3: {  	v1 =	vadd.f32 v60, v1  }
0x4f4: {  	v61 =	vld [tilespmem:s17+$0xC400]  }
0x4f5: {  	v1 =	vadd.f32 v2, v1  }
0x4f6: {  	v2 =	vld [tilespmem:s17+$0xC480]  }
0x4f7: {  	v1 =	vadd.f32 v3, v1  }
0x4f8: {  	v3 =	vld [tilespmem:s17+$0xC500]  }
0x4f9: {  	v1 =	vadd.f32 v61, v1  }
0x4fa: {  	v62 =	vld [tilespmem:s17+$0xC580]  }
0x4fb: {  	v1 =	vadd.f32 v2, v1  }
0x4fc: {  	v2 =	vld [tilespmem:s17+$0xC600]  }
0x4fd: {  	v1 =	vadd.f32 v3, v1  }
0x4fe: {  	v3 =	vld [tilespmem:s17+$0xC680]  }
0x4ff: {  	v1 =	vadd.f32 v62, v1  }
0x500: {  	v63 =	vld [tilespmem:s17+$0xC700]  }
0x501: {  	v1 =	vadd.f32 v2, v1  }
0x502: {  	v2 =	vld [tilespmem:s17+$0xC780]  }
0x503: {  	v1 =	vadd.f32 v3, v1;
	_ =	sdelay $0x1  }
0x504: {  	v1 =	vadd.f32 v63, v1;
	_ =	sdelay $0x1  }
0x505: {  	s16 =	sand.u32 $0x3C000, s14;
	v1 =	vadd.f32 v2, v1  }
0x506: {  	s18 =	sand.u32 $0x70, s14;
	s15 =	sadd.s32 s16, s22  }
0x507: {  	s14 =	simm.s32 $0x3200;
	s15 =	sadd.s32 s18, s15;
	[tilespmem:s17+$0xC880] =	vst v1  }
0x508: {  	[tilespmem:s14], [sflag:$0x2] =	stream.linear.gather [hbm4b:s15+s3], $0x80, $0x38;
	[tilespmem:$0x1FBC0] =	vst v63  }
0x509: {  	s16 =	simm.s32 $0x10;
	s15 =	simm.s32 $0x800  }
.LBB2_21:
0x50a: {  	s17 =	sand.u32 $0x3C000, s15;
	p1 =	sne.s32 s15, $0x31800;
	s15 =	sadd.s32 $0x800, s15  }
.Ltmp10:
0x50b: {  	s18 =	sand.u32 $0x70, s16;
	s17 =	sadd.s32 s17, s22;
	(pc) =	sbr.rel @p1 .LBB2_21-.Ltmp10, $4  }
0x50c: {  	s14 =	sadd.s32 $0x80, s14;
	s17 =	sadd.s32 s18, s17  }
0x50d: {  	[tilespmem:s14], [sflag:$0x2] =	stream.linear.gather [hbm4b:s17+s3], $0x80, $0x38;
	[tilespmem:$0x1FBC0] =	vst v63  }
0x50e: {  	_ = 	snop  }
0x50f: {  	s16 =	sadd.s32 $0x10, s16  }
0x510: {  	_ =	swait.ge [sflag:s26], $0x600  }
0x511: {  	[sflag:s26] =	ssyncset.done $0x0  }
0x512: {  	[sflag:s26] =	ssyncadd.s32 $0xFFFFFA00  }
0x513: {  	_ =	swait.ge [sflag:s8], $0x2C00  }
0x514: {  	[sflag:s8] =	ssyncset.done $0x0  }
0x515: {  	[sflag:s8] =	ssyncadd.s32 $0xFFFFD400  }
0x516: {  	_ =	swait.ge [sflag:s30], $0x80  }
0x517: {  	s14 =	simm.s32 $0x63;
	[sflag:s30] =	ssyncset.done $0x0  }
.LBB2_23:
0x518: {  	p1 =	sne.s32 s14, $0x1;
	s14 =	sadd.s32 $0xFFFFFFFF, s14;
	[sflag:s30] =	ssyncadd.s32 $0xFFFFFF80  }
.Ltmp11:
0x519: {  	(pc) =	sbr.rel @p1 .LBB2_23-.Ltmp11, $3  }
0x51a: {  	_ =	sdelay $0x1  }
0x51b: {  	_ =	swait.ge [sflag:s30], $0x80  }
0x51c: {  	[sflag:s30] =	ssyncset.done $0x0  }
0x51d: {  	[sflag:s30] =	ssyncadd.s32 $0xFFFFFF80  }
0x51e: {  	[tilespmem:s10], [sflag:$0x3] =	stream.indirect.gather [hbm4b:s1+s31], $0x1, s9, s31, $0xb8;
	[tilespmem:$0x1FBC0] =	vst v63  }
0x51f: {  	s15 =	simm.s32 $0x0  }
0x520: {  	[tilespmem:s12], [sflag:$0x1] =	stream.indirect.gather [spmem:s2], $0x1, s11, s4, $0xb8;
	[tilespmem:$0x1FBC0] =	vst v63  }
0x521: {  	v1 =	vld [tilespmem:s15+$0x6400];
	_ =	sdelay $0x1  }
0x522: {  	v2 =	vld [tilespmem:s15+$0x6480];
	_ =	sdelay $0x1  }
0x523: {  	v3 =	vld [tilespmem:s15+$0x6500]  }
0x524: {  	v1 =	vadd.f32 v1, v0  }
0x525: {  	v4 =	vld [tilespmem:s15+$0x6580]  }
0x526: {  	v1 =	vadd.f32 v2, v1  }
0x527: {  	v2 =	vld [tilespmem:s15+$0x6600]  }
0x528: {  	v1 =	vadd.f32 v3, v1  }
0x529: {  	v3 =	vld [tilespmem:s15+$0x6680]  }
0x52a: {  	v1 =	vadd.f32 v4, v1  }
0x52b: {  	v4 =	vld [tilespmem:s15+$0x6700]  }
0x52c: {  	v1 =	vadd.f32 v2, v1  }
0x52d: {  	v2 =	vld [tilespmem:s15+$0x6780]  }
0x52e: {  	v1 =	vadd.f32 v3, v1  }
0x52f: {  	v3 =	vld [tilespmem:s15+$0x6800]  }
0x530: {  	v1 =	vadd.f32 v4, v1  }
0x531: {  	v4 =	vld [tilespmem:s15+$0x6880]  }
0x532: {  	v1 =	vadd.f32 v2, v1  }
0x533: {  	v2 =	vld [tilespmem:s15+$0x6900]  }
0x534: {  	v1 =	vadd.f32 v3, v1  }
0x535: {  	v3 =	vld [tilespmem:s15+$0x6980]  }
0x536: {  	v1 =	vadd.f32 v4, v1  }
0x537: {  	v4 =	vld [tilespmem:s15+$0x6A00]  }
0x538: {  	v1 =	vadd.f32 v2, v1  }
0x539: {  	v2 =	vld [tilespmem:s15+$0x6A80]  }
0x53a: {  	v1 =	vadd.f32 v3, v1  }
0x53b: {  	v3 =	vld [tilespmem:s15+$0x6B00]  }
0x53c: {  	v1 =	vadd.f32 v4, v1  }
0x53d: {  	v4 =	vld [tilespmem:s15+$0x6B80]  }
0x53e: {  	v1 =	vadd.f32 v2, v1  }
0x53f: {  	v2 =	vld [tilespmem:s15+$0x6C00]  }
0x540: {  	v1 =	vadd.f32 v3, v1  }
0x541: {  	v3 =	vld [tilespmem:s15+$0x6C80]  }
0x542: {  	v1 =	vadd.f32 v4, v1  }
0x543: {  	v4 =	vld [tilespmem:s15+$0x6D00]  }
0x544: {  	v1 =	vadd.f32 v2, v1  }
0x545: {  	v2 =	vld [tilespmem:s15+$0x6D80]  }
0x546: {  	v1 =	vadd.f32 v3, v1  }
0x547: {  	v3 =	vld [tilespmem:s15+$0x6E00]  }
0x548: {  	v1 =	vadd.f32 v4, v1  }
0x549: {  	v4 =	vld [tilespmem:s15+$0x6E80]  }
0x54a: {  	v1 =	vadd.f32 v2, v1  }
0x54b: {  	v2 =	vld [tilespmem:s15+$0x6F00]  }
0x54c: {  	v1 =	vadd.f32 v3, v1  }
0x54d: {  	v3 =	vld [tilespmem:s15+$0x6F80]  }
0x54e: {  	v1 =	vadd.f32 v4, v1  }
0x54f: {  	v4 =	vld [tilespmem:s15+$0x7000]  }
0x550: {  	v1 =	vadd.f32 v2, v1  }
0x551: {  	v2 =	vld [tilespmem:s15+$0x7080]  }
0x552: {  	v1 =	vadd.f32 v3, v1  }
0x553: {  	v3 =	vld [tilespmem:s15+$0x7100]  }
0x554: {  	v1 =	vadd.f32 v4, v1  }
0x555: {  	v4 =	vld [tilespmem:s15+$0x7180]  }
0x556: {  	v1 =	vadd.f32 v2, v1  }
0x557: {  	v2 =	vld [tilespmem:s15+$0x7200]  }
0x558: {  	v1 =	vadd.f32 v3, v1  }
0x559: {  	v3 =	vld [tilespmem:s15+$0x7280]  }
0x55a: {  	v1 =	vadd.f32 v4, v1  }
0x55b: {  	v4 =	vld [tilespmem:s15+$0x7300]  }
0x55c: {  	v1 =	vadd.f32 v2, v1  }
0x55d: {  	v2 =	vld [tilespmem:s15+$0x7380]  }
0x55e: {  	v1 =	vadd.f32 v3, v1  }
0x55f: {  	v3 =	vld [tilespmem:s15+$0x7400]  }
0x560: {  	v1 =	vadd.f32 v4, v1  }
0x561: {  	v4 =	vld [tilespmem:s15+$0x7480]  }
0x562: {  	v1 =	vadd.f32 v2, v1  }
0x563: {  	v2 =	vld [tilespmem:s15+$0x7500]  }
0x564: {  	v1 =	vadd.f32 v3, v1  }
0x565: {  	v3 =	vld [tilespmem:s15+$0x7580]  }
0x566: {  	v1 =	vadd.f32 v4, v1  }
0x567: {  	v4 =	vld [tilespmem:s15+$0x7600]  }
0x568: {  	v1 =	vadd.f32 v2, v1  }
0x569: {  	v2 =	vld [tilespmem:s15+$0x7680]  }
0x56a: {  	v1 =	vadd.f32 v3, v1  }
0x56b: {  	v3 =	vld [tilespmem:s15+$0x7700]  }
0x56c: {  	v1 =	vadd.f32 v4, v1  }
0x56d: {  	v4 =	vld [tilespmem:s15+$0x7780]  }
0x56e: {  	v1 =	vadd.f32 v2, v1  }
0x56f: {  	v2 =	vld [tilespmem:s15+$0x7800]  }
0x570: {  	v1 =	vadd.f32 v3, v1  }
0x571: {  	v3 =	vld [tilespmem:s15+$0x7880]  }
0x572: {  	v1 =	vadd.f32 v4, v1  }
0x573: {  	v4 =	vld [tilespmem:s15+$0x7900]  }
0x574: {  	v1 =	vadd.f32 v2, v1  }
0x575: {  	v2 =	vld [tilespmem:s15+$0x7980]  }
0x576: {  	v1 =	vadd.f32 v3, v1  }
0x577: {  	v3 =	vld [tilespmem:s15+$0x7A00]  }
0x578: {  	v1 =	vadd.f32 v4, v1  }
0x579: {  	v4 =	vld [tilespmem:s15+$0x7A80]  }
0x57a: {  	v1 =	vadd.f32 v2, v1  }
0x57b: {  	v2 =	vld [tilespmem:s15+$0x7B00]  }
0x57c: {  	v1 =	vadd.f32 v3, v1  }
0x57d: {  	v3 =	vld [tilespmem:s15+$0x7B80]  }
0x57e: {  	v1 =	vadd.f32 v4, v1  }
0x57f: {  	v4 =	vld [tilespmem:s15+$0x7C00]  }
0x580: {  	v1 =	vadd.f32 v2, v1  }
0x581: {  	s14 =	simm.s32 $0x10;
	v2 =	vld [tilespmem:s15+$0x7C80]  }
0x582: {  	v5 =	vld [tilespmem:s14+$0x6400];
	v1 =	vadd.f32 v3, v1  }
0x583: {  	v3 =	vld [tilespmem:s15+$0x7D00]  }
0x584: {  	v6 =	vld [tilespmem:s14+$0x6480];
	v1 =	vadd.f32 v4, v1  }
0x585: {  	v4 =	vld [tilespmem:s15+$0x7D80]  }
0x586: {  	v7 =	vld [tilespmem:s14+$0x6500];
	v1 =	vadd.f32 v2, v1  }
0x587: {  	v2 =	vld [tilespmem:s15+$0x7E00]  }
0x588: {  	v8 =	vld [tilespmem:s14+$0x6580];
	v5 =	vadd.f32 v5, v0;
	v1 =	vadd.f32 v3, v1  }
0x589: {  	v3 =	vld [tilespmem:s15+$0x7E80]  }
0x58a: {  	v5 =	vadd.f32 v6, v5;
	v6 =	vld [tilespmem:s14+$0x6600];
	v1 =	vadd.f32 v4, v1  }
0x58b: {  	v4 =	vld [tilespmem:s15+$0x7F00]  }
0x58c: {  	v5 =	vadd.f32 v7, v5;
	v7 =	vld [tilespmem:s14+$0x6680];
	v1 =	vadd.f32 v2, v1  }
0x58d: {  	v2 =	vld [tilespmem:s15+$0x7F80]  }
0x58e: {  	v5 =	vadd.f32 v8, v5;
	v8 =	vld [tilespmem:s14+$0x6700];
	v1 =	vadd.f32 v3, v1  }
0x58f: {  	v3 =	vld [tilespmem:s15+$0x8000]  }
0x590: {  	v5 =	vadd.f32 v6, v5;
	v6 =	vld [tilespmem:s14+$0x6780];
	v1 =	vadd.f32 v4, v1  }
0x591: {  	v4 =	vld [tilespmem:s15+$0x8080]  }
0x592: {  	v5 =	vadd.f32 v7, v5;
	v7 =	vld [tilespmem:s14+$0x6800];
	v1 =	vadd.f32 v2, v1  }
0x593: {  	v2 =	vld [tilespmem:s15+$0x8100]  }
0x594: {  	v5 =	vadd.f32 v8, v5;
	v8 =	vld [tilespmem:s14+$0x6880];
	v1 =	vadd.f32 v3, v1  }
0x595: {  	v3 =	vld [tilespmem:s15+$0x8180]  }
0x596: {  	v5 =	vadd.f32 v6, v5;
	v6 =	vld [tilespmem:s14+$0x6900];
	v1 =	vadd.f32 v4, v1  }
0x597: {  	v4 =	vld [tilespmem:s15+$0x8200]  }
0x598: {  	v5 =	vadd.f32 v7, v5;
	v7 =	vld [tilespmem:s14+$0x6980];
	v1 =	vadd.f32 v2, v1  }
0x599: {  	v2 =	vld [tilespmem:s15+$0x8280]  }
0x59a: {  	v5 =	vadd.f32 v8, v5;
	v8 =	vld [tilespmem:s14+$0x6A00];
	v1 =	vadd.f32 v3, v1  }
0x59b: {  	v3 =	vld [tilespmem:s15+$0x8300]  }
0x59c: {  	v5 =	vadd.f32 v6, v5;
	v6 =	vld [tilespmem:s14+$0x6A80];
	v1 =	vadd.f32 v4, v1  }
0x59d: {  	v4 =	vld [tilespmem:s15+$0x8380]  }
0x59e: {  	v5 =	vadd.f32 v7, v5;
	v7 =	vld [tilespmem:s14+$0x6B00];
	v1 =	vadd.f32 v2, v1  }
0x59f: {  	v2 =	vld [tilespmem:s15+$0x8400]  }
0x5a0: {  	v5 =	vadd.f32 v8, v5;
	v8 =	vld [tilespmem:s14+$0x6B80];
	v1 =	vadd.f32 v3, v1  }
0x5a1: {  	v3 =	vld [tilespmem:s15+$0x8480]  }
0x5a2: {  	v5 =	vadd.f32 v6, v5;
	v6 =	vld [tilespmem:s14+$0x6C00];
	v1 =	vadd.f32 v4, v1  }
0x5a3: {  	v4 =	vld [tilespmem:s15+$0x8500]  }
0x5a4: {  	v5 =	vadd.f32 v7, v5;
	v7 =	vld [tilespmem:s14+$0x6C80];
	v1 =	vadd.f32 v2, v1  }
0x5a5: {  	v2 =	vld [tilespmem:s15+$0x8580]  }
0x5a6: {  	v5 =	vadd.f32 v8, v5;
	v8 =	vld [tilespmem:s14+$0x6D00];
	v1 =	vadd.f32 v3, v1  }
0x5a7: {  	v3 =	vld [tilespmem:s15+$0x8600]  }
0x5a8: {  	v5 =	vadd.f32 v6, v5;
	v6 =	vld [tilespmem:s14+$0x6D80];
	v1 =	vadd.f32 v4, v1  }
0x5a9: {  	v4 =	vld [tilespmem:s15+$0x8680]  }
0x5aa: {  	v5 =	vadd.f32 v7, v5;
	v7 =	vld [tilespmem:s14+$0x6E00];
	v1 =	vadd.f32 v2, v1  }
0x5ab: {  	v2 =	vld [tilespmem:s15+$0x8700]  }
0x5ac: {  	v5 =	vadd.f32 v8, v5;
	v8 =	vld [tilespmem:s14+$0x6E80];
	v1 =	vadd.f32 v3, v1  }
0x5ad: {  	v3 =	vld [tilespmem:s15+$0x8780]  }
0x5ae: {  	v5 =	vadd.f32 v6, v5;
	v6 =	vld [tilespmem:s14+$0x6F00];
	v1 =	vadd.f32 v4, v1  }
0x5af: {  	v4 =	vld [tilespmem:s15+$0x8800]  }
0x5b0: {  	v5 =	vadd.f32 v7, v5;
	v7 =	vld [tilespmem:s14+$0x6F80];
	v1 =	vadd.f32 v2, v1  }
0x5b1: {  	v2 =	vld [tilespmem:s15+$0x8880]  }
0x5b2: {  	v5 =	vadd.f32 v8, v5;
	v8 =	vld [tilespmem:s14+$0x7000];
	v1 =	vadd.f32 v3, v1  }
0x5b3: {  	v3 =	vld [tilespmem:s15+$0x8900]  }
0x5b4: {  	v5 =	vadd.f32 v6, v5;
	v6 =	vld [tilespmem:s14+$0x7080];
	v1 =	vadd.f32 v4, v1  }
0x5b5: {  	v4 =	vld [tilespmem:s15+$0x8980]  }
0x5b6: {  	v5 =	vadd.f32 v7, v5;
	v7 =	vld [tilespmem:s14+$0x7100];
	v1 =	vadd.f32 v2, v1  }
0x5b7: {  	v2 =	vld [tilespmem:s15+$0x8A00]  }
0x5b8: {  	v5 =	vadd.f32 v8, v5;
	v8 =	vld [tilespmem:s14+$0x7180];
	v1 =	vadd.f32 v3, v1  }
0x5b9: {  	v3 =	vld [tilespmem:s15+$0x8A80]  }
0x5ba: {  	v5 =	vadd.f32 v6, v5;
	v6 =	vld [tilespmem:s14+$0x7200];
	v1 =	vadd.f32 v4, v1  }
0x5bb: {  	v4 =	vld [tilespmem:s15+$0x8B00]  }
0x5bc: {  	v5 =	vadd.f32 v7, v5;
	v7 =	vld [tilespmem:s14+$0x7280];
	v1 =	vadd.f32 v2, v1  }
0x5bd: {  	v2 =	vld [tilespmem:s15+$0x8B80]  }
0x5be: {  	v5 =	vadd.f32 v8, v5;
	v8 =	vld [tilespmem:s14+$0x7300];
	v1 =	vadd.f32 v3, v1  }
0x5bf: {  	v3 =	vld [tilespmem:s15+$0x8C00]  }
0x5c0: {  	v5 =	vadd.f32 v6, v5;
	v6 =	vld [tilespmem:s14+$0x7380];
	v1 =	vadd.f32 v4, v1  }
0x5c1: {  	v4 =	vld [tilespmem:s15+$0x8C80]  }
0x5c2: {  	v5 =	vadd.f32 v7, v5;
	v7 =	vld [tilespmem:s14+$0x7400];
	v1 =	vadd.f32 v2, v1  }
0x5c3: {  	v2 =	vld [tilespmem:s15+$0x8D00]  }
0x5c4: {  	v5 =	vadd.f32 v8, v5;
	v8 =	vld [tilespmem:s14+$0x7480];
	v1 =	vadd.f32 v3, v1  }
0x5c5: {  	v3 =	vld [tilespmem:s15+$0x8D80]  }
0x5c6: {  	v5 =	vadd.f32 v6, v5;
	v6 =	vld [tilespmem:s14+$0x7500];
	v1 =	vadd.f32 v4, v1  }
0x5c7: {  	v4 =	vld [tilespmem:s15+$0x8E00]  }
0x5c8: {  	v5 =	vadd.f32 v7, v5;
	v7 =	vld [tilespmem:s14+$0x7580];
	v1 =	vadd.f32 v2, v1  }
0x5c9: {  	v2 =	vld [tilespmem:s15+$0x8E80]  }
0x5ca: {  	v5 =	vadd.f32 v8, v5;
	v8 =	vld [tilespmem:s14+$0x7600];
	v1 =	vadd.f32 v3, v1  }
0x5cb: {  	v3 =	vld [tilespmem:s15+$0x8F00]  }
0x5cc: {  	v5 =	vadd.f32 v6, v5;
	v6 =	vld [tilespmem:s14+$0x7680];
	v1 =	vadd.f32 v4, v1  }
0x5cd: {  	v4 =	vld [tilespmem:s15+$0x8F80]  }
0x5ce: {  	v5 =	vadd.f32 v7, v5;
	v7 =	vld [tilespmem:s14+$0x7700];
	v1 =	vadd.f32 v2, v1  }
0x5cf: {  	v2 =	vld [tilespmem:s15+$0x9000]  }
0x5d0: {  	v5 =	vadd.f32 v8, v5;
	v8 =	vld [tilespmem:s14+$0x7780];
	v1 =	vadd.f32 v3, v1  }
0x5d1: {  	v3 =	vld [tilespmem:s15+$0x9080]  }
0x5d2: {  	v5 =	vadd.f32 v6, v5;
	v6 =	vld [tilespmem:s14+$0x7800];
	v1 =	vadd.f32 v4, v1  }
0x5d3: {  	v4 =	vld [tilespmem:s15+$0x9100]  }
0x5d4: {  	v5 =	vadd.f32 v7, v5;
	v7 =	vld [tilespmem:s14+$0x7880];
	v1 =	vadd.f32 v2, v1  }
0x5d5: {  	v2 =	vld [tilespmem:s15+$0x9180]  }
0x5d6: {  	v5 =	vadd.f32 v8, v5;
	v8 =	vld [tilespmem:s14+$0x7900];
	v1 =	vadd.f32 v3, v1  }
0x5d7: {  	v3 =	vld [tilespmem:s15+$0x9200]  }
0x5d8: {  	v5 =	vadd.f32 v6, v5;
	v6 =	vld [tilespmem:s14+$0x7980];
	v1 =	vadd.f32 v4, v1  }
0x5d9: {  	v4 =	vld [tilespmem:s15+$0x9280]  }
0x5da: {  	v5 =	vadd.f32 v7, v5;
	v7 =	vld [tilespmem:s14+$0x7A00];
	v1 =	vadd.f32 v2, v1  }
0x5db: {  	v2 =	vld [tilespmem:s15+$0x9300]  }
0x5dc: {  	v5 =	vadd.f32 v8, v5;
	v8 =	vld [tilespmem:s14+$0x7A80];
	v1 =	vadd.f32 v3, v1  }
0x5dd: {  	v3 =	vld [tilespmem:s15+$0x9380]  }
0x5de: {  	v9 =	vld [tilespmem:s14+$0x7B00];
	v5 =	vadd.f32 v6, v5;
	v1 =	vadd.f32 v4, v1  }
0x5df: {  	v6 =	vld [tilespmem:s15+$0x9400]  }
0x5e0: {  	v10 =	vld [tilespmem:s14+$0x7B80];
	v4 =	vadd.f32 v7, v5;
	v1 =	vadd.f32 v2, v1  }
0x5e1: {  	v7 =	vld [tilespmem:s15+$0x9480]  }
0x5e2: {  	v2 =	vadd.f32 v8, v4;
	v4 =	vld [tilespmem:s14+$0x7C00];
	v3 =	vadd.f32 v3, v1  }
0x5e3: {  	v1 =	vld [tilespmem:s15+$0x9500]  }
0x5e4: {  	v5 =	vld [tilespmem:s14+$0x7C80];
	v8 =	vadd.f32 v9, v2;
	v63 =	vadd.f32 v6, v3  }
0x5e5: {  	v2 =	vld [tilespmem:s15+$0x9580]  }
0x5e6: {  	s16 =	simm.s32 $0x20;
	s17 =	simm.s32 $0xC0;
	v6 =	vadd.f32 v10, v8;
	v3 =	vld [tilespmem:s14+$0x7D00];
	v7 =	vadd.f32 v7, v63  }
.LBB2_25:
0x5e7: {  	p1 =	sne.s32 s17, $0x1C0;
	v8 =	vld [tilespmem:s16+$0x6400]  }
0x5e8: {  	v4 =	vadd.f32 v4, v6;
	v6 =	vld [tilespmem:s14+$0x7D80];
	v1 =	vadd.f32 v1, v7  }
0x5e9: {  	v7 =	vld [tilespmem:s16+$0x6480]  }
0x5ea: {  	v4 =	vadd.f32 v5, v4;
	v5 =	vld [tilespmem:s14+$0x7E00];
	v1 =	vadd.f32 v2, v1  }
0x5eb: {  	v2 =	vld [tilespmem:s16+$0x6500]  }
0x5ec: {  	v8 =	vadd.f32 v8, v0;
	v3 =	vadd.f32 v3, v4;
	v4 =	vld [tilespmem:s14+$0x7E80];
	[tilespmem:s15+$0xC900] =	vst v1;
	s15 =	smov.u32 s14;
	s14 =	smov.u32 s16  }
0x5ed: {  	v1 =	vld [tilespmem:s14+$0x6580]  }
0x5ee: {  	v7 =	vadd.f32 v7, v8;
	v3 =	vadd.f32 v6, v3;
	v6 =	vld [tilespmem:s15+$0x7F00]  }
0x5ef: {  	v8 =	vld [tilespmem:s14+$0x6600]  }
0x5f0: {  	v2 =	vadd.f32 v2, v7;
	v3 =	vadd.f32 v5, v3;
	v5 =	vld [tilespmem:s15+$0x7F80]  }
0x5f1: {  	v7 =	vld [tilespmem:s14+$0x6680]  }
0x5f2: {  	v1 =	vadd.f32 v1, v2;
	v2 =	vadd.f32 v4, v3;
	v3 =	vld [tilespmem:s15+$0x8000]  }
0x5f3: {  	v4 =	vld [tilespmem:s14+$0x6700]  }
0x5f4: {  	v1 =	vadd.f32 v8, v1;
	v2 =	vadd.f32 v6, v2;
	v6 =	vld [tilespmem:s15+$0x8080]  }
0x5f5: {  	v8 =	vld [tilespmem:s14+$0x6780]  }
0x5f6: {  	v1 =	vadd.f32 v7, v1;
	v2 =	vadd.f32 v5, v2;
	v5 =	vld [tilespmem:s15+$0x8100]  }
0x5f7: {  	v7 =	vld [tilespmem:s14+$0x6800]  }
0x5f8: {  	v1 =	vadd.f32 v4, v1;
	v2 =	vadd.f32 v3, v2;
	v3 =	vld [tilespmem:s15+$0x8180]  }
0x5f9: {  	v4 =	vld [tilespmem:s14+$0x6880]  }
0x5fa: {  	v1 =	vadd.f32 v8, v1;
	v2 =	vadd.f32 v6, v2;
	v6 =	vld [tilespmem:s15+$0x8200]  }
0x5fb: {  	v8 =	vld [tilespmem:s14+$0x6900]  }
0x5fc: {  	v1 =	vadd.f32 v7, v1;
	v2 =	vadd.f32 v5, v2;
	v5 =	vld [tilespmem:s15+$0x8280]  }
0x5fd: {  	v7 =	vld [tilespmem:s14+$0x6980]  }
0x5fe: {  	v1 =	vadd.f32 v4, v1;
	v2 =	vadd.f32 v3, v2;
	v3 =	vld [tilespmem:s15+$0x8300]  }
0x5ff: {  	v4 =	vld [tilespmem:s14+$0x6A00]  }
0x600: {  	v1 =	vadd.f32 v8, v1;
	v2 =	vadd.f32 v6, v2;
	v6 =	vld [tilespmem:s15+$0x8380]  }
0x601: {  	v8 =	vld [tilespmem:s14+$0x6A80]  }
0x602: {  	v1 =	vadd.f32 v7, v1;
	v2 =	vadd.f32 v5, v2;
	v5 =	vld [tilespmem:s15+$0x8400]  }
0x603: {  	v7 =	vld [tilespmem:s14+$0x6B00]  }
0x604: {  	v1 =	vadd.f32 v4, v1;
	v2 =	vadd.f32 v3, v2;
	v3 =	vld [tilespmem:s15+$0x8480]  }
0x605: {  	v4 =	vld [tilespmem:s14+$0x6B80]  }
0x606: {  	v1 =	vadd.f32 v8, v1;
	v2 =	vadd.f32 v6, v2;
	v6 =	vld [tilespmem:s15+$0x8500]  }
0x607: {  	v8 =	vld [tilespmem:s14+$0x6C00]  }
0x608: {  	v1 =	vadd.f32 v7, v1;
	v2 =	vadd.f32 v5, v2;
	v5 =	vld [tilespmem:s15+$0x8580]  }
0x609: {  	v7 =	vld [tilespmem:s14+$0x6C80]  }
0x60a: {  	v1 =	vadd.f32 v4, v1;
	v2 =	vadd.f32 v3, v2;
	v3 =	vld [tilespmem:s15+$0x8600]  }
0x60b: {  	v4 =	vld [tilespmem:s14+$0x6D00]  }
0x60c: {  	v1 =	vadd.f32 v8, v1;
	v2 =	vadd.f32 v6, v2;
	v6 =	vld [tilespmem:s15+$0x8680]  }
0x60d: {  	v8 =	vld [tilespmem:s14+$0x6D80]  }
0x60e: {  	v1 =	vadd.f32 v7, v1;
	v2 =	vadd.f32 v5, v2;
	v5 =	vld [tilespmem:s15+$0x8700]  }
0x60f: {  	v7 =	vld [tilespmem:s14+$0x6E00]  }
0x610: {  	v1 =	vadd.f32 v4, v1;
	v2 =	vadd.f32 v3, v2;
	v3 =	vld [tilespmem:s15+$0x8780]  }
0x611: {  	v4 =	vld [tilespmem:s14+$0x6E80]  }
0x612: {  	v1 =	vadd.f32 v8, v1;
	v2 =	vadd.f32 v6, v2;
	v6 =	vld [tilespmem:s15+$0x8800]  }
0x613: {  	v8 =	vld [tilespmem:s14+$0x6F00]  }
0x614: {  	v1 =	vadd.f32 v7, v1;
	v2 =	vadd.f32 v5, v2;
	v5 =	vld [tilespmem:s15+$0x8880]  }
0x615: {  	v7 =	vld [tilespmem:s14+$0x6F80]  }
0x616: {  	v1 =	vadd.f32 v4, v1;
	v2 =	vadd.f32 v3, v2;
	v3 =	vld [tilespmem:s15+$0x8900]  }
0x617: {  	v4 =	vld [tilespmem:s14+$0x7000]  }
0x618: {  	v1 =	vadd.f32 v8, v1;
	v2 =	vadd.f32 v6, v2;
	v6 =	vld [tilespmem:s15+$0x8980]  }
0x619: {  	v8 =	vld [tilespmem:s14+$0x7080]  }
0x61a: {  	v1 =	vadd.f32 v7, v1;
	v2 =	vadd.f32 v5, v2;
	v5 =	vld [tilespmem:s15+$0x8A00]  }
0x61b: {  	v7 =	vld [tilespmem:s14+$0x7100]  }
0x61c: {  	v1 =	vadd.f32 v4, v1;
	v2 =	vadd.f32 v3, v2;
	v3 =	vld [tilespmem:s15+$0x8A80]  }
0x61d: {  	v4 =	vld [tilespmem:s14+$0x7180]  }
0x61e: {  	v1 =	vadd.f32 v8, v1;
	v2 =	vadd.f32 v6, v2;
	v6 =	vld [tilespmem:s15+$0x8B00]  }
0x61f: {  	v8 =	vld [tilespmem:s14+$0x7200]  }
0x620: {  	v1 =	vadd.f32 v7, v1;
	v2 =	vadd.f32 v5, v2;
	v5 =	vld [tilespmem:s15+$0x8B80]  }
0x621: {  	v7 =	vld [tilespmem:s14+$0x7280]  }
0x622: {  	v1 =	vadd.f32 v4, v1;
	v2 =	vadd.f32 v3, v2;
	v3 =	vld [tilespmem:s15+$0x8C00]  }
0x623: {  	v4 =	vld [tilespmem:s14+$0x7300]  }
0x624: {  	v1 =	vadd.f32 v8, v1;
	v2 =	vadd.f32 v6, v2;
	v6 =	vld [tilespmem:s15+$0x8C80]  }
0x625: {  	v8 =	vld [tilespmem:s14+$0x7380]  }
0x626: {  	v1 =	vadd.f32 v7, v1;
	v2 =	vadd.f32 v5, v2;
	v5 =	vld [tilespmem:s15+$0x8D00]  }
0x627: {  	v7 =	vld [tilespmem:s14+$0x7400]  }
0x628: {  	v1 =	vadd.f32 v4, v1;
	v2 =	vadd.f32 v3, v2;
	v3 =	vld [tilespmem:s15+$0x8D80]  }
0x629: {  	v4 =	vld [tilespmem:s14+$0x7480]  }
0x62a: {  	v1 =	vadd.f32 v8, v1;
	v2 =	vadd.f32 v6, v2;
	v6 =	vld [tilespmem:s15+$0x8E00]  }
0x62b: {  	v8 =	vld [tilespmem:s14+$0x7500]  }
0x62c: {  	v1 =	vadd.f32 v7, v1;
	v2 =	vadd.f32 v5, v2;
	v5 =	vld [tilespmem:s15+$0x8E80]  }
0x62d: {  	v7 =	vld [tilespmem:s14+$0x7580]  }
0x62e: {  	v1 =	vadd.f32 v4, v1;
	v2 =	vadd.f32 v3, v2;
	v3 =	vld [tilespmem:s15+$0x8F00]  }
0x62f: {  	v4 =	vld [tilespmem:s14+$0x7600]  }
0x630: {  	v1 =	vadd.f32 v8, v1;
	v2 =	vadd.f32 v6, v2;
	v6 =	vld [tilespmem:s15+$0x8F80]  }
0x631: {  	v8 =	vld [tilespmem:s14+$0x7680]  }
0x632: {  	v1 =	vadd.f32 v7, v1;
	v2 =	vadd.f32 v5, v2;
	v5 =	vld [tilespmem:s15+$0x9000]  }
0x633: {  	v7 =	vld [tilespmem:s14+$0x7700]  }
0x634: {  	v1 =	vadd.f32 v4, v1;
	v2 =	vadd.f32 v3, v2;
	v3 =	vld [tilespmem:s15+$0x9080]  }
0x635: {  	v4 =	vld [tilespmem:s14+$0x7780]  }
0x636: {  	v1 =	vadd.f32 v8, v1;
	v2 =	vadd.f32 v6, v2;
	v6 =	vld [tilespmem:s15+$0x9100]  }
0x637: {  	v8 =	vld [tilespmem:s14+$0x7800]  }
0x638: {  	v1 =	vadd.f32 v7, v1;
	v2 =	vadd.f32 v5, v2;
	v5 =	vld [tilespmem:s15+$0x9180]  }
0x639: {  	v7 =	vld [tilespmem:s14+$0x7880]  }
0x63a: {  	v1 =	vadd.f32 v4, v1;
	v2 =	vadd.f32 v3, v2;
	v3 =	vld [tilespmem:s15+$0x9200]  }
0x63b: {  	v4 =	vld [tilespmem:s14+$0x7900]  }
0x63c: {  	v1 =	vadd.f32 v8, v1;
	v2 =	vadd.f32 v6, v2;
	v6 =	vld [tilespmem:s15+$0x9280]  }
0x63d: {  	v8 =	vld [tilespmem:s14+$0x7980]  }
0x63e: {  	v1 =	vadd.f32 v7, v1;
	v2 =	vadd.f32 v5, v2;
	v5 =	vld [tilespmem:s15+$0x9300]  }
0x63f: {  	v7 =	vld [tilespmem:s14+$0x7A00]  }
0x640: {  	v1 =	vadd.f32 v4, v1;
	v2 =	vadd.f32 v3, v2;
	v3 =	vld [tilespmem:s15+$0x9380]  }
0x641: {  	v4 =	vld [tilespmem:s14+$0x7A80]  }
0x642: {  	v1 =	vadd.f32 v8, v1;
	v2 =	vadd.f32 v6, v2;
	v6 =	vld [tilespmem:s15+$0x9400]  }
0x643: {  	v8 =	vld [tilespmem:s14+$0x7B00]  }
0x644: {  	v1 =	vadd.f32 v7, v1;
	v2 =	vadd.f32 v5, v2;
	v7 =	vld [tilespmem:s15+$0x9480]  }
0x645: {  	v9 =	vld [tilespmem:s14+$0x7B80]  }
.Ltmp12:
0x646: {  	v5 =	vadd.f32 v4, v1;
	v2 =	vadd.f32 v3, v2;
	v1 =	vld [tilespmem:s15+$0x9500];
	(pc) =	sbr.rel @p1 .LBB2_25-.Ltmp12, $4  }
0x647: {  	v4 =	vld [tilespmem:s14+$0x7C00]  }
0x648: {  	v3 =	vadd.f32 v8, v5;
	v8 =	vadd.f32 v6, v2;
	v2 =	vld [tilespmem:s15+$0x9580]  }
0x649: {  	v5 =	vld [tilespmem:s14+$0x7C80]  }
0x64a: {  	s16 =	sshra.s32 s17, $0x2;
	s17 =	sadd.s32 $0x40, s17;
	v6 =	vadd.f32 v9, v3;
	v3 =	vld [tilespmem:s14+$0x7D00];
	v7 =	vadd.f32 v7, v8  }
0x64b: {  	v8 =	vld [tilespmem:s16+$0x6400]  }
0x64c: {  	v9 =	vld [tilespmem:s14+$0x7D80];
	v1 =	vadd.f32 v1, v7  }
0x64d: {  	v7 =	vld [tilespmem:s16+$0x6480]  }
0x64e: {  	v10 =	vld [tilespmem:s14+$0x7E00];
	v4 =	vadd.f32 v4, v6;
	v1 =	vadd.f32 v2, v1  }
0x64f: {  	v2 =	vld [tilespmem:s16+$0x6500]  }
0x650: {  	v6 =	vld [tilespmem:s14+$0x7E80];
	v4 =	vadd.f32 v5, v4;
	v5 =	vadd.f32 v8, v0;
	[tilespmem:s15+$0xC900] =	vst v1  }
0x651: {  	v1 =	vld [tilespmem:s16+$0x6580]  }
0x652: {  	v3 =	vadd.f32 v3, v4;
	v4 =	vadd.f32 v7, v5  }
0x653: {  	v5 =	vld [tilespmem:s16+$0x6600]  }
0x654: {  	v3 =	vadd.f32 v9, v3;
	v7 =	vld [tilespmem:s14+$0x7F00];
	v2 =	vadd.f32 v2, v4  }
0x655: {  	v4 =	vld [tilespmem:s16+$0x6680]  }
0x656: {  	v8 =	vld [tilespmem:s14+$0x7F80];
	v3 =	vadd.f32 v10, v3;
	v1 =	vadd.f32 v1, v2  }
0x657: {  	v2 =	vld [tilespmem:s16+$0x6700]  }
0x658: {  	v3 =	vadd.f32 v6, v3;
	v6 =	vld [tilespmem:s14+$0x8000];
	v1 =	vadd.f32 v5, v1  }
0x659: {  	v5 =	vld [tilespmem:s16+$0x6780]  }
0x65a: {  	v3 =	vadd.f32 v7, v3;
	v7 =	vld [tilespmem:s14+$0x8080];
	v1 =	vadd.f32 v4, v1  }
0x65b: {  	v4 =	vld [tilespmem:s16+$0x6800]  }
0x65c: {  	v3 =	vadd.f32 v8, v3;
	v8 =	vld [tilespmem:s14+$0x8100];
	v1 =	vadd.f32 v2, v1  }
0x65d: {  	v2 =	vld [tilespmem:s16+$0x6880]  }
0x65e: {  	v3 =	vadd.f32 v6, v3;
	v6 =	vld [tilespmem:s14+$0x8180];
	v1 =	vadd.f32 v5, v1  }
0x65f: {  	v5 =	vld [tilespmem:s16+$0x6900]  }
0x660: {  	v3 =	vadd.f32 v7, v3;
	v7 =	vld [tilespmem:s14+$0x8200];
	v1 =	vadd.f32 v4, v1  }
0x661: {  	v4 =	vld [tilespmem:s16+$0x6980]  }
0x662: {  	v3 =	vadd.f32 v8, v3;
	v8 =	vld [tilespmem:s14+$0x8280];
	v1 =	vadd.f32 v2, v1  }
0x663: {  	v2 =	vld [tilespmem:s16+$0x6A00]  }
0x664: {  	v3 =	vadd.f32 v6, v3;
	v6 =	vld [tilespmem:s14+$0x8300];
	v1 =	vadd.f32 v5, v1  }
0x665: {  	v5 =	vld [tilespmem:s16+$0x6A80]  }
0x666: {  	v3 =	vadd.f32 v7, v3;
	v7 =	vld [tilespmem:s14+$0x8380];
	v1 =	vadd.f32 v4, v1  }
0x667: {  	v4 =	vld [tilespmem:s16+$0x6B00]  }
0x668: {  	v3 =	vadd.f32 v8, v3;
	v8 =	vld [tilespmem:s14+$0x8400];
	v1 =	vadd.f32 v2, v1  }
0x669: {  	v2 =	vld [tilespmem:s16+$0x6B80]  }
0x66a: {  	v3 =	vadd.f32 v6, v3;
	v6 =	vld [tilespmem:s14+$0x8480];
	v1 =	vadd.f32 v5, v1  }
0x66b: {  	v5 =	vld [tilespmem:s16+$0x6C00]  }
0x66c: {  	v3 =	vadd.f32 v7, v3;
	v7 =	vld [tilespmem:s14+$0x8500];
	v1 =	vadd.f32 v4, v1  }
0x66d: {  	v4 =	vld [tilespmem:s16+$0x6C80]  }
0x66e: {  	v3 =	vadd.f32 v8, v3;
	v8 =	vld [tilespmem:s14+$0x8580];
	v1 =	vadd.f32 v2, v1  }
0x66f: {  	v2 =	vld [tilespmem:s16+$0x6D00]  }
0x670: {  	v3 =	vadd.f32 v6, v3;
	v6 =	vld [tilespmem:s14+$0x8600];
	v1 =	vadd.f32 v5, v1  }
0x671: {  	v5 =	vld [tilespmem:s16+$0x6D80]  }
0x672: {  	v3 =	vadd.f32 v7, v3;
	v7 =	vld [tilespmem:s14+$0x8680];
	v1 =	vadd.f32 v4, v1  }
0x673: {  	v4 =	vld [tilespmem:s16+$0x6E00]  }
0x674: {  	v3 =	vadd.f32 v8, v3;
	v8 =	vld [tilespmem:s14+$0x8700];
	v1 =	vadd.f32 v2, v1  }
0x675: {  	v2 =	vld [tilespmem:s16+$0x6E80]  }
0x676: {  	v3 =	vadd.f32 v6, v3;
	v6 =	vld [tilespmem:s14+$0x8780];
	v1 =	vadd.f32 v5, v1  }
0x677: {  	v5 =	vld [tilespmem:s16+$0x6F00]  }
0x678: {  	v3 =	vadd.f32 v7, v3;
	v7 =	vld [tilespmem:s14+$0x8800];
	v1 =	vadd.f32 v4, v1  }
0x679: {  	v4 =	vld [tilespmem:s16+$0x6F80]  }
0x67a: {  	v3 =	vadd.f32 v8, v3;
	v8 =	vld [tilespmem:s14+$0x8880];
	v1 =	vadd.f32 v2, v1  }
0x67b: {  	v2 =	vld [tilespmem:s16+$0x7000]  }
0x67c: {  	v3 =	vadd.f32 v6, v3;
	v6 =	vld [tilespmem:s14+$0x8900];
	v1 =	vadd.f32 v5, v1  }
0x67d: {  	v5 =	vld [tilespmem:s16+$0x7080]  }
0x67e: {  	v3 =	vadd.f32 v7, v3;
	v7 =	vld [tilespmem:s14+$0x8980];
	v1 =	vadd.f32 v4, v1  }
0x67f: {  	v4 =	vld [tilespmem:s16+$0x7100]  }
0x680: {  	v3 =	vadd.f32 v8, v3;
	v8 =	vld [tilespmem:s14+$0x8A00];
	v1 =	vadd.f32 v2, v1  }
0x681: {  	v2 =	vld [tilespmem:s16+$0x7180]  }
0x682: {  	v3 =	vadd.f32 v6, v3;
	v6 =	vld [tilespmem:s14+$0x8A80];
	v1 =	vadd.f32 v5, v1  }
0x683: {  	v5 =	vld [tilespmem:s16+$0x7200]  }
0x684: {  	v3 =	vadd.f32 v7, v3;
	v7 =	vld [tilespmem:s14+$0x8B00];
	v1 =	vadd.f32 v4, v1  }
0x685: {  	v4 =	vld [tilespmem:s16+$0x7280]  }
0x686: {  	v3 =	vadd.f32 v8, v3;
	v8 =	vld [tilespmem:s14+$0x8B80];
	v1 =	vadd.f32 v2, v1  }
0x687: {  	v2 =	vld [tilespmem:s16+$0x7300]  }
0x688: {  	v3 =	vadd.f32 v6, v3;
	v6 =	vld [tilespmem:s14+$0x8C00];
	v1 =	vadd.f32 v5, v1  }
0x689: {  	v5 =	vld [tilespmem:s16+$0x7380]  }
0x68a: {  	v3 =	vadd.f32 v7, v3;
	v7 =	vld [tilespmem:s14+$0x8C80];
	v1 =	vadd.f32 v4, v1  }
0x68b: {  	v4 =	vld [tilespmem:s16+$0x7400]  }
0x68c: {  	v3 =	vadd.f32 v8, v3;
	v8 =	vld [tilespmem:s14+$0x8D00];
	v1 =	vadd.f32 v2, v1  }
0x68d: {  	v2 =	vld [tilespmem:s16+$0x7480]  }
0x68e: {  	v3 =	vadd.f32 v6, v3;
	v6 =	vld [tilespmem:s14+$0x8D80];
	v1 =	vadd.f32 v5, v1  }
0x68f: {  	v5 =	vld [tilespmem:s16+$0x7500]  }
0x690: {  	v3 =	vadd.f32 v7, v3;
	v7 =	vld [tilespmem:s14+$0x8E00];
	v1 =	vadd.f32 v4, v1  }
0x691: {  	v4 =	vld [tilespmem:s16+$0x7580]  }
0x692: {  	v3 =	vadd.f32 v8, v3;
	v8 =	vld [tilespmem:s14+$0x8E80];
	v1 =	vadd.f32 v2, v1  }
0x693: {  	v2 =	vld [tilespmem:s16+$0x7600]  }
0x694: {  	v3 =	vadd.f32 v6, v3;
	v6 =	vld [tilespmem:s14+$0x8F00];
	v1 =	vadd.f32 v5, v1  }
0x695: {  	v5 =	vld [tilespmem:s16+$0x7680]  }
0x696: {  	v3 =	vadd.f32 v7, v3;
	v7 =	vld [tilespmem:s14+$0x8F80];
	v1 =	vadd.f32 v4, v1  }
0x697: {  	v4 =	vld [tilespmem:s16+$0x7700]  }
0x698: {  	v3 =	vadd.f32 v8, v3;
	v8 =	vld [tilespmem:s14+$0x9000];
	v1 =	vadd.f32 v2, v1  }
0x699: {  	v2 =	vld [tilespmem:s16+$0x7780]  }
0x69a: {  	v3 =	vadd.f32 v6, v3;
	v6 =	vld [tilespmem:s14+$0x9080];
	v1 =	vadd.f32 v5, v1  }
0x69b: {  	v5 =	vld [tilespmem:s16+$0x7800]  }
0x69c: {  	v3 =	vadd.f32 v7, v3;
	v7 =	vld [tilespmem:s14+$0x9100];
	v1 =	vadd.f32 v4, v1  }
0x69d: {  	v4 =	vld [tilespmem:s16+$0x7880]  }
0x69e: {  	v3 =	vadd.f32 v8, v3;
	v8 =	vld [tilespmem:s14+$0x9180];
	v1 =	vadd.f32 v2, v1  }
0x69f: {  	v2 =	vld [tilespmem:s16+$0x7900]  }
0x6a0: {  	v3 =	vadd.f32 v6, v3;
	v6 =	vld [tilespmem:s14+$0x9200];
	v1 =	vadd.f32 v5, v1  }
0x6a1: {  	v5 =	vld [tilespmem:s16+$0x7980]  }
0x6a2: {  	v3 =	vadd.f32 v7, v3;
	v7 =	vld [tilespmem:s14+$0x9280];
	v1 =	vadd.f32 v4, v1  }
0x6a3: {  	v4 =	vld [tilespmem:s16+$0x7A00]  }
0x6a4: {  	v3 =	vadd.f32 v8, v3;
	v8 =	vld [tilespmem:s14+$0x9300];
	v1 =	vadd.f32 v2, v1  }
0x6a5: {  	v2 =	vld [tilespmem:s16+$0x7A80]  }
0x6a6: {  	v3 =	vadd.f32 v6, v3;
	v6 =	vld [tilespmem:s14+$0x9380];
	v1 =	vadd.f32 v5, v1  }
0x6a7: {  	v5 =	vld [tilespmem:s16+$0x7B00]  }
0x6a8: {  	v3 =	vadd.f32 v7, v3;
	v7 =	vld [tilespmem:s14+$0x9400];
	v1 =	vadd.f32 v4, v1  }
0x6a9: {  	v4 =	vld [tilespmem:s16+$0x7B80]  }
0x6aa: {  	v3 =	vadd.f32 v8, v3;
	v8 =	vld [tilespmem:s14+$0x9480];
	v1 =	vadd.f32 v2, v1  }
0x6ab: {  	v2 =	vld [tilespmem:s16+$0x7C00]  }
0x6ac: {  	v3 =	vadd.f32 v6, v3;
	v6 =	vld [tilespmem:s14+$0x9500];
	v1 =	vadd.f32 v5, v1  }
0x6ad: {  	v5 =	vld [tilespmem:s16+$0x7C80]  }
0x6ae: {  	v3 =	vadd.f32 v7, v3;
	v7 =	vld [tilespmem:s14+$0x9580];
	v1 =	vadd.f32 v4, v1  }
0x6af: {  	v4 =	vld [tilespmem:s16+$0x7D00]  }
0x6b0: {  	v3 =	vadd.f32 v8, v3;
	v1 =	vadd.f32 v2, v1  }
0x6b1: {  	v2 =	vld [tilespmem:s16+$0x7D80]  }
0x6b2: {  	v3 =	vadd.f32 v6, v3;
	v1 =	vadd.f32 v5, v1  }
0x6b3: {  	v5 =	vld [tilespmem:s16+$0x7E00]  }
0x6b4: {  	v3 =	vadd.f32 v7, v3;
	v1 =	vadd.f32 v4, v1  }
0x6b5: {  	v4 =	vld [tilespmem:s16+$0x7E80]  }
0x6b6: {  	[tilespmem:s14+$0xC900] =	vst v3;
	v1 =	vadd.f32 v2, v1  }
0x6b7: {  	v2 =	vld [tilespmem:s16+$0x7F00]  }
0x6b8: {  	v1 =	vadd.f32 v5, v1  }
0x6b9: {  	v3 =	vld [tilespmem:s16+$0x7F80]  }
0x6ba: {  	v1 =	vadd.f32 v4, v1  }
0x6bb: {  	v4 =	vld [tilespmem:s16+$0x8000]  }
0x6bc: {  	v1 =	vadd.f32 v2, v1  }
0x6bd: {  	v2 =	vld [tilespmem:s16+$0x8080]  }
0x6be: {  	v1 =	vadd.f32 v3, v1  }
0x6bf: {  	v3 =	vld [tilespmem:s16+$0x8100]  }
0x6c0: {  	v1 =	vadd.f32 v4, v1  }
0x6c1: {  	v4 =	vld [tilespmem:s16+$0x8180]  }
0x6c2: {  	v1 =	vadd.f32 v2, v1  }
0x6c3: {  	v2 =	vld [tilespmem:s16+$0x8200]  }
0x6c4: {  	v1 =	vadd.f32 v3, v1  }
0x6c5: {  	v3 =	vld [tilespmem:s16+$0x8280]  }
0x6c6: {  	v1 =	vadd.f32 v4, v1  }
0x6c7: {  	v4 =	vld [tilespmem:s16+$0x8300]  }
0x6c8: {  	v1 =	vadd.f32 v2, v1  }
0x6c9: {  	v2 =	vld [tilespmem:s16+$0x8380]  }
0x6ca: {  	v1 =	vadd.f32 v3, v1  }
0x6cb: {  	v3 =	vld [tilespmem:s16+$0x8400]  }
0x6cc: {  	v1 =	vadd.f32 v4, v1  }
0x6cd: {  	v4 =	vld [tilespmem:s16+$0x8480]  }
0x6ce: {  	v1 =	vadd.f32 v2, v1  }
0x6cf: {  	v2 =	vld [tilespmem:s16+$0x8500]  }
0x6d0: {  	v1 =	vadd.f32 v3, v1  }
0x6d1: {  	v3 =	vld [tilespmem:s16+$0x8580]  }
0x6d2: {  	v1 =	vadd.f32 v4, v1  }
0x6d3: {  	v4 =	vld [tilespmem:s16+$0x8600]  }
0x6d4: {  	v1 =	vadd.f32 v2, v1  }
0x6d5: {  	v2 =	vld [tilespmem:s16+$0x8680]  }
0x6d6: {  	v1 =	vadd.f32 v3, v1  }
0x6d7: {  	v3 =	vld [tilespmem:s16+$0x8700]  }
0x6d8: {  	v1 =	vadd.f32 v4, v1  }
0x6d9: {  	v4 =	vld [tilespmem:s16+$0x8780]  }
0x6da: {  	v1 =	vadd.f32 v2, v1  }
0x6db: {  	v2 =	vld [tilespmem:s16+$0x8800]  }
0x6dc: {  	v1 =	vadd.f32 v3, v1  }
0x6dd: {  	v3 =	vld [tilespmem:s16+$0x8880]  }
0x6de: {  	v1 =	vadd.f32 v4, v1  }
0x6df: {  	v4 =	vld [tilespmem:s16+$0x8900]  }
0x6e0: {  	v1 =	vadd.f32 v2, v1  }
0x6e1: {  	v2 =	vld [tilespmem:s16+$0x8980]  }
0x6e2: {  	v1 =	vadd.f32 v3, v1  }
0x6e3: {  	v3 =	vld [tilespmem:s16+$0x8A00]  }
0x6e4: {  	v1 =	vadd.f32 v4, v1  }
0x6e5: {  	v4 =	vld [tilespmem:s16+$0x8A80]  }
0x6e6: {  	v1 =	vadd.f32 v2, v1  }
0x6e7: {  	v2 =	vld [tilespmem:s16+$0x8B00]  }
0x6e8: {  	v1 =	vadd.f32 v3, v1  }
0x6e9: {  	v3 =	vld [tilespmem:s16+$0x8B80]  }
0x6ea: {  	v1 =	vadd.f32 v4, v1  }
0x6eb: {  	v4 =	vld [tilespmem:s16+$0x8C00]  }
0x6ec: {  	v1 =	vadd.f32 v2, v1  }
0x6ed: {  	v2 =	vld [tilespmem:s16+$0x8C80]  }
0x6ee: {  	v1 =	vadd.f32 v3, v1  }
0x6ef: {  	v3 =	vld [tilespmem:s16+$0x8D00]  }
0x6f0: {  	v1 =	vadd.f32 v4, v1  }
0x6f1: {  	v4 =	vld [tilespmem:s16+$0x8D80]  }
0x6f2: {  	v1 =	vadd.f32 v2, v1  }
0x6f3: {  	v2 =	vld [tilespmem:s16+$0x8E00]  }
0x6f4: {  	v1 =	vadd.f32 v3, v1  }
0x6f5: {  	v3 =	vld [tilespmem:s16+$0x8E80]  }
0x6f6: {  	v1 =	vadd.f32 v4, v1  }
0x6f7: {  	v4 =	vld [tilespmem:s16+$0x8F00]  }
0x6f8: {  	v1 =	vadd.f32 v2, v1  }
0x6f9: {  	v2 =	vld [tilespmem:s16+$0x8F80]  }
0x6fa: {  	v1 =	vadd.f32 v3, v1  }
0x6fb: {  	v3 =	vld [tilespmem:s16+$0x9000]  }
0x6fc: {  	v1 =	vadd.f32 v4, v1  }
0x6fd: {  	v4 =	vld [tilespmem:s16+$0x9080]  }
0x6fe: {  	v1 =	vadd.f32 v2, v1  }
0x6ff: {  	v2 =	vld [tilespmem:s16+$0x9100]  }
0x700: {  	v1 =	vadd.f32 v3, v1  }
0x701: {  	v3 =	vld [tilespmem:s16+$0x9180]  }
0x702: {  	v1 =	vadd.f32 v4, v1  }
0x703: {  	v4 =	vld [tilespmem:s16+$0x9200]  }
0x704: {  	v1 =	vadd.f32 v2, v1  }
0x705: {  	v2 =	vld [tilespmem:s16+$0x9280]  }
0x706: {  	v1 =	vadd.f32 v3, v1  }
0x707: {  	v3 =	vld [tilespmem:s16+$0x9300]  }
0x708: {  	v1 =	vadd.f32 v4, v1  }
0x709: {  	v4 =	vld [tilespmem:s16+$0x9380]  }
0x70a: {  	v1 =	vadd.f32 v2, v1  }
0x70b: {  	v2 =	vld [tilespmem:s16+$0x9400]  }
0x70c: {  	v1 =	vadd.f32 v3, v1  }
0x70d: {  	v3 =	vld [tilespmem:s16+$0x9480]  }
0x70e: {  	v1 =	vadd.f32 v4, v1  }
0x70f: {  	v4 =	vld [tilespmem:s16+$0x9500]  }
0x710: {  	v1 =	vadd.f32 v2, v1  }
0x711: {  	v2 =	vld [tilespmem:s16+$0x9580]  }
0x712: {  	v1 =	vadd.f32 v3, v1;
	_ =	sdelay $0x1  }
0x713: {  	v1 =	vadd.f32 v4, v1;
	_ =	sdelay $0x1  }
0x714: {  	v1 =	vadd.f32 v2, v1;
	_ =	sdelay $0x1  }
0x715: {  	[tilespmem:s16+$0xC900] =	vst v1  }
0x716: {  	_ =	swait.ge [sflag:s26], $0x600  }
0x717: {  	[sflag:s26] =	ssyncset.done $0x0  }
0x718: {  	[sflag:s26] =	ssyncadd.s32 $0xFFFFFA00  }
0x719: {  	_ =	swait.ge [sflag:s8], $0x2C00  }
0x71a: {  	[sflag:s8] =	ssyncset.done $0x0  }
0x71b: {  	s15 =	simm.s32 $0x0;
	[sflag:s8] =	ssyncadd.s32 $0xFFFFD400  }
0x71c: {  	v1 =	vld [tilespmem:s15+$0x9600];
	_ =	sdelay $0x1  }
0x71d: {  	v2 =	vld [tilespmem:s15+$0x9680];
	_ =	sdelay $0x1  }
0x71e: {  	v3 =	vld [tilespmem:s15+$0x9700]  }
0x71f: {  	v1 =	vadd.f32 v1, v0  }
0x720: {  	v4 =	vld [tilespmem:s15+$0x9780]  }
0x721: {  	v1 =	vadd.f32 v2, v1  }
0x722: {  	v2 =	vld [tilespmem:s15+$0x9800]  }
0x723: {  	v1 =	vadd.f32 v3, v1  }
0x724: {  	v3 =	vld [tilespmem:s15+$0x9880]  }
0x725: {  	v1 =	vadd.f32 v4, v1  }
0x726: {  	v4 =	vld [tilespmem:s15+$0x9900]  }
0x727: {  	v1 =	vadd.f32 v2, v1  }
0x728: {  	v2 =	vld [tilespmem:s15+$0x9980]  }
0x729: {  	v1 =	vadd.f32 v3, v1  }
0x72a: {  	v3 =	vld [tilespmem:s15+$0x9A00]  }
0x72b: {  	v1 =	vadd.f32 v4, v1  }
0x72c: {  	v4 =	vld [tilespmem:s15+$0x9A80]  }
0x72d: {  	v1 =	vadd.f32 v2, v1  }
0x72e: {  	v2 =	vld [tilespmem:s15+$0x9B00]  }
0x72f: {  	v1 =	vadd.f32 v3, v1  }
0x730: {  	v3 =	vld [tilespmem:s15+$0x9B80]  }
0x731: {  	v1 =	vadd.f32 v4, v1  }
0x732: {  	v4 =	vld [tilespmem:s15+$0x9C00]  }
0x733: {  	v1 =	vadd.f32 v2, v1  }
0x734: {  	v2 =	vld [tilespmem:s15+$0x9C80]  }
0x735: {  	v1 =	vadd.f32 v3, v1  }
0x736: {  	v3 =	vld [tilespmem:s15+$0x9D00]  }
0x737: {  	v1 =	vadd.f32 v4, v1  }
0x738: {  	v4 =	vld [tilespmem:s15+$0x9D80]  }
0x739: {  	v1 =	vadd.f32 v2, v1  }
0x73a: {  	v2 =	vld [tilespmem:s15+$0x9E00]  }
0x73b: {  	v1 =	vadd.f32 v3, v1  }
0x73c: {  	v3 =	vld [tilespmem:s15+$0x9E80]  }
0x73d: {  	v1 =	vadd.f32 v4, v1  }
0x73e: {  	v4 =	vld [tilespmem:s15+$0x9F00]  }
0x73f: {  	v1 =	vadd.f32 v2, v1  }
0x740: {  	v2 =	vld [tilespmem:s15+$0x9F80]  }
0x741: {  	v1 =	vadd.f32 v3, v1  }
0x742: {  	v3 =	vld [tilespmem:s15+$0xA000]  }
0x743: {  	v1 =	vadd.f32 v4, v1  }
0x744: {  	v4 =	vld [tilespmem:s15+$0xA080]  }
0x745: {  	v1 =	vadd.f32 v2, v1  }
0x746: {  	v2 =	vld [tilespmem:s15+$0xA100]  }
0x747: {  	v1 =	vadd.f32 v3, v1  }
0x748: {  	v3 =	vld [tilespmem:s15+$0xA180]  }
0x749: {  	v1 =	vadd.f32 v4, v1  }
0x74a: {  	v4 =	vld [tilespmem:s15+$0xA200]  }
0x74b: {  	v1 =	vadd.f32 v2, v1  }
0x74c: {  	v2 =	vld [tilespmem:s15+$0xA280]  }
0x74d: {  	v1 =	vadd.f32 v3, v1  }
0x74e: {  	v3 =	vld [tilespmem:s15+$0xA300]  }
0x74f: {  	v1 =	vadd.f32 v4, v1  }
0x750: {  	v4 =	vld [tilespmem:s15+$0xA380]  }
0x751: {  	v1 =	vadd.f32 v2, v1  }
0x752: {  	v2 =	vld [tilespmem:s15+$0xA400]  }
0x753: {  	v1 =	vadd.f32 v3, v1  }
0x754: {  	v3 =	vld [tilespmem:s15+$0xA480]  }
0x755: {  	v1 =	vadd.f32 v4, v1  }
0x756: {  	v4 =	vld [tilespmem:s15+$0xA500]  }
0x757: {  	v1 =	vadd.f32 v2, v1  }
0x758: {  	v2 =	vld [tilespmem:s15+$0xA580]  }
0x759: {  	v1 =	vadd.f32 v3, v1  }
0x75a: {  	v3 =	vld [tilespmem:s15+$0xA600]  }
0x75b: {  	v1 =	vadd.f32 v4, v1  }
0x75c: {  	v4 =	vld [tilespmem:s15+$0xA680]  }
0x75d: {  	v1 =	vadd.f32 v2, v1  }
0x75e: {  	v2 =	vld [tilespmem:s15+$0xA700]  }
0x75f: {  	v1 =	vadd.f32 v3, v1  }
0x760: {  	v3 =	vld [tilespmem:s15+$0xA780]  }
0x761: {  	v1 =	vadd.f32 v4, v1  }
0x762: {  	v4 =	vld [tilespmem:s15+$0xA800]  }
0x763: {  	v1 =	vadd.f32 v2, v1  }
0x764: {  	v2 =	vld [tilespmem:s15+$0xA880]  }
0x765: {  	v1 =	vadd.f32 v3, v1  }
0x766: {  	v3 =	vld [tilespmem:s15+$0xA900]  }
0x767: {  	v1 =	vadd.f32 v4, v1  }
0x768: {  	v4 =	vld [tilespmem:s15+$0xA980]  }
0x769: {  	v1 =	vadd.f32 v2, v1  }
0x76a: {  	v2 =	vld [tilespmem:s15+$0xAA00]  }
0x76b: {  	v1 =	vadd.f32 v3, v1  }
0x76c: {  	v3 =	vld [tilespmem:s15+$0xAA80]  }
0x76d: {  	v1 =	vadd.f32 v4, v1  }
0x76e: {  	v4 =	vld [tilespmem:s15+$0xAB00]  }
0x76f: {  	v1 =	vadd.f32 v2, v1  }
0x770: {  	v2 =	vld [tilespmem:s15+$0xAB80]  }
0x771: {  	v1 =	vadd.f32 v3, v1  }
0x772: {  	v3 =	vld [tilespmem:s15+$0xAC00]  }
0x773: {  	v1 =	vadd.f32 v4, v1  }
0x774: {  	v4 =	vld [tilespmem:s15+$0xAC80]  }
0x775: {  	v1 =	vadd.f32 v2, v1  }
0x776: {  	v2 =	vld [tilespmem:s15+$0xAD00]  }
0x777: {  	v1 =	vadd.f32 v3, v1  }
0x778: {  	v3 =	vld [tilespmem:s15+$0xAD80]  }
0x779: {  	v1 =	vadd.f32 v4, v1  }
0x77a: {  	v4 =	vld [tilespmem:s15+$0xAE00]  }
0x77b: {  	v1 =	vadd.f32 v2, v1  }
0x77c: {  	s14 =	simm.s32 $0x10;
	v2 =	vld [tilespmem:s15+$0xAE80]  }
0x77d: {  	v5 =	vld [tilespmem:s14+$0x9600];
	v1 =	vadd.f32 v3, v1  }
0x77e: {  	v3 =	vld [tilespmem:s15+$0xAF00]  }
0x77f: {  	v6 =	vld [tilespmem:s14+$0x9680];
	v1 =	vadd.f32 v4, v1  }
0x780: {  	v4 =	vld [tilespmem:s15+$0xAF80]  }
0x781: {  	v7 =	vld [tilespmem:s14+$0x9700];
	v1 =	vadd.f32 v2, v1  }
0x782: {  	v2 =	vld [tilespmem:s15+$0xB000]  }
0x783: {  	v8 =	vld [tilespmem:s14+$0x9780];
	v5 =	vadd.f32 v5, v0;
	v1 =	vadd.f32 v3, v1  }
0x784: {  	v3 =	vld [tilespmem:s15+$0xB080]  }
0x785: {  	v5 =	vadd.f32 v6, v5;
	v6 =	vld [tilespmem:s14+$0x9800];
	v1 =	vadd.f32 v4, v1  }
0x786: {  	v4 =	vld [tilespmem:s15+$0xB100]  }
0x787: {  	v5 =	vadd.f32 v7, v5;
	v7 =	vld [tilespmem:s14+$0x9880];
	v1 =	vadd.f32 v2, v1  }
0x788: {  	v2 =	vld [tilespmem:s15+$0xB180]  }
0x789: {  	v5 =	vadd.f32 v8, v5;
	v8 =	vld [tilespmem:s14+$0x9900];
	v1 =	vadd.f32 v3, v1  }
0x78a: {  	v3 =	vld [tilespmem:s15+$0xB200]  }
0x78b: {  	v5 =	vadd.f32 v6, v5;
	v6 =	vld [tilespmem:s14+$0x9980];
	v1 =	vadd.f32 v4, v1  }
0x78c: {  	v4 =	vld [tilespmem:s15+$0xB280]  }
0x78d: {  	v5 =	vadd.f32 v7, v5;
	v7 =	vld [tilespmem:s14+$0x9A00];
	v1 =	vadd.f32 v2, v1  }
0x78e: {  	v2 =	vld [tilespmem:s15+$0xB300]  }
0x78f: {  	v5 =	vadd.f32 v8, v5;
	v8 =	vld [tilespmem:s14+$0x9A80];
	v1 =	vadd.f32 v3, v1  }
0x790: {  	v3 =	vld [tilespmem:s15+$0xB380]  }
0x791: {  	v5 =	vadd.f32 v6, v5;
	v6 =	vld [tilespmem:s14+$0x9B00];
	v1 =	vadd.f32 v4, v1  }
0x792: {  	v4 =	vld [tilespmem:s15+$0xB400]  }
0x793: {  	v5 =	vadd.f32 v7, v5;
	v7 =	vld [tilespmem:s14+$0x9B80];
	v1 =	vadd.f32 v2, v1  }
0x794: {  	v2 =	vld [tilespmem:s15+$0xB480]  }
0x795: {  	v5 =	vadd.f32 v8, v5;
	v8 =	vld [tilespmem:s14+$0x9C00];
	v1 =	vadd.f32 v3, v1  }
0x796: {  	v3 =	vld [tilespmem:s15+$0xB500]  }
0x797: {  	v5 =	vadd.f32 v6, v5;
	v6 =	vld [tilespmem:s14+$0x9C80];
	v1 =	vadd.f32 v4, v1  }
0x798: {  	v4 =	vld [tilespmem:s15+$0xB580]  }
0x799: {  	v5 =	vadd.f32 v7, v5;
	v7 =	vld [tilespmem:s14+$0x9D00];
	v1 =	vadd.f32 v2, v1  }
0x79a: {  	v2 =	vld [tilespmem:s15+$0xB600]  }
0x79b: {  	v5 =	vadd.f32 v8, v5;
	v8 =	vld [tilespmem:s14+$0x9D80];
	v1 =	vadd.f32 v3, v1  }
0x79c: {  	v3 =	vld [tilespmem:s15+$0xB680]  }
0x79d: {  	v5 =	vadd.f32 v6, v5;
	v6 =	vld [tilespmem:s14+$0x9E00];
	v1 =	vadd.f32 v4, v1  }
0x79e: {  	v4 =	vld [tilespmem:s15+$0xB700]  }
0x79f: {  	v5 =	vadd.f32 v7, v5;
	v7 =	vld [tilespmem:s14+$0x9E80];
	v1 =	vadd.f32 v2, v1  }
0x7a0: {  	v2 =	vld [tilespmem:s15+$0xB780]  }
0x7a1: {  	v5 =	vadd.f32 v8, v5;
	v8 =	vld [tilespmem:s14+$0x9F00];
	v1 =	vadd.f32 v3, v1  }
0x7a2: {  	v3 =	vld [tilespmem:s15+$0xB800]  }
0x7a3: {  	v5 =	vadd.f32 v6, v5;
	v6 =	vld [tilespmem:s14+$0x9F80];
	v1 =	vadd.f32 v4, v1  }
0x7a4: {  	v4 =	vld [tilespmem:s15+$0xB880]  }
0x7a5: {  	v5 =	vadd.f32 v7, v5;
	v7 =	vld [tilespmem:s14+$0xA000];
	v1 =	vadd.f32 v2, v1  }
0x7a6: {  	v2 =	vld [tilespmem:s15+$0xB900]  }
0x7a7: {  	v5 =	vadd.f32 v8, v5;
	v8 =	vld [tilespmem:s14+$0xA080];
	v1 =	vadd.f32 v3, v1  }
0x7a8: {  	v3 =	vld [tilespmem:s15+$0xB980]  }
0x7a9: {  	v5 =	vadd.f32 v6, v5;
	v6 =	vld [tilespmem:s14+$0xA100];
	v1 =	vadd.f32 v4, v1  }
0x7aa: {  	v4 =	vld [tilespmem:s15+$0xBA00]  }
0x7ab: {  	v5 =	vadd.f32 v7, v5;
	v7 =	vld [tilespmem:s14+$0xA180];
	v1 =	vadd.f32 v2, v1  }
0x7ac: {  	v2 =	vld [tilespmem:s15+$0xBA80]  }
0x7ad: {  	v5 =	vadd.f32 v8, v5;
	v8 =	vld [tilespmem:s14+$0xA200];
	v1 =	vadd.f32 v3, v1  }
0x7ae: {  	v3 =	vld [tilespmem:s15+$0xBB00]  }
0x7af: {  	v5 =	vadd.f32 v6, v5;
	v6 =	vld [tilespmem:s14+$0xA280];
	v1 =	vadd.f32 v4, v1  }
0x7b0: {  	v4 =	vld [tilespmem:s15+$0xBB80]  }
0x7b1: {  	v5 =	vadd.f32 v7, v5;
	v7 =	vld [tilespmem:s14+$0xA300];
	v1 =	vadd.f32 v2, v1  }
0x7b2: {  	v2 =	vld [tilespmem:s15+$0xBC00]  }
0x7b3: {  	v5 =	vadd.f32 v8, v5;
	v8 =	vld [tilespmem:s14+$0xA380];
	v1 =	vadd.f32 v3, v1  }
0x7b4: {  	v3 =	vld [tilespmem:s15+$0xBC80]  }
0x7b5: {  	v5 =	vadd.f32 v6, v5;
	v6 =	vld [tilespmem:s14+$0xA400];
	v1 =	vadd.f32 v4, v1  }
0x7b6: {  	v4 =	vld [tilespmem:s15+$0xBD00]  }
0x7b7: {  	v5 =	vadd.f32 v7, v5;
	v7 =	vld [tilespmem:s14+$0xA480];
	v1 =	vadd.f32 v2, v1  }
0x7b8: {  	v2 =	vld [tilespmem:s15+$0xBD80]  }
0x7b9: {  	v5 =	vadd.f32 v8, v5;
	v8 =	vld [tilespmem:s14+$0xA500];
	v1 =	vadd.f32 v3, v1  }
0x7ba: {  	v3 =	vld [tilespmem:s15+$0xBE00]  }
0x7bb: {  	v5 =	vadd.f32 v6, v5;
	v6 =	vld [tilespmem:s14+$0xA580];
	v1 =	vadd.f32 v4, v1  }
0x7bc: {  	v4 =	vld [tilespmem:s15+$0xBE80]  }
0x7bd: {  	v5 =	vadd.f32 v7, v5;
	v7 =	vld [tilespmem:s14+$0xA600];
	v1 =	vadd.f32 v2, v1  }
0x7be: {  	v2 =	vld [tilespmem:s15+$0xBF00]  }
0x7bf: {  	v5 =	vadd.f32 v8, v5;
	v8 =	vld [tilespmem:s14+$0xA680];
	v1 =	vadd.f32 v3, v1  }
0x7c0: {  	v3 =	vld [tilespmem:s15+$0xBF80]  }
0x7c1: {  	v5 =	vadd.f32 v6, v5;
	v6 =	vld [tilespmem:s14+$0xA700];
	v1 =	vadd.f32 v4, v1  }
0x7c2: {  	v4 =	vld [tilespmem:s15+$0xC000]  }
0x7c3: {  	v5 =	vadd.f32 v7, v5;
	v7 =	vld [tilespmem:s14+$0xA780];
	v1 =	vadd.f32 v2, v1  }
0x7c4: {  	v2 =	vld [tilespmem:s15+$0xC080]  }
0x7c5: {  	v5 =	vadd.f32 v8, v5;
	v8 =	vld [tilespmem:s14+$0xA800];
	v1 =	vadd.f32 v3, v1  }
0x7c6: {  	v3 =	vld [tilespmem:s15+$0xC100]  }
0x7c7: {  	v5 =	vadd.f32 v6, v5;
	v6 =	vld [tilespmem:s14+$0xA880];
	v1 =	vadd.f32 v4, v1  }
0x7c8: {  	v4 =	vld [tilespmem:s15+$0xC180]  }
0x7c9: {  	v5 =	vadd.f32 v7, v5;
	v7 =	vld [tilespmem:s14+$0xA900];
	v1 =	vadd.f32 v2, v1  }
0x7ca: {  	v2 =	vld [tilespmem:s15+$0xC200]  }
0x7cb: {  	v5 =	vadd.f32 v8, v5;
	v8 =	vld [tilespmem:s14+$0xA980];
	v1 =	vadd.f32 v3, v1  }
0x7cc: {  	v3 =	vld [tilespmem:s15+$0xC280]  }
0x7cd: {  	v5 =	vadd.f32 v6, v5;
	v6 =	vld [tilespmem:s14+$0xAA00];
	v1 =	vadd.f32 v4, v1  }
0x7ce: {  	v4 =	vld [tilespmem:s15+$0xC300]  }
0x7cf: {  	v5 =	vadd.f32 v7, v5;
	v7 =	vld [tilespmem:s14+$0xAA80];
	v1 =	vadd.f32 v2, v1  }
0x7d0: {  	v2 =	vld [tilespmem:s15+$0xC380]  }
0x7d1: {  	v5 =	vadd.f32 v8, v5;
	v8 =	vld [tilespmem:s14+$0xAB00];
	v1 =	vadd.f32 v3, v1  }
0x7d2: {  	v3 =	vld [tilespmem:s15+$0xC400]  }
0x7d3: {  	v5 =	vadd.f32 v6, v5;
	v6 =	vld [tilespmem:s14+$0xAB80];
	v1 =	vadd.f32 v4, v1  }
0x7d4: {  	v4 =	vld [tilespmem:s15+$0xC480]  }
0x7d5: {  	v5 =	vadd.f32 v7, v5;
	v7 =	vld [tilespmem:s14+$0xAC00];
	v1 =	vadd.f32 v2, v1  }
0x7d6: {  	v2 =	vld [tilespmem:s15+$0xC500]  }
0x7d7: {  	v5 =	vadd.f32 v8, v5;
	v8 =	vld [tilespmem:s14+$0xAC80];
	v1 =	vadd.f32 v3, v1  }
0x7d8: {  	v3 =	vld [tilespmem:s15+$0xC580]  }
0x7d9: {  	v61 =	vld [tilespmem:s14+$0xAD00];
	v5 =	vadd.f32 v6, v5;
	v1 =	vadd.f32 v4, v1  }
0x7da: {  	v6 =	vld [tilespmem:s15+$0xC600]  }
0x7db: {  	v62 =	vld [tilespmem:s14+$0xAD80];
	v4 =	vadd.f32 v7, v5;
	v1 =	vadd.f32 v2, v1  }
0x7dc: {  	v7 =	vld [tilespmem:s15+$0xC680]  }
0x7dd: {  	v2 =	vadd.f32 v8, v4;
	v4 =	vld [tilespmem:s14+$0xAE00];
	v3 =	vadd.f32 v3, v1  }
0x7de: {  	v1 =	vld [tilespmem:s15+$0xC700]  }
0x7df: {  	v5 =	vld [tilespmem:s14+$0xAE80];
	v8 =	vadd.f32 v61, v2;
	v63 =	vadd.f32 v6, v3  }
0x7e0: {  	v2 =	vld [tilespmem:s15+$0xC780]  }
0x7e1: {  	s17 =	simm.s32 $0xC0;
	s16 =	simm.s32 $0x20;
	v6 =	vadd.f32 v62, v8;
	v3 =	vld [tilespmem:s14+$0xAF00];
	v7 =	vadd.f32 v7, v63  }
.LBB2_27:
0x7e2: {  	p1 =	sne.s32 s17, $0x1C0;
	v8 =	vld [tilespmem:s16+$0x9600]  }
0x7e3: {  	v4 =	vadd.f32 v4, v6;
	v6 =	vld [tilespmem:s14+$0xAF80];
	v1 =	vadd.f32 v1, v7  }
0x7e4: {  	v7 =	vld [tilespmem:s16+$0x9680]  }
0x7e5: {  	v4 =	vadd.f32 v5, v4;
	v5 =	vld [tilespmem:s14+$0xB000];
	v1 =	vadd.f32 v2, v1  }
0x7e6: {  	v2 =	vld [tilespmem:s16+$0x9700]  }
0x7e7: {  	v8 =	vadd.f32 v8, v0;
	v3 =	vadd.f32 v3, v4;
	v4 =	vld [tilespmem:s14+$0xB080];
	[tilespmem:s15+$0xC980] =	vst v1;
	s15 =	smov.u32 s14;
	s14 =	smov.u32 s16  }
0x7e8: {  	v1 =	vld [tilespmem:s14+$0x9780]  }
0x7e9: {  	v7 =	vadd.f32 v7, v8;
	v3 =	vadd.f32 v6, v3;
	v6 =	vld [tilespmem:s15+$0xB100]  }
0x7ea: {  	v8 =	vld [tilespmem:s14+$0x9800]  }
0x7eb: {  	v2 =	vadd.f32 v2, v7;
	v3 =	vadd.f32 v5, v3;
	v5 =	vld [tilespmem:s15+$0xB180]  }
0x7ec: {  	v7 =	vld [tilespmem:s14+$0x9880]  }
0x7ed: {  	v1 =	vadd.f32 v1, v2;
	v2 =	vadd.f32 v4, v3;
	v3 =	vld [tilespmem:s15+$0xB200]  }
0x7ee: {  	v4 =	vld [tilespmem:s14+$0x9900]  }
0x7ef: {  	v1 =	vadd.f32 v8, v1;
	v2 =	vadd.f32 v6, v2;
	v6 =	vld [tilespmem:s15+$0xB280]  }
0x7f0: {  	v8 =	vld [tilespmem:s14+$0x9980]  }
0x7f1: {  	v1 =	vadd.f32 v7, v1;
	v2 =	vadd.f32 v5, v2;
	v5 =	vld [tilespmem:s15+$0xB300]  }
0x7f2: {  	v7 =	vld [tilespmem:s14+$0x9A00]  }
0x7f3: {  	v1 =	vadd.f32 v4, v1;
	v2 =	vadd.f32 v3, v2;
	v3 =	vld [tilespmem:s15+$0xB380]  }
0x7f4: {  	v4 =	vld [tilespmem:s14+$0x9A80]  }
0x7f5: {  	v1 =	vadd.f32 v8, v1;
	v2 =	vadd.f32 v6, v2;
	v6 =	vld [tilespmem:s15+$0xB400]  }
0x7f6: {  	v8 =	vld [tilespmem:s14+$0x9B00]  }
0x7f7: {  	v1 =	vadd.f32 v7, v1;
	v2 =	vadd.f32 v5, v2;
	v5 =	vld [tilespmem:s15+$0xB480]  }
0x7f8: {  	v7 =	vld [tilespmem:s14+$0x9B80]  }
0x7f9: {  	v1 =	vadd.f32 v4, v1;
	v2 =	vadd.f32 v3, v2;
	v3 =	vld [tilespmem:s15+$0xB500]  }
0x7fa: {  	v4 =	vld [tilespmem:s14+$0x9C00]  }
0x7fb: {  	v1 =	vadd.f32 v8, v1;
	v2 =	vadd.f32 v6, v2;
	v6 =	vld [tilespmem:s15+$0xB580]  }
0x7fc: {  	v8 =	vld [tilespmem:s14+$0x9C80]  }
0x7fd: {  	v1 =	vadd.f32 v7, v1;
	v2 =	vadd.f32 v5, v2;
	v5 =	vld [tilespmem:s15+$0xB600]  }
0x7fe: {  	v7 =	vld [tilespmem:s14+$0x9D00]  }
0x7ff: {  	v1 =	vadd.f32 v4, v1;
	v2 =	vadd.f32 v3, v2;
	v3 =	vld [tilespmem:s15+$0xB680]  }
0x800: {  	v4 =	vld [tilespmem:s14+$0x9D80]  }
0x801: {  	v1 =	vadd.f32 v8, v1;
	v2 =	vadd.f32 v6, v2;
	v6 =	vld [tilespmem:s15+$0xB700]  }
0x802: {  	v8 =	vld [tilespmem:s14+$0x9E00]  }
0x803: {  	v1 =	vadd.f32 v7, v1;
	v2 =	vadd.f32 v5, v2;
	v5 =	vld [tilespmem:s15+$0xB780]  }
0x804: {  	v7 =	vld [tilespmem:s14+$0x9E80]  }
0x805: {  	v1 =	vadd.f32 v4, v1;
	v2 =	vadd.f32 v3, v2;
	v3 =	vld [tilespmem:s15+$0xB800]  }
0x806: {  	v4 =	vld [tilespmem:s14+$0x9F00]  }
0x807: {  	v1 =	vadd.f32 v8, v1;
	v2 =	vadd.f32 v6, v2;
	v6 =	vld [tilespmem:s15+$0xB880]  }
0x808: {  	v8 =	vld [tilespmem:s14+$0x9F80]  }
0x809: {  	v1 =	vadd.f32 v7, v1;
	v2 =	vadd.f32 v5, v2;
	v5 =	vld [tilespmem:s15+$0xB900]  }
0x80a: {  	v7 =	vld [tilespmem:s14+$0xA000]  }
0x80b: {  	v1 =	vadd.f32 v4, v1;
	v2 =	vadd.f32 v3, v2;
	v3 =	vld [tilespmem:s15+$0xB980]  }
0x80c: {  	v4 =	vld [tilespmem:s14+$0xA080]  }
0x80d: {  	v1 =	vadd.f32 v8, v1;
	v2 =	vadd.f32 v6, v2;
	v6 =	vld [tilespmem:s15+$0xBA00]  }
0x80e: {  	v8 =	vld [tilespmem:s14+$0xA100]  }
0x80f: {  	v1 =	vadd.f32 v7, v1;
	v2 =	vadd.f32 v5, v2;
	v5 =	vld [tilespmem:s15+$0xBA80]  }
0x810: {  	v7 =	vld [tilespmem:s14+$0xA180]  }
0x811: {  	v1 =	vadd.f32 v4, v1;
	v2 =	vadd.f32 v3, v2;
	v3 =	vld [tilespmem:s15+$0xBB00]  }
0x812: {  	v4 =	vld [tilespmem:s14+$0xA200]  }
0x813: {  	v1 =	vadd.f32 v8, v1;
	v2 =	vadd.f32 v6, v2;
	v6 =	vld [tilespmem:s15+$0xBB80]  }
0x814: {  	v8 =	vld [tilespmem:s14+$0xA280]  }
0x815: {  	v1 =	vadd.f32 v7, v1;
	v2 =	vadd.f32 v5, v2;
	v5 =	vld [tilespmem:s15+$0xBC00]  }
0x816: {  	v7 =	vld [tilespmem:s14+$0xA300]  }
0x817: {  	v1 =	vadd.f32 v4, v1;
	v2 =	vadd.f32 v3, v2;
	v3 =	vld [tilespmem:s15+$0xBC80]  }
0x818: {  	v4 =	vld [tilespmem:s14+$0xA380]  }
0x819: {  	v1 =	vadd.f32 v8, v1;
	v2 =	vadd.f32 v6, v2;
	v6 =	vld [tilespmem:s15+$0xBD00]  }
0x81a: {  	v8 =	vld [tilespmem:s14+$0xA400]  }
0x81b: {  	v1 =	vadd.f32 v7, v1;
	v2 =	vadd.f32 v5, v2;
	v5 =	vld [tilespmem:s15+$0xBD80]  }
0x81c: {  	v7 =	vld [tilespmem:s14+$0xA480]  }
0x81d: {  	v1 =	vadd.f32 v4, v1;
	v2 =	vadd.f32 v3, v2;
	v3 =	vld [tilespmem:s15+$0xBE00]  }
0x81e: {  	v4 =	vld [tilespmem:s14+$0xA500]  }
0x81f: {  	v1 =	vadd.f32 v8, v1;
	v2 =	vadd.f32 v6, v2;
	v6 =	vld [tilespmem:s15+$0xBE80]  }
0x820: {  	v8 =	vld [tilespmem:s14+$0xA580]  }
0x821: {  	v1 =	vadd.f32 v7, v1;
	v2 =	vadd.f32 v5, v2;
	v5 =	vld [tilespmem:s15+$0xBF00]  }
0x822: {  	v7 =	vld [tilespmem:s14+$0xA600]  }
0x823: {  	v1 =	vadd.f32 v4, v1;
	v2 =	vadd.f32 v3, v2;
	v3 =	vld [tilespmem:s15+$0xBF80]  }
0x824: {  	v4 =	vld [tilespmem:s14+$0xA680]  }
0x825: {  	v1 =	vadd.f32 v8, v1;
	v2 =	vadd.f32 v6, v2;
	v6 =	vld [tilespmem:s15+$0xC000]  }
0x826: {  	v8 =	vld [tilespmem:s14+$0xA700]  }
0x827: {  	v1 =	vadd.f32 v7, v1;
	v2 =	vadd.f32 v5, v2;
	v5 =	vld [tilespmem:s15+$0xC080]  }
0x828: {  	v7 =	vld [tilespmem:s14+$0xA780]  }
0x829: {  	v1 =	vadd.f32 v4, v1;
	v2 =	vadd.f32 v3, v2;
	v3 =	vld [tilespmem:s15+$0xC100]  }
0x82a: {  	v4 =	vld [tilespmem:s14+$0xA800]  }
0x82b: {  	v1 =	vadd.f32 v8, v1;
	v2 =	vadd.f32 v6, v2;
	v6 =	vld [tilespmem:s15+$0xC180]  }
0x82c: {  	v8 =	vld [tilespmem:s14+$0xA880]  }
0x82d: {  	v1 =	vadd.f32 v7, v1;
	v2 =	vadd.f32 v5, v2;
	v5 =	vld [tilespmem:s15+$0xC200]  }
0x82e: {  	v7 =	vld [tilespmem:s14+$0xA900]  }
0x82f: {  	v1 =	vadd.f32 v4, v1;
	v2 =	vadd.f32 v3, v2;
	v3 =	vld [tilespmem:s15+$0xC280]  }
0x830: {  	v4 =	vld [tilespmem:s14+$0xA980]  }
0x831: {  	v1 =	vadd.f32 v8, v1;
	v2 =	vadd.f32 v6, v2;
	v6 =	vld [tilespmem:s15+$0xC300]  }
0x832: {  	v8 =	vld [tilespmem:s14+$0xAA00]  }
0x833: {  	v1 =	vadd.f32 v7, v1;
	v2 =	vadd.f32 v5, v2;
	v5 =	vld [tilespmem:s15+$0xC380]  }
0x834: {  	v7 =	vld [tilespmem:s14+$0xAA80]  }
0x835: {  	v1 =	vadd.f32 v4, v1;
	v2 =	vadd.f32 v3, v2;
	v3 =	vld [tilespmem:s15+$0xC400]  }
0x836: {  	v4 =	vld [tilespmem:s14+$0xAB00]  }
0x837: {  	v1 =	vadd.f32 v8, v1;
	v2 =	vadd.f32 v6, v2;
	v6 =	vld [tilespmem:s15+$0xC480]  }
0x838: {  	v8 =	vld [tilespmem:s14+$0xAB80]  }
0x839: {  	v1 =	vadd.f32 v7, v1;
	v2 =	vadd.f32 v5, v2;
	v5 =	vld [tilespmem:s15+$0xC500]  }
0x83a: {  	v7 =	vld [tilespmem:s14+$0xAC00]  }
0x83b: {  	v1 =	vadd.f32 v4, v1;
	v2 =	vadd.f32 v3, v2;
	v3 =	vld [tilespmem:s15+$0xC580]  }
0x83c: {  	v4 =	vld [tilespmem:s14+$0xAC80]  }
0x83d: {  	v1 =	vadd.f32 v8, v1;
	v2 =	vadd.f32 v6, v2;
	v6 =	vld [tilespmem:s15+$0xC600]  }
0x83e: {  	v8 =	vld [tilespmem:s14+$0xAD00]  }
0x83f: {  	v1 =	vadd.f32 v7, v1;
	v2 =	vadd.f32 v5, v2;
	v7 =	vld [tilespmem:s15+$0xC680]  }
0x840: {  	v9 =	vld [tilespmem:s14+$0xAD80]  }
.Ltmp13:
0x841: {  	v5 =	vadd.f32 v4, v1;
	v2 =	vadd.f32 v3, v2;
	v1 =	vld [tilespmem:s15+$0xC700];
	(pc) =	sbr.rel @p1 .LBB2_27-.Ltmp13, $4  }
0x842: {  	v4 =	vld [tilespmem:s14+$0xAE00]  }
0x843: {  	v3 =	vadd.f32 v8, v5;
	v8 =	vadd.f32 v6, v2;
	v2 =	vld [tilespmem:s15+$0xC780]  }
0x844: {  	v5 =	vld [tilespmem:s14+$0xAE80]  }
0x845: {  	s16 =	sshra.s32 s17, $0x2;
	s17 =	sadd.s32 $0x40, s17;
	v6 =	vadd.f32 v9, v3;
	v3 =	vld [tilespmem:s14+$0xAF00];
	v7 =	vadd.f32 v7, v8  }
0x846: {  	v8 =	vld [tilespmem:s16+$0x9600]  }
0x847: {  	v9 =	vld [tilespmem:s14+$0xAF80];
	v1 =	vadd.f32 v1, v7  }
0x848: {  	v30 =	vld [tilespmem:s16+$0x9680]  }
0x849: {  	v10 =	vld [tilespmem:s14+$0xB000];
	v4 =	vadd.f32 v4, v6;
	v1 =	vadd.f32 v2, v1  }
0x84a: {  	v31 =	vld [tilespmem:s16+$0x9700]  }
0x84b: {  	v32 =	vld [tilespmem:s14+$0xB080];
	v4 =	vadd.f32 v5, v4;
	v0 =	vadd.f32 v8, v0;
	[tilespmem:s15+$0xC980] =	vst v1  }
0x84c: {  	v1 =	vld [tilespmem:s16+$0x9780]  }
0x84d: {  	v3 =	vadd.f32 v3, v4;
	v0 =	vadd.f32 v30, v0  }
0x84e: {  	v33 =	vld [tilespmem:s16+$0x9800]  }
0x84f: {  	v34 =	vld [tilespmem:s14+$0xB100];
	v3 =	vadd.f32 v9, v3;
	v0 =	vadd.f32 v31, v0  }
0x850: {  	v35 =	vld [tilespmem:s16+$0x9880]  }
0x851: {  	v36 =	vld [tilespmem:s14+$0xB180];
	v3 =	vadd.f32 v10, v3;
	v0 =	vadd.f32 v1, v0  }
0x852: {  	v37 =	vld [tilespmem:s16+$0x9900]  }
0x853: {  	v38 =	vld [tilespmem:s14+$0xB200];
	v3 =	vadd.f32 v32, v3;
	v0 =	vadd.f32 v33, v0  }
0x854: {  	v39 =	vld [tilespmem:s16+$0x9980]  }
0x855: {  	v40 =	vld [tilespmem:s14+$0xB280];
	v3 =	vadd.f32 v34, v3;
	v0 =	vadd.f32 v35, v0  }
0x856: {  	v41 =	vld [tilespmem:s16+$0x9A00]  }
0x857: {  	v42 =	vld [tilespmem:s14+$0xB300];
	v3 =	vadd.f32 v36, v3;
	v0 =	vadd.f32 v37, v0  }
0x858: {  	v43 =	vld [tilespmem:s16+$0x9A80]  }
0x859: {  	v44 =	vld [tilespmem:s14+$0xB380];
	v3 =	vadd.f32 v38, v3;
	v0 =	vadd.f32 v39, v0  }
0x85a: {  	v45 =	vld [tilespmem:s16+$0x9B00]  }
0x85b: {  	v46 =	vld [tilespmem:s14+$0xB400];
	v3 =	vadd.f32 v40, v3;
	v0 =	vadd.f32 v41, v0  }
0x85c: {  	v47 =	vld [tilespmem:s16+$0x9B80]  }
0x85d: {  	v48 =	vld [tilespmem:s14+$0xB480];
	v3 =	vadd.f32 v42, v3;
	v0 =	vadd.f32 v43, v0  }
0x85e: {  	v49 =	vld [tilespmem:s16+$0x9C00]  }
0x85f: {  	v50 =	vld [tilespmem:s14+$0xB500];
	v3 =	vadd.f32 v44, v3;
	v0 =	vadd.f32 v45, v0  }
0x860: {  	v51 =	vld [tilespmem:s16+$0x9C80]  }
0x861: {  	v52 =	vld [tilespmem:s14+$0xB580];
	v3 =	vadd.f32 v46, v3;
	v0 =	vadd.f32 v47, v0  }
0x862: {  	v53 =	vld [tilespmem:s16+$0x9D00]  }
0x863: {  	v54 =	vld [tilespmem:s14+$0xB600];
	v3 =	vadd.f32 v48, v3;
	v0 =	vadd.f32 v49, v0  }
0x864: {  	v55 =	vld [tilespmem:s16+$0x9D80]  }
0x865: {  	v56 =	vld [tilespmem:s14+$0xB680];
	v3 =	vadd.f32 v50, v3;
	v0 =	vadd.f32 v51, v0  }
0x866: {  	v57 =	vld [tilespmem:s16+$0x9E00]  }
0x867: {  	v58 =	vld [tilespmem:s14+$0xB700];
	v3 =	vadd.f32 v52, v3;
	v0 =	vadd.f32 v53, v0  }
0x868: {  	v59 =	vld [tilespmem:s16+$0x9E80]  }
0x869: {  	v60 =	vld [tilespmem:s14+$0xB780];
	v3 =	vadd.f32 v54, v3;
	v0 =	vadd.f32 v55, v0  }
0x86a: {  	v61 =	vld [tilespmem:s16+$0x9F00]  }
0x86b: {  	v62 =	vld [tilespmem:s14+$0xB800];
	v3 =	vadd.f32 v56, v3;
	v0 =	vadd.f32 v57, v0  }
0x86c: {  	v63 =	vld [tilespmem:s16+$0x9F80]  }
0x86d: {  	v9 =	vld [tilespmem:s14+$0xB880];
	v3 =	vadd.f32 v58, v3;
	v0 =	vadd.f32 v59, v0  }
0x86e: {  	v10 =	vld [tilespmem:s16+$0xA000]  }
0x86f: {  	v11 =	vld [tilespmem:s14+$0xB900];
	v3 =	vadd.f32 v60, v3;
	v0 =	vadd.f32 v61, v0  }
0x870: {  	v12 =	vld [tilespmem:s16+$0xA080]  }
0x871: {  	v13 =	vld [tilespmem:s14+$0xB980];
	v3 =	vadd.f32 v62, v3;
	v0 =	vadd.f32 v63, v0  }
0x872: {  	v14 =	vld [tilespmem:s16+$0xA100]  }
0x873: {  	v15 =	vld [tilespmem:s14+$0xBA00];
	v3 =	vadd.f32 v9, v3;
	v0 =	vadd.f32 v10, v0  }
0x874: {  	v16 =	vld [tilespmem:s16+$0xA180]  }
0x875: {  	v17 =	vld [tilespmem:s14+$0xBA80];
	v3 =	vadd.f32 v11, v3;
	v0 =	vadd.f32 v12, v0  }
0x876: {  	v18 =	vld [tilespmem:s16+$0xA200]  }
0x877: {  	v19 =	vld [tilespmem:s14+$0xBB00];
	v3 =	vadd.f32 v13, v3;
	v0 =	vadd.f32 v14, v0  }
0x878: {  	v20 =	vld [tilespmem:s16+$0xA280]  }
0x879: {  	v21 =	vld [tilespmem:s14+$0xBB80];
	v3 =	vadd.f32 v15, v3;
	v0 =	vadd.f32 v16, v0  }
0x87a: {  	v22 =	vld [tilespmem:s16+$0xA300]  }
0x87b: {  	v23 =	vld [tilespmem:s14+$0xBC00];
	v3 =	vadd.f32 v17, v3;
	v0 =	vadd.f32 v18, v0  }
0x87c: {  	v24 =	vld [tilespmem:s16+$0xA380]  }
0x87d: {  	v25 =	vld [tilespmem:s14+$0xBC80];
	v3 =	vadd.f32 v19, v3;
	v0 =	vadd.f32 v20, v0  }
0x87e: {  	v26 =	vld [tilespmem:s16+$0xA400]  }
0x87f: {  	v27 =	vld [tilespmem:s14+$0xBD00];
	v3 =	vadd.f32 v21, v3;
	v0 =	vadd.f32 v22, v0  }
0x880: {  	v28 =	vld [tilespmem:s16+$0xA480]  }
0x881: {  	v29 =	vld [tilespmem:s14+$0xBD80];
	v3 =	vadd.f32 v23, v3;
	v0 =	vadd.f32 v24, v0  }
0x882: {  	v30 =	vld [tilespmem:s16+$0xA500]  }
0x883: {  	v31 =	vld [tilespmem:s14+$0xBE00];
	v3 =	vadd.f32 v25, v3;
	v0 =	vadd.f32 v26, v0  }
0x884: {  	v32 =	vld [tilespmem:s16+$0xA580]  }
0x885: {  	v33 =	vld [tilespmem:s14+$0xBE80];
	v3 =	vadd.f32 v27, v3;
	v0 =	vadd.f32 v28, v0  }
0x886: {  	v34 =	vld [tilespmem:s16+$0xA600]  }
0x887: {  	v35 =	vld [tilespmem:s14+$0xBF00];
	v3 =	vadd.f32 v29, v3;
	v0 =	vadd.f32 v30, v0  }
0x888: {  	v36 =	vld [tilespmem:s16+$0xA680]  }
0x889: {  	v37 =	vld [tilespmem:s14+$0xBF80];
	v3 =	vadd.f32 v31, v3;
	v0 =	vadd.f32 v32, v0  }
0x88a: {  	v38 =	vld [tilespmem:s16+$0xA700]  }
0x88b: {  	v39 =	vld [tilespmem:s14+$0xC000];
	v3 =	vadd.f32 v33, v3;
	v0 =	vadd.f32 v34, v0  }
0x88c: {  	v40 =	vld [tilespmem:s16+$0xA780]  }
0x88d: {  	v41 =	vld [tilespmem:s14+$0xC080];
	v3 =	vadd.f32 v35, v3;
	v0 =	vadd.f32 v36, v0  }
0x88e: {  	v42 =	vld [tilespmem:s16+$0xA800]  }
0x88f: {  	v43 =	vld [tilespmem:s14+$0xC100];
	v3 =	vadd.f32 v37, v3;
	v0 =	vadd.f32 v38, v0  }
0x890: {  	v44 =	vld [tilespmem:s16+$0xA880]  }
0x891: {  	v45 =	vld [tilespmem:s14+$0xC180];
	v3 =	vadd.f32 v39, v3;
	v0 =	vadd.f32 v40, v0  }
0x892: {  	v46 =	vld [tilespmem:s16+$0xA900]  }
0x893: {  	v47 =	vld [tilespmem:s14+$0xC200];
	v3 =	vadd.f32 v41, v3;
	v0 =	vadd.f32 v42, v0  }
0x894: {  	v48 =	vld [tilespmem:s16+$0xA980]  }
0x895: {  	v49 =	vld [tilespmem:s14+$0xC280];
	v3 =	vadd.f32 v43, v3;
	v0 =	vadd.f32 v44, v0  }
0x896: {  	v50 =	vld [tilespmem:s16+$0xAA00]  }
0x897: {  	v51 =	vld [tilespmem:s14+$0xC300];
	v3 =	vadd.f32 v45, v3;
	v0 =	vadd.f32 v46, v0  }
0x898: {  	v52 =	vld [tilespmem:s16+$0xAA80]  }
0x899: {  	v53 =	vld [tilespmem:s14+$0xC380];
	v3 =	vadd.f32 v47, v3;
	v0 =	vadd.f32 v48, v0  }
0x89a: {  	v54 =	vld [tilespmem:s16+$0xAB00]  }
0x89b: {  	v55 =	vld [tilespmem:s14+$0xC400];
	v3 =	vadd.f32 v49, v3;
	v0 =	vadd.f32 v50, v0  }
0x89c: {  	v56 =	vld [tilespmem:s16+$0xAB80]  }
0x89d: {  	v57 =	vld [tilespmem:s14+$0xC480];
	v3 =	vadd.f32 v51, v3;
	v0 =	vadd.f32 v52, v0  }
0x89e: {  	v58 =	vld [tilespmem:s16+$0xAC00]  }
0x89f: {  	v59 =	vld [tilespmem:s14+$0xC500];
	v3 =	vadd.f32 v53, v3;
	v0 =	vadd.f32 v54, v0  }
0x8a0: {  	v60 =	vld [tilespmem:s16+$0xAC80]  }
0x8a1: {  	v61 =	vld [tilespmem:s14+$0xC580];
	v3 =	vadd.f32 v55, v3;
	v0 =	vadd.f32 v56, v0  }
0x8a2: {  	v62 =	vld [tilespmem:s16+$0xAD00]  }
0x8a3: {  	v63 =	vld [tilespmem:s14+$0xC600];
	v3 =	vadd.f32 v57, v3;
	v0 =	vadd.f32 v58, v0  }
0x8a4: {  	v9 =	vld [tilespmem:s16+$0xAD80]  }
0x8a5: {  	v10 =	vld [tilespmem:s14+$0xC680];
	v3 =	vadd.f32 v59, v3;
	v0 =	vadd.f32 v60, v0  }
0x8a6: {  	v11 =	vld [tilespmem:s16+$0xAE00]  }
0x8a7: {  	v12 =	vld [tilespmem:s14+$0xC700];
	v3 =	vadd.f32 v61, v3;
	v0 =	vadd.f32 v62, v0  }
0x8a8: {  	v13 =	vld [tilespmem:s16+$0xAE80]  }
0x8a9: {  	v14 =	vld [tilespmem:s14+$0xC780];
	v3 =	vadd.f32 v63, v3;
	v0 =	vadd.f32 v9, v0  }
0x8aa: {  	v15 =	vld [tilespmem:s16+$0xAF00]  }
0x8ab: {  	v3 =	vadd.f32 v10, v3;
	v0 =	vadd.f32 v11, v0  }
0x8ac: {  	v16 =	vld [tilespmem:s16+$0xAF80]  }
0x8ad: {  	v3 =	vadd.f32 v12, v3;
	v0 =	vadd.f32 v13, v0  }
0x8ae: {  	v17 =	vld [tilespmem:s16+$0xB000]  }
0x8af: {  	v3 =	vadd.f32 v14, v3;
	v0 =	vadd.f32 v15, v0  }
0x8b0: {  	v18 =	vld [tilespmem:s16+$0xB080]  }
0x8b1: {  	[tilespmem:s14+$0xC980] =	vst v3;
	v0 =	vadd.f32 v16, v0  }
0x8b2: {  	v19 =	vld [tilespmem:s16+$0xB100]  }
0x8b3: {  	v0 =	vadd.f32 v17, v0  }
0x8b4: {  	v3 =	vld [tilespmem:s16+$0xB180]  }
0x8b5: {  	v0 =	vadd.f32 v18, v0  }
0x8b6: {  	v20 =	vld [tilespmem:s16+$0xB200]  }
0x8b7: {  	v0 =	vadd.f32 v19, v0  }
0x8b8: {  	v21 =	vld [tilespmem:s16+$0xB280]  }
0x8b9: {  	v0 =	vadd.f32 v3, v0  }
0x8ba: {  	v22 =	vld [tilespmem:s16+$0xB300]  }
0x8bb: {  	v0 =	vadd.f32 v20, v0  }
0x8bc: {  	v23 =	vld [tilespmem:s16+$0xB380]  }
0x8bd: {  	v0 =	vadd.f32 v21, v0  }
0x8be: {  	v24 =	vld [tilespmem:s16+$0xB400]  }
0x8bf: {  	v0 =	vadd.f32 v22, v0  }
0x8c0: {  	v25 =	vld [tilespmem:s16+$0xB480]  }
0x8c1: {  	v0 =	vadd.f32 v23, v0  }
0x8c2: {  	v26 =	vld [tilespmem:s16+$0xB500]  }
0x8c3: {  	v0 =	vadd.f32 v24, v0  }
0x8c4: {  	v27 =	vld [tilespmem:s16+$0xB580]  }
0x8c5: {  	v0 =	vadd.f32 v25, v0  }
0x8c6: {  	v28 =	vld [tilespmem:s16+$0xB600]  }
0x8c7: {  	v0 =	vadd.f32 v26, v0  }
0x8c8: {  	v29 =	vld [tilespmem:s16+$0xB680]  }
0x8c9: {  	v0 =	vadd.f32 v27, v0  }
0x8ca: {  	v30 =	vld [tilespmem:s16+$0xB700]  }
0x8cb: {  	v0 =	vadd.f32 v28, v0  }
0x8cc: {  	v31 =	vld [tilespmem:s16+$0xB780]  }
0x8cd: {  	v0 =	vadd.f32 v29, v0  }
0x8ce: {  	v32 =	vld [tilespmem:s16+$0xB800]  }
0x8cf: {  	v0 =	vadd.f32 v30, v0  }
0x8d0: {  	v33 =	vld [tilespmem:s16+$0xB880]  }
0x8d1: {  	v0 =	vadd.f32 v31, v0  }
0x8d2: {  	v34 =	vld [tilespmem:s16+$0xB900]  }
0x8d3: {  	v0 =	vadd.f32 v32, v0  }
0x8d4: {  	v35 =	vld [tilespmem:s16+$0xB980]  }
0x8d5: {  	v0 =	vadd.f32 v33, v0  }
0x8d6: {  	v36 =	vld [tilespmem:s16+$0xBA00]  }
0x8d7: {  	v0 =	vadd.f32 v34, v0  }
0x8d8: {  	v37 =	vld [tilespmem:s16+$0xBA80]  }
0x8d9: {  	v0 =	vadd.f32 v35, v0  }
0x8da: {  	v38 =	vld [tilespmem:s16+$0xBB00]  }
0x8db: {  	v0 =	vadd.f32 v36, v0  }
0x8dc: {  	v39 =	vld [tilespmem:s16+$0xBB80]  }
0x8dd: {  	v0 =	vadd.f32 v37, v0  }
0x8de: {  	v40 =	vld [tilespmem:s16+$0xBC00]  }
0x8df: {  	v0 =	vadd.f32 v38, v0  }
0x8e0: {  	v41 =	vld [tilespmem:s16+$0xBC80]  }
0x8e1: {  	v0 =	vadd.f32 v39, v0  }
0x8e2: {  	v42 =	vld [tilespmem:s16+$0xBD00]  }
0x8e3: {  	v0 =	vadd.f32 v40, v0  }
0x8e4: {  	v43 =	vld [tilespmem:s16+$0xBD80]  }
0x8e5: {  	v0 =	vadd.f32 v41, v0  }
0x8e6: {  	v44 =	vld [tilespmem:s16+$0xBE00]  }
0x8e7: {  	v0 =	vadd.f32 v42, v0  }
0x8e8: {  	v45 =	vld [tilespmem:s16+$0xBE80]  }
0x8e9: {  	v0 =	vadd.f32 v43, v0  }
0x8ea: {  	v46 =	vld [tilespmem:s16+$0xBF00]  }
0x8eb: {  	v0 =	vadd.f32 v44, v0  }
0x8ec: {  	v47 =	vld [tilespmem:s16+$0xBF80]  }
0x8ed: {  	v0 =	vadd.f32 v45, v0  }
0x8ee: {  	v48 =	vld [tilespmem:s16+$0xC000]  }
0x8ef: {  	v0 =	vadd.f32 v46, v0  }
0x8f0: {  	v49 =	vld [tilespmem:s16+$0xC080]  }
0x8f1: {  	v0 =	vadd.f32 v47, v0  }
0x8f2: {  	v50 =	vld [tilespmem:s16+$0xC100]  }
0x8f3: {  	v0 =	vadd.f32 v48, v0  }
0x8f4: {  	v51 =	vld [tilespmem:s16+$0xC180]  }
0x8f5: {  	v0 =	vadd.f32 v49, v0  }
0x8f6: {  	v52 =	vld [tilespmem:s16+$0xC200]  }
0x8f7: {  	v0 =	vadd.f32 v50, v0  }
0x8f8: {  	v53 =	vld [tilespmem:s16+$0xC280]  }
0x8f9: {  	v0 =	vadd.f32 v51, v0  }
0x8fa: {  	v54 =	vld [tilespmem:s16+$0xC300]  }
0x8fb: {  	v0 =	vadd.f32 v52, v0  }
0x8fc: {  	v55 =	vld [tilespmem:s16+$0xC380]  }
0x8fd: {  	v0 =	vadd.f32 v53, v0  }
0x8fe: {  	v56 =	vld [tilespmem:s16+$0xC400]  }
0x8ff: {  	v0 =	vadd.f32 v54, v0  }
0x900: {  	v57 =	vld [tilespmem:s16+$0xC480]  }
0x901: {  	v0 =	vadd.f32 v55, v0  }
0x902: {  	v58 =	vld [tilespmem:s16+$0xC500]  }
0x903: {  	v0 =	vadd.f32 v56, v0  }
0x904: {  	v59 =	vld [tilespmem:s16+$0xC580]  }
0x905: {  	v0 =	vadd.f32 v57, v0  }
0x906: {  	v60 =	vld [tilespmem:s16+$0xC600]  }
0x907: {  	v0 =	vadd.f32 v58, v0  }
0x908: {  	v61 =	vld [tilespmem:s16+$0xC680]  }
0x909: {  	v0 =	vadd.f32 v59, v0  }
0x90a: {  	v62 =	vld [tilespmem:s16+$0xC700]  }
0x90b: {  	v0 =	vadd.f32 v60, v0  }
0x90c: {  	v63 =	vld [tilespmem:s16+$0xC780]  }
0x90d: {  	v0 =	vadd.f32 v61, v0;
	_ =	sdelay $0x1  }
0x90e: {  	v0 =	vadd.f32 v62, v0;
	_ =	sdelay $0x1  }
0x90f: {  	s13 =	sadd.s32 $0x1, s13;
	v0 =	vadd.f32 v63, v0  }
0x910: {  	p1 =	sne.s32 s13, s28  }
.Ltmp14:
0x911: {  	s18 =	simm.s32 $0xC800;
	[tilespmem:s16+$0xC980] =	vst v0;
	(pc) =	sbr.rel @p1 .LBB2_1-.Ltmp14, $4  }
0x912: {  	[hbm4b:s20+s3] =	stream.linear.scatter [tilespmem:s18], [sflag:$0x5], $0x200, $0x38;
	[tilespmem:$0x1FBC0] =	vst v63  }
0x913: {  	_ =	swait.ge [sflag:s23], $0x200  }
0x914: {  	[sflag:s23] =	ssyncset.done $0x0  }
0x915: {  	[sflag:s23] =	ssyncadd.s32 $0xFFFFFE00  }
0x916: {  	_ =	sfence.sel $0x180000  }
0x917: {  	[bflag:$0x0] =	sbarrier.arrive $0xFFFF  }
0x918: {  	_ =	strace $0x90000047  }
0x919: {  	s0 =	stileid.u32;
	[bflag:$0x2] =	sbarrier.arrive $0xFFFF  }
0x91a: {  	p0 =	sne.s32 s0, $0x0;
	s0 =	rddreg [dreg:$0x5]  }
0x91b: {  	s0 =	sadd.s32 @!p0 $0x100000, s0  }
0x91c: {  	[sflag:s0] =	ssyncadd.tile.s32 @!p0 $0x1;
	_ =	shalt  }
.Lfunc_end2:
_tile_overlayer_lowered:
.L_overlay_start_2:
0x91d: {  	(tag) =	ssettag $0x2  }
0x91e: {  	s0 =	rddreg [dreg:$0x0];
	s2 =	stileid.u32  }
0x91f: {  	s1 =	rddreg [dreg:$0x1];
	p0 =	sne.s32 s2, $0x0  }
0x920: {  	s3 =	rddreg [dreg:$0x2];
	[bflag:$0x3] =	sbarrier.arrive $0xFFFF;
	s2 =	simm.s32 @!p0 $0x1C05  }
0x921: {  	[timem:s3], [sflag:s2] =	dma.local @!p0 [hbm:s0], s1  }
0x922: {  	s0 =	simm.s32 @!p0 $0x5  }
0x923: {  	_ =	swait.ge @!p0 [sflag:s0], s1  }
0x924: {  	s1 =	ssub.s32 @!p0 $0x0, s1;
	[sflag:s0] =	ssyncset.done @!p0 $0x0  }
0x925: {  	[sflag:s0] =	ssyncadd.s32 @!p0 s1  }
0x926: {  	[bflag:$0x3] =	sbarrier.arrive $0xFFFF  }
0x927: {  	_ =	shalt  }

</sc_bundles>
